<compile_context>
chip_gen: v7x
topology: tpu7x:2x2x1
jax: 0.10.2.dev20260603
libtpu: 0.0.44.dev20260713+nightly
codegen_flags: <defaults>
</compile_context>

<pallas_src>
import numpy as np
import jax
import jax.numpy as jnp
from jax import lax
from jax.experimental import pallas as pl
from jax.experimental.pallas import tpu as pltpu
from jax.experimental.pallas import tpu_sc as plsc

B = 4
C = 256
N = 224
M = 224
NM = N * M
NC = 2
NS = 16
L = 16
CHUNK = NM // 16
VPC = CHUNK // L
LB = B // NC
CPT = C // NS
SUB = CHUNK // 4
MAGIC = np.float32(2.0 ** 23)
NRING = 4
OC = 2 * CHUNK
NOC = NM // OC
VPO = OC // L


def _f32(x):
    return np.float32(x)


def _al(off):
    return pl.multiple_of(off, 8)


def _bfr(x):
    u = plsc.bitcast(x, jnp.int32)
    r = (u + ((lax.shift_right_logical(u, 16) & 1) + 0x7FFF)) & (-65536)
    return plsc.bitcast(r, jnp.float32)


def _body(loc3d, kb_hbm, wb_hbm, cond, lf, out,
          locbuf, kbuf, wbuf, ws, grid1, grid2,
          sp_flat, sp_vals, sp_pix, sp_pix2, sems, isems):
    cid = lax.axis_index("c")
    sid = lax.axis_index("s")
    lane = lax.iota(jnp.int32, L)

    FLAT0, PIX0, VAL0 = 0, CHUNK, 2 * CHUNK

    for lb in range(LB):
        b = cid * LB + lb
        pltpu.sync_copy(kb_hbm.at[pl.ds(_al(b * 192), 192)], kbuf)
        pltpu.sync_copy(wb_hbm.at[pl.ds(_al(b * 192), 192)], wbuf)
        k_ = [_bfr(kbuf[pl.ds(i * L, L)]) for i in range(12)]
        w_ = [_bfr(wbuf[pl.ds(i * L, L)]) for i in range(12)]

        def p1_sub(sub, _):
            for r in range(3):
                pltpu.sync_copy(
                    loc3d.at[pl.ds(
                        _al((b * 3 + r) * NM + sid * CHUNK + sub * SUB), SUB)],
                    locbuf.at[pl.ds(r * SUB, SUB)])

            @plsc.parallel_loop(0, SUB // L, unroll=4)
            def p1_body(j):
                x = _bfr(locbuf[pl.ds(j * L, L)])
                y = _bfr(locbuf[pl.ds(SUB + j * L, L)])
                z = _bfr(locbuf[pl.ds(2 * SUB + j * L, L)])
                t0 = w_[0] * x + w_[1] * y + w_[2] * z + w_[3]
                t1 = w_[4] * x + w_[5] * y + w_[6] * z + w_[7]
                t2 = w_[8] * x + w_[9] * y + w_[10] * z + w_[11]
                t0 = _bfr(t0)
                t1 = _bfr(t1)
                t2 = _bfr(t2)
                pm0 = k_[0] * t0 + k_[1] * t1 + k_[2] * t2 + k_[3]
                pm1 = k_[4] * t0 + k_[5] * t1 + k_[6] * t2 + k_[7]
                pm2 = k_[8] * t0 + k_[9] * t1 + k_[10] * t2 + k_[11]
                c = pm2 / _f32(112.0)
                p0 = pm0 / c
                p1 = pm1 / c
                r0 = (p0 + MAGIC) - MAGIC
                r1 = (p1 + MAGIC) - MAGIC
                ih = jnp.minimum(
                    jnp.maximum(N - r1.astype(jnp.int32), 0), N - 1)
                iw = jnp.minimum(jnp.maximum(r0.astype(jnp.int32), 0), M - 1)
                flat = ih * M + iw
                ihf = jnp.minimum(
                    jnp.maximum(_f32(N) - r1, _f32(0.0)), _f32(N - 1))
                iwf = jnp.minimum(jnp.maximum(r0, _f32(0.0)), _f32(M - 1))
                pixv = (ihf * _f32(M) + iwf).astype(jnp.int32)
                val = c * _f32(2.0) * _f32(112.0) / _f32(137.0)
                o = sub * SUB + j * L
                ws[pl.ds(FLAT0 + o, L)] = plsc.bitcast(flat, jnp.float32)
                ws[pl.ds(PIX0 + o, L)] = plsc.bitcast(pixv, jnp.float32)
                ws[pl.ds(VAL0 + o, L)] = val

            return _

        lax.fori_loop(0, 4, p1_sub, None)
        off = _al(b * NM + sid * CHUNK)
        pltpu.sync_copy(ws.at[pl.ds(FLAT0, CHUNK)],
                        sp_flat.at[pl.ds(off, CHUNK)])
        pltpu.sync_copy(ws.at[pl.ds(PIX0, CHUNK)],
                        sp_pix.at[pl.ds(off, CHUNK)])
        pltpu.sync_copy(ws.at[pl.ds(VAL0, CHUNK)],
                        sp_vals.at[pl.ds(off, CHUNK)])

    plsc.subcore_barrier()

    @pl.when(sid < LB)
    def _phase2():
        lb = sid
        b = cid * LB + lb

        def z_body(j, _):
            grid1[pl.ds(j * L, L)] = jnp.zeros((L,), jnp.float32)
            return _
        lax.fori_loop(0, NM // L, z_body, None)

        def sc_chunk(ck, _):
            off = _al(b * NM + ck * CHUNK)
            pltpu.sync_copy(sp_flat.at[pl.ds(off, CHUNK)],
                            ws.at[pl.ds(FLAT0, CHUNK)])
            pltpu.sync_copy(sp_vals.at[pl.ds(off, CHUNK)],
                            ws.at[pl.ds(VAL0, CHUNK)])

            def sc_vec(j, _):
                vidx = plsc.bitcast(ws[pl.ds(FLAT0 + j * L, L)], jnp.int32)
                vval = ws[pl.ds(VAL0 + j * L, L)]
                _cnt, alive = plsc.scan_count(vidx)
                plsc.store_scatter(grid1, [vidx], vval, mask=alive)
                return _

            lax.fori_loop(0, VPC, sc_vec, None)
            return _

        lax.fori_loop(0, 16, sc_chunk, None)

        pltpu.sync_copy(cond.at[pl.ds(_al(b * NM), NM)], grid2)

        def oc_chunk(ck, _):
            off = _al(b * NM + ck * CHUNK)
            pltpu.sync_copy(sp_pix.at[pl.ds(off, CHUNK)],
                            ws.at[pl.ds(PIX0, CHUNK)])

            @plsc.parallel_loop(0, VPC, unroll=4)
            def oc_vec(j):
                p = plsc.bitcast(ws[pl.ds(PIX0 + j * L, L)], jnp.int32)
                cdv = plsc.load_gather(grid1, [p])
                cnv = plsc.load_gather(grid2, [p])
                occ = jnp.logical_and(
                    cdv != _f32(0.0),
                    jnp.abs(cdv - cnv) < _f32(0.02))
                pix2 = jnp.where(occ, p, NM + lane)
                ws[pl.ds(VAL0 + j * L, L)] = plsc.bitcast(pix2, jnp.float32)

            pltpu.sync_copy(ws.at[pl.ds(VAL0, CHUNK)],
                            sp_pix2.at[pl.ds(off, CHUNK)])
            return _

        lax.fori_loop(0, 16, oc_chunk, None)

    plsc.subcore_barrier()

    for lb in range(LB):
        b = cid * LB + lb
        pltpu.sync_copy(sp_pix2.at[pl.ds(_al(b * NM), NM)], grid2)
        grid1[pl.ds(NM, L)] = jnp.zeros((L,), jnp.float32)

        def ch_body(k, _):
            ch = sid * CPT + k
            row_off = _al((b * C + ch) * NM)
            Q = NM // 4
            for q in range(4):
                pltpu.async_copy(
                    lf.at[pl.ds(_al(row_off + q * Q), Q)],
                    grid1.at[pl.ds(q * Q, Q)], isems.at[q])
            for q in range(4):
                pltpu.make_async_copy(
                    lf.at[pl.ds(_al(row_off), Q)],
                    grid1.at[pl.ds(0, Q)], isems.at[q]).wait()

            for ck in range(NOC):
                slot = ck % NRING
                par = slot * OC
                sem = sems.at[slot]
                obuf = ws.at[pl.ds(par, OC)]
                if ck >= NRING:
                    pltpu.make_async_copy(
                        obuf, out.at[pl.ds(_al(row_off), OC)], sem).wait()
                else:
                    @pl.when(k > 0)
                    def _wait_prev(_obuf=obuf, _sem=sem):
                        pltpu.make_async_copy(
                            _obuf, out.at[pl.ds(_al(row_off), OC)],
                            _sem).wait()

                @plsc.parallel_loop(0, VPO, unroll=8)
                def g_vec(j, _ck=ck, _par=par):
                    ws[pl.ds(_par + j * L, L)] = grid1[
                        pl.ds(_ck * OC + j * L, L)]

                pltpu.async_copy(
                    obuf, out.at[pl.ds(_al(row_off + ck * OC), OC)], sem)
            return _

        lax.fori_loop(0, CPT, ch_body, None)
        for slot in range(NRING):
            pltpu.make_async_copy(
                ws.at[pl.ds(slot * OC, OC)],
                out.at[pl.ds(_al(b * C * NM), OC)],
                sems.at[slot]).wait()


@jax.jit
def _run(loc3d_f, kb, wb, cond_f, lf_f):
    mesh = plsc.VectorSubcoreMesh(core_axis_name="c", subcore_axis_name="s")
    f = pl.kernel(
        _body,
        out_type=jax.ShapeDtypeStruct((B * C * NM,), jnp.float32),
        mesh=mesh,
        compiler_params=pltpu.CompilerParams(needs_layout_passes=False),
        scratch_types=[
            pltpu.VMEM((3 * SUB,), jnp.float32),
            pltpu.VMEM((192,), jnp.float32),
            pltpu.VMEM((192,), jnp.float32),
            pltpu.VMEM((NRING * OC,), jnp.float32),
            pltpu.VMEM((NM + L,), jnp.float32),
            pltpu.VMEM((NM,), jnp.float32),
            pltpu.HBM((B * NM,), jnp.float32),
            pltpu.HBM((B * NM,), jnp.float32),
            pltpu.HBM((B * NM,), jnp.float32),
            pltpu.HBM((B * NM,), jnp.float32),
            pltpu.SemaphoreType.DMA((NRING,)),
            pltpu.SemaphoreType.DMA((4,)),
        ],
    )
    return f(loc3d_f, kb, wb, cond_f, lf_f)


def kernel(loc3d, cam_K, cam_W, condition_depth, lf):
    loc3d_f = loc3d.reshape(B * 3 * NM)
    kb = jnp.broadcast_to(cam_K.reshape(B, 12, 1), (B, 12, L)).reshape(-1)
    wb = jnp.broadcast_to(cam_W.reshape(B, 12, 1), (B, 12, L)).reshape(-1)
    cond_f = condition_depth.reshape(B * NM)
    out = _run(loc3d_f, kb, wb, cond_f, lf.reshape(B * C * NM))
    return out.reshape(B, C, N, M)

# --- scband reference (transcript-rebuilt; emitter-appended) ---
"""Pipeline reference for scband-texture-network-88072599372012 (READ-ONLY COPY).

The authoritative reference and input builder live on the scoring server;
editing this copy changes nothing except your own understanding.
"""

import jax, jax.numpy as jnp
import numpy as np


def setup_inputs(seed: int = 0) -> dict:
    key = jax.random.key(seed)
    k1, k2, k3, k4, k5 = jax.random.split(key, 5)
    B, N, M, C = 4, 224, 224, 256
    loc3d = jax.random.uniform(k1, (B, 3, N, M), dtype=jnp.float32)
    cam_K = jax.random.uniform(k2, (B, 3, 4), dtype=jnp.float32)
    cam_W = jax.random.uniform(k3, (B, 3, 4), dtype=jnp.float32)
    condition_depth = jax.random.uniform(k4, (B, 1, N, M), dtype=jnp.float32)
    lf = jax.random.normal(k5, (B, C, N, M), dtype=jnp.float32)
    return {"loc3d": loc3d, "cam_K": cam_K, "cam_W": cam_W,
            "condition_depth": condition_depth, "lf": lf}


def reference(loc3d, cam_K, cam_W, condition_depth, lf):
    # Scatter/gather core of TextureNetwork.forward:
    #   projection -> occlusion_module -> filter_local_features -> arrange_local_features
    B, _, N, M = loc3d.shape
    NM = N * M
    loc3d_f = loc3d.reshape(B, 3, NM)
    ones = jnp.ones((B, 1, NM), dtype=loc3d.dtype)
    loc4 = jnp.concatenate([loc3d_f, ones], axis=1)
    zo = jnp.broadcast_to(jnp.array([[[0.0, 0.0, 0.0, 1.0]]], dtype=cam_W.dtype), (B, 1, 4))
    cam_W4 = jnp.concatenate([cam_W, zo], axis=1)
    pixel_mapping = jnp.matmul(cam_K, jnp.matmul(cam_W4, loc4))  # [B,3,NM]
    c = pixel_mapping[:, 2, :] / 112.0
    pixel_mapping = pixel_mapping / c[:, None, :]
    # --- projection: scatter-overwrite converted depth ---
    idx_h = jnp.clip(N - jnp.round(pixel_mapping[:, 1, :]).astype(jnp.int32), 0, N - 1)
    idx_w = jnp.clip(jnp.round(pixel_mapping[:, 0, :]).astype(jnp.int32), 0, M - 1)
    flat_idx = idx_h * M + idx_w  # [B,NM]
    vals = c * 2.0 * 112.0 / 137.0
    bidx = jnp.broadcast_to(jnp.arange(B)[:, None], (B, NM))
    converted_depth = jnp.zeros((B, NM), dtype=loc3d.dtype).at[bidx, flat_idx].set(vals)
    converted_depth = converted_depth.reshape(B, 1, N, M)
    # --- occlusion_module ---
    valid = 1.0 - (converted_depth == 0).astype(jnp.float32)
    occlusion_map = (jnp.abs(converted_depth - condition_depth) < 0.02).astype(jnp.float32) * valid
    # --- filter_local_features ---
    lf_f = lf * occlusion_map  # broadcast over channel dim
    # --- arrange_local_features: per-batch gather by pixel index ---
    bs, ch, h, w = lf_f.shape
    ih = jnp.clip(h - jnp.round(pixel_mapping[:, 1, :]), 0, h - 1)
    iw = jnp.clip(jnp.round(pixel_mapping[:, 0, :]), 0, w - 1)
    pix = (ih * w + iw).astype(jnp.int32)  # [B,NM]
    lf_flat = lf_f.reshape(bs, ch, h * w)
    gidx = jnp.broadcast_to(pix[:, None, :], lf_flat.shape)
    arranged = jnp.take_along_axis(lf_flat, gidx, axis=2)
    arranged = arranged.reshape(bs, ch, h, w)
    return arranged

if __name__ == "__main__":
    import jax
    _d = setup_inputs()
    print(jax.jit(kernel)(*tuple(_d.values())))

</pallas_src>

<mosaic_0001>
#map = affine_map<(d0, d1) -> (0)>
module attributes {stable_mosaic.version = 14 : i64} {
  func.func @_body(%arg0: i32, %arg1: i32, %arg2: memref<602112xf32, #tpu.memory_space<hbm>>, %arg3: memref<768xf32, #tpu.memory_space<hbm>>, %arg4: memref<768xf32, #tpu.memory_space<hbm>>, %arg5: memref<200704xf32, #tpu.memory_space<hbm>>, %arg6: memref<51380224xf32, #tpu.memory_space<hbm>>, %arg7: memref<51380224xf32, #tpu.memory_space<hbm>>, %arg8: memref<2352xf32, #tpu.memory_space<vmem>>, %arg9: memref<192xf32, #tpu.memory_space<vmem>>, %arg10: memref<192xf32, #tpu.memory_space<vmem>>, %arg11: memref<25088xf32, #tpu.memory_space<vmem>>, %arg12: memref<50192xf32, #tpu.memory_space<vmem>>, %arg13: memref<50176xf32, #tpu.memory_space<vmem>>, %arg14: memref<200704xf32, #tpu.memory_space<hbm>>, %arg15: memref<200704xf32, #tpu.memory_space<hbm>>, %arg16: memref<200704xf32, #tpu.memory_space<hbm>>, %arg17: memref<200704xf32, #tpu.memory_space<hbm>>, %arg18: memref<4x!tpu.dma_semaphore, #tpu.memory_space<semaphore_mem>>, %arg19: memref<4x!tpu.dma_semaphore, #tpu.memory_space<semaphore_mem>>) attributes {dimension_semantics = [#tpu.dimension_semantics<core_parallel>, #tpu.dimension_semantics<subcore_parallel>], iteration_bounds = array<i64: 2, 16>, scalar_prefetch = 0 : i64, scratch_operands = 12 : i64, tpu.core_type = #tpu.core_type<sc_vector_subcore>, window_params = [{transform_indices = #map}, {transform_indices = #map}, {transform_indices = #map}, {transform_indices = #map}, {transform_indices = #map}, {transform_indices = #map}]} {
    %iota3A = tpu.iota {dimensions = array<i32: 0>} : vector<16xi32>
    %mul3A = arith.constant 2 : i32
    %mul3A_0 = arith.muli %arg0, %mul3A : i32
    %add3A = arith.constant 0 : i32
    %add3A_1 = arith.addi %mul3A_0, %add3A : i32
    %mul3A_2 = arith.constant 192 : i32
    %mul3A_3 = arith.muli %add3A_1, %mul3A_2 : i32
    %multiple_of3A = tpu.assume_multiple %mul3A_3, 8 : i32
    "tpu.region"() ({
      %run_scoped3A = tpu.sem_alloc : memref<!tpu.dma_semaphore, #tpu.memory_space<semaphore_mem>>
      %dma_start3A = tpu.memref_slice %arg3[%multiple_of3A] : memref<768xf32, #tpu.memory_space<hbm>> -> memref<192xf32, #tpu.memory_space<hbm>>
      %dma_start3A_994 = tpu.memref_slice %arg3[%multiple_of3A] : memref<768xf32, #tpu.memory_space<hbm>> -> memref<192xf32, #tpu.memory_space<hbm>>
      tpu.enqueue_dma source(%dma_start3A_994 : memref<192xf32, #tpu.memory_space<hbm>>) target(%arg9 : memref<192xf32, #tpu.memory_space<vmem>>) target_semaphore(%run_scoped3A : memref<!tpu.dma_semaphore, #tpu.memory_space<semaphore_mem>>)
      %dma_wait3A_995 = tpu.memref_slice %arg3[%multiple_of3A] : memref<768xf32, #tpu.memory_space<hbm>> -> memref<192xf32, #tpu.memory_space<hbm>>
      %dma_wait3A_996 = tpu.memref_slice %arg3[%multiple_of3A] : memref<768xf32, #tpu.memory_space<hbm>> -> memref<192xf32, #tpu.memory_space<hbm>>
      tpu.wait_dma2 semaphore(%run_scoped3A : memref<!tpu.dma_semaphore, #tpu.memory_space<semaphore_mem>>) src(%dma_wait3A_996 : memref<192xf32, #tpu.memory_space<hbm>>) dst(%arg9 : memref<192xf32, #tpu.memory_space<vmem>>)
      tpu.yield
    }) : () -> ()
    %mul3A_4 = arith.constant 192 : i32
    %mul3A_5 = arith.muli %add3A_1, %mul3A_4 : i32
    %multiple_of3A_6 = tpu.assume_multiple %mul3A_5, 8 : i32
    "tpu.region"() ({
      %run_scoped3A = tpu.sem_alloc : memref<!tpu.dma_semaphore, #tpu.memory_space<semaphore_mem>>
      %dma_start3A = tpu.memref_slice %arg4[%multiple_of3A_6] : memref<768xf32, #tpu.memory_space<hbm>> -> memref<192xf32, #tpu.memory_space<hbm>>
      %dma_start3A_994 = tpu.memref_slice %arg4[%multiple_of3A_6] : memref<768xf32, #tpu.memory_space<hbm>> -> memref<192xf32, #tpu.memory_space<hbm>>
      tpu.enqueue_dma source(%dma_start3A_994 : memref<192xf32, #tpu.memory_space<hbm>>) target(%arg10 : memref<192xf32, #tpu.memory_space<vmem>>) target_semaphore(%run_scoped3A : memref<!tpu.dma_semaphore, #tpu.memory_space<semaphore_mem>>)
      %dma_wait3A_995 = tpu.memref_slice %arg4[%multiple_of3A_6] : memref<768xf32, #tpu.memory_space<hbm>> -> memref<192xf32, #tpu.memory_space<hbm>>
      %dma_wait3A_996 = tpu.memref_slice %arg4[%multiple_of3A_6] : memref<768xf32, #tpu.memory_space<hbm>> -> memref<192xf32, #tpu.memory_space<hbm>>
      tpu.wait_dma2 semaphore(%run_scoped3A : memref<!tpu.dma_semaphore, #tpu.memory_space<semaphore_mem>>) src(%dma_wait3A_996 : memref<192xf32, #tpu.memory_space<hbm>>) dst(%arg10 : memref<192xf32, #tpu.memory_space<vmem>>)
      tpu.yield
    }) : () -> ()
    %get3A = arith.constant 0 : index
    %get3A_7 = tpu.vector_load %arg9[%get3A] {strides = array<i32>} : memref<192xf32, #tpu.memory_space<vmem>>, vector<16xf32>,
    %bitcast3A = vector.bitcast %get3A_7 : vector<16xf32> to vector<16xi32>
    %shift_right_logical3A = arith.constant 16 : i32
    %shift_right_logical3A_8 = vector.broadcast %shift_right_logical3A : i32 to vector<16xi32>
    %shift_right_logical3A_9 = arith.shrui %bitcast3A, %shift_right_logical3A_8 : vector<16xi32>
    %and3A = arith.constant 1 : i32
    %and3A_10 = vector.broadcast %and3A : i32 to vector<16xi32>
    %and3A_11 = arith.andi %shift_right_logical3A_9, %and3A_10 : vector<16xi32>
    %add3A_12 = arith.constant 32767 : i32
    %add3A_13 = vector.broadcast %add3A_12 : i32 to vector<16xi32>
    %add3A_14 = arith.addi %and3A_11, %add3A_13 : vector<16xi32>
    %add3A_15 = arith.addi %bitcast3A, %add3A_14 : vector<16xi32>
    %and3A_16 = arith.constant -65536 : i32
    %and3A_17 = vector.broadcast %and3A_16 : i32 to vector<16xi32>
    %and3A_18 = arith.andi %add3A_15, %and3A_17 : vector<16xi32>
    %bitcast3A_19 = vector.bitcast %and3A_18 : vector<16xi32> to vector<16xf32>
    %get3A_20 = arith.constant 16 : index
    %get3A_21 = tpu.vector_load %arg9[%get3A_20] {strides = array<i32>} : memref<192xf32, #tpu.memory_space<vmem>>, vector<16xf32>,
    %bitcast3A_22 = vector.bitcast %get3A_21 : vector<16xf32> to vector<16xi32>
    %shift_right_logical3A_23 = arith.constant 16 : i32
    %shift_right_logical3A_24 = vector.broadcast %shift_right_logical3A_23 : i32 to vector<16xi32>
    %shift_right_logical3A_25 = arith.shrui %bitcast3A_22, %shift_right_logical3A_24 : vector<16xi32>
    %and3A_26 = arith.constant 1 : i32
    %and3A_27 = vector.broadcast %and3A_26 : i32 to vector<16xi32>
    %and3A_28 = arith.andi %shift_right_logical3A_25, %and3A_27 : vector<16xi32>
    %add3A_29 = arith.constant 32767 : i32
    %add3A_30 = vector.broadcast %add3A_29 : i32 to vector<16xi32>
    %add3A_31 = arith.addi %and3A_28, %add3A_30 : vector<16xi32>
    %add3A_32 = arith.addi %bitcast3A_22, %add3A_31 : vector<16xi32>
    %and3A_33 = arith.constant -65536 : i32
    %and3A_34 = vector.broadcast %and3A_33 : i32 to vector<16xi32>
    %and3A_35 = arith.andi %add3A_32, %and3A_34 : vector<16xi32>
    %bitcast3A_36 = vector.bitcast %and3A_35 : vector<16xi32> to vector<16xf32>
    %get3A_37 = arith.constant 32 : index
    %get3A_38 = tpu.vector_load %arg9[%get3A_37] {strides = array<i32>} : memref<192xf32, #tpu.memory_space<vmem>>, vector<16xf32>,
    %bitcast3A_39 = vector.bitcast %get3A_38 : vector<16xf32> to vector<16xi32>
    %shift_right_logical3A_40 = arith.constant 16 : i32
    %shift_right_logical3A_41 = vector.broadcast %shift_right_logical3A_40 : i32 to vector<16xi32>
    %shift_right_logical3A_42 = arith.shrui %bitcast3A_39, %shift_right_logical3A_41 : vector<16xi32>
    %and3A_43 = arith.constant 1 : i32
    %and3A_44 = vector.broadcast %and3A_43 : i32 to vector<16xi32>
    %and3A_45 = arith.andi %shift_right_logical3A_42, %and3A_44 : vector<16xi32>
    %add3A_46 = arith.constant 32767 : i32
    %add3A_47 = vector.broadcast %add3A_46 : i32 to vector<16xi32>
    %add3A_48 = arith.addi %and3A_45, %add3A_47 : vector<16xi32>
    %add3A_49 = arith.addi %bitcast3A_39, %add3A_48 : vector<16xi32>
    %and3A_50 = arith.constant -65536 : i32
    %and3A_51 = vector.broadcast %and3A_50 : i32 to vector<16xi32>
    %and3A_52 = arith.andi %add3A_49, %and3A_51 : vector<16xi32>
    %bitcast3A_53 = vector.bitcast %and3A_52 : vector<16xi32> to vector<16xf32>
    %get3A_54 = arith.constant 48 : index
    %get3A_55 = tpu.vector_load %arg9[%get3A_54] {strides = array<i32>} : memref<192xf32, #tpu.memory_space<vmem>>, vector<16xf32>,
    %bitcast3A_56 = vector.bitcast %get3A_55 : vector<16xf32> to vector<16xi32>
    %shift_right_logical3A_57 = arith.constant 16 : i32
    %shift_right_logical3A_58 = vector.broadcast %shift_right_logical3A_57 : i32 to vector<16xi32>
    %shift_right_logical3A_59 = arith.shrui %bitcast3A_56, %shift_right_logical3A_58 : vector<16xi32>
    %and3A_60 = arith.constant 1 : i32
    %and3A_61 = vector.broadcast %and3A_60 : i32 to vector<16xi32>
    %and3A_62 = arith.andi %shift_right_logical3A_59, %and3A_61 : vector<16xi32>
    %add3A_63 = arith.constant 32767 : i32
    %add3A_64 = vector.broadcast %add3A_63 : i32 to vector<16xi32>
    %add3A_65 = arith.addi %and3A_62, %add3A_64 : vector<16xi32>
    %add3A_66 = arith.addi %bitcast3A_56, %add3A_65 : vector<16xi32>
    %and3A_67 = arith.constant -65536 : i32
    %and3A_68 = vector.broadcast %and3A_67 : i32 to vector<16xi32>
    %and3A_69 = arith.andi %add3A_66, %and3A_68 : vector<16xi32>
    %bitcast3A_70 = vector.bitcast %and3A_69 : vector<16xi32> to vector<16xf32>
    %get3A_71 = arith.constant 64 : index
    %get3A_72 = tpu.vector_load %arg9[%get3A_71] {strides = array<i32>} : memref<192xf32, #tpu.memory_space<vmem>>, vector<16xf32>,
    %bitcast3A_73 = vector.bitcast %get3A_72 : vector<16xf32> to vector<16xi32>
    %shift_right_logical3A_74 = arith.constant 16 : i32
    %shift_right_logical3A_75 = vector.broadcast %shift_right_logical3A_74 : i32 to vector<16xi32>
    %shift_right_logical3A_76 = arith.shrui %bitcast3A_73, %shift_right_logical3A_75 : vector<16xi32>
    %and3A_77 = arith.constant 1 : i32
    %and3A_78 = vector.broadcast %and3A_77 : i32 to vector<16xi32>
    %and3A_79 = arith.andi %shift_right_logical3A_76, %and3A_78 : vector<16xi32>
    %add3A_80 = arith.constant 32767 : i32
    %add3A_81 = vector.broadcast %add3A_80 : i32 to vector<16xi32>
    %add3A_82 = arith.addi %and3A_79, %add3A_81 : vector<16xi32>
    %add3A_83 = arith.addi %bitcast3A_73, %add3A_82 : vector<16xi32>
    %and3A_84 = arith.constant -65536 : i32
    %and3A_85 = vector.broadcast %and3A_84 : i32 to vector<16xi32>
    %and3A_86 = arith.andi %add3A_83, %and3A_85 : vector<16xi32>
    %bitcast3A_87 = vector.bitcast %and3A_86 : vector<16xi32> to vector<16xf32>
    %get3A_88 = arith.constant 80 : index
    %get3A_89 = tpu.vector_load %arg9[%get3A_88] {strides = array<i32>} : memref<192xf32, #tpu.memory_space<vmem>>, vector<16xf32>,
    %bitcast3A_90 = vector.bitcast %get3A_89 : vector<16xf32> to vector<16xi32>
    %shift_right_logical3A_91 = arith.constant 16 : i32
    %shift_right_logical3A_92 = vector.broadcast %shift_right_logical3A_91 : i32 to vector<16xi32>
    %shift_right_logical3A_93 = arith.shrui %bitcast3A_90, %shift_right_logical3A_92 : vector<16xi32>
    %and3A_94 = arith.constant 1 : i32
    %and3A_95 = vector.broadcast %and3A_94 : i32 to vector<16xi32>
    %and3A_96 = arith.andi %shift_right_logical3A_93, %and3A_95 : vector<16xi32>
    %add3A_97 = arith.constant 32767 : i32
    %add3A_98 = vector.broadcast %add3A_97 : i32 to vector<16xi32>
    %add3A_99 = arith.addi %and3A_96, %add3A_98 : vector<16xi32>
    %add3A_100 = arith.addi %bitcast3A_90, %add3A_99 : vector<16xi32>
    %and3A_101 = arith.constant -65536 : i32
    %and3A_102 = vector.broadcast %and3A_101 : i32 to vector<16xi32>
    %and3A_103 = arith.andi %add3A_100, %and3A_102 : vector<16xi32>
    %bitcast3A_104 = vector.bitcast %and3A_103 : vector<16xi32> to vector<16xf32>
    %get3A_105 = arith.constant 96 : index
    %get3A_106 = tpu.vector_load %arg9[%get3A_105] {strides = array<i32>} : memref<192xf32, #tpu.memory_space<vmem>>, vector<16xf32>,
    %bitcast3A_107 = vector.bitcast %get3A_106 : vector<16xf32> to vector<16xi32>
    %shift_right_logical3A_108 = arith.constant 16 : i32
    %shift_right_logical3A_109 = vector.broadcast %shift_right_logical3A_108 : i32 to vector<16xi32>
    %shift_right_logical3A_110 = arith.shrui %bitcast3A_107, %shift_right_logical3A_109 : vector<16xi32>
    %and3A_111 = arith.constant 1 : i32
    %and3A_112 = vector.broadcast %and3A_111 : i32 to vector<16xi32>
    %and3A_113 = arith.andi %shift_right_logical3A_110, %and3A_112 : vector<16xi32>
    %add3A_114 = arith.constant 32767 : i32
    %add3A_115 = vector.broadcast %add3A_114 : i32 to vector<16xi32>
    %add3A_116 = arith.addi %and3A_113, %add3A_115 : vector<16xi32>
    %add3A_117 = arith.addi %bitcast3A_107, %add3A_116 : vector<16xi32>
    %and3A_118 = arith.constant -65536 : i32
    %and3A_119 = vector.broadcast %and3A_118 : i32 to vector<16xi32>
    %and3A_120 = arith.andi %add3A_117, %and3A_119 : vector<16xi32>
    %bitcast3A_121 = vector.bitcast %and3A_120 : vector<16xi32> to vector<16xf32>
    %get3A_122 = arith.constant 112 : index
    %get3A_123 = tpu.vector_load %arg9[%get3A_122] {strides = array<i32>} : memref<192xf32, #tpu.memory_space<vmem>>, vector<16xf32>,
    %bitcast3A_124 = vector.bitcast %get3A_123 : vector<16xf32> to vector<16xi32>
    %shift_right_logical3A_125 = arith.constant 16 : i32
    %shift_right_logical3A_126 = vector.broadcast %shift_right_logical3A_125 : i32 to vector<16xi32>
    %shift_right_logical3A_127 = arith.shrui %bitcast3A_124, %shift_right_logical3A_126 : vector<16xi32>
    %and3A_128 = arith.constant 1 : i32
    %and3A_129 = vector.broadcast %and3A_128 : i32 to vector<16xi32>
    %and3A_130 = arith.andi %shift_right_logical3A_127, %and3A_129 : vector<16xi32>
    %add3A_131 = arith.constant 32767 : i32
    %add3A_132 = vector.broadcast %add3A_131 : i32 to vector<16xi32>
    %add3A_133 = arith.addi %and3A_130, %add3A_132 : vector<16xi32>
    %add3A_134 = arith.addi %bitcast3A_124, %add3A_133 : vector<16xi32>
    %and3A_135 = arith.constant -65536 : i32
    %and3A_136 = vector.broadcast %and3A_135 : i32 to vector<16xi32>
    %and3A_137 = arith.andi %add3A_134, %and3A_136 : vector<16xi32>
    %bitcast3A_138 = vector.bitcast %and3A_137 : vector<16xi32> to vector<16xf32>
    %get3A_139 = arith.constant 128 : index
    %get3A_140 = tpu.vector_load %arg9[%get3A_139] {strides = array<i32>} : memref<192xf32, #tpu.memory_space<vmem>>, vector<16xf32>,
    %bitcast3A_141 = vector.bitcast %get3A_140 : vector<16xf32> to vector<16xi32>
    %shift_right_logical3A_142 = arith.constant 16 : i32
    %shift_right_logical3A_143 = vector.broadcast %shift_right_logical3A_142 : i32 to vector<16xi32>
    %shift_right_logical3A_144 = arith.shrui %bitcast3A_141, %shift_right_logical3A_143 : vector<16xi32>
    %and3A_145 = arith.constant 1 : i32
    %and3A_146 = vector.broadcast %and3A_145 : i32 to vector<16xi32>
    %and3A_147 = arith.andi %shift_right_logical3A_144, %and3A_146 : vector<16xi32>
    %add3A_148 = arith.constant 32767 : i32
    %add3A_149 = vector.broadcast %add3A_148 : i32 to vector<16xi32>
    %add3A_150 = arith.addi %and3A_147, %add3A_149 : vector<16xi32>
    %add3A_151 = arith.addi %bitcast3A_141, %add3A_150 : vector<16xi32>
    %and3A_152 = arith.constant -65536 : i32
    %and3A_153 = vector.broadcast %and3A_152 : i32 to vector<16xi32>
    %and3A_154 = arith.andi %add3A_151, %and3A_153 : vector<16xi32>
    %bitcast3A_155 = vector.bitcast %and3A_154 : vector<16xi32> to vector<16xf32>
    %get3A_156 = arith.constant 144 : index
    %get3A_157 = tpu.vector_load %arg9[%get3A_156] {strides = array<i32>} : memref<192xf32, #tpu.memory_space<vmem>>, vector<16xf32>,
    %bitcast3A_158 = vector.bitcast %get3A_157 : vector<16xf32> to vector<16xi32>
    %shift_right_logical3A_159 = arith.constant 16 : i32
    %shift_right_logical3A_160 = vector.broadcast %shift_right_logical3A_159 : i32 to vector<16xi32>
    %shift_right_logical3A_161 = arith.shrui %bitcast3A_158, %shift_right_logical3A_160 : vector<16xi32>
    %and3A_162 = arith.constant 1 : i32
    %and3A_163 = vector.broadcast %and3A_162 : i32 to vector<16xi32>
    %and3A_164 = arith.andi %shift_right_logical3A_161, %and3A_163 : vector<16xi32>
    %add3A_165 = arith.constant 32767 : i32
    %add3A_166 = vector.broadcast %add3A_165 : i32 to vector<16xi32>
    %add3A_167 = arith.addi %and3A_164, %add3A_166 : vector<16xi32>
    %add3A_168 = arith.addi %bitcast3A_158, %add3A_167 : vector<16xi32>
    %and3A_169 = arith.constant -65536 : i32
    %and3A_170 = vector.broadcast %and3A_169 : i32 to vector<16xi32>
    %and3A_171 = arith.andi %add3A_168, %and3A_170 : vector<16xi32>
    %bitcast3A_172 = vector.bitcast %and3A_171 : vector<16xi32> to vector<16xf32>
    %get3A_173 = arith.constant 160 : index
    %get3A_174 = tpu.vector_load %arg9[%get3A_173] {strides = array<i32>} : memref<192xf32, #tpu.memory_space<vmem>>, vector<16xf32>,
    %bitcast3A_175 = vector.bitcast %get3A_174 : vector<16xf32> to vector<16xi32>
    %shift_right_logical3A_176 = arith.constant 16 : i32
    %shift_right_logical3A_177 = vector.broadcast %shift_right_logical3A_176 : i32 to vector<16xi32>
    %shift_right_logical3A_178 = arith.shrui %bitcast3A_175, %shift_right_logical3A_177 : vector<16xi32>
    %and3A_179 = arith.constant 1 : i32
    %and3A_180 = vector.broadcast %and3A_179 : i32 to vector<16xi32>
    %and3A_181 = arith.andi %shift_right_logical3A_178, %and3A_180 : vector<16xi32>
    %add3A_182 = arith.constant 32767 : i32
    %add3A_183 = vector.broadcast %add3A_182 : i32 to vector<16xi32>
    %add3A_184 = arith.addi %and3A_181, %add3A_183 : vector<16xi32>
    %add3A_185 = arith.addi %bitcast3A_175, %add3A_184 : vector<16xi32>
    %and3A_186 = arith.constant -65536 : i32
    %and3A_187 = vector.broadcast %and3A_186 : i32 to vector<16xi32>
    %and3A_188 = arith.andi %add3A_185, %and3A_187 : vector<16xi32>
    %bitcast3A_189 = vector.bitcast %and3A_188 : vector<16xi32> to vector<16xf32>
    %get3A_190 = arith.constant 176 : index
    %get3A_191 = tpu.vector_load %arg9[%get3A_190] {strides = array<i32>} : memref<192xf32, #tpu.memory_space<vmem>>, vector<16xf32>,
    %bitcast3A_192 = vector.bitcast %get3A_191 : vector<16xf32> to vector<16xi32>
    %shift_right_logical3A_193 = arith.constant 16 : i32
    %shift_right_logical3A_194 = vector.broadcast %shift_right_logical3A_193 : i32 to vector<16xi32>
    %shift_right_logical3A_195 = arith.shrui %bitcast3A_192, %shift_right_logical3A_194 : vector<16xi32>
    %and3A_196 = arith.constant 1 : i32
    %and3A_197 = vector.broadcast %and3A_196 : i32 to vector<16xi32>
    %and3A_198 = arith.andi %shift_right_logical3A_195, %and3A_197 : vector<16xi32>
    %add3A_199 = arith.constant 32767 : i32
    %add3A_200 = vector.broadcast %add3A_199 : i32 to vector<16xi32>
    %add3A_201 = arith.addi %and3A_198, %add3A_200 : vector<16xi32>
    %add3A_202 = arith.addi %bitcast3A_192, %add3A_201 : vector<16xi32>
    %and3A_203 = arith.constant -65536 : i32
    %and3A_204 = vector.broadcast %and3A_203 : i32 to vector<16xi32>
    %and3A_205 = arith.andi %add3A_202, %and3A_204 : vector<16xi32>
    %bitcast3A_206 = vector.bitcast %and3A_205 : vector<16xi32> to vector<16xf32>
    %get3A_207 = arith.constant 0 : index
    %get3A_208 = tpu.vector_load %arg10[%get3A_207] {strides = array<i32>} : memref<192xf32, #tpu.memory_space<vmem>>, vector<16xf32>,
    %bitcast3A_209 = vector.bitcast %get3A_208 : vector<16xf32> to vector<16xi32>
    %shift_right_logical3A_210 = arith.constant 16 : i32
    %shift_right_logical3A_211 = vector.broadcast %shift_right_logical3A_210 : i32 to vector<16xi32>
    %shift_right_logical3A_212 = arith.shrui %bitcast3A_209, %shift_right_logical3A_211 : vector<16xi32>
    %and3A_213 = arith.constant 1 : i32
    %and3A_214 = vector.broadcast %and3A_213 : i32 to vector<16xi32>
    %and3A_215 = arith.andi %shift_right_logical3A_212, %and3A_214 : vector<16xi32>
    %add3A_216 = arith.constant 32767 : i32
    %add3A_217 = vector.broadcast %add3A_216 : i32 to vector<16xi32>
    %add3A_218 = arith.addi %and3A_215, %add3A_217 : vector<16xi32>
    %add3A_219 = arith.addi %bitcast3A_209, %add3A_218 : vector<16xi32>
    %and3A_220 = arith.constant -65536 : i32
    %and3A_221 = vector.broadcast %and3A_220 : i32 to vector<16xi32>
    %and3A_222 = arith.andi %add3A_219, %and3A_221 : vector<16xi32>
    %bitcast3A_223 = vector.bitcast %and3A_222 : vector<16xi32> to vector<16xf32>
    %get3A_224 = arith.constant 16 : index
    %get3A_225 = tpu.vector_load %arg10[%get3A_224] {strides = array<i32>} : memref<192xf32, #tpu.memory_space<vmem>>, vector<16xf32>,
    %bitcast3A_226 = vector.bitcast %get3A_225 : vector<16xf32> to vector<16xi32>
    %shift_right_logical3A_227 = arith.constant 16 : i32
    %shift_right_logical3A_228 = vector.broadcast %shift_right_logical3A_227 : i32 to vector<16xi32>
    %shift_right_logical3A_229 = arith.shrui %bitcast3A_226, %shift_right_logical3A_228 : vector<16xi32>
    %and3A_230 = arith.constant 1 : i32
    %and3A_231 = vector.broadcast %and3A_230 : i32 to vector<16xi32>
    %and3A_232 = arith.andi %shift_right_logical3A_229, %and3A_231 : vector<16xi32>
    %add3A_233 = arith.constant 32767 : i32
    %add3A_234 = vector.broadcast %add3A_233 : i32 to vector<16xi32>
    %add3A_235 = arith.addi %and3A_232, %add3A_234 : vector<16xi32>
    %add3A_236 = arith.addi %bitcast3A_226, %add3A_235 : vector<16xi32>
    %and3A_237 = arith.constant -65536 : i32
    %and3A_238 = vector.broadcast %and3A_237 : i32 to vector<16xi32>
    %and3A_239 = arith.andi %add3A_236, %and3A_238 : vector<16xi32>
    %bitcast3A_240 = vector.bitcast %and3A_239 : vector<16xi32> to vector<16xf32>
    %get3A_241 = arith.constant 32 : index
    %get3A_242 = tpu.vector_load %arg10[%get3A_241] {strides = array<i32>} : memref<192xf32, #tpu.memory_space<vmem>>, vector<16xf32>,
    %bitcast3A_243 = vector.bitcast %get3A_242 : vector<16xf32> to vector<16xi32>
    %shift_right_logical3A_244 = arith.constant 16 : i32
    %shift_right_logical3A_245 = vector.broadcast %shift_right_logical3A_244 : i32 to vector<16xi32>
    %shift_right_logical3A_246 = arith.shrui %bitcast3A_243, %shift_right_logical3A_245 : vector<16xi32>
    %and3A_247 = arith.constant 1 : i32
    %and3A_248 = vector.broadcast %and3A_247 : i32 to vector<16xi32>
    %and3A_249 = arith.andi %shift_right_logical3A_246, %and3A_248 : vector<16xi32>
    %add3A_250 = arith.constant 32767 : i32
    %add3A_251 = vector.broadcast %add3A_250 : i32 to vector<16xi32>
    %add3A_252 = arith.addi %and3A_249, %add3A_251 : vector<16xi32>
    %add3A_253 = arith.addi %bitcast3A_243, %add3A_252 : vector<16xi32>
    %and3A_254 = arith.constant -65536 : i32
    %and3A_255 = vector.broadcast %and3A_254 : i32 to vector<16xi32>
    %and3A_256 = arith.andi %add3A_253, %and3A_255 : vector<16xi32>
    %bitcast3A_257 = vector.bitcast %and3A_256 : vector<16xi32> to vector<16xf32>
    %get3A_258 = arith.constant 48 : index
    %get3A_259 = tpu.vector_load %arg10[%get3A_258] {strides = array<i32>} : memref<192xf32, #tpu.memory_space<vmem>>, vector<16xf32>,
    %bitcast3A_260 = vector.bitcast %get3A_259 : vector<16xf32> to vector<16xi32>
    %shift_right_logical3A_261 = arith.constant 16 : i32
    %shift_right_logical3A_262 = vector.broadcast %shift_right_logical3A_261 : i32 to vector<16xi32>
    %shift_right_logical3A_263 = arith.shrui %bitcast3A_260, %shift_right_logical3A_262 : vector<16xi32>
    %and3A_264 = arith.constant 1 : i32
    %and3A_265 = vector.broadcast %and3A_264 : i32 to vector<16xi32>
    %and3A_266 = arith.andi %shift_right_logical3A_263, %and3A_265 : vector<16xi32>
    %add3A_267 = arith.constant 32767 : i32
    %add3A_268 = vector.broadcast %add3A_267 : i32 to vector<16xi32>
    %add3A_269 = arith.addi %and3A_266, %add3A_268 : vector<16xi32>
    %add3A_270 = arith.addi %bitcast3A_260, %add3A_269 : vector<16xi32>
    %and3A_271 = arith.constant -65536 : i32
    %and3A_272 = vector.broadcast %and3A_271 : i32 to vector<16xi32>
    %and3A_273 = arith.andi %add3A_270, %and3A_272 : vector<16xi32>
    %bitcast3A_274 = vector.bitcast %and3A_273 : vector<16xi32> to vector<16xf32>
    %get3A_275 = arith.constant 64 : index
    %get3A_276 = tpu.vector_load %arg10[%get3A_275] {strides = array<i32>} : memref<192xf32, #tpu.memory_space<vmem>>, vector<16xf32>,
    %bitcast3A_277 = vector.bitcast %get3A_276 : vector<16xf32> to vector<16xi32>
    %shift_right_logical3A_278 = arith.constant 16 : i32
    %shift_right_logical3A_279 = vector.broadcast %shift_right_logical3A_278 : i32 to vector<16xi32>
    %shift_right_logical3A_280 = arith.shrui %bitcast3A_277, %shift_right_logical3A_279 : vector<16xi32>
    %and3A_281 = arith.constant 1 : i32
    %and3A_282 = vector.broadcast %and3A_281 : i32 to vector<16xi32>
    %and3A_283 = arith.andi %shift_right_logical3A_280, %and3A_282 : vector<16xi32>
    %add3A_284 = arith.constant 32767 : i32
    %add3A_285 = vector.broadcast %add3A_284 : i32 to vector<16xi32>
    %add3A_286 = arith.addi %and3A_283, %add3A_285 : vector<16xi32>
    %add3A_287 = arith.addi %bitcast3A_277, %add3A_286 : vector<16xi32>
    %and3A_288 = arith.constant -65536 : i32
    %and3A_289 = vector.broadcast %and3A_288 : i32 to vector<16xi32>
    %and3A_290 = arith.andi %add3A_287, %and3A_289 : vector<16xi32>
    %bitcast3A_291 = vector.bitcast %and3A_290 : vector<16xi32> to vector<16xf32>
    %get3A_292 = arith.constant 80 : index
    %get3A_293 = tpu.vector_load %arg10[%get3A_292] {strides = array<i32>} : memref<192xf32, #tpu.memory_space<vmem>>, vector<16xf32>,
    %bitcast3A_294 = vector.bitcast %get3A_293 : vector<16xf32> to vector<16xi32>
    %shift_right_logical3A_295 = arith.constant 16 : i32
    %shift_right_logical3A_296 = vector.broadcast %shift_right_logical3A_295 : i32 to vector<16xi32>
    %shift_right_logical3A_297 = arith.shrui %bitcast3A_294, %shift_right_logical3A_296 : vector<16xi32>
    %and3A_298 = arith.constant 1 : i32
    %and3A_299 = vector.broadcast %and3A_298 : i32 to vector<16xi32>
    %and3A_300 = arith.andi %shift_right_logical3A_297, %and3A_299 : vector<16xi32>
    %add3A_301 = arith.constant 32767 : i32
    %add3A_302 = vector.broadcast %add3A_301 : i32 to vector<16xi32>
    %add3A_303 = arith.addi %and3A_300, %add3A_302 : vector<16xi32>
    %add3A_304 = arith.addi %bitcast3A_294, %add3A_303 : vector<16xi32>
    %and3A_305 = arith.constant -65536 : i32
    %and3A_306 = vector.broadcast %and3A_305 : i32 to vector<16xi32>
    %and3A_307 = arith.andi %add3A_304, %and3A_306 : vector<16xi32>
    %bitcast3A_308 = vector.bitcast %and3A_307 : vector<16xi32> to vector<16xf32>
    %get3A_309 = arith.constant 96 : index
    %get3A_310 = tpu.vector_load %arg10[%get3A_309] {strides = array<i32>} : memref<192xf32, #tpu.memory_space<vmem>>, vector<16xf32>,
    %bitcast3A_311 = vector.bitcast %get3A_310 : vector<16xf32> to vector<16xi32>
    %shift_right_logical3A_312 = arith.constant 16 : i32
    %shift_right_logical3A_313 = vector.broadcast %shift_right_logical3A_312 : i32 to vector<16xi32>
    %shift_right_logical3A_314 = arith.shrui %bitcast3A_311, %shift_right_logical3A_313 : vector<16xi32>
    %and3A_315 = arith.constant 1 : i32
    %and3A_316 = vector.broadcast %and3A_315 : i32 to vector<16xi32>
    %and3A_317 = arith.andi %shift_right_logical3A_314, %and3A_316 : vector<16xi32>
    %add3A_318 = arith.constant 32767 : i32
    %add3A_319 = vector.broadcast %add3A_318 : i32 to vector<16xi32>
    %add3A_320 = arith.addi %and3A_317, %add3A_319 : vector<16xi32>
    %add3A_321 = arith.addi %bitcast3A_311, %add3A_320 : vector<16xi32>
    %and3A_322 = arith.constant -65536 : i32
    %and3A_323 = vector.broadcast %and3A_322 : i32 to vector<16xi32>
    %and3A_324 = arith.andi %add3A_321, %and3A_323 : vector<16xi32>
    %bitcast3A_325 = vector.bitcast %and3A_324 : vector<16xi32> to vector<16xf32>
    %get3A_326 = arith.constant 112 : index
    %get3A_327 = tpu.vector_load %arg10[%get3A_326] {strides = array<i32>} : memref<192xf32, #tpu.memory_space<vmem>>, vector<16xf32>,
    %bitcast3A_328 = vector.bitcast %get3A_327 : vector<16xf32> to vector<16xi32>
    %shift_right_logical3A_329 = arith.constant 16 : i32
    %shift_right_logical3A_330 = vector.broadcast %shift_right_logical3A_329 : i32 to vector<16xi32>
    %shift_right_logical3A_331 = arith.shrui %bitcast3A_328, %shift_right_logical3A_330 : vector<16xi32>
    %and3A_332 = arith.constant 1 : i32
    %and3A_333 = vector.broadcast %and3A_332 : i32 to vector<16xi32>
    %and3A_334 = arith.andi %shift_right_logical3A_331, %and3A_333 : vector<16xi32>
    %add3A_335 = arith.constant 32767 : i32
    %add3A_336 = vector.broadcast %add3A_335 : i32 to vector<16xi32>
    %add3A_337 = arith.addi %and3A_334, %add3A_336 : vector<16xi32>
    %add3A_338 = arith.addi %bitcast3A_328, %add3A_337 : vector<16xi32>
    %and3A_339 = arith.constant -65536 : i32
    %and3A_340 = vector.broadcast %and3A_339 : i32 to vector<16xi32>
    %and3A_341 = arith.andi %add3A_338, %and3A_340 : vector<16xi32>
    %bitcast3A_342 = vector.bitcast %and3A_341 : vector<16xi32> to vector<16xf32>
    %get3A_343 = arith.constant 128 : index
    %get3A_344 = tpu.vector_load %arg10[%get3A_343] {strides = array<i32>} : memref<192xf32, #tpu.memory_space<vmem>>, vector<16xf32>,
    %bitcast3A_345 = vector.bitcast %get3A_344 : vector<16xf32> to vector<16xi32>
    %shift_right_logical3A_346 = arith.constant 16 : i32
    %shift_right_logical3A_347 = vector.broadcast %shift_right_logical3A_346 : i32 to vector<16xi32>
    %shift_right_logical3A_348 = arith.shrui %bitcast3A_345, %shift_right_logical3A_347 : vector<16xi32>
    %and3A_349 = arith.constant 1 : i32
    %and3A_350 = vector.broadcast %and3A_349 : i32 to vector<16xi32>
    %and3A_351 = arith.andi %shift_right_logical3A_348, %and3A_350 : vector<16xi32>
    %add3A_352 = arith.constant 32767 : i32
    %add3A_353 = vector.broadcast %add3A_352 : i32 to vector<16xi32>
    %add3A_354 = arith.addi %and3A_351, %add3A_353 : vector<16xi32>
    %add3A_355 = arith.addi %bitcast3A_345, %add3A_354 : vector<16xi32>
    %and3A_356 = arith.constant -65536 : i32
    %and3A_357 = vector.broadcast %and3A_356 : i32 to vector<16xi32>
    %and3A_358 = arith.andi %add3A_355, %and3A_357 : vector<16xi32>
    %bitcast3A_359 = vector.bitcast %and3A_358 : vector<16xi32> to vector<16xf32>
    %get3A_360 = arith.constant 144 : index
    %get3A_361 = tpu.vector_load %arg10[%get3A_360] {strides = array<i32>} : memref<192xf32, #tpu.memory_space<vmem>>, vector<16xf32>,
    %bitcast3A_362 = vector.bitcast %get3A_361 : vector<16xf32> to vector<16xi32>
    %shift_right_logical3A_363 = arith.constant 16 : i32
    %shift_right_logical3A_364 = vector.broadcast %shift_right_logical3A_363 : i32 to vector<16xi32>
    %shift_right_logical3A_365 = arith.shrui %bitcast3A_362, %shift_right_logical3A_364 : vector<16xi32>
    %and3A_366 = arith.constant 1 : i32
    %and3A_367 = vector.broadcast %and3A_366 : i32 to vector<16xi32>
    %and3A_368 = arith.andi %shift_right_logical3A_365, %and3A_367 : vector<16xi32>
    %add3A_369 = arith.constant 32767 : i32
    %add3A_370 = vector.broadcast %add3A_369 : i32 to vector<16xi32>
    %add3A_371 = arith.addi %and3A_368, %add3A_370 : vector<16xi32>
    %add3A_372 = arith.addi %bitcast3A_362, %add3A_371 : vector<16xi32>
    %and3A_373 = arith.constant -65536 : i32
    %and3A_374 = vector.broadcast %and3A_373 : i32 to vector<16xi32>
    %and3A_375 = arith.andi %add3A_372, %and3A_374 : vector<16xi32>
    %bitcast3A_376 = vector.bitcast %and3A_375 : vector<16xi32> to vector<16xf32>
    %get3A_377 = arith.constant 160 : index
    %get3A_378 = tpu.vector_load %arg10[%get3A_377] {strides = array<i32>} : memref<192xf32, #tpu.memory_space<vmem>>, vector<16xf32>,
    %bitcast3A_379 = vector.bitcast %get3A_378 : vector<16xf32> to vector<16xi32>
    %shift_right_logical3A_380 = arith.constant 16 : i32
    %shift_right_logical3A_381 = vector.broadcast %shift_right_logical3A_380 : i32 to vector<16xi32>
    %shift_right_logical3A_382 = arith.shrui %bitcast3A_379, %shift_right_logical3A_381 : vector<16xi32>
    %and3A_383 = arith.constant 1 : i32
    %and3A_384 = vector.broadcast %and3A_383 : i32 to vector<16xi32>
    %and3A_385 = arith.andi %shift_right_logical3A_382, %and3A_384 : vector<16xi32>
    %add3A_386 = arith.constant 32767 : i32
    %add3A_387 = vector.broadcast %add3A_386 : i32 to vector<16xi32>
    %add3A_388 = arith.addi %and3A_385, %add3A_387 : vector<16xi32>
    %add3A_389 = arith.addi %bitcast3A_379, %add3A_388 : vector<16xi32>
    %and3A_390 = arith.constant -65536 : i32
    %and3A_391 = vector.broadcast %and3A_390 : i32 to vector<16xi32>
    %and3A_392 = arith.andi %add3A_389, %and3A_391 : vector<16xi32>
    %bitcast3A_393 = vector.bitcast %and3A_392 : vector<16xi32> to vector<16xf32>
    %get3A_394 = arith.constant 176 : index
    %get3A_395 = tpu.vector_load %arg10[%get3A_394] {strides = array<i32>} : memref<192xf32, #tpu.memory_space<vmem>>, vector<16xf32>,
    %bitcast3A_396 = vector.bitcast %get3A_395 : vector<16xf32> to vector<16xi32>
    %shift_right_logical3A_397 = arith.constant 16 : i32
    %shift_right_logical3A_398 = vector.broadcast %shift_right_logical3A_397 : i32 to vector<16xi32>
    %shift_right_logical3A_399 = arith.shrui %bitcast3A_396, %shift_right_logical3A_398 : vector<16xi32>
    %and3A_400 = arith.constant 1 : i32
    %and3A_401 = vector.broadcast %and3A_400 : i32 to vector<16xi32>
    %and3A_402 = arith.andi %shift_right_logical3A_399, %and3A_401 : vector<16xi32>
    %add3A_403 = arith.constant 32767 : i32
    %add3A_404 = vector.broadcast %add3A_403 : i32 to vector<16xi32>
    %add3A_405 = arith.addi %and3A_402, %add3A_404 : vector<16xi32>
    %add3A_406 = arith.addi %bitcast3A_396, %add3A_405 : vector<16xi32>
    %and3A_407 = arith.constant -65536 : i32
    %and3A_408 = vector.broadcast %and3A_407 : i32 to vector<16xi32>
    %and3A_409 = arith.andi %add3A_406, %and3A_408 : vector<16xi32>
    %bitcast3A_410 = vector.bitcast %and3A_409 : vector<16xi32> to vector<16xf32>
    %scan3A = arith.constant 0 : i32
    %scan3A_411 = arith.constant 4 : i32
    %scan3A_412 = arith.addi %scan3A, %scan3A_411 : i32
    %scan3A_413 = arith.constant 1 : i32
    scf.for %scan3A_994 = %scan3A to %scan3A_412 step %scan3A_413  : i32 {
      %mul3A_995 = arith.constant 3 : i32
      %mul3A_996 = arith.muli %add3A_1, %mul3A_995 : i32
      %add3A_997 = arith.constant 0 : i32
      %add3A_998 = arith.addi %mul3A_996, %add3A_997 : i32
      %mul3A_999 = arith.constant 50176 : i32
      %mul3A_1000 = arith.muli %add3A_998, %mul3A_999 : i32
      %mul3A_1001 = arith.constant 3136 : i32
      %mul3A_1002 = arith.muli %arg1, %mul3A_1001 : i32
      %add3A_1003 = arith.addi %mul3A_1000, %mul3A_1002 : i32
      %mul3A_1004 = arith.constant 784 : i32
      %mul3A_1005 = arith.muli %scan3A_994, %mul3A_1004 : i32
      %add3A_1006 = arith.addi %add3A_1003, %mul3A_1005 : i32
      %multiple_of3A_1007 = tpu.assume_multiple %add3A_1006, 8 : i32
      "tpu.region"() ({
        %run_scoped3A = tpu.sem_alloc : memref<!tpu.dma_semaphore, #tpu.memory_space<semaphore_mem>>
        %dma_start3A = arith.constant 0 : i32
        %dma_start3A_1036 = tpu.memref_slice %arg8[%dma_start3A] : memref<2352xf32, #tpu.memory_space<vmem>> -> memref<784xf32, #tpu.memory_space<vmem>>
        %dma_start3A_1037 = tpu.memref_slice %arg2[%multiple_of3A_1007] : memref<602112xf32, #tpu.memory_space<hbm>> -> memref<784xf32, #tpu.memory_space<hbm>>
        %dma_start3A_1038 = arith.constant 0 : i32
        %dma_start3A_1039 = tpu.memref_slice %arg8[%dma_start3A_1038] : memref<2352xf32, #tpu.memory_space<vmem>> -> memref<784xf32, #tpu.memory_space<vmem>>
        %dma_start3A_1040 = tpu.memref_slice %arg2[%multiple_of3A_1007] : memref<602112xf32, #tpu.memory_space<hbm>> -> memref<784xf32, #tpu.memory_space<hbm>>
        tpu.enqueue_dma source(%dma_start3A_1040 : memref<784xf32, #tpu.memory_space<hbm>>) target(%dma_start3A_1039 : memref<784xf32, #tpu.memory_space<vmem>>) target_semaphore(%run_scoped3A : memref<!tpu.dma_semaphore, #tpu.memory_space<semaphore_mem>>)
        %dma_wait3A_1041 = arith.constant 0 : i32
        %dma_wait3A_1042 = tpu.memref_slice %arg8[%dma_wait3A_1041] : memref<2352xf32, #tpu.memory_space<vmem>> -> memref<784xf32, #tpu.memory_space<vmem>>
        %dma_wait3A_1043 = tpu.memref_slice %arg2[%multiple_of3A_1007] : memref<602112xf32, #tpu.memory_space<hbm>> -> memref<784xf32, #tpu.memory_space<hbm>>
        %dma_wait3A_1044 = arith.constant 0 : i32
        %dma_wait3A_1045 = tpu.memref_slice %arg8[%dma_wait3A_1044] : memref<2352xf32, #tpu.memory_space<vmem>> -> memref<784xf32, #tpu.memory_space<vmem>>
        %dma_wait3A_1046 = tpu.memref_slice %arg2[%multiple_of3A_1007] : memref<602112xf32, #tpu.memory_space<hbm>> -> memref<784xf32, #tpu.memory_space<hbm>>
        tpu.wait_dma2 semaphore(%run_scoped3A : memref<!tpu.dma_semaphore, #tpu.memory_space<semaphore_mem>>) src(%dma_wait3A_1046 : memref<784xf32, #tpu.memory_space<hbm>>) dst(%dma_wait3A_1045 : memref<784xf32, #tpu.memory_space<vmem>>)
        tpu.yield
      }) : () -> ()
      %mul3A_1008 = arith.constant 3 : i32
      %mul3A_1009 = arith.muli %add3A_1, %mul3A_1008 : i32
      %add3A_1010 = arith.constant 1 : i32
      %add3A_1011 = arith.addi %mul3A_1009, %add3A_1010 : i32
      %mul3A_1012 = arith.constant 50176 : i32
      %mul3A_1013 = arith.muli %add3A_1011, %mul3A_1012 : i32
      %mul3A_1014 = arith.constant 3136 : i32
      %mul3A_1015 = arith.muli %arg1, %mul3A_1014 : i32
      %add3A_1016 = arith.addi %mul3A_1013, %mul3A_1015 : i32
      %mul3A_1017 = arith.constant 784 : i32
      %mul3A_1018 = arith.muli %scan3A_994, %mul3A_1017 : i32
      %add3A_1019 = arith.addi %add3A_1016, %mul3A_1018 : i32
      %multiple_of3A_1020 = tpu.assume_multiple %add3A_1019, 8 : i32
      "tpu.region"() ({
        %run_scoped3A = tpu.sem_alloc : memref<!tpu.dma_semaphore, #tpu.memory_space<semaphore_mem>>
        %dma_start3A = arith.constant 784 : i32
        %dma_start3A_1036 = tpu.memref_slice %arg8[%dma_start3A] : memref<2352xf32, #tpu.memory_space<vmem>> -> memref<784xf32, #tpu.memory_space<vmem>>
        %dma_start3A_1037 = tpu.memref_slice %arg2[%multiple_of3A_1020] : memref<602112xf32, #tpu.memory_space<hbm>> -> memref<784xf32, #tpu.memory_space<hbm>>
        %dma_start3A_1038 = arith.constant 784 : i32
        %dma_start3A_1039 = tpu.memref_slice %arg8[%dma_start3A_1038] : memref<2352xf32, #tpu.memory_space<vmem>> -> memref<784xf32, #tpu.memory_space<vmem>>
        %dma_start3A_1040 = tpu.memref_slice %arg2[%multiple_of3A_1020] : memref<602112xf32, #tpu.memory_space<hbm>> -> memref<784xf32, #tpu.memory_space<hbm>>
        tpu.enqueue_dma source(%dma_start3A_1040 : memref<784xf32, #tpu.memory_space<hbm>>) target(%dma_start3A_1039 : memref<784xf32, #tpu.memory_space<vmem>>) target_semaphore(%run_scoped3A : memref<!tpu.dma_semaphore, #tpu.memory_space<semaphore_mem>>)
        %dma_wait3A_1041 = arith.constant 784 : i32
        %dma_wait3A_1042 = tpu.memref_slice %arg8[%dma_wait3A_1041] : memref<2352xf32, #tpu.memory_space<vmem>> -> memref<784xf32, #tpu.memory_space<vmem>>
        %dma_wait3A_1043 = tpu.memref_slice %arg2[%multiple_of3A_1020] : memref<602112xf32, #tpu.memory_space<hbm>> -> memref<784xf32, #tpu.memory_space<hbm>>
        %dma_wait3A_1044 = arith.constant 784 : i32
        %dma_wait3A_1045 = tpu.memref_slice %arg8[%dma_wait3A_1044] : memref<2352xf32, #tpu.memory_space<vmem>> -> memref<784xf32, #tpu.memory_space<vmem>>
        %dma_wait3A_1046 = tpu.memref_slice %arg2[%multiple_of3A_1020] : memref<602112xf32, #tpu.memory_space<hbm>> -> memref<784xf32, #tpu.memory_space<hbm>>
        tpu.wait_dma2 semaphore(%run_scoped3A : memref<!tpu.dma_semaphore, #tpu.memory_space<semaphore_mem>>) src(%dma_wait3A_1046 : memref<784xf32, #tpu.memory_space<hbm>>) dst(%dma_wait3A_1045 : memref<784xf32, #tpu.memory_space<vmem>>)
        tpu.yield
      }) : () -> ()
      %mul3A_1021 = arith.constant 3 : i32
      %mul3A_1022 = arith.muli %add3A_1, %mul3A_1021 : i32
      %add3A_1023 = arith.constant 2 : i32
      %add3A_1024 = arith.addi %mul3A_1022, %add3A_1023 : i32
      %mul3A_1025 = arith.constant 50176 : i32
      %mul3A_1026 = arith.muli %add3A_1024, %mul3A_1025 : i32
      %mul3A_1027 = arith.constant 3136 : i32
      %mul3A_1028 = arith.muli %arg1, %mul3A_1027 : i32
      %add3A_1029 = arith.addi %mul3A_1026, %mul3A_1028 : i32
      %mul3A_1030 = arith.constant 784 : i32
      %mul3A_1031 = arith.muli %scan3A_994, %mul3A_1030 : i32
      %add3A_1032 = arith.addi %add3A_1029, %mul3A_1031 : i32
      %multiple_of3A_1033 = tpu.assume_multiple %add3A_1032, 8 : i32
      "tpu.region"() ({
        %run_scoped3A = tpu.sem_alloc : memref<!tpu.dma_semaphore, #tpu.memory_space<semaphore_mem>>
        %dma_start3A = arith.constant 1568 : i32
        %dma_start3A_1036 = tpu.memref_slice %arg8[%dma_start3A] : memref<2352xf32, #tpu.memory_space<vmem>> -> memref<784xf32, #tpu.memory_space<vmem>>
        %dma_start3A_1037 = tpu.memref_slice %arg2[%multiple_of3A_1033] : memref<602112xf32, #tpu.memory_space<hbm>> -> memref<784xf32, #tpu.memory_space<hbm>>
        %dma_start3A_1038 = arith.constant 1568 : i32
        %dma_start3A_1039 = tpu.memref_slice %arg8[%dma_start3A_1038] : memref<2352xf32, #tpu.memory_space<vmem>> -> memref<784xf32, #tpu.memory_space<vmem>>
        %dma_start3A_1040 = tpu.memref_slice %arg2[%multiple_of3A_1033] : memref<602112xf32, #tpu.memory_space<hbm>> -> memref<784xf32, #tpu.memory_space<hbm>>
        tpu.enqueue_dma source(%dma_start3A_1040 : memref<784xf32, #tpu.memory_space<hbm>>) target(%dma_start3A_1039 : memref<784xf32, #tpu.memory_space<vmem>>) target_semaphore(%run_scoped3A : memref<!tpu.dma_semaphore, #tpu.memory_space<semaphore_mem>>)
        %dma_wait3A_1041 = arith.constant 1568 : i32
        %dma_wait3A_1042 = tpu.memref_slice %arg8[%dma_wait3A_1041] : memref<2352xf32, #tpu.memory_space<vmem>> -> memref<784xf32, #tpu.memory_space<vmem>>
        %dma_wait3A_1043 = tpu.memref_slice %arg2[%multiple_of3A_1033] : memref<602112xf32, #tpu.memory_space<hbm>> -> memref<784xf32, #tpu.memory_space<hbm>>
        %dma_wait3A_1044 = arith.constant 1568 : i32
        %dma_wait3A_1045 = tpu.memref_slice %arg8[%dma_wait3A_1044] : memref<2352xf32, #tpu.memory_space<vmem>> -> memref<784xf32, #tpu.memory_space<vmem>>
        %dma_wait3A_1046 = tpu.memref_slice %arg2[%multiple_of3A_1033] : memref<602112xf32, #tpu.memory_space<hbm>> -> memref<784xf32, #tpu.memory_space<hbm>>
        tpu.wait_dma2 semaphore(%run_scoped3A : memref<!tpu.dma_semaphore, #tpu.memory_space<semaphore_mem>>) src(%dma_wait3A_1046 : memref<784xf32, #tpu.memory_space<hbm>>) dst(%dma_wait3A_1045 : memref<784xf32, #tpu.memory_space<vmem>>)
        tpu.yield
      }) : () -> ()
      %parallel_loop3A = arith.constant 0 : i32
      %parallel_loop3A_1034 = arith.constant 49 : i32
      %parallel_loop3A_1035 = arith.constant 1 : i32
      scf.for %parallel_loop3A_1036 = %parallel_loop3A to %parallel_loop3A_1034 step %parallel_loop3A_1035  : i32 {
        %parallel_loop3A_1037 = arith.constant 16 : i32
        %parallel_loop3A_1038 = arith.muli %parallel_loop3A_1036, %parallel_loop3A_1037 : i32
        %parallel_loop3A_1039 = arith.index_cast %parallel_loop3A_1038 : i32 to index
        %parallel_loop3A_1040 = tpu.vector_load %arg8[%parallel_loop3A_1039] {strides = array<i32>} : memref<2352xf32, #tpu.memory_space<vmem>>, vector<16xf32>,
        %parallel_loop3A_1041 = vector.bitcast %parallel_loop3A_1040 : vector<16xf32> to vector<16xi32>
        %parallel_loop3A_1042 = arith.constant 16 : i32
        %parallel_loop3A_1043 = vector.broadcast %parallel_loop3A_1042 : i32 to vector<16xi32>
        %parallel_loop3A_1044 = arith.shrui %parallel_loop3A_1041, %parallel_loop3A_1043 : vector<16xi32>
        %parallel_loop3A_1045 = arith.constant 1 : i32
        %parallel_loop3A_1046 = vector.broadcast %parallel_loop3A_1045 : i32 to vector<16xi32>
        %parallel_loop3A_1047 = arith.andi %parallel_loop3A_1044, %parallel_loop3A_1046 : vector<16xi32>
        %parallel_loop3A_1048 = arith.constant 32767 : i32
        %parallel_loop3A_1049 = vector.broadcast %parallel_loop3A_1048 : i32 to vector<16xi32>
        %parallel_loop3A_1050 = arith.addi %parallel_loop3A_1047, %parallel_loop3A_1049 : vector<16xi32>
        %parallel_loop3A_1051 = arith.addi %parallel_loop3A_1041, %parallel_loop3A_1050 : vector<16xi32>
        %parallel_loop3A_1052 = arith.constant -65536 : i32
        %parallel_loop3A_1053 = vector.broadcast %parallel_loop3A_1052 : i32 to vector<16xi32>
        %parallel_loop3A_1054 = arith.andi %parallel_loop3A_1051, %parallel_loop3A_1053 : vector<16xi32>
        %parallel_loop3A_1055 = vector.bitcast %parallel_loop3A_1054 : vector<16xi32> to vector<16xf32>
        %parallel_loop3A_1056 = arith.constant 16 : i32
        %parallel_loop3A_1057 = arith.muli %parallel_loop3A_1036, %parallel_loop3A_1056 : i32
        %parallel_loop3A_1058 = arith.constant 784 : i32
        %parallel_loop3A_1059 = arith.addi %parallel_loop3A_1058, %parallel_loop3A_1057 : i32
        %parallel_loop3A_1060 = arith.index_cast %parallel_loop3A_1059 : i32 to index
        %parallel_loop3A_1061 = tpu.vector_load %arg8[%parallel_loop3A_1060] {strides = array<i32>} : memref<2352xf32, #tpu.memory_space<vmem>>, vector<16xf32>,
        %parallel_loop3A_1062 = vector.bitcast %parallel_loop3A_1061 : vector<16xf32> to vector<16xi32>
        %parallel_loop3A_1063 = arith.constant 16 : i32
        %parallel_loop3A_1064 = vector.broadcast %parallel_loop3A_1063 : i32 to vector<16xi32>
        %parallel_loop3A_1065 = arith.shrui %parallel_loop3A_1062, %parallel_loop3A_1064 : vector<16xi32>
        %parallel_loop3A_1066 = arith.constant 1 : i32
        %parallel_loop3A_1067 = vector.broadcast %parallel_loop3A_1066 : i32 to vector<16xi32>
        %parallel_loop3A_1068 = arith.andi %parallel_loop3A_1065, %parallel_loop3A_1067 : vector<16xi32>
        %parallel_loop3A_1069 = arith.constant 32767 : i32
        %parallel_loop3A_1070 = vector.broadcast %parallel_loop3A_1069 : i32 to vector<16xi32>
        %parallel_loop3A_1071 = arith.addi %parallel_loop3A_1068, %parallel_loop3A_1070 : vector<16xi32>
        %parallel_loop3A_1072 = arith.addi %parallel_loop3A_1062, %parallel_loop3A_1071 : vector<16xi32>
        %parallel_loop3A_1073 = arith.constant -65536 : i32
        %parallel_loop3A_1074 = vector.broadcast %parallel_loop3A_1073 : i32 to vector<16xi32>
        %parallel_loop3A_1075 = arith.andi %parallel_loop3A_1072, %parallel_loop3A_1074 : vector<16xi32>
        %parallel_loop3A_1076 = vector.bitcast %parallel_loop3A_1075 : vector<16xi32> to vector<16xf32>
        %parallel_loop3A_1077 = arith.constant 16 : i32
        %parallel_loop3A_1078 = arith.muli %parallel_loop3A_1036, %parallel_loop3A_1077 : i32
        %parallel_loop3A_1079 = arith.constant 1568 : i32
        %parallel_loop3A_1080 = arith.addi %parallel_loop3A_1079, %parallel_loop3A_1078 : i32
        %parallel_loop3A_1081 = arith.index_cast %parallel_loop3A_1080 : i32 to index
        %parallel_loop3A_1082 = tpu.vector_load %arg8[%parallel_loop3A_1081] {strides = array<i32>} : memref<2352xf32, #tpu.memory_space<vmem>>, vector<16xf32>,
        %parallel_loop3A_1083 = vector.bitcast %parallel_loop3A_1082 : vector<16xf32> to vector<16xi32>
        %parallel_loop3A_1084 = arith.constant 16 : i32
        %parallel_loop3A_1085 = vector.broadcast %parallel_loop3A_1084 : i32 to vector<16xi32>
        %parallel_loop3A_1086 = arith.shrui %parallel_loop3A_1083, %parallel_loop3A_1085 : vector<16xi32>
        %parallel_loop3A_1087 = arith.constant 1 : i32
        %parallel_loop3A_1088 = vector.broadcast %parallel_loop3A_1087 : i32 to vector<16xi32>
        %parallel_loop3A_1089 = arith.andi %parallel_loop3A_1086, %parallel_loop3A_1088 : vector<16xi32>
        %parallel_loop3A_1090 = arith.constant 32767 : i32
        %parallel_loop3A_1091 = vector.broadcast %parallel_loop3A_1090 : i32 to vector<16xi32>
        %parallel_loop3A_1092 = arith.addi %parallel_loop3A_1089, %parallel_loop3A_1091 : vector<16xi32>
        %parallel_loop3A_1093 = arith.addi %parallel_loop3A_1083, %parallel_loop3A_1092 : vector<16xi32>
        %parallel_loop3A_1094 = arith.constant -65536 : i32
        %parallel_loop3A_1095 = vector.broadcast %parallel_loop3A_1094 : i32 to vector<16xi32>
        %parallel_loop3A_1096 = arith.andi %parallel_loop3A_1093, %parallel_loop3A_1095 : vector<16xi32>
        %parallel_loop3A_1097 = vector.bitcast %parallel_loop3A_1096 : vector<16xi32> to vector<16xf32>
        %parallel_loop3A_1098 = arith.mulf %bitcast3A_223, %parallel_loop3A_1055 : vector<16xf32>
        %parallel_loop3A_1099 = arith.mulf %bitcast3A_240, %parallel_loop3A_1076 : vector<16xf32>
        %parallel_loop3A_1100 = arith.addf %parallel_loop3A_1098, %parallel_loop3A_1099 : vector<16xf32>
        %parallel_loop3A_1101 = arith.mulf %bitcast3A_257, %parallel_loop3A_1097 : vector<16xf32>
        %parallel_loop3A_1102 = arith.addf %parallel_loop3A_1100, %parallel_loop3A_1101 : vector<16xf32>
        %parallel_loop3A_1103 = arith.addf %parallel_loop3A_1102, %bitcast3A_274 : vector<16xf32>
        %parallel_loop3A_1104 = arith.mulf %bitcast3A_291, %parallel_loop3A_1055 : vector<16xf32>
        %parallel_loop3A_1105 = arith.mulf %bitcast3A_308, %parallel_loop3A_1076 : vector<16xf32>
        %parallel_loop3A_1106 = arith.addf %parallel_loop3A_1104, %parallel_loop3A_1105 : vector<16xf32>
        %parallel_loop3A_1107 = arith.mulf %bitcast3A_325, %parallel_loop3A_1097 : vector<16xf32>
        %parallel_loop3A_1108 = arith.addf %parallel_loop3A_1106, %parallel_loop3A_1107 : vector<16xf32>
        %parallel_loop3A_1109 = arith.addf %parallel_loop3A_1108, %bitcast3A_342 : vector<16xf32>
        %parallel_loop3A_1110 = arith.mulf %bitcast3A_359, %parallel_loop3A_1055 : vector<16xf32>
        %parallel_loop3A_1111 = arith.mulf %bitcast3A_376, %parallel_loop3A_1076 : vector<16xf32>
        %parallel_loop3A_1112 = arith.addf %parallel_loop3A_1110, %parallel_loop3A_1111 : vector<16xf32>
        %parallel_loop3A_1113 = arith.mulf %bitcast3A_393, %parallel_loop3A_1097 : vector<16xf32>
        %parallel_loop3A_1114 = arith.addf %parallel_loop3A_1112, %parallel_loop3A_1113 : vector<16xf32>
        %parallel_loop3A_1115 = arith.addf %parallel_loop3A_1114, %bitcast3A_410 : vector<16xf32>
        %parallel_loop3A_1116 = vector.bitcast %parallel_loop3A_1103 : vector<16xf32> to vector<16xi32>
        %parallel_loop3A_1117 = arith.constant 16 : i32
        %parallel_loop3A_1118 = vector.broadcast %parallel_loop3A_1117 : i32 to vector<16xi32>
        %parallel_loop3A_1119 = arith.shrui %parallel_loop3A_1116, %parallel_loop3A_1118 : vector<16xi32>
        %parallel_loop3A_1120 = arith.constant 1 : i32
        %parallel_loop3A_1121 = vector.broadcast %parallel_loop3A_1120 : i32 to vector<16xi32>
        %parallel_loop3A_1122 = arith.andi %parallel_loop3A_1119, %parallel_loop3A_1121 : vector<16xi32>
        %parallel_loop3A_1123 = arith.constant 32767 : i32
        %parallel_loop3A_1124 = vector.broadcast %parallel_loop3A_1123 : i32 to vector<16xi32>
        %parallel_loop3A_1125 = arith.addi %parallel_loop3A_1122, %parallel_loop3A_1124 : vector<16xi32>
        %parallel_loop3A_1126 = arith.addi %parallel_loop3A_1116, %parallel_loop3A_1125 : vector<16xi32>
        %parallel_loop3A_1127 = arith.constant -65536 : i32
        %parallel_loop3A_1128 = vector.broadcast %parallel_loop3A_1127 : i32 to vector<16xi32>
        %parallel_loop3A_1129 = arith.andi %parallel_loop3A_1126, %parallel_loop3A_1128 : vector<16xi32>
        %parallel_loop3A_1130 = vector.bitcast %parallel_loop3A_1129 : vector<16xi32> to vector<16xf32>
        %parallel_loop3A_1131 = vector.bitcast %parallel_loop3A_1109 : vector<16xf32> to vector<16xi32>
        %parallel_loop3A_1132 = arith.constant 16 : i32
        %parallel_loop3A_1133 = vector.broadcast %parallel_loop3A_1132 : i32 to vector<16xi32>
        %parallel_loop3A_1134 = arith.shrui %parallel_loop3A_1131, %parallel_loop3A_1133 : vector<16xi32>
        %parallel_loop3A_1135 = arith.constant 1 : i32
        %parallel_loop3A_1136 = vector.broadcast %parallel_loop3A_1135 : i32 to vector<16xi32>
        %parallel_loop3A_1137 = arith.andi %parallel_loop3A_1134, %parallel_loop3A_1136 : vector<16xi32>
        %parallel_loop3A_1138 = arith.constant 32767 : i32
        %parallel_loop3A_1139 = vector.broadcast %parallel_loop3A_1138 : i32 to vector<16xi32>
        %parallel_loop3A_1140 = arith.addi %parallel_loop3A_1137, %parallel_loop3A_1139 : vector<16xi32>
        %parallel_loop3A_1141 = arith.addi %parallel_loop3A_1131, %parallel_loop3A_1140 : vector<16xi32>
        %parallel_loop3A_1142 = arith.constant -65536 : i32
        %parallel_loop3A_1143 = vector.broadcast %parallel_loop3A_1142 : i32 to vector<16xi32>
        %parallel_loop3A_1144 = arith.andi %parallel_loop3A_1141, %parallel_loop3A_1143 : vector<16xi32>
        %parallel_loop3A_1145 = vector.bitcast %parallel_loop3A_1144 : vector<16xi32> to vector<16xf32>
        %parallel_loop3A_1146 = vector.bitcast %parallel_loop3A_1115 : vector<16xf32> to vector<16xi32>
        %parallel_loop3A_1147 = arith.constant 16 : i32
        %parallel_loop3A_1148 = vector.broadcast %parallel_loop3A_1147 : i32 to vector<16xi32>
        %parallel_loop3A_1149 = arith.shrui %parallel_loop3A_1146, %parallel_loop3A_1148 : vector<16xi32>
        %parallel_loop3A_1150 = arith.constant 1 : i32
        %parallel_loop3A_1151 = vector.broadcast %parallel_loop3A_1150 : i32 to vector<16xi32>
        %parallel_loop3A_1152 = arith.andi %parallel_loop3A_1149, %parallel_loop3A_1151 : vector<16xi32>
        %parallel_loop3A_1153 = arith.constant 32767 : i32
        %parallel_loop3A_1154 = vector.broadcast %parallel_loop3A_1153 : i32 to vector<16xi32>
        %parallel_loop3A_1155 = arith.addi %parallel_loop3A_1152, %parallel_loop3A_1154 : vector<16xi32>
        %parallel_loop3A_1156 = arith.addi %parallel_loop3A_1146, %parallel_loop3A_1155 : vector<16xi32>
        %parallel_loop3A_1157 = arith.constant -65536 : i32
        %parallel_loop3A_1158 = vector.broadcast %parallel_loop3A_1157 : i32 to vector<16xi32>
        %parallel_loop3A_1159 = arith.andi %parallel_loop3A_1156, %parallel_loop3A_1158 : vector<16xi32>
        %parallel_loop3A_1160 = vector.bitcast %parallel_loop3A_1159 : vector<16xi32> to vector<16xf32>
        %parallel_loop3A_1161 = arith.mulf %bitcast3A_19, %parallel_loop3A_1130 : vector<16xf32>
        %parallel_loop3A_1162 = arith.mulf %bitcast3A_36, %parallel_loop3A_1145 : vector<16xf32>
        %parallel_loop3A_1163 = arith.addf %parallel_loop3A_1161, %parallel_loop3A_1162 : vector<16xf32>
        %parallel_loop3A_1164 = arith.mulf %bitcast3A_53, %parallel_loop3A_1160 : vector<16xf32>
        %parallel_loop3A_1165 = arith.addf %parallel_loop3A_1163, %parallel_loop3A_1164 : vector<16xf32>
        %parallel_loop3A_1166 = arith.addf %parallel_loop3A_1165, %bitcast3A_70 : vector<16xf32>
        %parallel_loop3A_1167 = arith.mulf %bitcast3A_87, %parallel_loop3A_1130 : vector<16xf32>
        %parallel_loop3A_1168 = arith.mulf %bitcast3A_104, %parallel_loop3A_1145 : vector<16xf32>
        %parallel_loop3A_1169 = arith.addf %parallel_loop3A_1167, %parallel_loop3A_1168 : vector<16xf32>
        %parallel_loop3A_1170 = arith.mulf %bitcast3A_121, %parallel_loop3A_1160 : vector<16xf32>
        %parallel_loop3A_1171 = arith.addf %parallel_loop3A_1169, %parallel_loop3A_1170 : vector<16xf32>
        %parallel_loop3A_1172 = arith.addf %parallel_loop3A_1171, %bitcast3A_138 : vector<16xf32>
        %parallel_loop3A_1173 = arith.mulf %bitcast3A_155, %parallel_loop3A_1130 : vector<16xf32>
        %parallel_loop3A_1174 = arith.mulf %bitcast3A_172, %parallel_loop3A_1145 : vector<16xf32>
        %parallel_loop3A_1175 = arith.addf %parallel_loop3A_1173, %parallel_loop3A_1174 : vector<16xf32>
        %parallel_loop3A_1176 = arith.mulf %bitcast3A_189, %parallel_loop3A_1160 : vector<16xf32>
        %parallel_loop3A_1177 = arith.addf %parallel_loop3A_1175, %parallel_loop3A_1176 : vector<16xf32>
        %parallel_loop3A_1178 = arith.addf %parallel_loop3A_1177, %bitcast3A_206 : vector<16xf32>
        %parallel_loop3A_1179 = arith.constant 1.120000e+02 : f32
        %parallel_loop3A_1180 = vector.broadcast %parallel_loop3A_1179 : f32 to vector<16xf32>
        %parallel_loop3A_1181 = arith.divf %parallel_loop3A_1178, %parallel_loop3A_1180 : vector<16xf32>
        %parallel_loop3A_1182 = arith.divf %parallel_loop3A_1166, %parallel_loop3A_1181 : vector<16xf32>
        %parallel_loop3A_1183 = arith.divf %parallel_loop3A_1172, %parallel_loop3A_1181 : vector<16xf32>
        %parallel_loop3A_1184 = arith.constant 0x4B000000 : f32
        %parallel_loop3A_1185 = vector.broadcast %parallel_loop3A_1184 : f32 to vector<16xf32>
        %parallel_loop3A_1186 = arith.addf %parallel_loop3A_1182, %parallel_loop3A_1185 : vector<16xf32>
        %parallel_loop3A_1187 = arith.constant 0x4B000000 : f32
        %parallel_loop3A_1188 = vector.broadcast %parallel_loop3A_1187 : f32 to vector<16xf32>
        %parallel_loop3A_1189 = arith.subf %parallel_loop3A_1186, %parallel_loop3A_1188 : vector<16xf32>
        %parallel_loop3A_1190 = arith.constant 0x4B000000 : f32
        %parallel_loop3A_1191 = vector.broadcast %parallel_loop3A_1190 : f32 to vector<16xf32>
        %parallel_loop3A_1192 = arith.addf %parallel_loop3A_1183, %parallel_loop3A_1191 : vector<16xf32>
        %parallel_loop3A_1193 = arith.constant 0x4B000000 : f32
        %parallel_loop3A_1194 = vector.broadcast %parallel_loop3A_1193 : f32 to vector<16xf32>
        %parallel_loop3A_1195 = arith.subf %parallel_loop3A_1192, %parallel_loop3A_1194 : vector<16xf32>
        %parallel_loop3A_1196 = arith.fptosi %parallel_loop3A_1195 : vector<16xf32> to vector<16xi32>
        %parallel_loop3A_1197 = arith.constant 224 : i32
        %parallel_loop3A_1198 = vector.broadcast %parallel_loop3A_1197 : i32 to vector<16xi32>
        %parallel_loop3A_1199 = arith.subi %parallel_loop3A_1198, %parallel_loop3A_1196 : vector<16xi32>
        %parallel_loop3A_1200 = arith.constant 0 : i32
        %parallel_loop3A_1201 = vector.broadcast %parallel_loop3A_1200 : i32 to vector<16xi32>
        %parallel_loop3A_1202 = arith.maxsi %parallel_loop3A_1199, %parallel_loop3A_1201 : vector<16xi32>
        %parallel_loop3A_1203 = arith.constant 223 : i32
        %parallel_loop3A_1204 = vector.broadcast %parallel_loop3A_1203 : i32 to vector<16xi32>
        %parallel_loop3A_1205 = arith.minsi %parallel_loop3A_1202, %parallel_loop3A_1204 : vector<16xi32>
        %parallel_loop3A_1206 = arith.fptosi %parallel_loop3A_1189 : vector<16xf32> to vector<16xi32>
        %parallel_loop3A_1207 = arith.constant 0 : i32
        %parallel_loop3A_1208 = vector.broadcast %parallel_loop3A_1207 : i32 to vector<16xi32>
        %parallel_loop3A_1209 = arith.maxsi %parallel_loop3A_1206, %parallel_loop3A_1208 : vector<16xi32>
        %parallel_loop3A_1210 = arith.constant 223 : i32
        %parallel_loop3A_1211 = vector.broadcast %parallel_loop3A_1210 : i32 to vector<16xi32>
        %parallel_loop3A_1212 = arith.minsi %parallel_loop3A_1209, %parallel_loop3A_1211 : vector<16xi32>
        %parallel_loop3A_1213 = arith.constant 224 : i32
        %parallel_loop3A_1214 = vector.broadcast %parallel_loop3A_1213 : i32 to vector<16xi32>
        %parallel_loop3A_1215 = arith.muli %parallel_loop3A_1205, %parallel_loop3A_1214 : vector<16xi32>
        %parallel_loop3A_1216 = arith.addi %parallel_loop3A_1215, %parallel_loop3A_1212 : vector<16xi32>
        %parallel_loop3A_1217 = arith.constant 2.240000e+02 : f32
        %parallel_loop3A_1218 = vector.broadcast %parallel_loop3A_1217 : f32 to vector<16xf32>
        %parallel_loop3A_1219 = arith.subf %parallel_loop3A_1218, %parallel_loop3A_1195 : vector<16xf32>
        %parallel_loop3A_1220 = arith.constant 0.000000e+00 : f32
        %parallel_loop3A_1221 = vector.broadcast %parallel_loop3A_1220 : f32 to vector<16xf32>
        %parallel_loop3A_1222 = arith.maximumf %parallel_loop3A_1219, %parallel_loop3A_1221 : vector<16xf32>
        %parallel_loop3A_1223 = arith.constant 2.230000e+02 : f32
        %parallel_loop3A_1224 = vector.broadcast %parallel_loop3A_1223 : f32 to vector<16xf32>
        %parallel_loop3A_1225 = arith.minimumf %parallel_loop3A_1222, %parallel_loop3A_1224 : vector<16xf32>
        %parallel_loop3A_1226 = arith.constant 0.000000e+00 : f32
        %parallel_loop3A_1227 = vector.broadcast %parallel_loop3A_1226 : f32 to vector<16xf32>
        %parallel_loop3A_1228 = arith.maximumf %parallel_loop3A_1189, %parallel_loop3A_1227 : vector<16xf32>
        %parallel_loop3A_1229 = arith.constant 2.230000e+02 : f32
        %parallel_loop3A_1230 = vector.broadcast %parallel_loop3A_1229 : f32 to vector<16xf32>
        %parallel_loop3A_1231 = arith.minimumf %parallel_loop3A_1228, %parallel_loop3A_1230 : vector<16xf32>
        %parallel_loop3A_1232 = arith.constant 2.240000e+02 : f32
        %parallel_loop3A_1233 = vector.broadcast %parallel_loop3A_1232 : f32 to vector<16xf32>
        %parallel_loop3A_1234 = arith.mulf %parallel_loop3A_1225, %parallel_loop3A_1233 : vector<16xf32>
        %parallel_loop3A_1235 = arith.addf %parallel_loop3A_1234, %parallel_loop3A_1231 : vector<16xf32>
        %parallel_loop3A_1236 = arith.fptosi %parallel_loop3A_1235 : vector<16xf32> to vector<16xi32>
        %parallel_loop3A_1237 = arith.constant 2.000000e+00 : f32
        %parallel_loop3A_1238 = vector.broadcast %parallel_loop3A_1237 : f32 to vector<16xf32>
        %parallel_loop3A_1239 = arith.mulf %parallel_loop3A_1181, %parallel_loop3A_1238 : vector<16xf32>
        %parallel_loop3A_1240 = arith.constant 1.120000e+02 : f32
        %parallel_loop3A_1241 = vector.broadcast %parallel_loop3A_1240 : f32 to vector<16xf32>
        %parallel_loop3A_1242 = arith.mulf %parallel_loop3A_1239, %parallel_loop3A_1241 : vector<16xf32>
        %parallel_loop3A_1243 = arith.constant 1.370000e+02 : f32
        %parallel_loop3A_1244 = vector.broadcast %parallel_loop3A_1243 : f32 to vector<16xf32>
        %parallel_loop3A_1245 = arith.divf %parallel_loop3A_1242, %parallel_loop3A_1244 : vector<16xf32>
        %parallel_loop3A_1246 = arith.constant 784 : i32
        %parallel_loop3A_1247 = arith.muli %scan3A_994, %parallel_loop3A_1246 : i32
        %parallel_loop3A_1248 = arith.constant 16 : i32
        %parallel_loop3A_1249 = arith.muli %parallel_loop3A_1036, %parallel_loop3A_1248 : i32
        %parallel_loop3A_1250 = arith.addi %parallel_loop3A_1247, %parallel_loop3A_1249 : i32
        %parallel_loop3A_1251 = vector.bitcast %parallel_loop3A_1216 : vector<16xi32> to vector<16xf32>
        %parallel_loop3A_1252 = arith.constant 0 : i32
        %parallel_loop3A_1253 = arith.addi %parallel_loop3A_1252, %parallel_loop3A_1250 : i32
        %parallel_loop3A_1254 = arith.index_cast %parallel_loop3A_1253 : i32 to index
        %parallel_loop3A_1255 = tpu.vector_load %arg11[%parallel_loop3A_1254] {strides = array<i32>} : memref<25088xf32, #tpu.memory_space<vmem>>, vector<16xf32>,
        tpu.vector_store %arg11[%parallel_loop3A_1254], %parallel_loop3A_1251 {strides = array<i32>} : memref<25088xf32, #tpu.memory_space<vmem>>, vector<16xf32>,
        %parallel_loop3A_1256 = vector.bitcast %parallel_loop3A_1236 : vector<16xi32> to vector<16xf32>
        %parallel_loop3A_1257 = arith.constant 3136 : i32
        %parallel_loop3A_1258 = arith.addi %parallel_loop3A_1257, %parallel_loop3A_1250 : i32
        %parallel_loop3A_1259 = arith.index_cast %parallel_loop3A_1258 : i32 to index
        %parallel_loop3A_1260 = tpu.vector_load %arg11[%parallel_loop3A_1259] {strides = array<i32>} : memref<25088xf32, #tpu.memory_space<vmem>>, vector<16xf32>,
        tpu.vector_store %arg11[%parallel_loop3A_1259], %parallel_loop3A_1256 {strides = array<i32>} : memref<25088xf32, #tpu.memory_space<vmem>>, vector<16xf32>,
        %parallel_loop3A_1261 = arith.constant 6272 : i32
        %parallel_loop3A_1262 = arith.addi %parallel_loop3A_1261, %parallel_loop3A_1250 : i32
        %parallel_loop3A_1263 = arith.index_cast %parallel_loop3A_1262 : i32 to index
        %parallel_loop3A_1264 = tpu.vector_load %arg11[%parallel_loop3A_1263] {strides = array<i32>} : memref<25088xf32, #tpu.memory_space<vmem>>, vector<16xf32>,
        tpu.vector_store %arg11[%parallel_loop3A_1263], %parallel_loop3A_1245 {strides = array<i32>} : memref<25088xf32, #tpu.memory_space<vmem>>, vector<16xf32>,
      } {sc.loop_unroll_factor = 4 : i64, sc.parallel_access}
    }
    %scan3A_414 = arith.constant 4 : i32
    %mul3A_415 = arith.constant 50176 : i32
    %mul3A_416 = arith.muli %add3A_1, %mul3A_415 : i32
    %mul3A_417 = arith.constant 3136 : i32
    %mul3A_418 = arith.muli %arg1, %mul3A_417 : i32
    %add3A_419 = arith.addi %mul3A_416, %mul3A_418 : i32
    %multiple_of3A_420 = tpu.assume_multiple %add3A_419, 8 : i32
    "tpu.region"() ({
      %run_scoped3A = tpu.sem_alloc : memref<!tpu.dma_semaphore, #tpu.memory_space<semaphore_mem>>
      %dma_start3A = arith.constant 0 : i32
      %dma_start3A_994 = tpu.memref_slice %arg11[%dma_start3A] : memref<25088xf32, #tpu.memory_space<vmem>> -> memref<3136xf32, #tpu.memory_space<vmem>>
      %dma_start3A_995 = tpu.memref_slice %arg14[%multiple_of3A_420] : memref<200704xf32, #tpu.memory_space<hbm>> -> memref<3136xf32, #tpu.memory_space<hbm>>
      %dma_start3A_996 = tpu.memref_slice %arg14[%multiple_of3A_420] : memref<200704xf32, #tpu.memory_space<hbm>> -> memref<3136xf32, #tpu.memory_space<hbm>>
      %dma_start3A_997 = arith.constant 0 : i32
      %dma_start3A_998 = tpu.memref_slice %arg11[%dma_start3A_997] : memref<25088xf32, #tpu.memory_space<vmem>> -> memref<3136xf32, #tpu.memory_space<vmem>>
      tpu.enqueue_dma source(%dma_start3A_998 : memref<3136xf32, #tpu.memory_space<vmem>>) target(%dma_start3A_996 : memref<3136xf32, #tpu.memory_space<hbm>>) target_semaphore(%run_scoped3A : memref<!tpu.dma_semaphore, #tpu.memory_space<semaphore_mem>>)
      %dma_wait3A_999 = arith.constant 0 : i32
      %dma_wait3A_1000 = tpu.memref_slice %arg11[%dma_wait3A_999] : memref<25088xf32, #tpu.memory_space<vmem>> -> memref<3136xf32, #tpu.memory_space<vmem>>
      %dma_wait3A_1001 = tpu.memref_slice %arg14[%multiple_of3A_420] : memref<200704xf32, #tpu.memory_space<hbm>> -> memref<3136xf32, #tpu.memory_space<hbm>>
      %dma_wait3A_1002 = tpu.memref_slice %arg14[%multiple_of3A_420] : memref<200704xf32, #tpu.memory_space<hbm>> -> memref<3136xf32, #tpu.memory_space<hbm>>
      %dma_wait3A_1003 = arith.constant 0 : i32
      %dma_wait3A_1004 = tpu.memref_slice %arg11[%dma_wait3A_1003] : memref<25088xf32, #tpu.memory_space<vmem>> -> memref<3136xf32, #tpu.memory_space<vmem>>
      tpu.wait_dma2 semaphore(%run_scoped3A : memref<!tpu.dma_semaphore, #tpu.memory_space<semaphore_mem>>) src(%dma_wait3A_1004 : memref<3136xf32, #tpu.memory_space<vmem>>) dst(%dma_wait3A_1002 : memref<3136xf32, #tpu.memory_space<hbm>>)
      tpu.yield
    }) : () -> ()
    "tpu.region"() ({
      %run_scoped3A = tpu.sem_alloc : memref<!tpu.dma_semaphore, #tpu.memory_space<semaphore_mem>>
      %dma_start3A = arith.constant 3136 : i32
      %dma_start3A_994 = tpu.memref_slice %arg11[%dma_start3A] : memref<25088xf32, #tpu.memory_space<vmem>> -> memref<3136xf32, #tpu.memory_space<vmem>>
      %dma_start3A_995 = tpu.memref_slice %arg16[%multiple_of3A_420] : memref<200704xf32, #tpu.memory_space<hbm>> -> memref<3136xf32, #tpu.memory_space<hbm>>
      %dma_start3A_996 = tpu.memref_slice %arg16[%multiple_of3A_420] : memref<200704xf32, #tpu.memory_space<hbm>> -> memref<3136xf32, #tpu.memory_space<hbm>>
      %dma_start3A_997 = arith.constant 3136 : i32
      %dma_start3A_998 = tpu.memref_slice %arg11[%dma_start3A_997] : memref<25088xf32, #tpu.memory_space<vmem>> -> memref<3136xf32, #tpu.memory_space<vmem>>
      tpu.enqueue_dma source(%dma_start3A_998 : memref<3136xf32, #tpu.memory_space<vmem>>) target(%dma_start3A_996 : memref<3136xf32, #tpu.memory_space<hbm>>) target_semaphore(%run_scoped3A : memref<!tpu.dma_semaphore, #tpu.memory_space<semaphore_mem>>)
      %dma_wait3A_999 = arith.constant 3136 : i32
      %dma_wait3A_1000 = tpu.memref_slice %arg11[%dma_wait3A_999] : memref<25088xf32, #tpu.memory_space<vmem>> -> memref<3136xf32, #tpu.memory_space<vmem>>
      %dma_wait3A_1001 = tpu.memref_slice %arg16[%multiple_of3A_420] : memref<200704xf32, #tpu.memory_space<hbm>> -> memref<3136xf32, #tpu.memory_space<hbm>>
      %dma_wait3A_1002 = tpu.memref_slice %arg16[%multiple_of3A_420] : memref<200704xf32, #tpu.memory_space<hbm>> -> memref<3136xf32, #tpu.memory_space<hbm>>
      %dma_wait3A_1003 = arith.constant 3136 : i32
      %dma_wait3A_1004 = tpu.memref_slice %arg11[%dma_wait3A_1003] : memref<25088xf32, #tpu.memory_space<vmem>> -> memref<3136xf32, #tpu.memory_space<vmem>>
      tpu.wait_dma2 semaphore(%run_scoped3A : memref<!tpu.dma_semaphore, #tpu.memory_space<semaphore_mem>>) src(%dma_wait3A_1004 : memref<3136xf32, #tpu.memory_space<vmem>>) dst(%dma_wait3A_1002 : memref<3136xf32, #tpu.memory_space<hbm>>)
      tpu.yield
    }) : () -> ()
    "tpu.region"() ({
      %run_scoped3A = tpu.sem_alloc : memref<!tpu.dma_semaphore, #tpu.memory_space<semaphore_mem>>
      %dma_start3A = arith.constant 6272 : i32
      %dma_start3A_994 = tpu.memref_slice %arg11[%dma_start3A] : memref<25088xf32, #tpu.memory_space<vmem>> -> memref<3136xf32, #tpu.memory_space<vmem>>
      %dma_start3A_995 = tpu.memref_slice %arg15[%multiple_of3A_420] : memref<200704xf32, #tpu.memory_space<hbm>> -> memref<3136xf32, #tpu.memory_space<hbm>>
      %dma_start3A_996 = tpu.memref_slice %arg15[%multiple_of3A_420] : memref<200704xf32, #tpu.memory_space<hbm>> -> memref<3136xf32, #tpu.memory_space<hbm>>
      %dma_start3A_997 = arith.constant 6272 : i32
      %dma_start3A_998 = tpu.memref_slice %arg11[%dma_start3A_997] : memref<25088xf32, #tpu.memory_space<vmem>> -> memref<3136xf32, #tpu.memory_space<vmem>>
      tpu.enqueue_dma source(%dma_start3A_998 : memref<3136xf32, #tpu.memory_space<vmem>>) target(%dma_start3A_996 : memref<3136xf32, #tpu.memory_space<hbm>>) target_semaphore(%run_scoped3A : memref<!tpu.dma_semaphore, #tpu.memory_space<semaphore_mem>>)
      %dma_wait3A_999 = arith.constant 6272 : i32
      %dma_wait3A_1000 = tpu.memref_slice %arg11[%dma_wait3A_999] : memref<25088xf32, #tpu.memory_space<vmem>> -> memref<3136xf32, #tpu.memory_space<vmem>>
      %dma_wait3A_1001 = tpu.memref_slice %arg15[%multiple_of3A_420] : memref<200704xf32, #tpu.memory_space<hbm>> -> memref<3136xf32, #tpu.memory_space<hbm>>
      %dma_wait3A_1002 = tpu.memref_slice %arg15[%multiple_of3A_420] : memref<200704xf32, #tpu.memory_space<hbm>> -> memref<3136xf32, #tpu.memory_space<hbm>>
      %dma_wait3A_1003 = arith.constant 6272 : i32
      %dma_wait3A_1004 = tpu.memref_slice %arg11[%dma_wait3A_1003] : memref<25088xf32, #tpu.memory_space<vmem>> -> memref<3136xf32, #tpu.memory_space<vmem>>
      tpu.wait_dma2 semaphore(%run_scoped3A : memref<!tpu.dma_semaphore, #tpu.memory_space<semaphore_mem>>) src(%dma_wait3A_1004 : memref<3136xf32, #tpu.memory_space<vmem>>) dst(%dma_wait3A_1002 : memref<3136xf32, #tpu.memory_space<hbm>>)
      tpu.yield
    }) : () -> ()
    %mul3A_421 = arith.constant 2 : i32
    %mul3A_422 = arith.muli %arg0, %mul3A_421 : i32
    %add3A_423 = arith.constant 1 : i32
    %add3A_424 = arith.addi %mul3A_422, %add3A_423 : i32
    %mul3A_425 = arith.constant 192 : i32
    %mul3A_426 = arith.muli %add3A_424, %mul3A_425 : i32
    %multiple_of3A_427 = tpu.assume_multiple %mul3A_426, 8 : i32
    "tpu.region"() ({
      %run_scoped3A = tpu.sem_alloc : memref<!tpu.dma_semaphore, #tpu.memory_space<semaphore_mem>>
      %dma_start3A = tpu.memref_slice %arg3[%multiple_of3A_427] : memref<768xf32, #tpu.memory_space<hbm>> -> memref<192xf32, #tpu.memory_space<hbm>>
      %dma_start3A_994 = tpu.memref_slice %arg3[%multiple_of3A_427] : memref<768xf32, #tpu.memory_space<hbm>> -> memref<192xf32, #tpu.memory_space<hbm>>
      tpu.enqueue_dma source(%dma_start3A_994 : memref<192xf32, #tpu.memory_space<hbm>>) target(%arg9 : memref<192xf32, #tpu.memory_space<vmem>>) target_semaphore(%run_scoped3A : memref<!tpu.dma_semaphore, #tpu.memory_space<semaphore_mem>>)
      %dma_wait3A_995 = tpu.memref_slice %arg3[%multiple_of3A_427] : memref<768xf32, #tpu.memory_space<hbm>> -> memref<192xf32, #tpu.memory_space<hbm>>
      %dma_wait3A_996 = tpu.memref_slice %arg3[%multiple_of3A_427] : memref<768xf32, #tpu.memory_space<hbm>> -> memref<192xf32, #tpu.memory_space<hbm>>
      tpu.wait_dma2 semaphore(%run_scoped3A : memref<!tpu.dma_semaphore, #tpu.memory_space<semaphore_mem>>) src(%dma_wait3A_996 : memref<192xf32, #tpu.memory_space<hbm>>) dst(%arg9 : memref<192xf32, #tpu.memory_space<vmem>>)
      tpu.yield
    }) : () -> ()
    %mul3A_428 = arith.constant 192 : i32
    %mul3A_429 = arith.muli %add3A_424, %mul3A_428 : i32
    %multiple_of3A_430 = tpu.assume_multiple %mul3A_429, 8 : i32
    "tpu.region"() ({
      %run_scoped3A = tpu.sem_alloc : memref<!tpu.dma_semaphore, #tpu.memory_space<semaphore_mem>>
      %dma_start3A = tpu.memref_slice %arg4[%multiple_of3A_430] : memref<768xf32, #tpu.memory_space<hbm>> -> memref<192xf32, #tpu.memory_space<hbm>>
      %dma_start3A_994 = tpu.memref_slice %arg4[%multiple_of3A_430] : memref<768xf32, #tpu.memory_space<hbm>> -> memref<192xf32, #tpu.memory_space<hbm>>
      tpu.enqueue_dma source(%dma_start3A_994 : memref<192xf32, #tpu.memory_space<hbm>>) target(%arg10 : memref<192xf32, #tpu.memory_space<vmem>>) target_semaphore(%run_scoped3A : memref<!tpu.dma_semaphore, #tpu.memory_space<semaphore_mem>>)
      %dma_wait3A_995 = tpu.memref_slice %arg4[%multiple_of3A_430] : memref<768xf32, #tpu.memory_space<hbm>> -> memref<192xf32, #tpu.memory_space<hbm>>
      %dma_wait3A_996 = tpu.memref_slice %arg4[%multiple_of3A_430] : memref<768xf32, #tpu.memory_space<hbm>> -> memref<192xf32, #tpu.memory_space<hbm>>
      tpu.wait_dma2 semaphore(%run_scoped3A : memref<!tpu.dma_semaphore, #tpu.memory_space<semaphore_mem>>) src(%dma_wait3A_996 : memref<192xf32, #tpu.memory_space<hbm>>) dst(%arg10 : memref<192xf32, #tpu.memory_space<vmem>>)
      tpu.yield
    }) : () -> ()
    %get3A_431 = arith.constant 0 : index
    %get3A_432 = tpu.vector_load %arg9[%get3A_431] {strides = array<i32>} : memref<192xf32, #tpu.memory_space<vmem>>, vector<16xf32>,
    %bitcast3A_433 = vector.bitcast %get3A_432 : vector<16xf32> to vector<16xi32>
    %shift_right_logical3A_434 = arith.constant 16 : i32
    %shift_right_logical3A_435 = vector.broadcast %shift_right_logical3A_434 : i32 to vector<16xi32>
    %shift_right_logical3A_436 = arith.shrui %bitcast3A_433, %shift_right_logical3A_435 : vector<16xi32>
    %and3A_437 = arith.constant 1 : i32
    %and3A_438 = vector.broadcast %and3A_437 : i32 to vector<16xi32>
    %and3A_439 = arith.andi %shift_right_logical3A_436, %and3A_438 : vector<16xi32>
    %add3A_440 = arith.constant 32767 : i32
    %add3A_441 = vector.broadcast %add3A_440 : i32 to vector<16xi32>
    %add3A_442 = arith.addi %and3A_439, %add3A_441 : vector<16xi32>
    %add3A_443 = arith.addi %bitcast3A_433, %add3A_442 : vector<16xi32>
    %and3A_444 = arith.constant -65536 : i32
    %and3A_445 = vector.broadcast %and3A_444 : i32 to vector<16xi32>
    %and3A_446 = arith.andi %add3A_443, %and3A_445 : vector<16xi32>
    %bitcast3A_447 = vector.bitcast %and3A_446 : vector<16xi32> to vector<16xf32>
    %get3A_448 = arith.constant 16 : index
    %get3A_449 = tpu.vector_load %arg9[%get3A_448] {strides = array<i32>} : memref<192xf32, #tpu.memory_space<vmem>>, vector<16xf32>,
    %bitcast3A_450 = vector.bitcast %get3A_449 : vector<16xf32> to vector<16xi32>
    %shift_right_logical3A_451 = arith.constant 16 : i32
    %shift_right_logical3A_452 = vector.broadcast %shift_right_logical3A_451 : i32 to vector<16xi32>
    %shift_right_logical3A_453 = arith.shrui %bitcast3A_450, %shift_right_logical3A_452 : vector<16xi32>
    %and3A_454 = arith.constant 1 : i32
    %and3A_455 = vector.broadcast %and3A_454 : i32 to vector<16xi32>
    %and3A_456 = arith.andi %shift_right_logical3A_453, %and3A_455 : vector<16xi32>
    %add3A_457 = arith.constant 32767 : i32
    %add3A_458 = vector.broadcast %add3A_457 : i32 to vector<16xi32>
    %add3A_459 = arith.addi %and3A_456, %add3A_458 : vector<16xi32>
    %add3A_460 = arith.addi %bitcast3A_450, %add3A_459 : vector<16xi32>
    %and3A_461 = arith.constant -65536 : i32
    %and3A_462 = vector.broadcast %and3A_461 : i32 to vector<16xi32>
    %and3A_463 = arith.andi %add3A_460, %and3A_462 : vector<16xi32>
    %bitcast3A_464 = vector.bitcast %and3A_463 : vector<16xi32> to vector<16xf32>
    %get3A_465 = arith.constant 32 : index
    %get3A_466 = tpu.vector_load %arg9[%get3A_465] {strides = array<i32>} : memref<192xf32, #tpu.memory_space<vmem>>, vector<16xf32>,
    %bitcast3A_467 = vector.bitcast %get3A_466 : vector<16xf32> to vector<16xi32>
    %shift_right_logical3A_468 = arith.constant 16 : i32
    %shift_right_logical3A_469 = vector.broadcast %shift_right_logical3A_468 : i32 to vector<16xi32>
    %shift_right_logical3A_470 = arith.shrui %bitcast3A_467, %shift_right_logical3A_469 : vector<16xi32>
    %and3A_471 = arith.constant 1 : i32
    %and3A_472 = vector.broadcast %and3A_471 : i32 to vector<16xi32>
    %and3A_473 = arith.andi %shift_right_logical3A_470, %and3A_472 : vector<16xi32>
    %add3A_474 = arith.constant 32767 : i32
    %add3A_475 = vector.broadcast %add3A_474 : i32 to vector<16xi32>
    %add3A_476 = arith.addi %and3A_473, %add3A_475 : vector<16xi32>
    %add3A_477 = arith.addi %bitcast3A_467, %add3A_476 : vector<16xi32>
    %and3A_478 = arith.constant -65536 : i32
    %and3A_479 = vector.broadcast %and3A_478 : i32 to vector<16xi32>
    %and3A_480 = arith.andi %add3A_477, %and3A_479 : vector<16xi32>
    %bitcast3A_481 = vector.bitcast %and3A_480 : vector<16xi32> to vector<16xf32>
    %get3A_482 = arith.constant 48 : index
    %get3A_483 = tpu.vector_load %arg9[%get3A_482] {strides = array<i32>} : memref<192xf32, #tpu.memory_space<vmem>>, vector<16xf32>,
    %bitcast3A_484 = vector.bitcast %get3A_483 : vector<16xf32> to vector<16xi32>
    %shift_right_logical3A_485 = arith.constant 16 : i32
    %shift_right_logical3A_486 = vector.broadcast %shift_right_logical3A_485 : i32 to vector<16xi32>
    %shift_right_logical3A_487 = arith.shrui %bitcast3A_484, %shift_right_logical3A_486 : vector<16xi32>
    %and3A_488 = arith.constant 1 : i32
    %and3A_489 = vector.broadcast %and3A_488 : i32 to vector<16xi32>
    %and3A_490 = arith.andi %shift_right_logical3A_487, %and3A_489 : vector<16xi32>
    %add3A_491 = arith.constant 32767 : i32
    %add3A_492 = vector.broadcast %add3A_491 : i32 to vector<16xi32>
    %add3A_493 = arith.addi %and3A_490, %add3A_492 : vector<16xi32>
    %add3A_494 = arith.addi %bitcast3A_484, %add3A_493 : vector<16xi32>
    %and3A_495 = arith.constant -65536 : i32
    %and3A_496 = vector.broadcast %and3A_495 : i32 to vector<16xi32>
    %and3A_497 = arith.andi %add3A_494, %and3A_496 : vector<16xi32>
    %bitcast3A_498 = vector.bitcast %and3A_497 : vector<16xi32> to vector<16xf32>
    %get3A_499 = arith.constant 64 : index
    %get3A_500 = tpu.vector_load %arg9[%get3A_499] {strides = array<i32>} : memref<192xf32, #tpu.memory_space<vmem>>, vector<16xf32>,
    %bitcast3A_501 = vector.bitcast %get3A_500 : vector<16xf32> to vector<16xi32>
    %shift_right_logical3A_502 = arith.constant 16 : i32
    %shift_right_logical3A_503 = vector.broadcast %shift_right_logical3A_502 : i32 to vector<16xi32>
    %shift_right_logical3A_504 = arith.shrui %bitcast3A_501, %shift_right_logical3A_503 : vector<16xi32>
    %and3A_505 = arith.constant 1 : i32
    %and3A_506 = vector.broadcast %and3A_505 : i32 to vector<16xi32>
    %and3A_507 = arith.andi %shift_right_logical3A_504, %and3A_506 : vector<16xi32>
    %add3A_508 = arith.constant 32767 : i32
    %add3A_509 = vector.broadcast %add3A_508 : i32 to vector<16xi32>
    %add3A_510 = arith.addi %and3A_507, %add3A_509 : vector<16xi32>
    %add3A_511 = arith.addi %bitcast3A_501, %add3A_510 : vector<16xi32>
    %and3A_512 = arith.constant -65536 : i32
    %and3A_513 = vector.broadcast %and3A_512 : i32 to vector<16xi32>
    %and3A_514 = arith.andi %add3A_511, %and3A_513 : vector<16xi32>
    %bitcast3A_515 = vector.bitcast %and3A_514 : vector<16xi32> to vector<16xf32>
    %get3A_516 = arith.constant 80 : index
    %get3A_517 = tpu.vector_load %arg9[%get3A_516] {strides = array<i32>} : memref<192xf32, #tpu.memory_space<vmem>>, vector<16xf32>,
    %bitcast3A_518 = vector.bitcast %get3A_517 : vector<16xf32> to vector<16xi32>
    %shift_right_logical3A_519 = arith.constant 16 : i32
    %shift_right_logical3A_520 = vector.broadcast %shift_right_logical3A_519 : i32 to vector<16xi32>
    %shift_right_logical3A_521 = arith.shrui %bitcast3A_518, %shift_right_logical3A_520 : vector<16xi32>
    %and3A_522 = arith.constant 1 : i32
    %and3A_523 = vector.broadcast %and3A_522 : i32 to vector<16xi32>
    %and3A_524 = arith.andi %shift_right_logical3A_521, %and3A_523 : vector<16xi32>
    %add3A_525 = arith.constant 32767 : i32
    %add3A_526 = vector.broadcast %add3A_525 : i32 to vector<16xi32>
    %add3A_527 = arith.addi %and3A_524, %add3A_526 : vector<16xi32>
    %add3A_528 = arith.addi %bitcast3A_518, %add3A_527 : vector<16xi32>
    %and3A_529 = arith.constant -65536 : i32
    %and3A_530 = vector.broadcast %and3A_529 : i32 to vector<16xi32>
    %and3A_531 = arith.andi %add3A_528, %and3A_530 : vector<16xi32>
    %bitcast3A_532 = vector.bitcast %and3A_531 : vector<16xi32> to vector<16xf32>
    %get3A_533 = arith.constant 96 : index
    %get3A_534 = tpu.vector_load %arg9[%get3A_533] {strides = array<i32>} : memref<192xf32, #tpu.memory_space<vmem>>, vector<16xf32>,
    %bitcast3A_535 = vector.bitcast %get3A_534 : vector<16xf32> to vector<16xi32>
    %shift_right_logical3A_536 = arith.constant 16 : i32
    %shift_right_logical3A_537 = vector.broadcast %shift_right_logical3A_536 : i32 to vector<16xi32>
    %shift_right_logical3A_538 = arith.shrui %bitcast3A_535, %shift_right_logical3A_537 : vector<16xi32>
    %and3A_539 = arith.constant 1 : i32
    %and3A_540 = vector.broadcast %and3A_539 : i32 to vector<16xi32>
    %and3A_541 = arith.andi %shift_right_logical3A_538, %and3A_540 : vector<16xi32>
    %add3A_542 = arith.constant 32767 : i32
    %add3A_543 = vector.broadcast %add3A_542 : i32 to vector<16xi32>
    %add3A_544 = arith.addi %and3A_541, %add3A_543 : vector<16xi32>
    %add3A_545 = arith.addi %bitcast3A_535, %add3A_544 : vector<16xi32>
    %and3A_546 = arith.constant -65536 : i32
    %and3A_547 = vector.broadcast %and3A_546 : i32 to vector<16xi32>
    %and3A_548 = arith.andi %add3A_545, %and3A_547 : vector<16xi32>
    %bitcast3A_549 = vector.bitcast %and3A_548 : vector<16xi32> to vector<16xf32>
    %get3A_550 = arith.constant 112 : index
    %get3A_551 = tpu.vector_load %arg9[%get3A_550] {strides = array<i32>} : memref<192xf32, #tpu.memory_space<vmem>>, vector<16xf32>,
    %bitcast3A_552 = vector.bitcast %get3A_551 : vector<16xf32> to vector<16xi32>
    %shift_right_logical3A_553 = arith.constant 16 : i32
    %shift_right_logical3A_554 = vector.broadcast %shift_right_logical3A_553 : i32 to vector<16xi32>
    %shift_right_logical3A_555 = arith.shrui %bitcast3A_552, %shift_right_logical3A_554 : vector<16xi32>
    %and3A_556 = arith.constant 1 : i32
    %and3A_557 = vector.broadcast %and3A_556 : i32 to vector<16xi32>
    %and3A_558 = arith.andi %shift_right_logical3A_555, %and3A_557 : vector<16xi32>
    %add3A_559 = arith.constant 32767 : i32
    %add3A_560 = vector.broadcast %add3A_559 : i32 to vector<16xi32>
    %add3A_561 = arith.addi %and3A_558, %add3A_560 : vector<16xi32>
    %add3A_562 = arith.addi %bitcast3A_552, %add3A_561 : vector<16xi32>
    %and3A_563 = arith.constant -65536 : i32
    %and3A_564 = vector.broadcast %and3A_563 : i32 to vector<16xi32>
    %and3A_565 = arith.andi %add3A_562, %and3A_564 : vector<16xi32>
    %bitcast3A_566 = vector.bitcast %and3A_565 : vector<16xi32> to vector<16xf32>
    %get3A_567 = arith.constant 128 : index
    %get3A_568 = tpu.vector_load %arg9[%get3A_567] {strides = array<i32>} : memref<192xf32, #tpu.memory_space<vmem>>, vector<16xf32>,
    %bitcast3A_569 = vector.bitcast %get3A_568 : vector<16xf32> to vector<16xi32>
    %shift_right_logical3A_570 = arith.constant 16 : i32
    %shift_right_logical3A_571 = vector.broadcast %shift_right_logical3A_570 : i32 to vector<16xi32>
    %shift_right_logical3A_572 = arith.shrui %bitcast3A_569, %shift_right_logical3A_571 : vector<16xi32>
    %and3A_573 = arith.constant 1 : i32
    %and3A_574 = vector.broadcast %and3A_573 : i32 to vector<16xi32>
    %and3A_575 = arith.andi %shift_right_logical3A_572, %and3A_574 : vector<16xi32>
    %add3A_576 = arith.constant 32767 : i32
    %add3A_577 = vector.broadcast %add3A_576 : i32 to vector<16xi32>
    %add3A_578 = arith.addi %and3A_575, %add3A_577 : vector<16xi32>
    %add3A_579 = arith.addi %bitcast3A_569, %add3A_578 : vector<16xi32>
    %and3A_580 = arith.constant -65536 : i32
    %and3A_581 = vector.broadcast %and3A_580 : i32 to vector<16xi32>
    %and3A_582 = arith.andi %add3A_579, %and3A_581 : vector<16xi32>
    %bitcast3A_583 = vector.bitcast %and3A_582 : vector<16xi32> to vector<16xf32>
    %get3A_584 = arith.constant 144 : index
    %get3A_585 = tpu.vector_load %arg9[%get3A_584] {strides = array<i32>} : memref<192xf32, #tpu.memory_space<vmem>>, vector<16xf32>,
    %bitcast3A_586 = vector.bitcast %get3A_585 : vector<16xf32> to vector<16xi32>
    %shift_right_logical3A_587 = arith.constant 16 : i32
    %shift_right_logical3A_588 = vector.broadcast %shift_right_logical3A_587 : i32 to vector<16xi32>
    %shift_right_logical3A_589 = arith.shrui %bitcast3A_586, %shift_right_logical3A_588 : vector<16xi32>
    %and3A_590 = arith.constant 1 : i32
    %and3A_591 = vector.broadcast %and3A_590 : i32 to vector<16xi32>
    %and3A_592 = arith.andi %shift_right_logical3A_589, %and3A_591 : vector<16xi32>
    %add3A_593 = arith.constant 32767 : i32
    %add3A_594 = vector.broadcast %add3A_593 : i32 to vector<16xi32>
    %add3A_595 = arith.addi %and3A_592, %add3A_594 : vector<16xi32>
    %add3A_596 = arith.addi %bitcast3A_586, %add3A_595 : vector<16xi32>
    %and3A_597 = arith.constant -65536 : i32
    %and3A_598 = vector.broadcast %and3A_597 : i32 to vector<16xi32>
    %and3A_599 = arith.andi %add3A_596, %and3A_598 : vector<16xi32>
    %bitcast3A_600 = vector.bitcast %and3A_599 : vector<16xi32> to vector<16xf32>
    %get3A_601 = arith.constant 160 : index
    %get3A_602 = tpu.vector_load %arg9[%get3A_601] {strides = array<i32>} : memref<192xf32, #tpu.memory_space<vmem>>, vector<16xf32>,
    %bitcast3A_603 = vector.bitcast %get3A_602 : vector<16xf32> to vector<16xi32>
    %shift_right_logical3A_604 = arith.constant 16 : i32
    %shift_right_logical3A_605 = vector.broadcast %shift_right_logical3A_604 : i32 to vector<16xi32>
    %shift_right_logical3A_606 = arith.shrui %bitcast3A_603, %shift_right_logical3A_605 : vector<16xi32>
    %and3A_607 = arith.constant 1 : i32
    %and3A_608 = vector.broadcast %and3A_607 : i32 to vector<16xi32>
    %and3A_609 = arith.andi %shift_right_logical3A_606, %and3A_608 : vector<16xi32>
    %add3A_610 = arith.constant 32767 : i32
    %add3A_611 = vector.broadcast %add3A_610 : i32 to vector<16xi32>
    %add3A_612 = arith.addi %and3A_609, %add3A_611 : vector<16xi32>
    %add3A_613 = arith.addi %bitcast3A_603, %add3A_612 : vector<16xi32>
    %and3A_614 = arith.constant -65536 : i32
    %and3A_615 = vector.broadcast %and3A_614 : i32 to vector<16xi32>
    %and3A_616 = arith.andi %add3A_613, %and3A_615 : vector<16xi32>
    %bitcast3A_617 = vector.bitcast %and3A_616 : vector<16xi32> to vector<16xf32>
    %get3A_618 = arith.constant 176 : index
    %get3A_619 = tpu.vector_load %arg9[%get3A_618] {strides = array<i32>} : memref<192xf32, #tpu.memory_space<vmem>>, vector<16xf32>,
    %bitcast3A_620 = vector.bitcast %get3A_619 : vector<16xf32> to vector<16xi32>
    %shift_right_logical3A_621 = arith.constant 16 : i32
    %shift_right_logical3A_622 = vector.broadcast %shift_right_logical3A_621 : i32 to vector<16xi32>
    %shift_right_logical3A_623 = arith.shrui %bitcast3A_620, %shift_right_logical3A_622 : vector<16xi32>
    %and3A_624 = arith.constant 1 : i32
    %and3A_625 = vector.broadcast %and3A_624 : i32 to vector<16xi32>
    %and3A_626 = arith.andi %shift_right_logical3A_623, %and3A_625 : vector<16xi32>
    %add3A_627 = arith.constant 32767 : i32
    %add3A_628 = vector.broadcast %add3A_627 : i32 to vector<16xi32>
    %add3A_629 = arith.addi %and3A_626, %add3A_628 : vector<16xi32>
    %add3A_630 = arith.addi %bitcast3A_620, %add3A_629 : vector<16xi32>
    %and3A_631 = arith.constant -65536 : i32
    %and3A_632 = vector.broadcast %and3A_631 : i32 to vector<16xi32>
    %and3A_633 = arith.andi %add3A_630, %and3A_632 : vector<16xi32>
    %bitcast3A_634 = vector.bitcast %and3A_633 : vector<16xi32> to vector<16xf32>
    %get3A_635 = arith.constant 0 : index
    %get3A_636 = tpu.vector_load %arg10[%get3A_635] {strides = array<i32>} : memref<192xf32, #tpu.memory_space<vmem>>, vector<16xf32>,
    %bitcast3A_637 = vector.bitcast %get3A_636 : vector<16xf32> to vector<16xi32>
    %shift_right_logical3A_638 = arith.constant 16 : i32
    %shift_right_logical3A_639 = vector.broadcast %shift_right_logical3A_638 : i32 to vector<16xi32>
    %shift_right_logical3A_640 = arith.shrui %bitcast3A_637, %shift_right_logical3A_639 : vector<16xi32>
    %and3A_641 = arith.constant 1 : i32
    %and3A_642 = vector.broadcast %and3A_641 : i32 to vector<16xi32>
    %and3A_643 = arith.andi %shift_right_logical3A_640, %and3A_642 : vector<16xi32>
    %add3A_644 = arith.constant 32767 : i32
    %add3A_645 = vector.broadcast %add3A_644 : i32 to vector<16xi32>
    %add3A_646 = arith.addi %and3A_643, %add3A_645 : vector<16xi32>
    %add3A_647 = arith.addi %bitcast3A_637, %add3A_646 : vector<16xi32>
    %and3A_648 = arith.constant -65536 : i32
    %and3A_649 = vector.broadcast %and3A_648 : i32 to vector<16xi32>
    %and3A_650 = arith.andi %add3A_647, %and3A_649 : vector<16xi32>
    %bitcast3A_651 = vector.bitcast %and3A_650 : vector<16xi32> to vector<16xf32>
    %get3A_652 = arith.constant 16 : index
    %get3A_653 = tpu.vector_load %arg10[%get3A_652] {strides = array<i32>} : memref<192xf32, #tpu.memory_space<vmem>>, vector<16xf32>,
    %bitcast3A_654 = vector.bitcast %get3A_653 : vector<16xf32> to vector<16xi32>
    %shift_right_logical3A_655 = arith.constant 16 : i32
    %shift_right_logical3A_656 = vector.broadcast %shift_right_logical3A_655 : i32 to vector<16xi32>
    %shift_right_logical3A_657 = arith.shrui %bitcast3A_654, %shift_right_logical3A_656 : vector<16xi32>
    %and3A_658 = arith.constant 1 : i32
    %and3A_659 = vector.broadcast %and3A_658 : i32 to vector<16xi32>
    %and3A_660 = arith.andi %shift_right_logical3A_657, %and3A_659 : vector<16xi32>
    %add3A_661 = arith.constant 32767 : i32
    %add3A_662 = vector.broadcast %add3A_661 : i32 to vector<16xi32>
    %add3A_663 = arith.addi %and3A_660, %add3A_662 : vector<16xi32>
    %add3A_664 = arith.addi %bitcast3A_654, %add3A_663 : vector<16xi32>
    %and3A_665 = arith.constant -65536 : i32
    %and3A_666 = vector.broadcast %and3A_665 : i32 to vector<16xi32>
    %and3A_667 = arith.andi %add3A_664, %and3A_666 : vector<16xi32>
    %bitcast3A_668 = vector.bitcast %and3A_667 : vector<16xi32> to vector<16xf32>
    %get3A_669 = arith.constant 32 : index
    %get3A_670 = tpu.vector_load %arg10[%get3A_669] {strides = array<i32>} : memref<192xf32, #tpu.memory_space<vmem>>, vector<16xf32>,
    %bitcast3A_671 = vector.bitcast %get3A_670 : vector<16xf32> to vector<16xi32>
    %shift_right_logical3A_672 = arith.constant 16 : i32
    %shift_right_logical3A_673 = vector.broadcast %shift_right_logical3A_672 : i32 to vector<16xi32>
    %shift_right_logical3A_674 = arith.shrui %bitcast3A_671, %shift_right_logical3A_673 : vector<16xi32>
    %and3A_675 = arith.constant 1 : i32
    %and3A_676 = vector.broadcast %and3A_675 : i32 to vector<16xi32>
    %and3A_677 = arith.andi %shift_right_logical3A_674, %and3A_676 : vector<16xi32>
    %add3A_678 = arith.constant 32767 : i32
    %add3A_679 = vector.broadcast %add3A_678 : i32 to vector<16xi32>
    %add3A_680 = arith.addi %and3A_677, %add3A_679 : vector<16xi32>
    %add3A_681 = arith.addi %bitcast3A_671, %add3A_680 : vector<16xi32>
    %and3A_682 = arith.constant -65536 : i32
    %and3A_683 = vector.broadcast %and3A_682 : i32 to vector<16xi32>
    %and3A_684 = arith.andi %add3A_681, %and3A_683 : vector<16xi32>
    %bitcast3A_685 = vector.bitcast %and3A_684 : vector<16xi32> to vector<16xf32>
    %get3A_686 = arith.constant 48 : index
    %get3A_687 = tpu.vector_load %arg10[%get3A_686] {strides = array<i32>} : memref<192xf32, #tpu.memory_space<vmem>>, vector<16xf32>,
    %bitcast3A_688 = vector.bitcast %get3A_687 : vector<16xf32> to vector<16xi32>
    %shift_right_logical3A_689 = arith.constant 16 : i32
    %shift_right_logical3A_690 = vector.broadcast %shift_right_logical3A_689 : i32 to vector<16xi32>
    %shift_right_logical3A_691 = arith.shrui %bitcast3A_688, %shift_right_logical3A_690 : vector<16xi32>
    %and3A_692 = arith.constant 1 : i32
    %and3A_693 = vector.broadcast %and3A_692 : i32 to vector<16xi32>
    %and3A_694 = arith.andi %shift_right_logical3A_691, %and3A_693 : vector<16xi32>
    %add3A_695 = arith.constant 32767 : i32
    %add3A_696 = vector.broadcast %add3A_695 : i32 to vector<16xi32>
    %add3A_697 = arith.addi %and3A_694, %add3A_696 : vector<16xi32>
    %add3A_698 = arith.addi %bitcast3A_688, %add3A_697 : vector<16xi32>
    %and3A_699 = arith.constant -65536 : i32
    %and3A_700 = vector.broadcast %and3A_699 : i32 to vector<16xi32>
    %and3A_701 = arith.andi %add3A_698, %and3A_700 : vector<16xi32>
    %bitcast3A_702 = vector.bitcast %and3A_701 : vector<16xi32> to vector<16xf32>
    %get3A_703 = arith.constant 64 : index
    %get3A_704 = tpu.vector_load %arg10[%get3A_703] {strides = array<i32>} : memref<192xf32, #tpu.memory_space<vmem>>, vector<16xf32>,
    %bitcast3A_705 = vector.bitcast %get3A_704 : vector<16xf32> to vector<16xi32>
    %shift_right_logical3A_706 = arith.constant 16 : i32
    %shift_right_logical3A_707 = vector.broadcast %shift_right_logical3A_706 : i32 to vector<16xi32>
    %shift_right_logical3A_708 = arith.shrui %bitcast3A_705, %shift_right_logical3A_707 : vector<16xi32>
    %and3A_709 = arith.constant 1 : i32
    %and3A_710 = vector.broadcast %and3A_709 : i32 to vector<16xi32>
    %and3A_711 = arith.andi %shift_right_logical3A_708, %and3A_710 : vector<16xi32>
    %add3A_712 = arith.constant 32767 : i32
    %add3A_713 = vector.broadcast %add3A_712 : i32 to vector<16xi32>
    %add3A_714 = arith.addi %and3A_711, %add3A_713 : vector<16xi32>
    %add3A_715 = arith.addi %bitcast3A_705, %add3A_714 : vector<16xi32>
    %and3A_716 = arith.constant -65536 : i32
    %and3A_717 = vector.broadcast %and3A_716 : i32 to vector<16xi32>
    %and3A_718 = arith.andi %add3A_715, %and3A_717 : vector<16xi32>
    %bitcast3A_719 = vector.bitcast %and3A_718 : vector<16xi32> to vector<16xf32>
    %get3A_720 = arith.constant 80 : index
    %get3A_721 = tpu.vector_load %arg10[%get3A_720] {strides = array<i32>} : memref<192xf32, #tpu.memory_space<vmem>>, vector<16xf32>,
    %bitcast3A_722 = vector.bitcast %get3A_721 : vector<16xf32> to vector<16xi32>
    %shift_right_logical3A_723 = arith.constant 16 : i32
    %shift_right_logical3A_724 = vector.broadcast %shift_right_logical3A_723 : i32 to vector<16xi32>
    %shift_right_logical3A_725 = arith.shrui %bitcast3A_722, %shift_right_logical3A_724 : vector<16xi32>
    %and3A_726 = arith.constant 1 : i32
    %and3A_727 = vector.broadcast %and3A_726 : i32 to vector<16xi32>
    %and3A_728 = arith.andi %shift_right_logical3A_725, %and3A_727 : vector<16xi32>
    %add3A_729 = arith.constant 32767 : i32
    %add3A_730 = vector.broadcast %add3A_729 : i32 to vector<16xi32>
    %add3A_731 = arith.addi %and3A_728, %add3A_730 : vector<16xi32>
    %add3A_732 = arith.addi %bitcast3A_722, %add3A_731 : vector<16xi32>
    %and3A_733 = arith.constant -65536 : i32
    %and3A_734 = vector.broadcast %and3A_733 : i32 to vector<16xi32>
    %and3A_735 = arith.andi %add3A_732, %and3A_734 : vector<16xi32>
    %bitcast3A_736 = vector.bitcast %and3A_735 : vector<16xi32> to vector<16xf32>
    %get3A_737 = arith.constant 96 : index
    %get3A_738 = tpu.vector_load %arg10[%get3A_737] {strides = array<i32>} : memref<192xf32, #tpu.memory_space<vmem>>, vector<16xf32>,
    %bitcast3A_739 = vector.bitcast %get3A_738 : vector<16xf32> to vector<16xi32>
    %shift_right_logical3A_740 = arith.constant 16 : i32
    %shift_right_logical3A_741 = vector.broadcast %shift_right_logical3A_740 : i32 to vector<16xi32>
    %shift_right_logical3A_742 = arith.shrui %bitcast3A_739, %shift_right_logical3A_741 : vector<16xi32>
    %and3A_743 = arith.constant 1 : i32
    %and3A_744 = vector.broadcast %and3A_743 : i32 to vector<16xi32>
    %and3A_745 = arith.andi %shift_right_logical3A_742, %and3A_744 : vector<16xi32>
    %add3A_746 = arith.constant 32767 : i32
    %add3A_747 = vector.broadcast %add3A_746 : i32 to vector<16xi32>
    %add3A_748 = arith.addi %and3A_745, %add3A_747 : vector<16xi32>
    %add3A_749 = arith.addi %bitcast3A_739, %add3A_748 : vector<16xi32>
    %and3A_750 = arith.constant -65536 : i32
    %and3A_751 = vector.broadcast %and3A_750 : i32 to vector<16xi32>
    %and3A_752 = arith.andi %add3A_749, %and3A_751 : vector<16xi32>
    %bitcast3A_753 = vector.bitcast %and3A_752 : vector<16xi32> to vector<16xf32>
    %get3A_754 = arith.constant 112 : index
    %get3A_755 = tpu.vector_load %arg10[%get3A_754] {strides = array<i32>} : memref<192xf32, #tpu.memory_space<vmem>>, vector<16xf32>,
    %bitcast3A_756 = vector.bitcast %get3A_755 : vector<16xf32> to vector<16xi32>
    %shift_right_logical3A_757 = arith.constant 16 : i32
    %shift_right_logical3A_758 = vector.broadcast %shift_right_logical3A_757 : i32 to vector<16xi32>
    %shift_right_logical3A_759 = arith.shrui %bitcast3A_756, %shift_right_logical3A_758 : vector<16xi32>
    %and3A_760 = arith.constant 1 : i32
    %and3A_761 = vector.broadcast %and3A_760 : i32 to vector<16xi32>
    %and3A_762 = arith.andi %shift_right_logical3A_759, %and3A_761 : vector<16xi32>
    %add3A_763 = arith.constant 32767 : i32
    %add3A_764 = vector.broadcast %add3A_763 : i32 to vector<16xi32>
    %add3A_765 = arith.addi %and3A_762, %add3A_764 : vector<16xi32>
    %add3A_766 = arith.addi %bitcast3A_756, %add3A_765 : vector<16xi32>
    %and3A_767 = arith.constant -65536 : i32
    %and3A_768 = vector.broadcast %and3A_767 : i32 to vector<16xi32>
    %and3A_769 = arith.andi %add3A_766, %and3A_768 : vector<16xi32>
    %bitcast3A_770 = vector.bitcast %and3A_769 : vector<16xi32> to vector<16xf32>
    %get3A_771 = arith.constant 128 : index
    %get3A_772 = tpu.vector_load %arg10[%get3A_771] {strides = array<i32>} : memref<192xf32, #tpu.memory_space<vmem>>, vector<16xf32>,
    %bitcast3A_773 = vector.bitcast %get3A_772 : vector<16xf32> to vector<16xi32>
    %shift_right_logical3A_774 = arith.constant 16 : i32
    %shift_right_logical3A_775 = vector.broadcast %shift_right_logical3A_774 : i32 to vector<16xi32>
    %shift_right_logical3A_776 = arith.shrui %bitcast3A_773, %shift_right_logical3A_775 : vector<16xi32>
    %and3A_777 = arith.constant 1 : i32
    %and3A_778 = vector.broadcast %and3A_777 : i32 to vector<16xi32>
    %and3A_779 = arith.andi %shift_right_logical3A_776, %and3A_778 : vector<16xi32>
    %add3A_780 = arith.constant 32767 : i32
    %add3A_781 = vector.broadcast %add3A_780 : i32 to vector<16xi32>
    %add3A_782 = arith.addi %and3A_779, %add3A_781 : vector<16xi32>
    %add3A_783 = arith.addi %bitcast3A_773, %add3A_782 : vector<16xi32>
    %and3A_784 = arith.constant -65536 : i32
    %and3A_785 = vector.broadcast %and3A_784 : i32 to vector<16xi32>
    %and3A_786 = arith.andi %add3A_783, %and3A_785 : vector<16xi32>
    %bitcast3A_787 = vector.bitcast %and3A_786 : vector<16xi32> to vector<16xf32>
    %get3A_788 = arith.constant 144 : index
    %get3A_789 = tpu.vector_load %arg10[%get3A_788] {strides = array<i32>} : memref<192xf32, #tpu.memory_space<vmem>>, vector<16xf32>,
    %bitcast3A_790 = vector.bitcast %get3A_789 : vector<16xf32> to vector<16xi32>
    %shift_right_logical3A_791 = arith.constant 16 : i32
    %shift_right_logical3A_792 = vector.broadcast %shift_right_logical3A_791 : i32 to vector<16xi32>
    %shift_right_logical3A_793 = arith.shrui %bitcast3A_790, %shift_right_logical3A_792 : vector<16xi32>
    %and3A_794 = arith.constant 1 : i32
    %and3A_795 = vector.broadcast %and3A_794 : i32 to vector<16xi32>
    %and3A_796 = arith.andi %shift_right_logical3A_793, %and3A_795 : vector<16xi32>
    %add3A_797 = arith.constant 32767 : i32
    %add3A_798 = vector.broadcast %add3A_797 : i32 to vector<16xi32>
    %add3A_799 = arith.addi %and3A_796, %add3A_798 : vector<16xi32>
    %add3A_800 = arith.addi %bitcast3A_790, %add3A_799 : vector<16xi32>
    %and3A_801 = arith.constant -65536 : i32
    %and3A_802 = vector.broadcast %and3A_801 : i32 to vector<16xi32>
    %and3A_803 = arith.andi %add3A_800, %and3A_802 : vector<16xi32>
    %bitcast3A_804 = vector.bitcast %and3A_803 : vector<16xi32> to vector<16xf32>
    %get3A_805 = arith.constant 160 : index
    %get3A_806 = tpu.vector_load %arg10[%get3A_805] {strides = array<i32>} : memref<192xf32, #tpu.memory_space<vmem>>, vector<16xf32>,
    %bitcast3A_807 = vector.bitcast %get3A_806 : vector<16xf32> to vector<16xi32>
    %shift_right_logical3A_808 = arith.constant 16 : i32
    %shift_right_logical3A_809 = vector.broadcast %shift_right_logical3A_808 : i32 to vector<16xi32>
    %shift_right_logical3A_810 = arith.shrui %bitcast3A_807, %shift_right_logical3A_809 : vector<16xi32>
    %and3A_811 = arith.constant 1 : i32
    %and3A_812 = vector.broadcast %and3A_811 : i32 to vector<16xi32>
    %and3A_813 = arith.andi %shift_right_logical3A_810, %and3A_812 : vector<16xi32>
    %add3A_814 = arith.constant 32767 : i32
    %add3A_815 = vector.broadcast %add3A_814 : i32 to vector<16xi32>
    %add3A_816 = arith.addi %and3A_813, %add3A_815 : vector<16xi32>
    %add3A_817 = arith.addi %bitcast3A_807, %add3A_816 : vector<16xi32>
    %and3A_818 = arith.constant -65536 : i32
    %and3A_819 = vector.broadcast %and3A_818 : i32 to vector<16xi32>
    %and3A_820 = arith.andi %add3A_817, %and3A_819 : vector<16xi32>
    %bitcast3A_821 = vector.bitcast %and3A_820 : vector<16xi32> to vector<16xf32>
    %get3A_822 = arith.constant 176 : index
    %get3A_823 = tpu.vector_load %arg10[%get3A_822] {strides = array<i32>} : memref<192xf32, #tpu.memory_space<vmem>>, vector<16xf32>,
    %bitcast3A_824 = vector.bitcast %get3A_823 : vector<16xf32> to vector<16xi32>
    %shift_right_logical3A_825 = arith.constant 16 : i32
    %shift_right_logical3A_826 = vector.broadcast %shift_right_logical3A_825 : i32 to vector<16xi32>
    %shift_right_logical3A_827 = arith.shrui %bitcast3A_824, %shift_right_logical3A_826 : vector<16xi32>
    %and3A_828 = arith.constant 1 : i32
    %and3A_829 = vector.broadcast %and3A_828 : i32 to vector<16xi32>
    %and3A_830 = arith.andi %shift_right_logical3A_827, %and3A_829 : vector<16xi32>
    %add3A_831 = arith.constant 32767 : i32
    %add3A_832 = vector.broadcast %add3A_831 : i32 to vector<16xi32>
    %add3A_833 = arith.addi %and3A_830, %add3A_832 : vector<16xi32>
    %add3A_834 = arith.addi %bitcast3A_824, %add3A_833 : vector<16xi32>
    %and3A_835 = arith.constant -65536 : i32
    %and3A_836 = vector.broadcast %and3A_835 : i32 to vector<16xi32>
    %and3A_837 = arith.andi %add3A_834, %and3A_836 : vector<16xi32>
    %bitcast3A_838 = vector.bitcast %and3A_837 : vector<16xi32> to vector<16xf32>
    %scan3A_839 = arith.constant 0 : i32
    %scan3A_840 = arith.constant 4 : i32
    %scan3A_841 = arith.addi %scan3A_839, %scan3A_840 : i32
    %scan3A_842 = arith.constant 1 : i32
    scf.for %scan3A_994 = %scan3A_839 to %scan3A_841 step %scan3A_842  : i32 {
      %mul3A_995 = arith.constant 3 : i32
      %mul3A_996 = arith.muli %add3A_424, %mul3A_995 : i32
      %add3A_997 = arith.constant 0 : i32
      %add3A_998 = arith.addi %mul3A_996, %add3A_997 : i32
      %mul3A_999 = arith.constant 50176 : i32
      %mul3A_1000 = arith.muli %add3A_998, %mul3A_999 : i32
      %mul3A_1001 = arith.constant 3136 : i32
      %mul3A_1002 = arith.muli %arg1, %mul3A_1001 : i32
      %add3A_1003 = arith.addi %mul3A_1000, %mul3A_1002 : i32
      %mul3A_1004 = arith.constant 784 : i32
      %mul3A_1005 = arith.muli %scan3A_994, %mul3A_1004 : i32
      %add3A_1006 = arith.addi %add3A_1003, %mul3A_1005 : i32
      %multiple_of3A_1007 = tpu.assume_multiple %add3A_1006, 8 : i32
      "tpu.region"() ({
        %run_scoped3A = tpu.sem_alloc : memref<!tpu.dma_semaphore, #tpu.memory_space<semaphore_mem>>
        %dma_start3A = arith.constant 0 : i32
        %dma_start3A_1036 = tpu.memref_slice %arg8[%dma_start3A] : memref<2352xf32, #tpu.memory_space<vmem>> -> memref<784xf32, #tpu.memory_space<vmem>>
        %dma_start3A_1037 = tpu.memref_slice %arg2[%multiple_of3A_1007] : memref<602112xf32, #tpu.memory_space<hbm>> -> memref<784xf32, #tpu.memory_space<hbm>>
        %dma_start3A_1038 = arith.constant 0 : i32
        %dma_start3A_1039 = tpu.memref_slice %arg8[%dma_start3A_1038] : memref<2352xf32, #tpu.memory_space<vmem>> -> memref<784xf32, #tpu.memory_space<vmem>>
        %dma_start3A_1040 = tpu.memref_slice %arg2[%multiple_of3A_1007] : memref<602112xf32, #tpu.memory_space<hbm>> -> memref<784xf32, #tpu.memory_space<hbm>>
        tpu.enqueue_dma source(%dma_start3A_1040 : memref<784xf32, #tpu.memory_space<hbm>>) target(%dma_start3A_1039 : memref<784xf32, #tpu.memory_space<vmem>>) target_semaphore(%run_scoped3A : memref<!tpu.dma_semaphore, #tpu.memory_space<semaphore_mem>>)
        %dma_wait3A_1041 = arith.constant 0 : i32
        %dma_wait3A_1042 = tpu.memref_slice %arg8[%dma_wait3A_1041] : memref<2352xf32, #tpu.memory_space<vmem>> -> memref<784xf32, #tpu.memory_space<vmem>>
        %dma_wait3A_1043 = tpu.memref_slice %arg2[%multiple_of3A_1007] : memref<602112xf32, #tpu.memory_space<hbm>> -> memref<784xf32, #tpu.memory_space<hbm>>
        %dma_wait3A_1044 = arith.constant 0 : i32
        %dma_wait3A_1045 = tpu.memref_slice %arg8[%dma_wait3A_1044] : memref<2352xf32, #tpu.memory_space<vmem>> -> memref<784xf32, #tpu.memory_space<vmem>>
        %dma_wait3A_1046 = tpu.memref_slice %arg2[%multiple_of3A_1007] : memref<602112xf32, #tpu.memory_space<hbm>> -> memref<784xf32, #tpu.memory_space<hbm>>
        tpu.wait_dma2 semaphore(%run_scoped3A : memref<!tpu.dma_semaphore, #tpu.memory_space<semaphore_mem>>) src(%dma_wait3A_1046 : memref<784xf32, #tpu.memory_space<hbm>>) dst(%dma_wait3A_1045 : memref<784xf32, #tpu.memory_space<vmem>>)
        tpu.yield
      }) : () -> ()
      %mul3A_1008 = arith.constant 3 : i32
      %mul3A_1009 = arith.muli %add3A_424, %mul3A_1008 : i32
      %add3A_1010 = arith.constant 1 : i32
      %add3A_1011 = arith.addi %mul3A_1009, %add3A_1010 : i32
      %mul3A_1012 = arith.constant 50176 : i32
      %mul3A_1013 = arith.muli %add3A_1011, %mul3A_1012 : i32
      %mul3A_1014 = arith.constant 3136 : i32
      %mul3A_1015 = arith.muli %arg1, %mul3A_1014 : i32
      %add3A_1016 = arith.addi %mul3A_1013, %mul3A_1015 : i32
      %mul3A_1017 = arith.constant 784 : i32
      %mul3A_1018 = arith.muli %scan3A_994, %mul3A_1017 : i32
      %add3A_1019 = arith.addi %add3A_1016, %mul3A_1018 : i32
      %multiple_of3A_1020 = tpu.assume_multiple %add3A_1019, 8 : i32
      "tpu.region"() ({
        %run_scoped3A = tpu.sem_alloc : memref<!tpu.dma_semaphore, #tpu.memory_space<semaphore_mem>>
        %dma_start3A = arith.constant 784 : i32
        %dma_start3A_1036 = tpu.memref_slice %arg8[%dma_start3A] : memref<2352xf32, #tpu.memory_space<vmem>> -> memref<784xf32, #tpu.memory_space<vmem>>
        %dma_start3A_1037 = tpu.memref_slice %arg2[%multiple_of3A_1020] : memref<602112xf32, #tpu.memory_space<hbm>> -> memref<784xf32, #tpu.memory_space<hbm>>
        %dma_start3A_1038 = arith.constant 784 : i32
        %dma_start3A_1039 = tpu.memref_slice %arg8[%dma_start3A_1038] : memref<2352xf32, #tpu.memory_space<vmem>> -> memref<784xf32, #tpu.memory_space<vmem>>
        %dma_start3A_1040 = tpu.memref_slice %arg2[%multiple_of3A_1020] : memref<602112xf32, #tpu.memory_space<hbm>> -> memref<784xf32, #tpu.memory_space<hbm>>
        tpu.enqueue_dma source(%dma_start3A_1040 : memref<784xf32, #tpu.memory_space<hbm>>) target(%dma_start3A_1039 : memref<784xf32, #tpu.memory_space<vmem>>) target_semaphore(%run_scoped3A : memref<!tpu.dma_semaphore, #tpu.memory_space<semaphore_mem>>)
        %dma_wait3A_1041 = arith.constant 784 : i32
        %dma_wait3A_1042 = tpu.memref_slice %arg8[%dma_wait3A_1041] : memref<2352xf32, #tpu.memory_space<vmem>> -> memref<784xf32, #tpu.memory_space<vmem>>
        %dma_wait3A_1043 = tpu.memref_slice %arg2[%multiple_of3A_1020] : memref<602112xf32, #tpu.memory_space<hbm>> -> memref<784xf32, #tpu.memory_space<hbm>>
        %dma_wait3A_1044 = arith.constant 784 : i32
        %dma_wait3A_1045 = tpu.memref_slice %arg8[%dma_wait3A_1044] : memref<2352xf32, #tpu.memory_space<vmem>> -> memref<784xf32, #tpu.memory_space<vmem>>
        %dma_wait3A_1046 = tpu.memref_slice %arg2[%multiple_of3A_1020] : memref<602112xf32, #tpu.memory_space<hbm>> -> memref<784xf32, #tpu.memory_space<hbm>>
        tpu.wait_dma2 semaphore(%run_scoped3A : memref<!tpu.dma_semaphore, #tpu.memory_space<semaphore_mem>>) src(%dma_wait3A_1046 : memref<784xf32, #tpu.memory_space<hbm>>) dst(%dma_wait3A_1045 : memref<784xf32, #tpu.memory_space<vmem>>)
        tpu.yield
      }) : () -> ()
      %mul3A_1021 = arith.constant 3 : i32
      %mul3A_1022 = arith.muli %add3A_424, %mul3A_1021 : i32
      %add3A_1023 = arith.constant 2 : i32
      %add3A_1024 = arith.addi %mul3A_1022, %add3A_1023 : i32
      %mul3A_1025 = arith.constant 50176 : i32
      %mul3A_1026 = arith.muli %add3A_1024, %mul3A_1025 : i32
      %mul3A_1027 = arith.constant 3136 : i32
      %mul3A_1028 = arith.muli %arg1, %mul3A_1027 : i32
      %add3A_1029 = arith.addi %mul3A_1026, %mul3A_1028 : i32
      %mul3A_1030 = arith.constant 784 : i32
      %mul3A_1031 = arith.muli %scan3A_994, %mul3A_1030 : i32
      %add3A_1032 = arith.addi %add3A_1029, %mul3A_1031 : i32
      %multiple_of3A_1033 = tpu.assume_multiple %add3A_1032, 8 : i32
      "tpu.region"() ({
        %run_scoped3A = tpu.sem_alloc : memref<!tpu.dma_semaphore, #tpu.memory_space<semaphore_mem>>
        %dma_start3A = arith.constant 1568 : i32
        %dma_start3A_1036 = tpu.memref_slice %arg8[%dma_start3A] : memref<2352xf32, #tpu.memory_space<vmem>> -> memref<784xf32, #tpu.memory_space<vmem>>
        %dma_start3A_1037 = tpu.memref_slice %arg2[%multiple_of3A_1033] : memref<602112xf32, #tpu.memory_space<hbm>> -> memref<784xf32, #tpu.memory_space<hbm>>
        %dma_start3A_1038 = arith.constant 1568 : i32
        %dma_start3A_1039 = tpu.memref_slice %arg8[%dma_start3A_1038] : memref<2352xf32, #tpu.memory_space<vmem>> -> memref<784xf32, #tpu.memory_space<vmem>>
        %dma_start3A_1040 = tpu.memref_slice %arg2[%multiple_of3A_1033] : memref<602112xf32, #tpu.memory_space<hbm>> -> memref<784xf32, #tpu.memory_space<hbm>>
        tpu.enqueue_dma source(%dma_start3A_1040 : memref<784xf32, #tpu.memory_space<hbm>>) target(%dma_start3A_1039 : memref<784xf32, #tpu.memory_space<vmem>>) target_semaphore(%run_scoped3A : memref<!tpu.dma_semaphore, #tpu.memory_space<semaphore_mem>>)
        %dma_wait3A_1041 = arith.constant 1568 : i32
        %dma_wait3A_1042 = tpu.memref_slice %arg8[%dma_wait3A_1041] : memref<2352xf32, #tpu.memory_space<vmem>> -> memref<784xf32, #tpu.memory_space<vmem>>
        %dma_wait3A_1043 = tpu.memref_slice %arg2[%multiple_of3A_1033] : memref<602112xf32, #tpu.memory_space<hbm>> -> memref<784xf32, #tpu.memory_space<hbm>>
        %dma_wait3A_1044 = arith.constant 1568 : i32
        %dma_wait3A_1045 = tpu.memref_slice %arg8[%dma_wait3A_1044] : memref<2352xf32, #tpu.memory_space<vmem>> -> memref<784xf32, #tpu.memory_space<vmem>>
        %dma_wait3A_1046 = tpu.memref_slice %arg2[%multiple_of3A_1033] : memref<602112xf32, #tpu.memory_space<hbm>> -> memref<784xf32, #tpu.memory_space<hbm>>
        tpu.wait_dma2 semaphore(%run_scoped3A : memref<!tpu.dma_semaphore, #tpu.memory_space<semaphore_mem>>) src(%dma_wait3A_1046 : memref<784xf32, #tpu.memory_space<hbm>>) dst(%dma_wait3A_1045 : memref<784xf32, #tpu.memory_space<vmem>>)
        tpu.yield
      }) : () -> ()
      %parallel_loop3A = arith.constant 0 : i32
      %parallel_loop3A_1034 = arith.constant 49 : i32
      %parallel_loop3A_1035 = arith.constant 1 : i32
      scf.for %parallel_loop3A_1036 = %parallel_loop3A to %parallel_loop3A_1034 step %parallel_loop3A_1035  : i32 {
        %parallel_loop3A_1037 = arith.constant 16 : i32
        %parallel_loop3A_1038 = arith.muli %parallel_loop3A_1036, %parallel_loop3A_1037 : i32
        %parallel_loop3A_1039 = arith.index_cast %parallel_loop3A_1038 : i32 to index
        %parallel_loop3A_1040 = tpu.vector_load %arg8[%parallel_loop3A_1039] {strides = array<i32>} : memref<2352xf32, #tpu.memory_space<vmem>>, vector<16xf32>,
        %parallel_loop3A_1041 = vector.bitcast %parallel_loop3A_1040 : vector<16xf32> to vector<16xi32>
        %parallel_loop3A_1042 = arith.constant 16 : i32
        %parallel_loop3A_1043 = vector.broadcast %parallel_loop3A_1042 : i32 to vector<16xi32>
        %parallel_loop3A_1044 = arith.shrui %parallel_loop3A_1041, %parallel_loop3A_1043 : vector<16xi32>
        %parallel_loop3A_1045 = arith.constant 1 : i32
        %parallel_loop3A_1046 = vector.broadcast %parallel_loop3A_1045 : i32 to vector<16xi32>
        %parallel_loop3A_1047 = arith.andi %parallel_loop3A_1044, %parallel_loop3A_1046 : vector<16xi32>
        %parallel_loop3A_1048 = arith.constant 32767 : i32
        %parallel_loop3A_1049 = vector.broadcast %parallel_loop3A_1048 : i32 to vector<16xi32>
        %parallel_loop3A_1050 = arith.addi %parallel_loop3A_1047, %parallel_loop3A_1049 : vector<16xi32>
        %parallel_loop3A_1051 = arith.addi %parallel_loop3A_1041, %parallel_loop3A_1050 : vector<16xi32>
        %parallel_loop3A_1052 = arith.constant -65536 : i32
        %parallel_loop3A_1053 = vector.broadcast %parallel_loop3A_1052 : i32 to vector<16xi32>
        %parallel_loop3A_1054 = arith.andi %parallel_loop3A_1051, %parallel_loop3A_1053 : vector<16xi32>
        %parallel_loop3A_1055 = vector.bitcast %parallel_loop3A_1054 : vector<16xi32> to vector<16xf32>
        %parallel_loop3A_1056 = arith.constant 16 : i32
        %parallel_loop3A_1057 = arith.muli %parallel_loop3A_1036, %parallel_loop3A_1056 : i32
        %parallel_loop3A_1058 = arith.constant 784 : i32
        %parallel_loop3A_1059 = arith.addi %parallel_loop3A_1058, %parallel_loop3A_1057 : i32
        %parallel_loop3A_1060 = arith.index_cast %parallel_loop3A_1059 : i32 to index
        %parallel_loop3A_1061 = tpu.vector_load %arg8[%parallel_loop3A_1060] {strides = array<i32>} : memref<2352xf32, #tpu.memory_space<vmem>>, vector<16xf32>,
        %parallel_loop3A_1062 = vector.bitcast %parallel_loop3A_1061 : vector<16xf32> to vector<16xi32>
        %parallel_loop3A_1063 = arith.constant 16 : i32
        %parallel_loop3A_1064 = vector.broadcast %parallel_loop3A_1063 : i32 to vector<16xi32>
        %parallel_loop3A_1065 = arith.shrui %parallel_loop3A_1062, %parallel_loop3A_1064 : vector<16xi32>
        %parallel_loop3A_1066 = arith.constant 1 : i32
        %parallel_loop3A_1067 = vector.broadcast %parallel_loop3A_1066 : i32 to vector<16xi32>
        %parallel_loop3A_1068 = arith.andi %parallel_loop3A_1065, %parallel_loop3A_1067 : vector<16xi32>
        %parallel_loop3A_1069 = arith.constant 32767 : i32
        %parallel_loop3A_1070 = vector.broadcast %parallel_loop3A_1069 : i32 to vector<16xi32>
        %parallel_loop3A_1071 = arith.addi %parallel_loop3A_1068, %parallel_loop3A_1070 : vector<16xi32>
        %parallel_loop3A_1072 = arith.addi %parallel_loop3A_1062, %parallel_loop3A_1071 : vector<16xi32>
        %parallel_loop3A_1073 = arith.constant -65536 : i32
        %parallel_loop3A_1074 = vector.broadcast %parallel_loop3A_1073 : i32 to vector<16xi32>
        %parallel_loop3A_1075 = arith.andi %parallel_loop3A_1072, %parallel_loop3A_1074 : vector<16xi32>
        %parallel_loop3A_1076 = vector.bitcast %parallel_loop3A_1075 : vector<16xi32> to vector<16xf32>
        %parallel_loop3A_1077 = arith.constant 16 : i32
        %parallel_loop3A_1078 = arith.muli %parallel_loop3A_1036, %parallel_loop3A_1077 : i32
        %parallel_loop3A_1079 = arith.constant 1568 : i32
        %parallel_loop3A_1080 = arith.addi %parallel_loop3A_1079, %parallel_loop3A_1078 : i32
        %parallel_loop3A_1081 = arith.index_cast %parallel_loop3A_1080 : i32 to index
        %parallel_loop3A_1082 = tpu.vector_load %arg8[%parallel_loop3A_1081] {strides = array<i32>} : memref<2352xf32, #tpu.memory_space<vmem>>, vector<16xf32>,
        %parallel_loop3A_1083 = vector.bitcast %parallel_loop3A_1082 : vector<16xf32> to vector<16xi32>
        %parallel_loop3A_1084 = arith.constant 16 : i32
        %parallel_loop3A_1085 = vector.broadcast %parallel_loop3A_1084 : i32 to vector<16xi32>
        %parallel_loop3A_1086 = arith.shrui %parallel_loop3A_1083, %parallel_loop3A_1085 : vector<16xi32>
        %parallel_loop3A_1087 = arith.constant 1 : i32
        %parallel_loop3A_1088 = vector.broadcast %parallel_loop3A_1087 : i32 to vector<16xi32>
        %parallel_loop3A_1089 = arith.andi %parallel_loop3A_1086, %parallel_loop3A_1088 : vector<16xi32>
        %parallel_loop3A_1090 = arith.constant 32767 : i32
        %parallel_loop3A_1091 = vector.broadcast %parallel_loop3A_1090 : i32 to vector<16xi32>
        %parallel_loop3A_1092 = arith.addi %parallel_loop3A_1089, %parallel_loop3A_1091 : vector<16xi32>
        %parallel_loop3A_1093 = arith.addi %parallel_loop3A_1083, %parallel_loop3A_1092 : vector<16xi32>
        %parallel_loop3A_1094 = arith.constant -65536 : i32
        %parallel_loop3A_1095 = vector.broadcast %parallel_loop3A_1094 : i32 to vector<16xi32>
        %parallel_loop3A_1096 = arith.andi %parallel_loop3A_1093, %parallel_loop3A_1095 : vector<16xi32>
        %parallel_loop3A_1097 = vector.bitcast %parallel_loop3A_1096 : vector<16xi32> to vector<16xf32>
        %parallel_loop3A_1098 = arith.mulf %bitcast3A_651, %parallel_loop3A_1055 : vector<16xf32>
        %parallel_loop3A_1099 = arith.mulf %bitcast3A_668, %parallel_loop3A_1076 : vector<16xf32>
        %parallel_loop3A_1100 = arith.addf %parallel_loop3A_1098, %parallel_loop3A_1099 : vector<16xf32>
        %parallel_loop3A_1101 = arith.mulf %bitcast3A_685, %parallel_loop3A_1097 : vector<16xf32>
        %parallel_loop3A_1102 = arith.addf %parallel_loop3A_1100, %parallel_loop3A_1101 : vector<16xf32>
        %parallel_loop3A_1103 = arith.addf %parallel_loop3A_1102, %bitcast3A_702 : vector<16xf32>
        %parallel_loop3A_1104 = arith.mulf %bitcast3A_719, %parallel_loop3A_1055 : vector<16xf32>
        %parallel_loop3A_1105 = arith.mulf %bitcast3A_736, %parallel_loop3A_1076 : vector<16xf32>
        %parallel_loop3A_1106 = arith.addf %parallel_loop3A_1104, %parallel_loop3A_1105 : vector<16xf32>
        %parallel_loop3A_1107 = arith.mulf %bitcast3A_753, %parallel_loop3A_1097 : vector<16xf32>
        %parallel_loop3A_1108 = arith.addf %parallel_loop3A_1106, %parallel_loop3A_1107 : vector<16xf32>
        %parallel_loop3A_1109 = arith.addf %parallel_loop3A_1108, %bitcast3A_770 : vector<16xf32>
        %parallel_loop3A_1110 = arith.mulf %bitcast3A_787, %parallel_loop3A_1055 : vector<16xf32>
        %parallel_loop3A_1111 = arith.mulf %bitcast3A_804, %parallel_loop3A_1076 : vector<16xf32>
        %parallel_loop3A_1112 = arith.addf %parallel_loop3A_1110, %parallel_loop3A_1111 : vector<16xf32>
        %parallel_loop3A_1113 = arith.mulf %bitcast3A_821, %parallel_loop3A_1097 : vector<16xf32>
        %parallel_loop3A_1114 = arith.addf %parallel_loop3A_1112, %parallel_loop3A_1113 : vector<16xf32>
        %parallel_loop3A_1115 = arith.addf %parallel_loop3A_1114, %bitcast3A_838 : vector<16xf32>
        %parallel_loop3A_1116 = vector.bitcast %parallel_loop3A_1103 : vector<16xf32> to vector<16xi32>
        %parallel_loop3A_1117 = arith.constant 16 : i32
        %parallel_loop3A_1118 = vector.broadcast %parallel_loop3A_1117 : i32 to vector<16xi32>
        %parallel_loop3A_1119 = arith.shrui %parallel_loop3A_1116, %parallel_loop3A_1118 : vector<16xi32>
        %parallel_loop3A_1120 = arith.constant 1 : i32
        %parallel_loop3A_1121 = vector.broadcast %parallel_loop3A_1120 : i32 to vector<16xi32>
        %parallel_loop3A_1122 = arith.andi %parallel_loop3A_1119, %parallel_loop3A_1121 : vector<16xi32>
        %parallel_loop3A_1123 = arith.constant 32767 : i32
        %parallel_loop3A_1124 = vector.broadcast %parallel_loop3A_1123 : i32 to vector<16xi32>
        %parallel_loop3A_1125 = arith.addi %parallel_loop3A_1122, %parallel_loop3A_1124 : vector<16xi32>
        %parallel_loop3A_1126 = arith.addi %parallel_loop3A_1116, %parallel_loop3A_1125 : vector<16xi32>
        %parallel_loop3A_1127 = arith.constant -65536 : i32
        %parallel_loop3A_1128 = vector.broadcast %parallel_loop3A_1127 : i32 to vector<16xi32>
        %parallel_loop3A_1129 = arith.andi %parallel_loop3A_1126, %parallel_loop3A_1128 : vector<16xi32>
        %parallel_loop3A_1130 = vector.bitcast %parallel_loop3A_1129 : vector<16xi32> to vector<16xf32>
        %parallel_loop3A_1131 = vector.bitcast %parallel_loop3A_1109 : vector<16xf32> to vector<16xi32>
        %parallel_loop3A_1132 = arith.constant 16 : i32
        %parallel_loop3A_1133 = vector.broadcast %parallel_loop3A_1132 : i32 to vector<16xi32>
        %parallel_loop3A_1134 = arith.shrui %parallel_loop3A_1131, %parallel_loop3A_1133 : vector<16xi32>
        %parallel_loop3A_1135 = arith.constant 1 : i32
        %parallel_loop3A_1136 = vector.broadcast %parallel_loop3A_1135 : i32 to vector<16xi32>
        %parallel_loop3A_1137 = arith.andi %parallel_loop3A_1134, %parallel_loop3A_1136 : vector<16xi32>
        %parallel_loop3A_1138 = arith.constant 32767 : i32
        %parallel_loop3A_1139 = vector.broadcast %parallel_loop3A_1138 : i32 to vector<16xi32>
        %parallel_loop3A_1140 = arith.addi %parallel_loop3A_1137, %parallel_loop3A_1139 : vector<16xi32>
        %parallel_loop3A_1141 = arith.addi %parallel_loop3A_1131, %parallel_loop3A_1140 : vector<16xi32>
        %parallel_loop3A_1142 = arith.constant -65536 : i32
        %parallel_loop3A_1143 = vector.broadcast %parallel_loop3A_1142 : i32 to vector<16xi32>
        %parallel_loop3A_1144 = arith.andi %parallel_loop3A_1141, %parallel_loop3A_1143 : vector<16xi32>
        %parallel_loop3A_1145 = vector.bitcast %parallel_loop3A_1144 : vector<16xi32> to vector<16xf32>
        %parallel_loop3A_1146 = vector.bitcast %parallel_loop3A_1115 : vector<16xf32> to vector<16xi32>
        %parallel_loop3A_1147 = arith.constant 16 : i32
        %parallel_loop3A_1148 = vector.broadcast %parallel_loop3A_1147 : i32 to vector<16xi32>
        %parallel_loop3A_1149 = arith.shrui %parallel_loop3A_1146, %parallel_loop3A_1148 : vector<16xi32>
        %parallel_loop3A_1150 = arith.constant 1 : i32
        %parallel_loop3A_1151 = vector.broadcast %parallel_loop3A_1150 : i32 to vector<16xi32>
        %parallel_loop3A_1152 = arith.andi %parallel_loop3A_1149, %parallel_loop3A_1151 : vector<16xi32>
        %parallel_loop3A_1153 = arith.constant 32767 : i32
        %parallel_loop3A_1154 = vector.broadcast %parallel_loop3A_1153 : i32 to vector<16xi32>
        %parallel_loop3A_1155 = arith.addi %parallel_loop3A_1152, %parallel_loop3A_1154 : vector<16xi32>
        %parallel_loop3A_1156 = arith.addi %parallel_loop3A_1146, %parallel_loop3A_1155 : vector<16xi32>
        %parallel_loop3A_1157 = arith.constant -65536 : i32
        %parallel_loop3A_1158 = vector.broadcast %parallel_loop3A_1157 : i32 to vector<16xi32>
        %parallel_loop3A_1159 = arith.andi %parallel_loop3A_1156, %parallel_loop3A_1158 : vector<16xi32>
        %parallel_loop3A_1160 = vector.bitcast %parallel_loop3A_1159 : vector<16xi32> to vector<16xf32>
        %parallel_loop3A_1161 = arith.mulf %bitcast3A_447, %parallel_loop3A_1130 : vector<16xf32>
        %parallel_loop3A_1162 = arith.mulf %bitcast3A_464, %parallel_loop3A_1145 : vector<16xf32>
        %parallel_loop3A_1163 = arith.addf %parallel_loop3A_1161, %parallel_loop3A_1162 : vector<16xf32>
        %parallel_loop3A_1164 = arith.mulf %bitcast3A_481, %parallel_loop3A_1160 : vector<16xf32>
        %parallel_loop3A_1165 = arith.addf %parallel_loop3A_1163, %parallel_loop3A_1164 : vector<16xf32>
        %parallel_loop3A_1166 = arith.addf %parallel_loop3A_1165, %bitcast3A_498 : vector<16xf32>
        %parallel_loop3A_1167 = arith.mulf %bitcast3A_515, %parallel_loop3A_1130 : vector<16xf32>
        %parallel_loop3A_1168 = arith.mulf %bitcast3A_532, %parallel_loop3A_1145 : vector<16xf32>
        %parallel_loop3A_1169 = arith.addf %parallel_loop3A_1167, %parallel_loop3A_1168 : vector<16xf32>
        %parallel_loop3A_1170 = arith.mulf %bitcast3A_549, %parallel_loop3A_1160 : vector<16xf32>
        %parallel_loop3A_1171 = arith.addf %parallel_loop3A_1169, %parallel_loop3A_1170 : vector<16xf32>
        %parallel_loop3A_1172 = arith.addf %parallel_loop3A_1171, %bitcast3A_566 : vector<16xf32>
        %parallel_loop3A_1173 = arith.mulf %bitcast3A_583, %parallel_loop3A_1130 : vector<16xf32>
        %parallel_loop3A_1174 = arith.mulf %bitcast3A_600, %parallel_loop3A_1145 : vector<16xf32>
        %parallel_loop3A_1175 = arith.addf %parallel_loop3A_1173, %parallel_loop3A_1174 : vector<16xf32>
        %parallel_loop3A_1176 = arith.mulf %bitcast3A_617, %parallel_loop3A_1160 : vector<16xf32>
        %parallel_loop3A_1177 = arith.addf %parallel_loop3A_1175, %parallel_loop3A_1176 : vector<16xf32>
        %parallel_loop3A_1178 = arith.addf %parallel_loop3A_1177, %bitcast3A_634 : vector<16xf32>
        %parallel_loop3A_1179 = arith.constant 1.120000e+02 : f32
        %parallel_loop3A_1180 = vector.broadcast %parallel_loop3A_1179 : f32 to vector<16xf32>
        %parallel_loop3A_1181 = arith.divf %parallel_loop3A_1178, %parallel_loop3A_1180 : vector<16xf32>
        %parallel_loop3A_1182 = arith.divf %parallel_loop3A_1166, %parallel_loop3A_1181 : vector<16xf32>
        %parallel_loop3A_1183 = arith.divf %parallel_loop3A_1172, %parallel_loop3A_1181 : vector<16xf32>
        %parallel_loop3A_1184 = arith.constant 0x4B000000 : f32
        %parallel_loop3A_1185 = vector.broadcast %parallel_loop3A_1184 : f32 to vector<16xf32>
        %parallel_loop3A_1186 = arith.addf %parallel_loop3A_1182, %parallel_loop3A_1185 : vector<16xf32>
        %parallel_loop3A_1187 = arith.constant 0x4B000000 : f32
        %parallel_loop3A_1188 = vector.broadcast %parallel_loop3A_1187 : f32 to vector<16xf32>
        %parallel_loop3A_1189 = arith.subf %parallel_loop3A_1186, %parallel_loop3A_1188 : vector<16xf32>
        %parallel_loop3A_1190 = arith.constant 0x4B000000 : f32
        %parallel_loop3A_1191 = vector.broadcast %parallel_loop3A_1190 : f32 to vector<16xf32>
        %parallel_loop3A_1192 = arith.addf %parallel_loop3A_1183, %parallel_loop3A_1191 : vector<16xf32>
        %parallel_loop3A_1193 = arith.constant 0x4B000000 : f32
        %parallel_loop3A_1194 = vector.broadcast %parallel_loop3A_1193 : f32 to vector<16xf32>
        %parallel_loop3A_1195 = arith.subf %parallel_loop3A_1192, %parallel_loop3A_1194 : vector<16xf32>
        %parallel_loop3A_1196 = arith.fptosi %parallel_loop3A_1195 : vector<16xf32> to vector<16xi32>
        %parallel_loop3A_1197 = arith.constant 224 : i32
        %parallel_loop3A_1198 = vector.broadcast %parallel_loop3A_1197 : i32 to vector<16xi32>
        %parallel_loop3A_1199 = arith.subi %parallel_loop3A_1198, %parallel_loop3A_1196 : vector<16xi32>
        %parallel_loop3A_1200 = arith.constant 0 : i32
        %parallel_loop3A_1201 = vector.broadcast %parallel_loop3A_1200 : i32 to vector<16xi32>
        %parallel_loop3A_1202 = arith.maxsi %parallel_loop3A_1199, %parallel_loop3A_1201 : vector<16xi32>
        %parallel_loop3A_1203 = arith.constant 223 : i32
        %parallel_loop3A_1204 = vector.broadcast %parallel_loop3A_1203 : i32 to vector<16xi32>
        %parallel_loop3A_1205 = arith.minsi %parallel_loop3A_1202, %parallel_loop3A_1204 : vector<16xi32>
        %parallel_loop3A_1206 = arith.fptosi %parallel_loop3A_1189 : vector<16xf32> to vector<16xi32>
        %parallel_loop3A_1207 = arith.constant 0 : i32
        %parallel_loop3A_1208 = vector.broadcast %parallel_loop3A_1207 : i32 to vector<16xi32>
        %parallel_loop3A_1209 = arith.maxsi %parallel_loop3A_1206, %parallel_loop3A_1208 : vector<16xi32>
        %parallel_loop3A_1210 = arith.constant 223 : i32
        %parallel_loop3A_1211 = vector.broadcast %parallel_loop3A_1210 : i32 to vector<16xi32>
        %parallel_loop3A_1212 = arith.minsi %parallel_loop3A_1209, %parallel_loop3A_1211 : vector<16xi32>
        %parallel_loop3A_1213 = arith.constant 224 : i32
        %parallel_loop3A_1214 = vector.broadcast %parallel_loop3A_1213 : i32 to vector<16xi32>
        %parallel_loop3A_1215 = arith.muli %parallel_loop3A_1205, %parallel_loop3A_1214 : vector<16xi32>
        %parallel_loop3A_1216 = arith.addi %parallel_loop3A_1215, %parallel_loop3A_1212 : vector<16xi32>
        %parallel_loop3A_1217 = arith.constant 2.240000e+02 : f32
        %parallel_loop3A_1218 = vector.broadcast %parallel_loop3A_1217 : f32 to vector<16xf32>
        %parallel_loop3A_1219 = arith.subf %parallel_loop3A_1218, %parallel_loop3A_1195 : vector<16xf32>
        %parallel_loop3A_1220 = arith.constant 0.000000e+00 : f32
        %parallel_loop3A_1221 = vector.broadcast %parallel_loop3A_1220 : f32 to vector<16xf32>
        %parallel_loop3A_1222 = arith.maximumf %parallel_loop3A_1219, %parallel_loop3A_1221 : vector<16xf32>
        %parallel_loop3A_1223 = arith.constant 2.230000e+02 : f32
        %parallel_loop3A_1224 = vector.broadcast %parallel_loop3A_1223 : f32 to vector<16xf32>
        %parallel_loop3A_1225 = arith.minimumf %parallel_loop3A_1222, %parallel_loop3A_1224 : vector<16xf32>
        %parallel_loop3A_1226 = arith.constant 0.000000e+00 : f32
        %parallel_loop3A_1227 = vector.broadcast %parallel_loop3A_1226 : f32 to vector<16xf32>
        %parallel_loop3A_1228 = arith.maximumf %parallel_loop3A_1189, %parallel_loop3A_1227 : vector<16xf32>
        %parallel_loop3A_1229 = arith.constant 2.230000e+02 : f32
        %parallel_loop3A_1230 = vector.broadcast %parallel_loop3A_1229 : f32 to vector<16xf32>
        %parallel_loop3A_1231 = arith.minimumf %parallel_loop3A_1228, %parallel_loop3A_1230 : vector<16xf32>
        %parallel_loop3A_1232 = arith.constant 2.240000e+02 : f32
        %parallel_loop3A_1233 = vector.broadcast %parallel_loop3A_1232 : f32 to vector<16xf32>
        %parallel_loop3A_1234 = arith.mulf %parallel_loop3A_1225, %parallel_loop3A_1233 : vector<16xf32>
        %parallel_loop3A_1235 = arith.addf %parallel_loop3A_1234, %parallel_loop3A_1231 : vector<16xf32>
        %parallel_loop3A_1236 = arith.fptosi %parallel_loop3A_1235 : vector<16xf32> to vector<16xi32>
        %parallel_loop3A_1237 = arith.constant 2.000000e+00 : f32
        %parallel_loop3A_1238 = vector.broadcast %parallel_loop3A_1237 : f32 to vector<16xf32>
        %parallel_loop3A_1239 = arith.mulf %parallel_loop3A_1181, %parallel_loop3A_1238 : vector<16xf32>
        %parallel_loop3A_1240 = arith.constant 1.120000e+02 : f32
        %parallel_loop3A_1241 = vector.broadcast %parallel_loop3A_1240 : f32 to vector<16xf32>
        %parallel_loop3A_1242 = arith.mulf %parallel_loop3A_1239, %parallel_loop3A_1241 : vector<16xf32>
        %parallel_loop3A_1243 = arith.constant 1.370000e+02 : f32
        %parallel_loop3A_1244 = vector.broadcast %parallel_loop3A_1243 : f32 to vector<16xf32>
        %parallel_loop3A_1245 = arith.divf %parallel_loop3A_1242, %parallel_loop3A_1244 : vector<16xf32>
        %parallel_loop3A_1246 = arith.constant 784 : i32
        %parallel_loop3A_1247 = arith.muli %scan3A_994, %parallel_loop3A_1246 : i32
        %parallel_loop3A_1248 = arith.constant 16 : i32
        %parallel_loop3A_1249 = arith.muli %parallel_loop3A_1036, %parallel_loop3A_1248 : i32
        %parallel_loop3A_1250 = arith.addi %parallel_loop3A_1247, %parallel_loop3A_1249 : i32
        %parallel_loop3A_1251 = vector.bitcast %parallel_loop3A_1216 : vector<16xi32> to vector<16xf32>
        %parallel_loop3A_1252 = arith.constant 0 : i32
        %parallel_loop3A_1253 = arith.addi %parallel_loop3A_1252, %parallel_loop3A_1250 : i32
        %parallel_loop3A_1254 = arith.index_cast %parallel_loop3A_1253 : i32 to index
        %parallel_loop3A_1255 = tpu.vector_load %arg11[%parallel_loop3A_1254] {strides = array<i32>} : memref<25088xf32, #tpu.memory_space<vmem>>, vector<16xf32>,
        tpu.vector_store %arg11[%parallel_loop3A_1254], %parallel_loop3A_1251 {strides = array<i32>} : memref<25088xf32, #tpu.memory_space<vmem>>, vector<16xf32>,
        %parallel_loop3A_1256 = vector.bitcast %parallel_loop3A_1236 : vector<16xi32> to vector<16xf32>
        %parallel_loop3A_1257 = arith.constant 3136 : i32
        %parallel_loop3A_1258 = arith.addi %parallel_loop3A_1257, %parallel_loop3A_1250 : i32
        %parallel_loop3A_1259 = arith.index_cast %parallel_loop3A_1258 : i32 to index
        %parallel_loop3A_1260 = tpu.vector_load %arg11[%parallel_loop3A_1259] {strides = array<i32>} : memref<25088xf32, #tpu.memory_space<vmem>>, vector<16xf32>,
        tpu.vector_store %arg11[%parallel_loop3A_1259], %parallel_loop3A_1256 {strides = array<i32>} : memref<25088xf32, #tpu.memory_space<vmem>>, vector<16xf32>,
        %parallel_loop3A_1261 = arith.constant 6272 : i32
        %parallel_loop3A_1262 = arith.addi %parallel_loop3A_1261, %parallel_loop3A_1250 : i32
        %parallel_loop3A_1263 = arith.index_cast %parallel_loop3A_1262 : i32 to index
        %parallel_loop3A_1264 = tpu.vector_load %arg11[%parallel_loop3A_1263] {strides = array<i32>} : memref<25088xf32, #tpu.memory_space<vmem>>, vector<16xf32>,
        tpu.vector_store %arg11[%parallel_loop3A_1263], %parallel_loop3A_1245 {strides = array<i32>} : memref<25088xf32, #tpu.memory_space<vmem>>, vector<16xf32>,
      } {sc.loop_unroll_factor = 4 : i64, sc.parallel_access}
    }
    %scan3A_843 = arith.constant 4 : i32
    %mul3A_844 = arith.constant 50176 : i32
    %mul3A_845 = arith.muli %add3A_424, %mul3A_844 : i32
    %mul3A_846 = arith.constant 3136 : i32
    %mul3A_847 = arith.muli %arg1, %mul3A_846 : i32
    %add3A_848 = arith.addi %mul3A_845, %mul3A_847 : i32
    %multiple_of3A_849 = tpu.assume_multiple %add3A_848, 8 : i32
    "tpu.region"() ({
      %run_scoped3A = tpu.sem_alloc : memref<!tpu.dma_semaphore, #tpu.memory_space<semaphore_mem>>
      %dma_start3A = arith.constant 0 : i32
      %dma_start3A_994 = tpu.memref_slice %arg11[%dma_start3A] : memref<25088xf32, #tpu.memory_space<vmem>> -> memref<3136xf32, #tpu.memory_space<vmem>>
      %dma_start3A_995 = tpu.memref_slice %arg14[%multiple_of3A_849] : memref<200704xf32, #tpu.memory_space<hbm>> -> memref<3136xf32, #tpu.memory_space<hbm>>
      %dma_start3A_996 = tpu.memref_slice %arg14[%multiple_of3A_849] : memref<200704xf32, #tpu.memory_space<hbm>> -> memref<3136xf32, #tpu.memory_space<hbm>>
      %dma_start3A_997 = arith.constant 0 : i32
      %dma_start3A_998 = tpu.memref_slice %arg11[%dma_start3A_997] : memref<25088xf32, #tpu.memory_space<vmem>> -> memref<3136xf32, #tpu.memory_space<vmem>>
      tpu.enqueue_dma source(%dma_start3A_998 : memref<3136xf32, #tpu.memory_space<vmem>>) target(%dma_start3A_996 : memref<3136xf32, #tpu.memory_space<hbm>>) target_semaphore(%run_scoped3A : memref<!tpu.dma_semaphore, #tpu.memory_space<semaphore_mem>>)
      %dma_wait3A_999 = arith.constant 0 : i32
      %dma_wait3A_1000 = tpu.memref_slice %arg11[%dma_wait3A_999] : memref<25088xf32, #tpu.memory_space<vmem>> -> memref<3136xf32, #tpu.memory_space<vmem>>
      %dma_wait3A_1001 = tpu.memref_slice %arg14[%multiple_of3A_849] : memref<200704xf32, #tpu.memory_space<hbm>> -> memref<3136xf32, #tpu.memory_space<hbm>>
      %dma_wait3A_1002 = tpu.memref_slice %arg14[%multiple_of3A_849] : memref<200704xf32, #tpu.memory_space<hbm>> -> memref<3136xf32, #tpu.memory_space<hbm>>
      %dma_wait3A_1003 = arith.constant 0 : i32
      %dma_wait3A_1004 = tpu.memref_slice %arg11[%dma_wait3A_1003] : memref<25088xf32, #tpu.memory_space<vmem>> -> memref<3136xf32, #tpu.memory_space<vmem>>
      tpu.wait_dma2 semaphore(%run_scoped3A : memref<!tpu.dma_semaphore, #tpu.memory_space<semaphore_mem>>) src(%dma_wait3A_1004 : memref<3136xf32, #tpu.memory_space<vmem>>) dst(%dma_wait3A_1002 : memref<3136xf32, #tpu.memory_space<hbm>>)
      tpu.yield
    }) : () -> ()
    "tpu.region"() ({
      %run_scoped3A = tpu.sem_alloc : memref<!tpu.dma_semaphore, #tpu.memory_space<semaphore_mem>>
      %dma_start3A = arith.constant 3136 : i32
      %dma_start3A_994 = tpu.memref_slice %arg11[%dma_start3A] : memref<25088xf32, #tpu.memory_space<vmem>> -> memref<3136xf32, #tpu.memory_space<vmem>>
      %dma_start3A_995 = tpu.memref_slice %arg16[%multiple_of3A_849] : memref<200704xf32, #tpu.memory_space<hbm>> -> memref<3136xf32, #tpu.memory_space<hbm>>
      %dma_start3A_996 = tpu.memref_slice %arg16[%multiple_of3A_849] : memref<200704xf32, #tpu.memory_space<hbm>> -> memref<3136xf32, #tpu.memory_space<hbm>>
      %dma_start3A_997 = arith.constant 3136 : i32
      %dma_start3A_998 = tpu.memref_slice %arg11[%dma_start3A_997] : memref<25088xf32, #tpu.memory_space<vmem>> -> memref<3136xf32, #tpu.memory_space<vmem>>
      tpu.enqueue_dma source(%dma_start3A_998 : memref<3136xf32, #tpu.memory_space<vmem>>) target(%dma_start3A_996 : memref<3136xf32, #tpu.memory_space<hbm>>) target_semaphore(%run_scoped3A : memref<!tpu.dma_semaphore, #tpu.memory_space<semaphore_mem>>)
      %dma_wait3A_999 = arith.constant 3136 : i32
      %dma_wait3A_1000 = tpu.memref_slice %arg11[%dma_wait3A_999] : memref<25088xf32, #tpu.memory_space<vmem>> -> memref<3136xf32, #tpu.memory_space<vmem>>
      %dma_wait3A_1001 = tpu.memref_slice %arg16[%multiple_of3A_849] : memref<200704xf32, #tpu.memory_space<hbm>> -> memref<3136xf32, #tpu.memory_space<hbm>>
      %dma_wait3A_1002 = tpu.memref_slice %arg16[%multiple_of3A_849] : memref<200704xf32, #tpu.memory_space<hbm>> -> memref<3136xf32, #tpu.memory_space<hbm>>
      %dma_wait3A_1003 = arith.constant 3136 : i32
      %dma_wait3A_1004 = tpu.memref_slice %arg11[%dma_wait3A_1003] : memref<25088xf32, #tpu.memory_space<vmem>> -> memref<3136xf32, #tpu.memory_space<vmem>>
      tpu.wait_dma2 semaphore(%run_scoped3A : memref<!tpu.dma_semaphore, #tpu.memory_space<semaphore_mem>>) src(%dma_wait3A_1004 : memref<3136xf32, #tpu.memory_space<vmem>>) dst(%dma_wait3A_1002 : memref<3136xf32, #tpu.memory_space<hbm>>)
      tpu.yield
    }) : () -> ()
    "tpu.region"() ({
      %run_scoped3A = tpu.sem_alloc : memref<!tpu.dma_semaphore, #tpu.memory_space<semaphore_mem>>
      %dma_start3A = arith.constant 6272 : i32
      %dma_start3A_994 = tpu.memref_slice %arg11[%dma_start3A] : memref<25088xf32, #tpu.memory_space<vmem>> -> memref<3136xf32, #tpu.memory_space<vmem>>
      %dma_start3A_995 = tpu.memref_slice %arg15[%multiple_of3A_849] : memref<200704xf32, #tpu.memory_space<hbm>> -> memref<3136xf32, #tpu.memory_space<hbm>>
      %dma_start3A_996 = tpu.memref_slice %arg15[%multiple_of3A_849] : memref<200704xf32, #tpu.memory_space<hbm>> -> memref<3136xf32, #tpu.memory_space<hbm>>
      %dma_start3A_997 = arith.constant 6272 : i32
      %dma_start3A_998 = tpu.memref_slice %arg11[%dma_start3A_997] : memref<25088xf32, #tpu.memory_space<vmem>> -> memref<3136xf32, #tpu.memory_space<vmem>>
      tpu.enqueue_dma source(%dma_start3A_998 : memref<3136xf32, #tpu.memory_space<vmem>>) target(%dma_start3A_996 : memref<3136xf32, #tpu.memory_space<hbm>>) target_semaphore(%run_scoped3A : memref<!tpu.dma_semaphore, #tpu.memory_space<semaphore_mem>>)
      %dma_wait3A_999 = arith.constant 6272 : i32
      %dma_wait3A_1000 = tpu.memref_slice %arg11[%dma_wait3A_999] : memref<25088xf32, #tpu.memory_space<vmem>> -> memref<3136xf32, #tpu.memory_space<vmem>>
      %dma_wait3A_1001 = tpu.memref_slice %arg15[%multiple_of3A_849] : memref<200704xf32, #tpu.memory_space<hbm>> -> memref<3136xf32, #tpu.memory_space<hbm>>
      %dma_wait3A_1002 = tpu.memref_slice %arg15[%multiple_of3A_849] : memref<200704xf32, #tpu.memory_space<hbm>> -> memref<3136xf32, #tpu.memory_space<hbm>>
      %dma_wait3A_1003 = arith.constant 6272 : i32
      %dma_wait3A_1004 = tpu.memref_slice %arg11[%dma_wait3A_1003] : memref<25088xf32, #tpu.memory_space<vmem>> -> memref<3136xf32, #tpu.memory_space<vmem>>
      tpu.wait_dma2 semaphore(%run_scoped3A : memref<!tpu.dma_semaphore, #tpu.memory_space<semaphore_mem>>) src(%dma_wait3A_1004 : memref<3136xf32, #tpu.memory_space<vmem>>) dst(%dma_wait3A_1002 : memref<3136xf32, #tpu.memory_space<hbm>>)
      tpu.yield
    }) : () -> ()
    %barrier3A = arith.constant 0 : index
    tpu.barrier barrier_id(%barrier3A)
    %lt3A = arith.constant 2 : i32
    %lt3A_850 = arith.cmpi slt, %arg1, %lt3A : i32
    %convert_element_type3A = arith.extui %lt3A_850 : i1 to i32
    %cond3A = arith.constant 0 : i32
    %cond3A_851 = arith.cmpi ne, %convert_element_type3A, %cond3A : i32
    scf.if %cond3A_851 {
      %mul3A_994 = arith.constant 2 : i32
      %mul3A_995 = arith.muli %arg0, %mul3A_994 : i32
      %add3A_996 = arith.addi %mul3A_995, %arg1 : i32
      %scan3A_997 = arith.constant 0 : i32
      %scan3A_998 = arith.constant 3136 : i32
      %scan3A_999 = arith.addi %scan3A_997, %scan3A_998 : i32
      %scan3A_1000 = arith.constant 1 : i32
      scf.for %scan3A_1015 = %scan3A_997 to %scan3A_999 step %scan3A_1000  : i32 {
        %broadcast_in_dim3A_1016 = arith.constant 0.000000e+00 : f32
        %broadcast_in_dim3A_1017 = vector.broadcast %broadcast_in_dim3A_1016 : f32 to vector<16xf32>
        %mul3A_1018 = arith.constant 16 : i32
        %mul3A_1019 = arith.muli %scan3A_1015, %mul3A_1018 : i32
        %swap3A_1020 = arith.index_cast %mul3A_1019 : i32 to index
        %swap3A_1021 = tpu.vector_load %arg12[%swap3A_1020] {strides = array<i32>} : memref<50192xf32, #tpu.memory_space<vmem>>, vector<16xf32>,
        tpu.vector_store %arg12[%swap3A_1020], %broadcast_in_dim3A_1017 {strides = array<i32>} : memref<50192xf32, #tpu.memory_space<vmem>>, vector<16xf32>,
      }
      %scan3A_1001 = arith.constant 3136 : i32
      %scan3A_1002 = arith.constant 0 : i32
      %scan3A_1003 = arith.constant 16 : i32
      %scan3A_1004 = arith.addi %scan3A_1002, %scan3A_1003 : i32
      %scan3A_1005 = arith.constant 1 : i32
      scf.for %scan3A_1015 = %scan3A_1002 to %scan3A_1004 step %scan3A_1005  : i32 {
        %mul3A_1016 = arith.constant 50176 : i32
        %mul3A_1017 = arith.muli %add3A_996, %mul3A_1016 : i32
        %mul3A_1018 = arith.constant 3136 : i32
        %mul3A_1019 = arith.muli %scan3A_1015, %mul3A_1018 : i32
        %add3A_1020 = arith.addi %mul3A_1017, %mul3A_1019 : i32
        %multiple_of3A_1021 = tpu.assume_multiple %add3A_1020, 8 : i32
        "tpu.region"() ({
          %run_scoped3A = tpu.sem_alloc : memref<!tpu.dma_semaphore, #tpu.memory_space<semaphore_mem>>
          %dma_start3A = arith.constant 0 : i32
          %dma_start3A_1027 = tpu.memref_slice %arg11[%dma_start3A] : memref<25088xf32, #tpu.memory_space<vmem>> -> memref<3136xf32, #tpu.memory_space<vmem>>
          %dma_start3A_1028 = tpu.memref_slice %arg14[%multiple_of3A_1021] : memref<200704xf32, #tpu.memory_space<hbm>> -> memref<3136xf32, #tpu.memory_space<hbm>>
          %dma_start3A_1029 = arith.constant 0 : i32
          %dma_start3A_1030 = tpu.memref_slice %arg11[%dma_start3A_1029] : memref<25088xf32, #tpu.memory_space<vmem>> -> memref<3136xf32, #tpu.memory_space<vmem>>
          %dma_start3A_1031 = tpu.memref_slice %arg14[%multiple_of3A_1021] : memref<200704xf32, #tpu.memory_space<hbm>> -> memref<3136xf32, #tpu.memory_space<hbm>>
          tpu.enqueue_dma source(%dma_start3A_1031 : memref<3136xf32, #tpu.memory_space<hbm>>) target(%dma_start3A_1030 : memref<3136xf32, #tpu.memory_space<vmem>>) target_semaphore(%run_scoped3A : memref<!tpu.dma_semaphore, #tpu.memory_space<semaphore_mem>>)
          %dma_wait3A_1032 = arith.constant 0 : i32
          %dma_wait3A_1033 = tpu.memref_slice %arg11[%dma_wait3A_1032] : memref<25088xf32, #tpu.memory_space<vmem>> -> memref<3136xf32, #tpu.memory_space<vmem>>
          %dma_wait3A_1034 = tpu.memref_slice %arg14[%multiple_of3A_1021] : memref<200704xf32, #tpu.memory_space<hbm>> -> memref<3136xf32, #tpu.memory_space<hbm>>
          %dma_wait3A_1035 = arith.constant 0 : i32
          %dma_wait3A_1036 = tpu.memref_slice %arg11[%dma_wait3A_1035] : memref<25088xf32, #tpu.memory_space<vmem>> -> memref<3136xf32, #tpu.memory_space<vmem>>
          %dma_wait3A_1037 = tpu.memref_slice %arg14[%multiple_of3A_1021] : memref<200704xf32, #tpu.memory_space<hbm>> -> memref<3136xf32, #tpu.memory_space<hbm>>
          tpu.wait_dma2 semaphore(%run_scoped3A : memref<!tpu.dma_semaphore, #tpu.memory_space<semaphore_mem>>) src(%dma_wait3A_1037 : memref<3136xf32, #tpu.memory_space<hbm>>) dst(%dma_wait3A_1036 : memref<3136xf32, #tpu.memory_space<vmem>>)
          tpu.yield
        }) : () -> ()
        "tpu.region"() ({
          %run_scoped3A = tpu.sem_alloc : memref<!tpu.dma_semaphore, #tpu.memory_space<semaphore_mem>>
          %dma_start3A = arith.constant 6272 : i32
          %dma_start3A_1027 = tpu.memref_slice %arg11[%dma_start3A] : memref<25088xf32, #tpu.memory_space<vmem>> -> memref<3136xf32, #tpu.memory_space<vmem>>
          %dma_start3A_1028 = tpu.memref_slice %arg15[%multiple_of3A_1021] : memref<200704xf32, #tpu.memory_space<hbm>> -> memref<3136xf32, #tpu.memory_space<hbm>>
          %dma_start3A_1029 = arith.constant 6272 : i32
          %dma_start3A_1030 = tpu.memref_slice %arg11[%dma_start3A_1029] : memref<25088xf32, #tpu.memory_space<vmem>> -> memref<3136xf32, #tpu.memory_space<vmem>>
          %dma_start3A_1031 = tpu.memref_slice %arg15[%multiple_of3A_1021] : memref<200704xf32, #tpu.memory_space<hbm>> -> memref<3136xf32, #tpu.memory_space<hbm>>
          tpu.enqueue_dma source(%dma_start3A_1031 : memref<3136xf32, #tpu.memory_space<hbm>>) target(%dma_start3A_1030 : memref<3136xf32, #tpu.memory_space<vmem>>) target_semaphore(%run_scoped3A : memref<!tpu.dma_semaphore, #tpu.memory_space<semaphore_mem>>)
          %dma_wait3A_1032 = arith.constant 6272 : i32
          %dma_wait3A_1033 = tpu.memref_slice %arg11[%dma_wait3A_1032] : memref<25088xf32, #tpu.memory_space<vmem>> -> memref<3136xf32, #tpu.memory_space<vmem>>
          %dma_wait3A_1034 = tpu.memref_slice %arg15[%multiple_of3A_1021] : memref<200704xf32, #tpu.memory_space<hbm>> -> memref<3136xf32, #tpu.memory_space<hbm>>
          %dma_wait3A_1035 = arith.constant 6272 : i32
          %dma_wait3A_1036 = tpu.memref_slice %arg11[%dma_wait3A_1035] : memref<25088xf32, #tpu.memory_space<vmem>> -> memref<3136xf32, #tpu.memory_space<vmem>>
          %dma_wait3A_1037 = tpu.memref_slice %arg15[%multiple_of3A_1021] : memref<200704xf32, #tpu.memory_space<hbm>> -> memref<3136xf32, #tpu.memory_space<hbm>>
          tpu.wait_dma2 semaphore(%run_scoped3A : memref<!tpu.dma_semaphore, #tpu.memory_space<semaphore_mem>>) src(%dma_wait3A_1037 : memref<3136xf32, #tpu.memory_space<hbm>>) dst(%dma_wait3A_1036 : memref<3136xf32, #tpu.memory_space<vmem>>)
          tpu.yield
        }) : () -> ()
        %scan3A_1022 = arith.constant 0 : i32
        %scan3A_1023 = arith.constant 196 : i32
        %scan3A_1024 = arith.addi %scan3A_1022, %scan3A_1023 : i32
        %scan3A_1025 = arith.constant 1 : i32
        scf.for %scan3A_1027 = %scan3A_1022 to %scan3A_1024 step %scan3A_1025  : i32 {
          %mul3A_1028 = arith.constant 16 : i32
          %mul3A_1029 = arith.muli %scan3A_1027, %mul3A_1028 : i32
          %add3A_1030 = arith.constant 0 : i32
          %add3A_1031 = arith.addi %add3A_1030, %mul3A_1029 : i32
          %get3A_1032 = arith.index_cast %add3A_1031 : i32 to index
          %get3A_1033 = tpu.vector_load %arg11[%get3A_1032] {strides = array<i32>} : memref<25088xf32, #tpu.memory_space<vmem>>, vector<16xf32>,
          %bitcast3A_1034 = vector.bitcast %get3A_1033 : vector<16xf32> to vector<16xi32>
          %mul3A_1035 = arith.constant 16 : i32
          %mul3A_1036 = arith.muli %scan3A_1027, %mul3A_1035 : i32
          %add3A_1037 = arith.constant 6272 : i32
          %add3A_1038 = arith.addi %add3A_1037, %mul3A_1036 : i32
          %get3A_1039 = arith.index_cast %add3A_1038 : i32 to index
          %get3A_1040 = tpu.vector_load %arg11[%get3A_1039] {strides = array<i32>} : memref<25088xf32, #tpu.memory_space<vmem>>, vector<16xf32>,
          %broadcast_in_dim3A_1041 = arith.constant true
          %broadcast_in_dim3A_1042 = vector.broadcast %broadcast_in_dim3A_1041 : i1 to vector<16xi1>
          %unique3A, %unique3A_1043 = tpu.scan_count mask(%broadcast_in_dim3A_1042 : vector<16xi1>) value(%bitcast3A_1034 : vector<16xi32>) : vector<16xi1>, vector<16xi32>
          tpu.vector_store_idx %arg12[%bitcast3A_1034], %get3A_1040 masked %unique3A : memref<50192xf32, #tpu.memory_space<vmem>>[vector<16xi32>], vector<16xf32>, vector<16xi1>
        }
        %scan3A_1026 = arith.constant 196 : i32
      }
      %scan3A_1006 = arith.constant 16 : i32
      %mul3A_1007 = arith.constant 50176 : i32
      %mul3A_1008 = arith.muli %add3A_996, %mul3A_1007 : i32
      %multiple_of3A_1009 = tpu.assume_multiple %mul3A_1008, 8 : i32
      "tpu.region"() ({
        %run_scoped3A = tpu.sem_alloc : memref<!tpu.dma_semaphore, #tpu.memory_space<semaphore_mem>>
        %dma_start3A = tpu.memref_slice %arg5[%multiple_of3A_1009] : memref<200704xf32, #tpu.memory_space<hbm>> -> memref<50176xf32, #tpu.memory_space<hbm>>
        %dma_start3A_1015 = tpu.memref_slice %arg5[%multiple_of3A_1009] : memref<200704xf32, #tpu.memory_space<hbm>> -> memref<50176xf32, #tpu.memory_space<hbm>>
        tpu.enqueue_dma source(%dma_start3A_1015 : memref<50176xf32, #tpu.memory_space<hbm>>) target(%arg13 : memref<50176xf32, #tpu.memory_space<vmem>>) target_semaphore(%run_scoped3A : memref<!tpu.dma_semaphore, #tpu.memory_space<semaphore_mem>>)
        %dma_wait3A_1016 = tpu.memref_slice %arg5[%multiple_of3A_1009] : memref<200704xf32, #tpu.memory_space<hbm>> -> memref<50176xf32, #tpu.memory_space<hbm>>
        %dma_wait3A_1017 = tpu.memref_slice %arg5[%multiple_of3A_1009] : memref<200704xf32, #tpu.memory_space<hbm>> -> memref<50176xf32, #tpu.memory_space<hbm>>
        tpu.wait_dma2 semaphore(%run_scoped3A : memref<!tpu.dma_semaphore, #tpu.memory_space<semaphore_mem>>) src(%dma_wait3A_1017 : memref<50176xf32, #tpu.memory_space<hbm>>) dst(%arg13 : memref<50176xf32, #tpu.memory_space<vmem>>)
        tpu.yield
      }) : () -> ()
      %scan3A_1010 = arith.constant 0 : i32
      %scan3A_1011 = arith.constant 16 : i32
      %scan3A_1012 = arith.addi %scan3A_1010, %scan3A_1011 : i32
      %scan3A_1013 = arith.constant 1 : i32
      scf.for %scan3A_1015 = %scan3A_1010 to %scan3A_1012 step %scan3A_1013  : i32 {
        %mul3A_1016 = arith.constant 50176 : i32
        %mul3A_1017 = arith.muli %add3A_996, %mul3A_1016 : i32
        %mul3A_1018 = arith.constant 3136 : i32
        %mul3A_1019 = arith.muli %scan3A_1015, %mul3A_1018 : i32
        %add3A_1020 = arith.addi %mul3A_1017, %mul3A_1019 : i32
        %multiple_of3A_1021 = tpu.assume_multiple %add3A_1020, 8 : i32
        "tpu.region"() ({
          %run_scoped3A = tpu.sem_alloc : memref<!tpu.dma_semaphore, #tpu.memory_space<semaphore_mem>>
          %dma_start3A = arith.constant 3136 : i32
          %dma_start3A_1024 = tpu.memref_slice %arg11[%dma_start3A] : memref<25088xf32, #tpu.memory_space<vmem>> -> memref<3136xf32, #tpu.memory_space<vmem>>
          %dma_start3A_1025 = tpu.memref_slice %arg16[%multiple_of3A_1021] : memref<200704xf32, #tpu.memory_space<hbm>> -> memref<3136xf32, #tpu.memory_space<hbm>>
          %dma_start3A_1026 = arith.constant 3136 : i32
          %dma_start3A_1027 = tpu.memref_slice %arg11[%dma_start3A_1026] : memref<25088xf32, #tpu.memory_space<vmem>> -> memref<3136xf32, #tpu.memory_space<vmem>>
          %dma_start3A_1028 = tpu.memref_slice %arg16[%multiple_of3A_1021] : memref<200704xf32, #tpu.memory_space<hbm>> -> memref<3136xf32, #tpu.memory_space<hbm>>
          tpu.enqueue_dma source(%dma_start3A_1028 : memref<3136xf32, #tpu.memory_space<hbm>>) target(%dma_start3A_1027 : memref<3136xf32, #tpu.memory_space<vmem>>) target_semaphore(%run_scoped3A : memref<!tpu.dma_semaphore, #tpu.memory_space<semaphore_mem>>)
          %dma_wait3A_1029 = arith.constant 3136 : i32
          %dma_wait3A_1030 = tpu.memref_slice %arg11[%dma_wait3A_1029] : memref<25088xf32, #tpu.memory_space<vmem>> -> memref<3136xf32, #tpu.memory_space<vmem>>
          %dma_wait3A_1031 = tpu.memref_slice %arg16[%multiple_of3A_1021] : memref<200704xf32, #tpu.memory_space<hbm>> -> memref<3136xf32, #tpu.memory_space<hbm>>
          %dma_wait3A_1032 = arith.constant 3136 : i32
          %dma_wait3A_1033 = tpu.memref_slice %arg11[%dma_wait3A_1032] : memref<25088xf32, #tpu.memory_space<vmem>> -> memref<3136xf32, #tpu.memory_space<vmem>>
          %dma_wait3A_1034 = tpu.memref_slice %arg16[%multiple_of3A_1021] : memref<200704xf32, #tpu.memory_space<hbm>> -> memref<3136xf32, #tpu.memory_space<hbm>>
          tpu.wait_dma2 semaphore(%run_scoped3A : memref<!tpu.dma_semaphore, #tpu.memory_space<semaphore_mem>>) src(%dma_wait3A_1034 : memref<3136xf32, #tpu.memory_space<hbm>>) dst(%dma_wait3A_1033 : memref<3136xf32, #tpu.memory_space<vmem>>)
          tpu.yield
        }) : () -> ()
        %parallel_loop3A = arith.constant 0 : i32
        %parallel_loop3A_1022 = arith.constant 196 : i32
        %parallel_loop3A_1023 = arith.constant 1 : i32
        scf.for %parallel_loop3A_1024 = %parallel_loop3A to %parallel_loop3A_1022 step %parallel_loop3A_1023  : i32 {
          %parallel_loop3A_1025 = arith.constant 16 : i32
          %parallel_loop3A_1026 = arith.muli %parallel_loop3A_1024, %parallel_loop3A_1025 : i32
          %parallel_loop3A_1027 = arith.constant 3136 : i32
          %parallel_loop3A_1028 = arith.addi %parallel_loop3A_1027, %parallel_loop3A_1026 : i32
          %parallel_loop3A_1029 = arith.index_cast %parallel_loop3A_1028 : i32 to index
          %parallel_loop3A_1030 = tpu.vector_load %arg11[%parallel_loop3A_1029] {strides = array<i32>} : memref<25088xf32, #tpu.memory_space<vmem>>, vector<16xf32>,
          %parallel_loop3A_1031 = vector.bitcast %parallel_loop3A_1030 : vector<16xf32> to vector<16xi32>
          %parallel_loop3A_1032 = tpu.vector_load_idx %arg12[%parallel_loop3A_1031] : memref<50192xf32, #tpu.memory_space<vmem>>[vector<16xi32>], vector<16xf32>,
          %parallel_loop3A_1033 = tpu.vector_load_idx %arg13[%parallel_loop3A_1031] : memref<50176xf32, #tpu.memory_space<vmem>>[vector<16xi32>], vector<16xf32>,
          %parallel_loop3A_1034 = arith.constant 0.000000e+00 : f32
          %parallel_loop3A_1035 = vector.broadcast %parallel_loop3A_1034 : f32 to vector<16xf32>
          %parallel_loop3A_1036 = arith.cmpf one, %parallel_loop3A_1032, %parallel_loop3A_1035 : vector<16xf32>
          %parallel_loop3A_1037 = arith.subf %parallel_loop3A_1032, %parallel_loop3A_1033 : vector<16xf32>
          %parallel_loop3A_1038 = math.absf %parallel_loop3A_1037 : vector<16xf32>
          %parallel_loop3A_1039 = arith.constant 2.000000e-02 : f32
          %parallel_loop3A_1040 = vector.broadcast %parallel_loop3A_1039 : f32 to vector<16xf32>
          %parallel_loop3A_1041 = arith.cmpf olt, %parallel_loop3A_1038, %parallel_loop3A_1040 : vector<16xf32>
          %parallel_loop3A_1042 = arith.andi %parallel_loop3A_1036, %parallel_loop3A_1041 : vector<16xi1>
          %parallel_loop3A_1043 = arith.constant 50176 : i32
          %parallel_loop3A_1044 = vector.broadcast %parallel_loop3A_1043 : i32 to vector<16xi32>
          %parallel_loop3A_1045 = arith.addi %parallel_loop3A_1044, %iota3A : vector<16xi32>
          %parallel_loop3A_1046 = arith.select %parallel_loop3A_1042, %parallel_loop3A_1031, %parallel_loop3A_1045 : vector<16xi1>, vector<16xi32>
          %parallel_loop3A_1047 = vector.bitcast %parallel_loop3A_1046 : vector<16xi32> to vector<16xf32>
          %parallel_loop3A_1048 = arith.constant 16 : i32
          %parallel_loop3A_1049 = arith.muli %parallel_loop3A_1024, %parallel_loop3A_1048 : i32
          %parallel_loop3A_1050 = arith.constant 6272 : i32
          %parallel_loop3A_1051 = arith.addi %parallel_loop3A_1050, %parallel_loop3A_1049 : i32
          %parallel_loop3A_1052 = arith.index_cast %parallel_loop3A_1051 : i32 to index
          %parallel_loop3A_1053 = tpu.vector_load %arg11[%parallel_loop3A_1052] {strides = array<i32>} : memref<25088xf32, #tpu.memory_space<vmem>>, vector<16xf32>,
          tpu.vector_store %arg11[%parallel_loop3A_1052], %parallel_loop3A_1047 {strides = array<i32>} : memref<25088xf32, #tpu.memory_space<vmem>>, vector<16xf32>,
        } {sc.loop_unroll_factor = 4 : i64, sc.parallel_access}
        "tpu.region"() ({
          %run_scoped3A = tpu.sem_alloc : memref<!tpu.dma_semaphore, #tpu.memory_space<semaphore_mem>>
          %dma_start3A = arith.constant 6272 : i32
          %dma_start3A_1024 = tpu.memref_slice %arg11[%dma_start3A] : memref<25088xf32, #tpu.memory_space<vmem>> -> memref<3136xf32, #tpu.memory_space<vmem>>
          %dma_start3A_1025 = tpu.memref_slice %arg17[%multiple_of3A_1021] : memref<200704xf32, #tpu.memory_space<hbm>> -> memref<3136xf32, #tpu.memory_space<hbm>>
          %dma_start3A_1026 = tpu.memref_slice %arg17[%multiple_of3A_1021] : memref<200704xf32, #tpu.memory_space<hbm>> -> memref<3136xf32, #tpu.memory_space<hbm>>
          %dma_start3A_1027 = arith.constant 6272 : i32
          %dma_start3A_1028 = tpu.memref_slice %arg11[%dma_start3A_1027] : memref<25088xf32, #tpu.memory_space<vmem>> -> memref<3136xf32, #tpu.memory_space<vmem>>
          tpu.enqueue_dma source(%dma_start3A_1028 : memref<3136xf32, #tpu.memory_space<vmem>>) target(%dma_start3A_1026 : memref<3136xf32, #tpu.memory_space<hbm>>) target_semaphore(%run_scoped3A : memref<!tpu.dma_semaphore, #tpu.memory_space<semaphore_mem>>)
          %dma_wait3A_1029 = arith.constant 6272 : i32
          %dma_wait3A_1030 = tpu.memref_slice %arg11[%dma_wait3A_1029] : memref<25088xf32, #tpu.memory_space<vmem>> -> memref<3136xf32, #tpu.memory_space<vmem>>
          %dma_wait3A_1031 = tpu.memref_slice %arg17[%multiple_of3A_1021] : memref<200704xf32, #tpu.memory_space<hbm>> -> memref<3136xf32, #tpu.memory_space<hbm>>
          %dma_wait3A_1032 = tpu.memref_slice %arg17[%multiple_of3A_1021] : memref<200704xf32, #tpu.memory_space<hbm>> -> memref<3136xf32, #tpu.memory_space<hbm>>
          %dma_wait3A_1033 = arith.constant 6272 : i32
          %dma_wait3A_1034 = tpu.memref_slice %arg11[%dma_wait3A_1033] : memref<25088xf32, #tpu.memory_space<vmem>> -> memref<3136xf32, #tpu.memory_space<vmem>>
          tpu.wait_dma2 semaphore(%run_scoped3A : memref<!tpu.dma_semaphore, #tpu.memory_space<semaphore_mem>>) src(%dma_wait3A_1034 : memref<3136xf32, #tpu.memory_space<vmem>>) dst(%dma_wait3A_1032 : memref<3136xf32, #tpu.memory_space<hbm>>)
          tpu.yield
        }) : () -> ()
      }
      %scan3A_1014 = arith.constant 16 : i32
    } else {
    }
    %barrier3A_852 = arith.constant 0 : index
    tpu.barrier barrier_id(%barrier3A_852)
    %mul3A_853 = arith.constant 2 : i32
    %mul3A_854 = arith.muli %arg0, %mul3A_853 : i32
    %add3A_855 = arith.constant 0 : i32
    %add3A_856 = arith.addi %mul3A_854, %add3A_855 : i32
    %mul3A_857 = arith.constant 50176 : i32
    %mul3A_858 = arith.muli %add3A_856, %mul3A_857 : i32
    %multiple_of3A_859 = tpu.assume_multiple %mul3A_858, 8 : i32
    "tpu.region"() ({
      %run_scoped3A = tpu.sem_alloc : memref<!tpu.dma_semaphore, #tpu.memory_space<semaphore_mem>>
      %dma_start3A = tpu.memref_slice %arg17[%multiple_of3A_859] : memref<200704xf32, #tpu.memory_space<hbm>> -> memref<50176xf32, #tpu.memory_space<hbm>>
      %dma_start3A_994 = tpu.memref_slice %arg17[%multiple_of3A_859] : memref<200704xf32, #tpu.memory_space<hbm>> -> memref<50176xf32, #tpu.memory_space<hbm>>
      tpu.enqueue_dma source(%dma_start3A_994 : memref<50176xf32, #tpu.memory_space<hbm>>) target(%arg13 : memref<50176xf32, #tpu.memory_space<vmem>>) target_semaphore(%run_scoped3A : memref<!tpu.dma_semaphore, #tpu.memory_space<semaphore_mem>>)
      %dma_wait3A_995 = tpu.memref_slice %arg17[%multiple_of3A_859] : memref<200704xf32, #tpu.memory_space<hbm>> -> memref<50176xf32, #tpu.memory_space<hbm>>
      %dma_wait3A_996 = tpu.memref_slice %arg17[%multiple_of3A_859] : memref<200704xf32, #tpu.memory_space<hbm>> -> memref<50176xf32, #tpu.memory_space<hbm>>
      tpu.wait_dma2 semaphore(%run_scoped3A : memref<!tpu.dma_semaphore, #tpu.memory_space<semaphore_mem>>) src(%dma_wait3A_996 : memref<50176xf32, #tpu.memory_space<hbm>>) dst(%arg13 : memref<50176xf32, #tpu.memory_space<vmem>>)
      tpu.yield
    }) : () -> ()
    %broadcast_in_dim3A = arith.constant 0.000000e+00 : f32
    %broadcast_in_dim3A_860 = vector.broadcast %broadcast_in_dim3A : f32 to vector<16xf32>
    %swap3A = arith.constant 50176 : index
    %swap3A_861 = tpu.vector_load %arg12[%swap3A] {strides = array<i32>} : memref<50192xf32, #tpu.memory_space<vmem>>, vector<16xf32>,
    tpu.vector_store %arg12[%swap3A], %broadcast_in_dim3A_860 {strides = array<i32>} : memref<50192xf32, #tpu.memory_space<vmem>>, vector<16xf32>,
    %scan3A_862 = arith.constant 0 : i32
    %scan3A_863 = arith.constant 16 : i32
    %scan3A_864 = arith.addi %scan3A_862, %scan3A_863 : i32
    %scan3A_865 = arith.constant 1 : i32
    scf.for %scan3A_994 = %scan3A_862 to %scan3A_864 step %scan3A_865  : i32 {
      %mul3A_995 = arith.constant 16 : i32
      %mul3A_996 = arith.muli %arg1, %mul3A_995 : i32
      %add3A_997 = arith.addi %mul3A_996, %scan3A_994 : i32
      %mul3A_998 = arith.constant 256 : i32
      %mul3A_999 = arith.muli %add3A_856, %mul3A_998 : i32
      %add3A_1000 = arith.addi %mul3A_999, %add3A_997 : i32
      %mul3A_1001 = arith.constant 50176 : i32
      %mul3A_1002 = arith.muli %add3A_1000, %mul3A_1001 : i32
      %multiple_of3A_1003 = tpu.assume_multiple %mul3A_1002, 8 : i32
      %add3A_1004 = arith.constant 0 : i32
      %add3A_1005 = arith.addi %multiple_of3A_1003, %add3A_1004 : i32
      %multiple_of3A_1006 = tpu.assume_multiple %add3A_1005, 8 : i32
      %dma_start3A = arith.constant 0 : i32
      %dma_start3A_1007 = arith.constant 0 : i32
      %dma_start3A_1008 = tpu.memref_slice %arg12[%dma_start3A_1007] : memref<50192xf32, #tpu.memory_space<vmem>> -> memref<12544xf32, #tpu.memory_space<vmem>>
      %dma_start3A_1009 = tpu.memref_slice %arg6[%multiple_of3A_1006] : memref<51380224xf32, #tpu.memory_space<hbm>> -> memref<12544xf32, #tpu.memory_space<hbm>>
      %dma_start3A_1010 = tpu.memref_slice %arg19[%dma_start3A] : memref<4x!tpu.dma_semaphore, #tpu.memory_space<semaphore_mem>> -> memref<1x!tpu.dma_semaphore, #tpu.memory_space<semaphore_mem>>
      %dma_start3A_1011 = tpu.memref_squeeze %dma_start3A_1010 : memref<1x!tpu.dma_semaphore, #tpu.memory_space<semaphore_mem>> -> memref<!tpu.dma_semaphore, #tpu.memory_space<semaphore_mem>>
      %dma_start3A_1012 = arith.constant 0 : i32
      %dma_start3A_1013 = tpu.memref_slice %arg12[%dma_start3A_1012] : memref<50192xf32, #tpu.memory_space<vmem>> -> memref<12544xf32, #tpu.memory_space<vmem>>
      %dma_start3A_1014 = tpu.memref_slice %arg6[%multiple_of3A_1006] : memref<51380224xf32, #tpu.memory_space<hbm>> -> memref<12544xf32, #tpu.memory_space<hbm>>
      tpu.enqueue_dma source(%dma_start3A_1014 : memref<12544xf32, #tpu.memory_space<hbm>>) target(%dma_start3A_1013 : memref<12544xf32, #tpu.memory_space<vmem>>) target_semaphore(%dma_start3A_1011 : memref<!tpu.dma_semaphore, #tpu.memory_space<semaphore_mem>>)
      %add3A_1015 = arith.constant 12544 : i32
      %add3A_1016 = arith.addi %multiple_of3A_1003, %add3A_1015 : i32
      %multiple_of3A_1017 = tpu.assume_multiple %add3A_1016, 8 : i32
      %dma_start3A_1018 = arith.constant 1 : i32
      %dma_start3A_1019 = arith.constant 12544 : i32
      %dma_start3A_1020 = tpu.memref_slice %arg12[%dma_start3A_1019] : memref<50192xf32, #tpu.memory_space<vmem>> -> memref<12544xf32, #tpu.memory_space<vmem>>
      %dma_start3A_1021 = tpu.memref_slice %arg6[%multiple_of3A_1017] : memref<51380224xf32, #tpu.memory_space<hbm>> -> memref<12544xf32, #tpu.memory_space<hbm>>
      %dma_start3A_1022 = tpu.memref_slice %arg19[%dma_start3A_1018] : memref<4x!tpu.dma_semaphore, #tpu.memory_space<semaphore_mem>> -> memref<1x!tpu.dma_semaphore, #tpu.memory_space<semaphore_mem>>
      %dma_start3A_1023 = tpu.memref_squeeze %dma_start3A_1022 : memref<1x!tpu.dma_semaphore, #tpu.memory_space<semaphore_mem>> -> memref<!tpu.dma_semaphore, #tpu.memory_space<semaphore_mem>>
      %dma_start3A_1024 = arith.constant 12544 : i32
      %dma_start3A_1025 = tpu.memref_slice %arg12[%dma_start3A_1024] : memref<50192xf32, #tpu.memory_space<vmem>> -> memref<12544xf32, #tpu.memory_space<vmem>>
      %dma_start3A_1026 = tpu.memref_slice %arg6[%multiple_of3A_1017] : memref<51380224xf32, #tpu.memory_space<hbm>> -> memref<12544xf32, #tpu.memory_space<hbm>>
      tpu.enqueue_dma source(%dma_start3A_1026 : memref<12544xf32, #tpu.memory_space<hbm>>) target(%dma_start3A_1025 : memref<12544xf32, #tpu.memory_space<vmem>>) target_semaphore(%dma_start3A_1023 : memref<!tpu.dma_semaphore, #tpu.memory_space<semaphore_mem>>)
      %add3A_1027 = arith.constant 25088 : i32
      %add3A_1028 = arith.addi %multiple_of3A_1003, %add3A_1027 : i32
      %multiple_of3A_1029 = tpu.assume_multiple %add3A_1028, 8 : i32
      %dma_start3A_1030 = arith.constant 2 : i32
      %dma_start3A_1031 = arith.constant 25088 : i32
      %dma_start3A_1032 = tpu.memref_slice %arg12[%dma_start3A_1031] : memref<50192xf32, #tpu.memory_space<vmem>> -> memref<12544xf32, #tpu.memory_space<vmem>>
      %dma_start3A_1033 = tpu.memref_slice %arg6[%multiple_of3A_1029] : memref<51380224xf32, #tpu.memory_space<hbm>> -> memref<12544xf32, #tpu.memory_space<hbm>>
      %dma_start3A_1034 = tpu.memref_slice %arg19[%dma_start3A_1030] : memref<4x!tpu.dma_semaphore, #tpu.memory_space<semaphore_mem>> -> memref<1x!tpu.dma_semaphore, #tpu.memory_space<semaphore_mem>>
      %dma_start3A_1035 = tpu.memref_squeeze %dma_start3A_1034 : memref<1x!tpu.dma_semaphore, #tpu.memory_space<semaphore_mem>> -> memref<!tpu.dma_semaphore, #tpu.memory_space<semaphore_mem>>
      %dma_start3A_1036 = arith.constant 25088 : i32
      %dma_start3A_1037 = tpu.memref_slice %arg12[%dma_start3A_1036] : memref<50192xf32, #tpu.memory_space<vmem>> -> memref<12544xf32, #tpu.memory_space<vmem>>
      %dma_start3A_1038 = tpu.memref_slice %arg6[%multiple_of3A_1029] : memref<51380224xf32, #tpu.memory_space<hbm>> -> memref<12544xf32, #tpu.memory_space<hbm>>
      tpu.enqueue_dma source(%dma_start3A_1038 : memref<12544xf32, #tpu.memory_space<hbm>>) target(%dma_start3A_1037 : memref<12544xf32, #tpu.memory_space<vmem>>) target_semaphore(%dma_start3A_1035 : memref<!tpu.dma_semaphore, #tpu.memory_space<semaphore_mem>>)
      %add3A_1039 = arith.constant 37632 : i32
      %add3A_1040 = arith.addi %multiple_of3A_1003, %add3A_1039 : i32
      %multiple_of3A_1041 = tpu.assume_multiple %add3A_1040, 8 : i32
      %dma_start3A_1042 = arith.constant 3 : i32
      %dma_start3A_1043 = arith.constant 37632 : i32
      %dma_start3A_1044 = tpu.memref_slice %arg12[%dma_start3A_1043] : memref<50192xf32, #tpu.memory_space<vmem>> -> memref<12544xf32, #tpu.memory_space<vmem>>
      %dma_start3A_1045 = tpu.memref_slice %arg6[%multiple_of3A_1041] : memref<51380224xf32, #tpu.memory_space<hbm>> -> memref<12544xf32, #tpu.memory_space<hbm>>
      %dma_start3A_1046 = tpu.memref_slice %arg19[%dma_start3A_1042] : memref<4x!tpu.dma_semaphore, #tpu.memory_space<semaphore_mem>> -> memref<1x!tpu.dma_semaphore, #tpu.memory_space<semaphore_mem>>
      %dma_start3A_1047 = tpu.memref_squeeze %dma_start3A_1046 : memref<1x!tpu.dma_semaphore, #tpu.memory_space<semaphore_mem>> -> memref<!tpu.dma_semaphore, #tpu.memory_space<semaphore_mem>>
      %dma_start3A_1048 = arith.constant 37632 : i32
      %dma_start3A_1049 = tpu.memref_slice %arg12[%dma_start3A_1048] : memref<50192xf32, #tpu.memory_space<vmem>> -> memref<12544xf32, #tpu.memory_space<vmem>>
      %dma_start3A_1050 = tpu.memref_slice %arg6[%multiple_of3A_1041] : memref<51380224xf32, #tpu.memory_space<hbm>> -> memref<12544xf32, #tpu.memory_space<hbm>>
      tpu.enqueue_dma source(%dma_start3A_1050 : memref<12544xf32, #tpu.memory_space<hbm>>) target(%dma_start3A_1049 : memref<12544xf32, #tpu.memory_space<vmem>>) target_semaphore(%dma_start3A_1047 : memref<!tpu.dma_semaphore, #tpu.memory_space<semaphore_mem>>)
      %multiple_of3A_1051 = tpu.assume_multiple %multiple_of3A_1003, 8 : i32
      %dma_wait3A_1052 = arith.constant 0 : i32
      %dma_wait3A_1053 = arith.constant 0 : i32
      %dma_wait3A_1054 = tpu.memref_slice %arg12[%dma_wait3A_1053] : memref<50192xf32, #tpu.memory_space<vmem>> -> memref<12544xf32, #tpu.memory_space<vmem>>
      %dma_wait3A_1055 = tpu.memref_slice %arg6[%multiple_of3A_1051] : memref<51380224xf32, #tpu.memory_space<hbm>> -> memref<12544xf32, #tpu.memory_space<hbm>>
      %dma_wait3A_1056 = tpu.memref_slice %arg19[%dma_wait3A_1052] : memref<4x!tpu.dma_semaphore, #tpu.memory_space<semaphore_mem>> -> memref<1x!tpu.dma_semaphore, #tpu.memory_space<semaphore_mem>>
      %dma_wait3A_1057 = tpu.memref_squeeze %dma_wait3A_1056 : memref<1x!tpu.dma_semaphore, #tpu.memory_space<semaphore_mem>> -> memref<!tpu.dma_semaphore, #tpu.memory_space<semaphore_mem>>
      %dma_wait3A_1058 = arith.constant 0 : i32
      %dma_wait3A_1059 = tpu.memref_slice %arg12[%dma_wait3A_1058] : memref<50192xf32, #tpu.memory_space<vmem>> -> memref<12544xf32, #tpu.memory_space<vmem>>
      %dma_wait3A_1060 = tpu.memref_slice %arg6[%multiple_of3A_1051] : memref<51380224xf32, #tpu.memory_space<hbm>> -> memref<12544xf32, #tpu.memory_space<hbm>>
      tpu.wait_dma2 semaphore(%dma_wait3A_1057 : memref<!tpu.dma_semaphore, #tpu.memory_space<semaphore_mem>>) src(%dma_wait3A_1060 : memref<12544xf32, #tpu.memory_space<hbm>>) dst(%dma_wait3A_1059 : memref<12544xf32, #tpu.memory_space<vmem>>)
      %multiple_of3A_1061 = tpu.assume_multiple %multiple_of3A_1003, 8 : i32
      %dma_wait3A_1062 = arith.constant 1 : i32
      %dma_wait3A_1063 = arith.constant 0 : i32
      %dma_wait3A_1064 = tpu.memref_slice %arg12[%dma_wait3A_1063] : memref<50192xf32, #tpu.memory_space<vmem>> -> memref<12544xf32, #tpu.memory_space<vmem>>
      %dma_wait3A_1065 = tpu.memref_slice %arg6[%multiple_of3A_1061] : memref<51380224xf32, #tpu.memory_space<hbm>> -> memref<12544xf32, #tpu.memory_space<hbm>>
      %dma_wait3A_1066 = tpu.memref_slice %arg19[%dma_wait3A_1062] : memref<4x!tpu.dma_semaphore, #tpu.memory_space<semaphore_mem>> -> memref<1x!tpu.dma_semaphore, #tpu.memory_space<semaphore_mem>>
      %dma_wait3A_1067 = tpu.memref_squeeze %dma_wait3A_1066 : memref<1x!tpu.dma_semaphore, #tpu.memory_space<semaphore_mem>> -> memref<!tpu.dma_semaphore, #tpu.memory_space<semaphore_mem>>
      %dma_wait3A_1068 = arith.constant 0 : i32
      %dma_wait3A_1069 = tpu.memref_slice %arg12[%dma_wait3A_1068] : memref<50192xf32, #tpu.memory_space<vmem>> -> memref<12544xf32, #tpu.memory_space<vmem>>
      %dma_wait3A_1070 = tpu.memref_slice %arg6[%multiple_of3A_1061] : memref<51380224xf32, #tpu.memory_space<hbm>> -> memref<12544xf32, #tpu.memory_space<hbm>>
      tpu.wait_dma2 semaphore(%dma_wait3A_1067 : memref<!tpu.dma_semaphore, #tpu.memory_space<semaphore_mem>>) src(%dma_wait3A_1070 : memref<12544xf32, #tpu.memory_space<hbm>>) dst(%dma_wait3A_1069 : memref<12544xf32, #tpu.memory_space<vmem>>)
      %multiple_of3A_1071 = tpu.assume_multiple %multiple_of3A_1003, 8 : i32
      %dma_wait3A_1072 = arith.constant 2 : i32
      %dma_wait3A_1073 = arith.constant 0 : i32
      %dma_wait3A_1074 = tpu.memref_slice %arg12[%dma_wait3A_1073] : memref<50192xf32, #tpu.memory_space<vmem>> -> memref<12544xf32, #tpu.memory_space<vmem>>
      %dma_wait3A_1075 = tpu.memref_slice %arg6[%multiple_of3A_1071] : memref<51380224xf32, #tpu.memory_space<hbm>> -> memref<12544xf32, #tpu.memory_space<hbm>>
      %dma_wait3A_1076 = tpu.memref_slice %arg19[%dma_wait3A_1072] : memref<4x!tpu.dma_semaphore, #tpu.memory_space<semaphore_mem>> -> memref<1x!tpu.dma_semaphore, #tpu.memory_space<semaphore_mem>>
      %dma_wait3A_1077 = tpu.memref_squeeze %dma_wait3A_1076 : memref<1x!tpu.dma_semaphore, #tpu.memory_space<semaphore_mem>> -> memref<!tpu.dma_semaphore, #tpu.memory_space<semaphore_mem>>
      %dma_wait3A_1078 = arith.constant 0 : i32
      %dma_wait3A_1079 = tpu.memref_slice %arg12[%dma_wait3A_1078] : memref<50192xf32, #tpu.memory_space<vmem>> -> memref<12544xf32, #tpu.memory_space<vmem>>
      %dma_wait3A_1080 = tpu.memref_slice %arg6[%multiple_of3A_1071] : memref<51380224xf32, #tpu.memory_space<hbm>> -> memref<12544xf32, #tpu.memory_space<hbm>>
      tpu.wait_dma2 semaphore(%dma_wait3A_1077 : memref<!tpu.dma_semaphore, #tpu.memory_space<semaphore_mem>>) src(%dma_wait3A_1080 : memref<12544xf32, #tpu.memory_space<hbm>>) dst(%dma_wait3A_1079 : memref<12544xf32, #tpu.memory_space<vmem>>)
      %multiple_of3A_1081 = tpu.assume_multiple %multiple_of3A_1003, 8 : i32
      %dma_wait3A_1082 = arith.constant 3 : i32
      %dma_wait3A_1083 = arith.constant 0 : i32
      %dma_wait3A_1084 = tpu.memref_slice %arg12[%dma_wait3A_1083] : memref<50192xf32, #tpu.memory_space<vmem>> -> memref<12544xf32, #tpu.memory_space<vmem>>
      %dma_wait3A_1085 = tpu.memref_slice %arg6[%multiple_of3A_1081] : memref<51380224xf32, #tpu.memory_space<hbm>> -> memref<12544xf32, #tpu.memory_space<hbm>>
      %dma_wait3A_1086 = tpu.memref_slice %arg19[%dma_wait3A_1082] : memref<4x!tpu.dma_semaphore, #tpu.memory_space<semaphore_mem>> -> memref<1x!tpu.dma_semaphore, #tpu.memory_space<semaphore_mem>>
      %dma_wait3A_1087 = tpu.memref_squeeze %dma_wait3A_1086 : memref<1x!tpu.dma_semaphore, #tpu.memory_space<semaphore_mem>> -> memref<!tpu.dma_semaphore, #tpu.memory_space<semaphore_mem>>
      %dma_wait3A_1088 = arith.constant 0 : i32
      %dma_wait3A_1089 = tpu.memref_slice %arg12[%dma_wait3A_1088] : memref<50192xf32, #tpu.memory_space<vmem>> -> memref<12544xf32, #tpu.memory_space<vmem>>
      %dma_wait3A_1090 = tpu.memref_slice %arg6[%multiple_of3A_1081] : memref<51380224xf32, #tpu.memory_space<hbm>> -> memref<12544xf32, #tpu.memory_space<hbm>>
      tpu.wait_dma2 semaphore(%dma_wait3A_1087 : memref<!tpu.dma_semaphore, #tpu.memory_space<semaphore_mem>>) src(%dma_wait3A_1090 : memref<12544xf32, #tpu.memory_space<hbm>>) dst(%dma_wait3A_1089 : memref<12544xf32, #tpu.memory_space<vmem>>)
      %gt3A = arith.constant 0 : i32
      %gt3A_1091 = arith.cmpi sgt, %scan3A_994, %gt3A : i32
      %convert_element_type3A_1092 = arith.extui %gt3A_1091 : i1 to i32
      %cond3A_1093 = arith.constant 0 : i32
      %cond3A_1094 = arith.constant 0 : i32
      %cond3A_1095 = arith.cmpi ne, %convert_element_type3A_1092, %cond3A_1094 : i32
      scf.if %cond3A_1095 {
        %multiple_of3A_1273 = tpu.assume_multiple %multiple_of3A_1003, 8 : i32
        %dma_wait3A_1274 = arith.constant 0 : i32
        %dma_wait3A_1275 = tpu.memref_slice %arg11[%dma_wait3A_1274] : memref<25088xf32, #tpu.memory_space<vmem>> -> memref<6272xf32, #tpu.memory_space<vmem>>
        %dma_wait3A_1276 = tpu.memref_slice %arg7[%multiple_of3A_1273] : memref<51380224xf32, #tpu.memory_space<hbm>> -> memref<6272xf32, #tpu.memory_space<hbm>>
        %dma_wait3A_1277 = tpu.memref_slice %arg18[%cond3A_1093] : memref<4x!tpu.dma_semaphore, #tpu.memory_space<semaphore_mem>> -> memref<1x!tpu.dma_semaphore, #tpu.memory_space<semaphore_mem>>
        %dma_wait3A_1278 = tpu.memref_squeeze %dma_wait3A_1277 : memref<1x!tpu.dma_semaphore, #tpu.memory_space<semaphore_mem>> -> memref<!tpu.dma_semaphore, #tpu.memory_space<semaphore_mem>>
        %dma_wait3A_1279 = tpu.memref_slice %arg7[%multiple_of3A_1273] : memref<51380224xf32, #tpu.memory_space<hbm>> -> memref<6272xf32, #tpu.memory_space<hbm>>
        %dma_wait3A_1280 = arith.constant 0 : i32
        %dma_wait3A_1281 = tpu.memref_slice %arg11[%dma_wait3A_1280] : memref<25088xf32, #tpu.memory_space<vmem>> -> memref<6272xf32, #tpu.memory_space<vmem>>
        tpu.wait_dma2 semaphore(%dma_wait3A_1278 : memref<!tpu.dma_semaphore, #tpu.memory_space<semaphore_mem>>) src(%dma_wait3A_1281 : memref<6272xf32, #tpu.memory_space<vmem>>) dst(%dma_wait3A_1279 : memref<6272xf32, #tpu.memory_space<hbm>>)
      } else {
      }
      %parallel_loop3A = arith.constant 0 : i32
      %parallel_loop3A_1096 = arith.constant 392 : i32
      %parallel_loop3A_1097 = arith.constant 1 : i32
      scf.for %parallel_loop3A_1273 = %parallel_loop3A to %parallel_loop3A_1096 step %parallel_loop3A_1097  : i32 {
        %parallel_loop3A_1274 = arith.constant 16 : i32
        %parallel_loop3A_1275 = arith.muli %parallel_loop3A_1273, %parallel_loop3A_1274 : i32
        %parallel_loop3A_1276 = arith.constant 0 : i32
        %parallel_loop3A_1277 = arith.addi %parallel_loop3A_1276, %parallel_loop3A_1275 : i32
        %parallel_loop3A_1278 = arith.index_cast %parallel_loop3A_1277 : i32 to index
        %parallel_loop3A_1279 = tpu.vector_load %arg12[%parallel_loop3A_1278] {strides = array<i32>} : memref<50192xf32, #tpu.memory_space<vmem>>, vector<16xf32>,
        %parallel_loop3A_1280 = arith.constant 16 : i32
        %parallel_loop3A_1281 = arith.muli %parallel_loop3A_1273, %parallel_loop3A_1280 : i32
        %parallel_loop3A_1282 = arith.constant 0 : i32
        %parallel_loop3A_1283 = arith.addi %parallel_loop3A_1282, %parallel_loop3A_1281 : i32
        %parallel_loop3A_1284 = arith.index_cast %parallel_loop3A_1283 : i32 to index
        %parallel_loop3A_1285 = tpu.vector_load %arg11[%parallel_loop3A_1284] {strides = array<i32>} : memref<25088xf32, #tpu.memory_space<vmem>>, vector<16xf32>,
        tpu.vector_store %arg11[%parallel_loop3A_1284], %parallel_loop3A_1279 {strides = array<i32>} : memref<25088xf32, #tpu.memory_space<vmem>>, vector<16xf32>,
      } {sc.loop_unroll_factor = 8 : i64, sc.parallel_access}
      %add3A_1098 = arith.constant 0 : i32
      %add3A_1099 = arith.addi %multiple_of3A_1003, %add3A_1098 : i32
      %multiple_of3A_1100 = tpu.assume_multiple %add3A_1099, 8 : i32
      %dma_start3A_1101 = arith.constant 0 : i32
      %dma_start3A_1102 = arith.constant 0 : i32
      %dma_start3A_1103 = tpu.memref_slice %arg11[%dma_start3A_1102] : memref<25088xf32, #tpu.memory_space<vmem>> -> memref<6272xf32, #tpu.memory_space<vmem>>
      %dma_start3A_1104 = tpu.memref_slice %arg7[%multiple_of3A_1100] : memref<51380224xf32, #tpu.memory_space<hbm>> -> memref<6272xf32, #tpu.memory_space<hbm>>
      %dma_start3A_1105 = tpu.memref_slice %arg18[%dma_start3A_1101] : memref<4x!tpu.dma_semaphore, #tpu.memory_space<semaphore_mem>> -> memref<1x!tpu.dma_semaphore, #tpu.memory_space<semaphore_mem>>
      %dma_start3A_1106 = tpu.memref_squeeze %dma_start3A_1105 : memref<1x!tpu.dma_semaphore, #tpu.memory_space<semaphore_mem>> -> memref<!tpu.dma_semaphore, #tpu.memory_space<semaphore_mem>>
      %dma_start3A_1107 = tpu.memref_slice %arg7[%multiple_of3A_1100] : memref<51380224xf32, #tpu.memory_space<hbm>> -> memref<6272xf32, #tpu.memory_space<hbm>>
      %dma_start3A_1108 = arith.constant 0 : i32
      %dma_start3A_1109 = tpu.memref_slice %arg11[%dma_start3A_1108] : memref<25088xf32, #tpu.memory_space<vmem>> -> memref<6272xf32, #tpu.memory_space<vmem>>
      tpu.enqueue_dma source(%dma_start3A_1109 : memref<6272xf32, #tpu.memory_space<vmem>>) target(%dma_start3A_1107 : memref<6272xf32, #tpu.memory_space<hbm>>) target_semaphore(%dma_start3A_1106 : memref<!tpu.dma_semaphore, #tpu.memory_space<semaphore_mem>>)
      %gt3A_1110 = arith.constant 0 : i32
      %gt3A_1111 = arith.cmpi sgt, %scan3A_994, %gt3A_1110 : i32
      %convert_element_type3A_1112 = arith.extui %gt3A_1111 : i1 to i32
      %cond3A_1113 = arith.constant 1 : i32
      %cond3A_1114 = arith.constant 0 : i32
      %cond3A_1115 = arith.cmpi ne, %convert_element_type3A_1112, %cond3A_1114 : i32
      scf.if %cond3A_1115 {
        %multiple_of3A_1273 = tpu.assume_multiple %multiple_of3A_1003, 8 : i32
        %dma_wait3A_1274 = arith.constant 6272 : i32
        %dma_wait3A_1275 = tpu.memref_slice %arg11[%dma_wait3A_1274] : memref<25088xf32, #tpu.memory_space<vmem>> -> memref<6272xf32, #tpu.memory_space<vmem>>
        %dma_wait3A_1276 = tpu.memref_slice %arg7[%multiple_of3A_1273] : memref<51380224xf32, #tpu.memory_space<hbm>> -> memref<6272xf32, #tpu.memory_space<hbm>>
        %dma_wait3A_1277 = tpu.memref_slice %arg18[%cond3A_1113] : memref<4x!tpu.dma_semaphore, #tpu.memory_space<semaphore_mem>> -> memref<1x!tpu.dma_semaphore, #tpu.memory_space<semaphore_mem>>
        %dma_wait3A_1278 = tpu.memref_squeeze %dma_wait3A_1277 : memref<1x!tpu.dma_semaphore, #tpu.memory_space<semaphore_mem>> -> memref<!tpu.dma_semaphore, #tpu.memory_space<semaphore_mem>>
        %dma_wait3A_1279 = tpu.memref_slice %arg7[%multiple_of3A_1273] : memref<51380224xf32, #tpu.memory_space<hbm>> -> memref<6272xf32, #tpu.memory_space<hbm>>
        %dma_wait3A_1280 = arith.constant 6272 : i32
        %dma_wait3A_1281 = tpu.memref_slice %arg11[%dma_wait3A_1280] : memref<25088xf32, #tpu.memory_space<vmem>> -> memref<6272xf32, #tpu.memory_space<vmem>>
        tpu.wait_dma2 semaphore(%dma_wait3A_1278 : memref<!tpu.dma_semaphore, #tpu.memory_space<semaphore_mem>>) src(%dma_wait3A_1281 : memref<6272xf32, #tpu.memory_space<vmem>>) dst(%dma_wait3A_1279 : memref<6272xf32, #tpu.memory_space<hbm>>)
      } else {
      }
      %parallel_loop3A_1116 = arith.constant 0 : i32
      %parallel_loop3A_1117 = arith.constant 392 : i32
      %parallel_loop3A_1118 = arith.constant 1 : i32
      scf.for %parallel_loop3A_1273 = %parallel_loop3A_1116 to %parallel_loop3A_1117 step %parallel_loop3A_1118  : i32 {
        %parallel_loop3A_1274 = arith.constant 16 : i32
        %parallel_loop3A_1275 = arith.muli %parallel_loop3A_1273, %parallel_loop3A_1274 : i32
        %parallel_loop3A_1276 = arith.constant 6272 : i32
        %parallel_loop3A_1277 = arith.addi %parallel_loop3A_1276, %parallel_loop3A_1275 : i32
        %parallel_loop3A_1278 = arith.index_cast %parallel_loop3A_1277 : i32 to index
        %parallel_loop3A_1279 = tpu.vector_load %arg12[%parallel_loop3A_1278] {strides = array<i32>} : memref<50192xf32, #tpu.memory_space<vmem>>, vector<16xf32>,
        %parallel_loop3A_1280 = arith.constant 16 : i32
        %parallel_loop3A_1281 = arith.muli %parallel_loop3A_1273, %parallel_loop3A_1280 : i32
        %parallel_loop3A_1282 = arith.constant 6272 : i32
        %parallel_loop3A_1283 = arith.addi %parallel_loop3A_1282, %parallel_loop3A_1281 : i32
        %parallel_loop3A_1284 = arith.index_cast %parallel_loop3A_1283 : i32 to index
        %parallel_loop3A_1285 = tpu.vector_load %arg11[%parallel_loop3A_1284] {strides = array<i32>} : memref<25088xf32, #tpu.memory_space<vmem>>, vector<16xf32>,
        tpu.vector_store %arg11[%parallel_loop3A_1284], %parallel_loop3A_1279 {strides = array<i32>} : memref<25088xf32, #tpu.memory_space<vmem>>, vector<16xf32>,
      } {sc.loop_unroll_factor = 8 : i64, sc.parallel_access}
      %add3A_1119 = arith.constant 6272 : i32
      %add3A_1120 = arith.addi %multiple_of3A_1003, %add3A_1119 : i32
      %multiple_of3A_1121 = tpu.assume_multiple %add3A_1120, 8 : i32
      %dma_start3A_1122 = arith.constant 1 : i32
      %dma_start3A_1123 = arith.constant 6272 : i32
      %dma_start3A_1124 = tpu.memref_slice %arg11[%dma_start3A_1123] : memref<25088xf32, #tpu.memory_space<vmem>> -> memref<6272xf32, #tpu.memory_space<vmem>>
      %dma_start3A_1125 = tpu.memref_slice %arg7[%multiple_of3A_1121] : memref<51380224xf32, #tpu.memory_space<hbm>> -> memref<6272xf32, #tpu.memory_space<hbm>>
      %dma_start3A_1126 = tpu.memref_slice %arg18[%dma_start3A_1122] : memref<4x!tpu.dma_semaphore, #tpu.memory_space<semaphore_mem>> -> memref<1x!tpu.dma_semaphore, #tpu.memory_space<semaphore_mem>>
      %dma_start3A_1127 = tpu.memref_squeeze %dma_start3A_1126 : memref<1x!tpu.dma_semaphore, #tpu.memory_space<semaphore_mem>> -> memref<!tpu.dma_semaphore, #tpu.memory_space<semaphore_mem>>
      %dma_start3A_1128 = tpu.memref_slice %arg7[%multiple_of3A_1121] : memref<51380224xf32, #tpu.memory_space<hbm>> -> memref<6272xf32, #tpu.memory_space<hbm>>
      %dma_start3A_1129 = arith.constant 6272 : i32
      %dma_start3A_1130 = tpu.memref_slice %arg11[%dma_start3A_1129] : memref<25088xf32, #tpu.memory_space<vmem>> -> memref<6272xf32, #tpu.memory_space<vmem>>
      tpu.enqueue_dma source(%dma_start3A_1130 : memref<6272xf32, #tpu.memory_space<vmem>>) target(%dma_start3A_1128 : memref<6272xf32, #tpu.memory_space<hbm>>) target_semaphore(%dma_start3A_1127 : memref<!tpu.dma_semaphore, #tpu.memory_space<semaphore_mem>>)
      %gt3A_1131 = arith.constant 0 : i32
      %gt3A_1132 = arith.cmpi sgt, %scan3A_994, %gt3A_1131 : i32
      %convert_element_type3A_1133 = arith.extui %gt3A_1132 : i1 to i32
      %cond3A_1134 = arith.constant 2 : i32
      %cond3A_1135 = arith.constant 0 : i32
      %cond3A_1136 = arith.cmpi ne, %convert_element_type3A_1133, %cond3A_1135 : i32
      scf.if %cond3A_1136 {
        %multiple_of3A_1273 = tpu.assume_multiple %multiple_of3A_1003, 8 : i32
        %dma_wait3A_1274 = arith.constant 12544 : i32
        %dma_wait3A_1275 = tpu.memref_slice %arg11[%dma_wait3A_1274] : memref<25088xf32, #tpu.memory_space<vmem>> -> memref<6272xf32, #tpu.memory_space<vmem>>
        %dma_wait3A_1276 = tpu.memref_slice %arg7[%multiple_of3A_1273] : memref<51380224xf32, #tpu.memory_space<hbm>> -> memref<6272xf32, #tpu.memory_space<hbm>>
        %dma_wait3A_1277 = tpu.memref_slice %arg18[%cond3A_1134] : memref<4x!tpu.dma_semaphore, #tpu.memory_space<semaphore_mem>> -> memref<1x!tpu.dma_semaphore, #tpu.memory_space<semaphore_mem>>
        %dma_wait3A_1278 = tpu.memref_squeeze %dma_wait3A_1277 : memref<1x!tpu.dma_semaphore, #tpu.memory_space<semaphore_mem>> -> memref<!tpu.dma_semaphore, #tpu.memory_space<semaphore_mem>>
        %dma_wait3A_1279 = tpu.memref_slice %arg7[%multiple_of3A_1273] : memref<51380224xf32, #tpu.memory_space<hbm>> -> memref<6272xf32, #tpu.memory_space<hbm>>
        %dma_wait3A_1280 = arith.constant 12544 : i32
        %dma_wait3A_1281 = tpu.memref_slice %arg11[%dma_wait3A_1280] : memref<25088xf32, #tpu.memory_space<vmem>> -> memref<6272xf32, #tpu.memory_space<vmem>>
        tpu.wait_dma2 semaphore(%dma_wait3A_1278 : memref<!tpu.dma_semaphore, #tpu.memory_space<semaphore_mem>>) src(%dma_wait3A_1281 : memref<6272xf32, #tpu.memory_space<vmem>>) dst(%dma_wait3A_1279 : memref<6272xf32, #tpu.memory_space<hbm>>)
      } else {
      }
      %parallel_loop3A_1137 = arith.constant 0 : i32
      %parallel_loop3A_1138 = arith.constant 392 : i32
      %parallel_loop3A_1139 = arith.constant 1 : i32
      scf.for %parallel_loop3A_1273 = %parallel_loop3A_1137 to %parallel_loop3A_1138 step %parallel_loop3A_1139  : i32 {
        %parallel_loop3A_1274 = arith.constant 16 : i32
        %parallel_loop3A_1275 = arith.muli %parallel_loop3A_1273, %parallel_loop3A_1274 : i32
        %parallel_loop3A_1276 = arith.constant 12544 : i32
        %parallel_loop3A_1277 = arith.addi %parallel_loop3A_1276, %parallel_loop3A_1275 : i32
        %parallel_loop3A_1278 = arith.index_cast %parallel_loop3A_1277 : i32 to index
        %parallel_loop3A_1279 = tpu.vector_load %arg12[%parallel_loop3A_1278] {strides = array<i32>} : memref<50192xf32, #tpu.memory_space<vmem>>, vector<16xf32>,
        %parallel_loop3A_1280 = arith.constant 16 : i32
        %parallel_loop3A_1281 = arith.muli %parallel_loop3A_1273, %parallel_loop3A_1280 : i32
        %parallel_loop3A_1282 = arith.constant 12544 : i32
        %parallel_loop3A_1283 = arith.addi %parallel_loop3A_1282, %parallel_loop3A_1281 : i32
        %parallel_loop3A_1284 = arith.index_cast %parallel_loop3A_1283 : i32 to index
        %parallel_loop3A_1285 = tpu.vector_load %arg11[%parallel_loop3A_1284] {strides = array<i32>} : memref<25088xf32, #tpu.memory_space<vmem>>, vector<16xf32>,
        tpu.vector_store %arg11[%parallel_loop3A_1284], %parallel_loop3A_1279 {strides = array<i32>} : memref<25088xf32, #tpu.memory_space<vmem>>, vector<16xf32>,
      } {sc.loop_unroll_factor = 8 : i64, sc.parallel_access}
      %add3A_1140 = arith.constant 12544 : i32
      %add3A_1141 = arith.addi %multiple_of3A_1003, %add3A_1140 : i32
      %multiple_of3A_1142 = tpu.assume_multiple %add3A_1141, 8 : i32
      %dma_start3A_1143 = arith.constant 2 : i32
      %dma_start3A_1144 = arith.constant 12544 : i32
      %dma_start3A_1145 = tpu.memref_slice %arg11[%dma_start3A_1144] : memref<25088xf32, #tpu.memory_space<vmem>> -> memref<6272xf32, #tpu.memory_space<vmem>>
      %dma_start3A_1146 = tpu.memref_slice %arg7[%multiple_of3A_1142] : memref<51380224xf32, #tpu.memory_space<hbm>> -> memref<6272xf32, #tpu.memory_space<hbm>>
      %dma_start3A_1147 = tpu.memref_slice %arg18[%dma_start3A_1143] : memref<4x!tpu.dma_semaphore, #tpu.memory_space<semaphore_mem>> -> memref<1x!tpu.dma_semaphore, #tpu.memory_space<semaphore_mem>>
      %dma_start3A_1148 = tpu.memref_squeeze %dma_start3A_1147 : memref<1x!tpu.dma_semaphore, #tpu.memory_space<semaphore_mem>> -> memref<!tpu.dma_semaphore, #tpu.memory_space<semaphore_mem>>
      %dma_start3A_1149 = tpu.memref_slice %arg7[%multiple_of3A_1142] : memref<51380224xf32, #tpu.memory_space<hbm>> -> memref<6272xf32, #tpu.memory_space<hbm>>
      %dma_start3A_1150 = arith.constant 12544 : i32
      %dma_start3A_1151 = tpu.memref_slice %arg11[%dma_start3A_1150] : memref<25088xf32, #tpu.memory_space<vmem>> -> memref<6272xf32, #tpu.memory_space<vmem>>
      tpu.enqueue_dma source(%dma_start3A_1151 : memref<6272xf32, #tpu.memory_space<vmem>>) target(%dma_start3A_1149 : memref<6272xf32, #tpu.memory_space<hbm>>) target_semaphore(%dma_start3A_1148 : memref<!tpu.dma_semaphore, #tpu.memory_space<semaphore_mem>>)
      %gt3A_1152 = arith.constant 0 : i32
      %gt3A_1153 = arith.cmpi sgt, %scan3A_994, %gt3A_1152 : i32
      %convert_element_type3A_1154 = arith.extui %gt3A_1153 : i1 to i32
      %cond3A_1155 = arith.constant 3 : i32
      %cond3A_1156 = arith.constant 0 : i32
      %cond3A_1157 = arith.cmpi ne, %convert_element_type3A_1154, %cond3A_1156 : i32
      scf.if %cond3A_1157 {
        %multiple_of3A_1273 = tpu.assume_multiple %multiple_of3A_1003, 8 : i32
        %dma_wait3A_1274 = arith.constant 18816 : i32
        %dma_wait3A_1275 = tpu.memref_slice %arg11[%dma_wait3A_1274] : memref<25088xf32, #tpu.memory_space<vmem>> -> memref<6272xf32, #tpu.memory_space<vmem>>
        %dma_wait3A_1276 = tpu.memref_slice %arg7[%multiple_of3A_1273] : memref<51380224xf32, #tpu.memory_space<hbm>> -> memref<6272xf32, #tpu.memory_space<hbm>>
        %dma_wait3A_1277 = tpu.memref_slice %arg18[%cond3A_1155] : memref<4x!tpu.dma_semaphore, #tpu.memory_space<semaphore_mem>> -> memref<1x!tpu.dma_semaphore, #tpu.memory_space<semaphore_mem>>
        %dma_wait3A_1278 = tpu.memref_squeeze %dma_wait3A_1277 : memref<1x!tpu.dma_semaphore, #tpu.memory_space<semaphore_mem>> -> memref<!tpu.dma_semaphore, #tpu.memory_space<semaphore_mem>>
        %dma_wait3A_1279 = tpu.memref_slice %arg7[%multiple_of3A_1273] : memref<51380224xf32, #tpu.memory_space<hbm>> -> memref<6272xf32, #tpu.memory_space<hbm>>
        %dma_wait3A_1280 = arith.constant 18816 : i32
        %dma_wait3A_1281 = tpu.memref_slice %arg11[%dma_wait3A_1280] : memref<25088xf32, #tpu.memory_space<vmem>> -> memref<6272xf32, #tpu.memory_space<vmem>>
        tpu.wait_dma2 semaphore(%dma_wait3A_1278 : memref<!tpu.dma_semaphore, #tpu.memory_space<semaphore_mem>>) src(%dma_wait3A_1281 : memref<6272xf32, #tpu.memory_space<vmem>>) dst(%dma_wait3A_1279 : memref<6272xf32, #tpu.memory_space<hbm>>)
      } else {
      }
      %parallel_loop3A_1158 = arith.constant 0 : i32
      %parallel_loop3A_1159 = arith.constant 392 : i32
      %parallel_loop3A_1160 = arith.constant 1 : i32
      scf.for %parallel_loop3A_1273 = %parallel_loop3A_1158 to %parallel_loop3A_1159 step %parallel_loop3A_1160  : i32 {
        %parallel_loop3A_1274 = arith.constant 16 : i32
        %parallel_loop3A_1275 = arith.muli %parallel_loop3A_1273, %parallel_loop3A_1274 : i32
        %parallel_loop3A_1276 = arith.constant 18816 : i32
        %parallel_loop3A_1277 = arith.addi %parallel_loop3A_1276, %parallel_loop3A_1275 : i32
        %parallel_loop3A_1278 = arith.index_cast %parallel_loop3A_1277 : i32 to index
        %parallel_loop3A_1279 = tpu.vector_load %arg12[%parallel_loop3A_1278] {strides = array<i32>} : memref<50192xf32, #tpu.memory_space<vmem>>, vector<16xf32>,
        %parallel_loop3A_1280 = arith.constant 16 : i32
        %parallel_loop3A_1281 = arith.muli %parallel_loop3A_1273, %parallel_loop3A_1280 : i32
        %parallel_loop3A_1282 = arith.constant 18816 : i32
        %parallel_loop3A_1283 = arith.addi %parallel_loop3A_1282, %parallel_loop3A_1281 : i32
        %parallel_loop3A_1284 = arith.index_cast %parallel_loop3A_1283 : i32 to index
        %parallel_loop3A_1285 = tpu.vector_load %arg11[%parallel_loop3A_1284] {strides = array<i32>} : memref<25088xf32, #tpu.memory_space<vmem>>, vector<16xf32>,
        tpu.vector_store %arg11[%parallel_loop3A_1284], %parallel_loop3A_1279 {strides = array<i32>} : memref<25088xf32, #tpu.memory_space<vmem>>, vector<16xf32>,
      } {sc.loop_unroll_factor = 8 : i64, sc.parallel_access}
      %add3A_1161 = arith.constant 18816 : i32
      %add3A_1162 = arith.addi %multiple_of3A_1003, %add3A_1161 : i32
      %multiple_of3A_1163 = tpu.assume_multiple %add3A_1162, 8 : i32
      %dma_start3A_1164 = arith.constant 3 : i32
      %dma_start3A_1165 = arith.constant 18816 : i32
      %dma_start3A_1166 = tpu.memref_slice %arg11[%dma_start3A_1165] : memref<25088xf32, #tpu.memory_space<vmem>> -> memref<6272xf32, #tpu.memory_space<vmem>>
      %dma_start3A_1167 = tpu.memref_slice %arg7[%multiple_of3A_1163] : memref<51380224xf32, #tpu.memory_space<hbm>> -> memref<6272xf32, #tpu.memory_space<hbm>>
      %dma_start3A_1168 = tpu.memref_slice %arg18[%dma_start3A_1164] : memref<4x!tpu.dma_semaphore, #tpu.memory_space<semaphore_mem>> -> memref<1x!tpu.dma_semaphore, #tpu.memory_space<semaphore_mem>>
      %dma_start3A_1169 = tpu.memref_squeeze %dma_start3A_1168 : memref<1x!tpu.dma_semaphore, #tpu.memory_space<semaphore_mem>> -> memref<!tpu.dma_semaphore, #tpu.memory_space<semaphore_mem>>
      %dma_start3A_1170 = tpu.memref_slice %arg7[%multiple_of3A_1163] : memref<51380224xf32, #tpu.memory_space<hbm>> -> memref<6272xf32, #tpu.memory_space<hbm>>
      %dma_start3A_1171 = arith.constant 18816 : i32
      %dma_start3A_1172 = tpu.memref_slice %arg11[%dma_start3A_1171] : memref<25088xf32, #tpu.memory_space<vmem>> -> memref<6272xf32, #tpu.memory_space<vmem>>
      tpu.enqueue_dma source(%dma_start3A_1172 : memref<6272xf32, #tpu.memory_space<vmem>>) target(%dma_start3A_1170 : memref<6272xf32, #tpu.memory_space<hbm>>) target_semaphore(%dma_start3A_1169 : memref<!tpu.dma_semaphore, #tpu.memory_space<semaphore_mem>>)
      %multiple_of3A_1173 = tpu.assume_multiple %multiple_of3A_1003, 8 : i32
      %dma_wait3A_1174 = arith.constant 0 : i32
      %dma_wait3A_1175 = arith.constant 0 : i32
      %dma_wait3A_1176 = tpu.memref_slice %arg11[%dma_wait3A_1175] : memref<25088xf32, #tpu.memory_space<vmem>> -> memref<6272xf32, #tpu.memory_space<vmem>>
      %dma_wait3A_1177 = tpu.memref_slice %arg7[%multiple_of3A_1173] : memref<51380224xf32, #tpu.memory_space<hbm>> -> memref<6272xf32, #tpu.memory_space<hbm>>
      %dma_wait3A_1178 = tpu.memref_slice %arg18[%dma_wait3A_1174] : memref<4x!tpu.dma_semaphore, #tpu.memory_space<semaphore_mem>> -> memref<1x!tpu.dma_semaphore, #tpu.memory_space<semaphore_mem>>
      %dma_wait3A_1179 = tpu.memref_squeeze %dma_wait3A_1178 : memref<1x!tpu.dma_semaphore, #tpu.memory_space<semaphore_mem>> -> memref<!tpu.dma_semaphore, #tpu.memory_space<semaphore_mem>>
      %dma_wait3A_1180 = tpu.memref_slice %arg7[%multiple_of3A_1173] : memref<51380224xf32, #tpu.memory_space<hbm>> -> memref<6272xf32, #tpu.memory_space<hbm>>
      %dma_wait3A_1181 = arith.constant 0 : i32
      %dma_wait3A_1182 = tpu.memref_slice %arg11[%dma_wait3A_1181] : memref<25088xf32, #tpu.memory_space<vmem>> -> memref<6272xf32, #tpu.memory_space<vmem>>
      tpu.wait_dma2 semaphore(%dma_wait3A_1179 : memref<!tpu.dma_semaphore, #tpu.memory_space<semaphore_mem>>) src(%dma_wait3A_1182 : memref<6272xf32, #tpu.memory_space<vmem>>) dst(%dma_wait3A_1180 : memref<6272xf32, #tpu.memory_space<hbm>>)
      %parallel_loop3A_1183 = arith.constant 0 : i32
      %parallel_loop3A_1184 = arith.constant 392 : i32
      %parallel_loop3A_1185 = arith.constant 1 : i32
      scf.for %parallel_loop3A_1273 = %parallel_loop3A_1183 to %parallel_loop3A_1184 step %parallel_loop3A_1185  : i32 {
        %parallel_loop3A_1274 = arith.constant 16 : i32
        %parallel_loop3A_1275 = arith.muli %parallel_loop3A_1273, %parallel_loop3A_1274 : i32
        %parallel_loop3A_1276 = arith.constant 25088 : i32
        %parallel_loop3A_1277 = arith.addi %parallel_loop3A_1276, %parallel_loop3A_1275 : i32
        %parallel_loop3A_1278 = arith.index_cast %parallel_loop3A_1277 : i32 to index
        %parallel_loop3A_1279 = tpu.vector_load %arg12[%parallel_loop3A_1278] {strides = array<i32>} : memref<50192xf32, #tpu.memory_space<vmem>>, vector<16xf32>,
        %parallel_loop3A_1280 = arith.constant 16 : i32
        %parallel_loop3A_1281 = arith.muli %parallel_loop3A_1273, %parallel_loop3A_1280 : i32
        %parallel_loop3A_1282 = arith.constant 0 : i32
        %parallel_loop3A_1283 = arith.addi %parallel_loop3A_1282, %parallel_loop3A_1281 : i32
        %parallel_loop3A_1284 = arith.index_cast %parallel_loop3A_1283 : i32 to index
        %parallel_loop3A_1285 = tpu.vector_load %arg11[%parallel_loop3A_1284] {strides = array<i32>} : memref<25088xf32, #tpu.memory_space<vmem>>, vector<16xf32>,
        tpu.vector_store %arg11[%parallel_loop3A_1284], %parallel_loop3A_1279 {strides = array<i32>} : memref<25088xf32, #tpu.memory_space<vmem>>, vector<16xf32>,
      } {sc.loop_unroll_factor = 8 : i64, sc.parallel_access}
      %add3A_1186 = arith.constant 25088 : i32
      %add3A_1187 = arith.addi %multiple_of3A_1003, %add3A_1186 : i32
      %multiple_of3A_1188 = tpu.assume_multiple %add3A_1187, 8 : i32
      %dma_start3A_1189 = arith.constant 0 : i32
      %dma_start3A_1190 = arith.constant 0 : i32
      %dma_start3A_1191 = tpu.memref_slice %arg11[%dma_start3A_1190] : memref<25088xf32, #tpu.memory_space<vmem>> -> memref<6272xf32, #tpu.memory_space<vmem>>
      %dma_start3A_1192 = tpu.memref_slice %arg7[%multiple_of3A_1188] : memref<51380224xf32, #tpu.memory_space<hbm>> -> memref<6272xf32, #tpu.memory_space<hbm>>
      %dma_start3A_1193 = tpu.memref_slice %arg18[%dma_start3A_1189] : memref<4x!tpu.dma_semaphore, #tpu.memory_space<semaphore_mem>> -> memref<1x!tpu.dma_semaphore, #tpu.memory_space<semaphore_mem>>
      %dma_start3A_1194 = tpu.memref_squeeze %dma_start3A_1193 : memref<1x!tpu.dma_semaphore, #tpu.memory_space<semaphore_mem>> -> memref<!tpu.dma_semaphore, #tpu.memory_space<semaphore_mem>>
      %dma_start3A_1195 = tpu.memref_slice %arg7[%multiple_of3A_1188] : memref<51380224xf32, #tpu.memory_space<hbm>> -> memref<6272xf32, #tpu.memory_space<hbm>>
      %dma_start3A_1196 = arith.constant 0 : i32
      %dma_start3A_1197 = tpu.memref_slice %arg11[%dma_start3A_1196] : memref<25088xf32, #tpu.memory_space<vmem>> -> memref<6272xf32, #tpu.memory_space<vmem>>
      tpu.enqueue_dma source(%dma_start3A_1197 : memref<6272xf32, #tpu.memory_space<vmem>>) target(%dma_start3A_1195 : memref<6272xf32, #tpu.memory_space<hbm>>) target_semaphore(%dma_start3A_1194 : memref<!tpu.dma_semaphore, #tpu.memory_space<semaphore_mem>>)
      %multiple_of3A_1198 = tpu.assume_multiple %multiple_of3A_1003, 8 : i32
      %dma_wait3A_1199 = arith.constant 1 : i32
      %dma_wait3A_1200 = arith.constant 6272 : i32
      %dma_wait3A_1201 = tpu.memref_slice %arg11[%dma_wait3A_1200] : memref<25088xf32, #tpu.memory_space<vmem>> -> memref<6272xf32, #tpu.memory_space<vmem>>
      %dma_wait3A_1202 = tpu.memref_slice %arg7[%multiple_of3A_1198] : memref<51380224xf32, #tpu.memory_space<hbm>> -> memref<6272xf32, #tpu.memory_space<hbm>>
      %dma_wait3A_1203 = tpu.memref_slice %arg18[%dma_wait3A_1199] : memref<4x!tpu.dma_semaphore, #tpu.memory_space<semaphore_mem>> -> memref<1x!tpu.dma_semaphore, #tpu.memory_space<semaphore_mem>>
      %dma_wait3A_1204 = tpu.memref_squeeze %dma_wait3A_1203 : memref<1x!tpu.dma_semaphore, #tpu.memory_space<semaphore_mem>> -> memref<!tpu.dma_semaphore, #tpu.memory_space<semaphore_mem>>
      %dma_wait3A_1205 = tpu.memref_slice %arg7[%multiple_of3A_1198] : memref<51380224xf32, #tpu.memory_space<hbm>> -> memref<6272xf32, #tpu.memory_space<hbm>>
      %dma_wait3A_1206 = arith.constant 6272 : i32
      %dma_wait3A_1207 = tpu.memref_slice %arg11[%dma_wait3A_1206] : memref<25088xf32, #tpu.memory_space<vmem>> -> memref<6272xf32, #tpu.memory_space<vmem>>
      tpu.wait_dma2 semaphore(%dma_wait3A_1204 : memref<!tpu.dma_semaphore, #tpu.memory_space<semaphore_mem>>) src(%dma_wait3A_1207 : memref<6272xf32, #tpu.memory_space<vmem>>) dst(%dma_wait3A_1205 : memref<6272xf32, #tpu.memory_space<hbm>>)
      %parallel_loop3A_1208 = arith.constant 0 : i32
      %parallel_loop3A_1209 = arith.constant 392 : i32
      %parallel_loop3A_1210 = arith.constant 1 : i32
      scf.for %parallel_loop3A_1273 = %parallel_loop3A_1208 to %parallel_loop3A_1209 step %parallel_loop3A_1210  : i32 {
        %parallel_loop3A_1274 = arith.constant 16 : i32
        %parallel_loop3A_1275 = arith.muli %parallel_loop3A_1273, %parallel_loop3A_1274 : i32
        %parallel_loop3A_1276 = arith.constant 31360 : i32
        %parallel_loop3A_1277 = arith.addi %parallel_loop3A_1276, %parallel_loop3A_1275 : i32
        %parallel_loop3A_1278 = arith.index_cast %parallel_loop3A_1277 : i32 to index
        %parallel_loop3A_1279 = tpu.vector_load %arg12[%parallel_loop3A_1278] {strides = array<i32>} : memref<50192xf32, #tpu.memory_space<vmem>>, vector<16xf32>,
        %parallel_loop3A_1280 = arith.constant 16 : i32
        %parallel_loop3A_1281 = arith.muli %parallel_loop3A_1273, %parallel_loop3A_1280 : i32
        %parallel_loop3A_1282 = arith.constant 6272 : i32
        %parallel_loop3A_1283 = arith.addi %parallel_loop3A_1282, %parallel_loop3A_1281 : i32
        %parallel_loop3A_1284 = arith.index_cast %parallel_loop3A_1283 : i32 to index
        %parallel_loop3A_1285 = tpu.vector_load %arg11[%parallel_loop3A_1284] {strides = array<i32>} : memref<25088xf32, #tpu.memory_space<vmem>>, vector<16xf32>,
        tpu.vector_store %arg11[%parallel_loop3A_1284], %parallel_loop3A_1279 {strides = array<i32>} : memref<25088xf32, #tpu.memory_space<vmem>>, vector<16xf32>,
      } {sc.loop_unroll_factor = 8 : i64, sc.parallel_access}
      %add3A_1211 = arith.constant 31360 : i32
      %add3A_1212 = arith.addi %multiple_of3A_1003, %add3A_1211 : i32
      %multiple_of3A_1213 = tpu.assume_multiple %add3A_1212, 8 : i32
      %dma_start3A_1214 = arith.constant 1 : i32
      %dma_start3A_1215 = arith.constant 6272 : i32
      %dma_start3A_1216 = tpu.memref_slice %arg11[%dma_start3A_1215] : memref<25088xf32, #tpu.memory_space<vmem>> -> memref<6272xf32, #tpu.memory_space<vmem>>
      %dma_start3A_1217 = tpu.memref_slice %arg7[%multiple_of3A_1213] : memref<51380224xf32, #tpu.memory_space<hbm>> -> memref<6272xf32, #tpu.memory_space<hbm>>
      %dma_start3A_1218 = tpu.memref_slice %arg18[%dma_start3A_1214] : memref<4x!tpu.dma_semaphore, #tpu.memory_space<semaphore_mem>> -> memref<1x!tpu.dma_semaphore, #tpu.memory_space<semaphore_mem>>
      %dma_start3A_1219 = tpu.memref_squeeze %dma_start3A_1218 : memref<1x!tpu.dma_semaphore, #tpu.memory_space<semaphore_mem>> -> memref<!tpu.dma_semaphore, #tpu.memory_space<semaphore_mem>>
      %dma_start3A_1220 = tpu.memref_slice %arg7[%multiple_of3A_1213] : memref<51380224xf32, #tpu.memory_space<hbm>> -> memref<6272xf32, #tpu.memory_space<hbm>>
      %dma_start3A_1221 = arith.constant 6272 : i32
      %dma_start3A_1222 = tpu.memref_slice %arg11[%dma_start3A_1221] : memref<25088xf32, #tpu.memory_space<vmem>> -> memref<6272xf32, #tpu.memory_space<vmem>>
      tpu.enqueue_dma source(%dma_start3A_1222 : memref<6272xf32, #tpu.memory_space<vmem>>) target(%dma_start3A_1220 : memref<6272xf32, #tpu.memory_space<hbm>>) target_semaphore(%dma_start3A_1219 : memref<!tpu.dma_semaphore, #tpu.memory_space<semaphore_mem>>)
      %multiple_of3A_1223 = tpu.assume_multiple %multiple_of3A_1003, 8 : i32
      %dma_wait3A_1224 = arith.constant 2 : i32
      %dma_wait3A_1225 = arith.constant 12544 : i32
      %dma_wait3A_1226 = tpu.memref_slice %arg11[%dma_wait3A_1225] : memref<25088xf32, #tpu.memory_space<vmem>> -> memref<6272xf32, #tpu.memory_space<vmem>>
      %dma_wait3A_1227 = tpu.memref_slice %arg7[%multiple_of3A_1223] : memref<51380224xf32, #tpu.memory_space<hbm>> -> memref<6272xf32, #tpu.memory_space<hbm>>
      %dma_wait3A_1228 = tpu.memref_slice %arg18[%dma_wait3A_1224] : memref<4x!tpu.dma_semaphore, #tpu.memory_space<semaphore_mem>> -> memref<1x!tpu.dma_semaphore, #tpu.memory_space<semaphore_mem>>
      %dma_wait3A_1229 = tpu.memref_squeeze %dma_wait3A_1228 : memref<1x!tpu.dma_semaphore, #tpu.memory_space<semaphore_mem>> -> memref<!tpu.dma_semaphore, #tpu.memory_space<semaphore_mem>>
      %dma_wait3A_1230 = tpu.memref_slice %arg7[%multiple_of3A_1223] : memref<51380224xf32, #tpu.memory_space<hbm>> -> memref<6272xf32, #tpu.memory_space<hbm>>
      %dma_wait3A_1231 = arith.constant 12544 : i32
      %dma_wait3A_1232 = tpu.memref_slice %arg11[%dma_wait3A_1231] : memref<25088xf32, #tpu.memory_space<vmem>> -> memref<6272xf32, #tpu.memory_space<vmem>>
      tpu.wait_dma2 semaphore(%dma_wait3A_1229 : memref<!tpu.dma_semaphore, #tpu.memory_space<semaphore_mem>>) src(%dma_wait3A_1232 : memref<6272xf32, #tpu.memory_space<vmem>>) dst(%dma_wait3A_1230 : memref<6272xf32, #tpu.memory_space<hbm>>)
      %parallel_loop3A_1233 = arith.constant 0 : i32
      %parallel_loop3A_1234 = arith.constant 392 : i32
      %parallel_loop3A_1235 = arith.constant 1 : i32
      scf.for %parallel_loop3A_1273 = %parallel_loop3A_1233 to %parallel_loop3A_1234 step %parallel_loop3A_1235  : i32 {
        %parallel_loop3A_1274 = arith.constant 16 : i32
        %parallel_loop3A_1275 = arith.muli %parallel_loop3A_1273, %parallel_loop3A_1274 : i32
        %parallel_loop3A_1276 = arith.constant 37632 : i32
        %parallel_loop3A_1277 = arith.addi %parallel_loop3A_1276, %parallel_loop3A_1275 : i32
        %parallel_loop3A_1278 = arith.index_cast %parallel_loop3A_1277 : i32 to index
        %parallel_loop3A_1279 = tpu.vector_load %arg12[%parallel_loop3A_1278] {strides = array<i32>} : memref<50192xf32, #tpu.memory_space<vmem>>, vector<16xf32>,
        %parallel_loop3A_1280 = arith.constant 16 : i32
        %parallel_loop3A_1281 = arith.muli %parallel_loop3A_1273, %parallel_loop3A_1280 : i32
        %parallel_loop3A_1282 = arith.constant 12544 : i32
        %parallel_loop3A_1283 = arith.addi %parallel_loop3A_1282, %parallel_loop3A_1281 : i32
        %parallel_loop3A_1284 = arith.index_cast %parallel_loop3A_1283 : i32 to index
        %parallel_loop3A_1285 = tpu.vector_load %arg11[%parallel_loop3A_1284] {strides = array<i32>} : memref<25088xf32, #tpu.memory_space<vmem>>, vector<16xf32>,
        tpu.vector_store %arg11[%parallel_loop3A_1284], %parallel_loop3A_1279 {strides = array<i32>} : memref<25088xf32, #tpu.memory_space<vmem>>, vector<16xf32>,
      } {sc.loop_unroll_factor = 8 : i64, sc.parallel_access}
      %add3A_1236 = arith.constant 37632 : i32
      %add3A_1237 = arith.addi %multiple_of3A_1003, %add3A_1236 : i32
      %multiple_of3A_1238 = tpu.assume_multiple %add3A_1237, 8 : i32
      %dma_start3A_1239 = arith.constant 2 : i32
      %dma_start3A_1240 = arith.constant 12544 : i32
      %dma_start3A_1241 = tpu.memref_slice %arg11[%dma_start3A_1240] : memref<25088xf32, #tpu.memory_space<vmem>> -> memref<6272xf32, #tpu.memory_space<vmem>>
      %dma_start3A_1242 = tpu.memref_slice %arg7[%multiple_of3A_1238] : memref<51380224xf32, #tpu.memory_space<hbm>> -> memref<6272xf32, #tpu.memory_space<hbm>>
      %dma_start3A_1243 = tpu.memref_slice %arg18[%dma_start3A_1239] : memref<4x!tpu.dma_semaphore, #tpu.memory_space<semaphore_mem>> -> memref<1x!tpu.dma_semaphore, #tpu.memory_space<semaphore_mem>>
      %dma_start3A_1244 = tpu.memref_squeeze %dma_start3A_1243 : memref<1x!tpu.dma_semaphore, #tpu.memory_space<semaphore_mem>> -> memref<!tpu.dma_semaphore, #tpu.memory_space<semaphore_mem>>
      %dma_start3A_1245 = tpu.memref_slice %arg7[%multiple_of3A_1238] : memref<51380224xf32, #tpu.memory_space<hbm>> -> memref<6272xf32, #tpu.memory_space<hbm>>
      %dma_start3A_1246 = arith.constant 12544 : i32
      %dma_start3A_1247 = tpu.memref_slice %arg11[%dma_start3A_1246] : memref<25088xf32, #tpu.memory_space<vmem>> -> memref<6272xf32, #tpu.memory_space<vmem>>
      tpu.enqueue_dma source(%dma_start3A_1247 : memref<6272xf32, #tpu.memory_space<vmem>>) target(%dma_start3A_1245 : memref<6272xf32, #tpu.memory_space<hbm>>) target_semaphore(%dma_start3A_1244 : memref<!tpu.dma_semaphore, #tpu.memory_space<semaphore_mem>>)
      %multiple_of3A_1248 = tpu.assume_multiple %multiple_of3A_1003, 8 : i32
      %dma_wait3A_1249 = arith.constant 3 : i32
      %dma_wait3A_1250 = arith.constant 18816 : i32
      %dma_wait3A_1251 = tpu.memref_slice %arg11[%dma_wait3A_1250] : memref<25088xf32, #tpu.memory_space<vmem>> -> memref<6272xf32, #tpu.memory_space<vmem>>
      %dma_wait3A_1252 = tpu.memref_slice %arg7[%multiple_of3A_1248] : memref<51380224xf32, #tpu.memory_space<hbm>> -> memref<6272xf32, #tpu.memory_space<hbm>>
      %dma_wait3A_1253 = tpu.memref_slice %arg18[%dma_wait3A_1249] : memref<4x!tpu.dma_semaphore, #tpu.memory_space<semaphore_mem>> -> memref<1x!tpu.dma_semaphore, #tpu.memory_space<semaphore_mem>>
      %dma_wait3A_1254 = tpu.memref_squeeze %dma_wait3A_1253 : memref<1x!tpu.dma_semaphore, #tpu.memory_space<semaphore_mem>> -> memref<!tpu.dma_semaphore, #tpu.memory_space<semaphore_mem>>
      %dma_wait3A_1255 = tpu.memref_slice %arg7[%multiple_of3A_1248] : memref<51380224xf32, #tpu.memory_space<hbm>> -> memref<6272xf32, #tpu.memory_space<hbm>>
      %dma_wait3A_1256 = arith.constant 18816 : i32
      %dma_wait3A_1257 = tpu.memref_slice %arg11[%dma_wait3A_1256] : memref<25088xf32, #tpu.memory_space<vmem>> -> memref<6272xf32, #tpu.memory_space<vmem>>
      tpu.wait_dma2 semaphore(%dma_wait3A_1254 : memref<!tpu.dma_semaphore, #tpu.memory_space<semaphore_mem>>) src(%dma_wait3A_1257 : memref<6272xf32, #tpu.memory_space<vmem>>) dst(%dma_wait3A_1255 : memref<6272xf32, #tpu.memory_space<hbm>>)
      %parallel_loop3A_1258 = arith.constant 0 : i32
      %parallel_loop3A_1259 = arith.constant 392 : i32
      %parallel_loop3A_1260 = arith.constant 1 : i32
      scf.for %parallel_loop3A_1273 = %parallel_loop3A_1258 to %parallel_loop3A_1259 step %parallel_loop3A_1260  : i32 {
        %parallel_loop3A_1274 = arith.constant 16 : i32
        %parallel_loop3A_1275 = arith.muli %parallel_loop3A_1273, %parallel_loop3A_1274 : i32
        %parallel_loop3A_1276 = arith.constant 43904 : i32
        %parallel_loop3A_1277 = arith.addi %parallel_loop3A_1276, %parallel_loop3A_1275 : i32
        %parallel_loop3A_1278 = arith.index_cast %parallel_loop3A_1277 : i32 to index
        %parallel_loop3A_1279 = tpu.vector_load %arg12[%parallel_loop3A_1278] {strides = array<i32>} : memref<50192xf32, #tpu.memory_space<vmem>>, vector<16xf32>,
        %parallel_loop3A_1280 = arith.constant 16 : i32
        %parallel_loop3A_1281 = arith.muli %parallel_loop3A_1273, %parallel_loop3A_1280 : i32
        %parallel_loop3A_1282 = arith.constant 18816 : i32
        %parallel_loop3A_1283 = arith.addi %parallel_loop3A_1282, %parallel_loop3A_1281 : i32
        %parallel_loop3A_1284 = arith.index_cast %parallel_loop3A_1283 : i32 to index
        %parallel_loop3A_1285 = tpu.vector_load %arg11[%parallel_loop3A_1284] {strides = array<i32>} : memref<25088xf32, #tpu.memory_space<vmem>>, vector<16xf32>,
        tpu.vector_store %arg11[%parallel_loop3A_1284], %parallel_loop3A_1279 {strides = array<i32>} : memref<25088xf32, #tpu.memory_space<vmem>>, vector<16xf32>,
      } {sc.loop_unroll_factor = 8 : i64, sc.parallel_access}
      %add3A_1261 = arith.constant 43904 : i32
      %add3A_1262 = arith.addi %multiple_of3A_1003, %add3A_1261 : i32
      %multiple_of3A_1263 = tpu.assume_multiple %add3A_1262, 8 : i32
      %dma_start3A_1264 = arith.constant 3 : i32
      %dma_start3A_1265 = arith.constant 18816 : i32
      %dma_start3A_1266 = tpu.memref_slice %arg11[%dma_start3A_1265] : memref<25088xf32, #tpu.memory_space<vmem>> -> memref<6272xf32, #tpu.memory_space<vmem>>
      %dma_start3A_1267 = tpu.memref_slice %arg7[%multiple_of3A_1263] : memref<51380224xf32, #tpu.memory_space<hbm>> -> memref<6272xf32, #tpu.memory_space<hbm>>
      %dma_start3A_1268 = tpu.memref_slice %arg18[%dma_start3A_1264] : memref<4x!tpu.dma_semaphore, #tpu.memory_space<semaphore_mem>> -> memref<1x!tpu.dma_semaphore, #tpu.memory_space<semaphore_mem>>
      %dma_start3A_1269 = tpu.memref_squeeze %dma_start3A_1268 : memref<1x!tpu.dma_semaphore, #tpu.memory_space<semaphore_mem>> -> memref<!tpu.dma_semaphore, #tpu.memory_space<semaphore_mem>>
      %dma_start3A_1270 = tpu.memref_slice %arg7[%multiple_of3A_1263] : memref<51380224xf32, #tpu.memory_space<hbm>> -> memref<6272xf32, #tpu.memory_space<hbm>>
      %dma_start3A_1271 = arith.constant 18816 : i32
      %dma_start3A_1272 = tpu.memref_slice %arg11[%dma_start3A_1271] : memref<25088xf32, #tpu.memory_space<vmem>> -> memref<6272xf32, #tpu.memory_space<vmem>>
      tpu.enqueue_dma source(%dma_start3A_1272 : memref<6272xf32, #tpu.memory_space<vmem>>) target(%dma_start3A_1270 : memref<6272xf32, #tpu.memory_space<hbm>>) target_semaphore(%dma_start3A_1269 : memref<!tpu.dma_semaphore, #tpu.memory_space<semaphore_mem>>)
    }
    %scan3A_866 = arith.constant 16 : i32
    %mul3A_867 = arith.constant 256 : i32
    %mul3A_868 = arith.muli %add3A_856, %mul3A_867 : i32
    %mul3A_869 = arith.constant 50176 : i32
    %mul3A_870 = arith.muli %mul3A_868, %mul3A_869 : i32
    %multiple_of3A_871 = tpu.assume_multiple %mul3A_870, 8 : i32
    %dma_wait3A = arith.constant 0 : i32
    %dma_wait3A_872 = arith.constant 0 : i32
    %dma_wait3A_873 = tpu.memref_slice %arg11[%dma_wait3A_872] : memref<25088xf32, #tpu.memory_space<vmem>> -> memref<6272xf32, #tpu.memory_space<vmem>>
    %dma_wait3A_874 = tpu.memref_slice %arg7[%multiple_of3A_871] : memref<51380224xf32, #tpu.memory_space<hbm>> -> memref<6272xf32, #tpu.memory_space<hbm>>
    %dma_wait3A_875 = tpu.memref_slice %arg18[%dma_wait3A] : memref<4x!tpu.dma_semaphore, #tpu.memory_space<semaphore_mem>> -> memref<1x!tpu.dma_semaphore, #tpu.memory_space<semaphore_mem>>
    %dma_wait3A_876 = tpu.memref_squeeze %dma_wait3A_875 : memref<1x!tpu.dma_semaphore, #tpu.memory_space<semaphore_mem>> -> memref<!tpu.dma_semaphore, #tpu.memory_space<semaphore_mem>>
    %dma_wait3A_877 = tpu.memref_slice %arg7[%multiple_of3A_871] : memref<51380224xf32, #tpu.memory_space<hbm>> -> memref<6272xf32, #tpu.memory_space<hbm>>
    %dma_wait3A_878 = arith.constant 0 : i32
    %dma_wait3A_879 = tpu.memref_slice %arg11[%dma_wait3A_878] : memref<25088xf32, #tpu.memory_space<vmem>> -> memref<6272xf32, #tpu.memory_space<vmem>>
    tpu.wait_dma2 semaphore(%dma_wait3A_876 : memref<!tpu.dma_semaphore, #tpu.memory_space<semaphore_mem>>) src(%dma_wait3A_879 : memref<6272xf32, #tpu.memory_space<vmem>>) dst(%dma_wait3A_877 : memref<6272xf32, #tpu.memory_space<hbm>>)
    %mul3A_880 = arith.constant 256 : i32
    %mul3A_881 = arith.muli %add3A_856, %mul3A_880 : i32
    %mul3A_882 = arith.constant 50176 : i32
    %mul3A_883 = arith.muli %mul3A_881, %mul3A_882 : i32
    %multiple_of3A_884 = tpu.assume_multiple %mul3A_883, 8 : i32
    %dma_wait3A_885 = arith.constant 1 : i32
    %dma_wait3A_886 = arith.constant 6272 : i32
    %dma_wait3A_887 = tpu.memref_slice %arg11[%dma_wait3A_886] : memref<25088xf32, #tpu.memory_space<vmem>> -> memref<6272xf32, #tpu.memory_space<vmem>>
    %dma_wait3A_888 = tpu.memref_slice %arg7[%multiple_of3A_884] : memref<51380224xf32, #tpu.memory_space<hbm>> -> memref<6272xf32, #tpu.memory_space<hbm>>
    %dma_wait3A_889 = tpu.memref_slice %arg18[%dma_wait3A_885] : memref<4x!tpu.dma_semaphore, #tpu.memory_space<semaphore_mem>> -> memref<1x!tpu.dma_semaphore, #tpu.memory_space<semaphore_mem>>
    %dma_wait3A_890 = tpu.memref_squeeze %dma_wait3A_889 : memref<1x!tpu.dma_semaphore, #tpu.memory_space<semaphore_mem>> -> memref<!tpu.dma_semaphore, #tpu.memory_space<semaphore_mem>>
    %dma_wait3A_891 = tpu.memref_slice %arg7[%multiple_of3A_884] : memref<51380224xf32, #tpu.memory_space<hbm>> -> memref<6272xf32, #tpu.memory_space<hbm>>
    %dma_wait3A_892 = arith.constant 6272 : i32
    %dma_wait3A_893 = tpu.memref_slice %arg11[%dma_wait3A_892] : memref<25088xf32, #tpu.memory_space<vmem>> -> memref<6272xf32, #tpu.memory_space<vmem>>
    tpu.wait_dma2 semaphore(%dma_wait3A_890 : memref<!tpu.dma_semaphore, #tpu.memory_space<semaphore_mem>>) src(%dma_wait3A_893 : memref<6272xf32, #tpu.memory_space<vmem>>) dst(%dma_wait3A_891 : memref<6272xf32, #tpu.memory_space<hbm>>)
    %mul3A_894 = arith.constant 256 : i32
    %mul3A_895 = arith.muli %add3A_856, %mul3A_894 : i32
    %mul3A_896 = arith.constant 50176 : i32
    %mul3A_897 = arith.muli %mul3A_895, %mul3A_896 : i32
    %multiple_of3A_898 = tpu.assume_multiple %mul3A_897, 8 : i32
    %dma_wait3A_899 = arith.constant 2 : i32
    %dma_wait3A_900 = arith.constant 12544 : i32
    %dma_wait3A_901 = tpu.memref_slice %arg11[%dma_wait3A_900] : memref<25088xf32, #tpu.memory_space<vmem>> -> memref<6272xf32, #tpu.memory_space<vmem>>
    %dma_wait3A_902 = tpu.memref_slice %arg7[%multiple_of3A_898] : memref<51380224xf32, #tpu.memory_space<hbm>> -> memref<6272xf32, #tpu.memory_space<hbm>>
    %dma_wait3A_903 = tpu.memref_slice %arg18[%dma_wait3A_899] : memref<4x!tpu.dma_semaphore, #tpu.memory_space<semaphore_mem>> -> memref<1x!tpu.dma_semaphore, #tpu.memory_space<semaphore_mem>>
    %dma_wait3A_904 = tpu.memref_squeeze %dma_wait3A_903 : memref<1x!tpu.dma_semaphore, #tpu.memory_space<semaphore_mem>> -> memref<!tpu.dma_semaphore, #tpu.memory_space<semaphore_mem>>
    %dma_wait3A_905 = tpu.memref_slice %arg7[%multiple_of3A_898] : memref<51380224xf32, #tpu.memory_space<hbm>> -> memref<6272xf32, #tpu.memory_space<hbm>>
    %dma_wait3A_906 = arith.constant 12544 : i32
    %dma_wait3A_907 = tpu.memref_slice %arg11[%dma_wait3A_906] : memref<25088xf32, #tpu.memory_space<vmem>> -> memref<6272xf32, #tpu.memory_space<vmem>>
    tpu.wait_dma2 semaphore(%dma_wait3A_904 : memref<!tpu.dma_semaphore, #tpu.memory_space<semaphore_mem>>) src(%dma_wait3A_907 : memref<6272xf32, #tpu.memory_space<vmem>>) dst(%dma_wait3A_905 : memref<6272xf32, #tpu.memory_space<hbm>>)
    %mul3A_908 = arith.constant 256 : i32
    %mul3A_909 = arith.muli %add3A_856, %mul3A_908 : i32
    %mul3A_910 = arith.constant 50176 : i32
    %mul3A_911 = arith.muli %mul3A_909, %mul3A_910 : i32
    %multiple_of3A_912 = tpu.assume_multiple %mul3A_911, 8 : i32
    %dma_wait3A_913 = arith.constant 3 : i32
    %dma_wait3A_914 = arith.constant 18816 : i32
    %dma_wait3A_915 = tpu.memref_slice %arg11[%dma_wait3A_914] : memref<25088xf32, #tpu.memory_space<vmem>> -> memref<6272xf32, #tpu.memory_space<vmem>>
    %dma_wait3A_916 = tpu.memref_slice %arg7[%multiple_of3A_912] : memref<51380224xf32, #tpu.memory_space<hbm>> -> memref<6272xf32, #tpu.memory_space<hbm>>
    %dma_wait3A_917 = tpu.memref_slice %arg18[%dma_wait3A_913] : memref<4x!tpu.dma_semaphore, #tpu.memory_space<semaphore_mem>> -> memref<1x!tpu.dma_semaphore, #tpu.memory_space<semaphore_mem>>
    %dma_wait3A_918 = tpu.memref_squeeze %dma_wait3A_917 : memref<1x!tpu.dma_semaphore, #tpu.memory_space<semaphore_mem>> -> memref<!tpu.dma_semaphore, #tpu.memory_space<semaphore_mem>>
    %dma_wait3A_919 = tpu.memref_slice %arg7[%multiple_of3A_912] : memref<51380224xf32, #tpu.memory_space<hbm>> -> memref<6272xf32, #tpu.memory_space<hbm>>
    %dma_wait3A_920 = arith.constant 18816 : i32
    %dma_wait3A_921 = tpu.memref_slice %arg11[%dma_wait3A_920] : memref<25088xf32, #tpu.memory_space<vmem>> -> memref<6272xf32, #tpu.memory_space<vmem>>
    tpu.wait_dma2 semaphore(%dma_wait3A_918 : memref<!tpu.dma_semaphore, #tpu.memory_space<semaphore_mem>>) src(%dma_wait3A_921 : memref<6272xf32, #tpu.memory_space<vmem>>) dst(%dma_wait3A_919 : memref<6272xf32, #tpu.memory_space<hbm>>)
    %mul3A_922 = arith.constant 2 : i32
    %mul3A_923 = arith.muli %arg0, %mul3A_922 : i32
    %add3A_924 = arith.constant 1 : i32
    %add3A_925 = arith.addi %mul3A_923, %add3A_924 : i32
    %mul3A_926 = arith.constant 50176 : i32
    %mul3A_927 = arith.muli %add3A_925, %mul3A_926 : i32
    %multiple_of3A_928 = tpu.assume_multiple %mul3A_927, 8 : i32
    "tpu.region"() ({
      %run_scoped3A = tpu.sem_alloc : memref<!tpu.dma_semaphore, #tpu.memory_space<semaphore_mem>>
      %dma_start3A = tpu.memref_slice %arg17[%multiple_of3A_928] : memref<200704xf32, #tpu.memory_space<hbm>> -> memref<50176xf32, #tpu.memory_space<hbm>>
      %dma_start3A_994 = tpu.memref_slice %arg17[%multiple_of3A_928] : memref<200704xf32, #tpu.memory_space<hbm>> -> memref<50176xf32, #tpu.memory_space<hbm>>
      tpu.enqueue_dma source(%dma_start3A_994 : memref<50176xf32, #tpu.memory_space<hbm>>) target(%arg13 : memref<50176xf32, #tpu.memory_space<vmem>>) target_semaphore(%run_scoped3A : memref<!tpu.dma_semaphore, #tpu.memory_space<semaphore_mem>>)
      %dma_wait3A_995 = tpu.memref_slice %arg17[%multiple_of3A_928] : memref<200704xf32, #tpu.memory_space<hbm>> -> memref<50176xf32, #tpu.memory_space<hbm>>
      %dma_wait3A_996 = tpu.memref_slice %arg17[%multiple_of3A_928] : memref<200704xf32, #tpu.memory_space<hbm>> -> memref<50176xf32, #tpu.memory_space<hbm>>
      tpu.wait_dma2 semaphore(%run_scoped3A : memref<!tpu.dma_semaphore, #tpu.memory_space<semaphore_mem>>) src(%dma_wait3A_996 : memref<50176xf32, #tpu.memory_space<hbm>>) dst(%arg13 : memref<50176xf32, #tpu.memory_space<vmem>>)
      tpu.yield
    }) : () -> ()
    %broadcast_in_dim3A_929 = arith.constant 0.000000e+00 : f32
    %broadcast_in_dim3A_930 = vector.broadcast %broadcast_in_dim3A_929 : f32 to vector<16xf32>
    %swap3A_931 = arith.constant 50176 : index
    %swap3A_932 = tpu.vector_load %arg12[%swap3A_931] {strides = array<i32>} : memref<50192xf32, #tpu.memory_space<vmem>>, vector<16xf32>,
    tpu.vector_store %arg12[%swap3A_931], %broadcast_in_dim3A_930 {strides = array<i32>} : memref<50192xf32, #tpu.memory_space<vmem>>, vector<16xf32>,
    %scan3A_933 = arith.constant 0 : i32
    %scan3A_934 = arith.constant 16 : i32
    %scan3A_935 = arith.addi %scan3A_933, %scan3A_934 : i32
    %scan3A_936 = arith.constant 1 : i32
    scf.for %scan3A_994 = %scan3A_933 to %scan3A_935 step %scan3A_936  : i32 {
      %mul3A_995 = arith.constant 16 : i32
      %mul3A_996 = arith.muli %arg1, %mul3A_995 : i32
      %add3A_997 = arith.addi %mul3A_996, %scan3A_994 : i32
      %mul3A_998 = arith.constant 256 : i32
      %mul3A_999 = arith.muli %add3A_925, %mul3A_998 : i32
      %add3A_1000 = arith.addi %mul3A_999, %add3A_997 : i32
      %mul3A_1001 = arith.constant 50176 : i32
      %mul3A_1002 = arith.muli %add3A_1000, %mul3A_1001 : i32
      %multiple_of3A_1003 = tpu.assume_multiple %mul3A_1002, 8 : i32
      %add3A_1004 = arith.constant 0 : i32
      %add3A_1005 = arith.addi %multiple_of3A_1003, %add3A_1004 : i32
      %multiple_of3A_1006 = tpu.assume_multiple %add3A_1005, 8 : i32
      %dma_start3A = arith.constant 0 : i32
      %dma_start3A_1007 = arith.constant 0 : i32
      %dma_start3A_1008 = tpu.memref_slice %arg12[%dma_start3A_1007] : memref<50192xf32, #tpu.memory_space<vmem>> -> memref<12544xf32, #tpu.memory_space<vmem>>
      %dma_start3A_1009 = tpu.memref_slice %arg6[%multiple_of3A_1006] : memref<51380224xf32, #tpu.memory_space<hbm>> -> memref<12544xf32, #tpu.memory_space<hbm>>
      %dma_start3A_1010 = tpu.memref_slice %arg19[%dma_start3A] : memref<4x!tpu.dma_semaphore, #tpu.memory_space<semaphore_mem>> -> memref<1x!tpu.dma_semaphore, #tpu.memory_space<semaphore_mem>>
      %dma_start3A_1011 = tpu.memref_squeeze %dma_start3A_1010 : memref<1x!tpu.dma_semaphore, #tpu.memory_space<semaphore_mem>> -> memref<!tpu.dma_semaphore, #tpu.memory_space<semaphore_mem>>
      %dma_start3A_1012 = arith.constant 0 : i32
      %dma_start3A_1013 = tpu.memref_slice %arg12[%dma_start3A_1012] : memref<50192xf32, #tpu.memory_space<vmem>> -> memref<12544xf32, #tpu.memory_space<vmem>>
      %dma_start3A_1014 = tpu.memref_slice %arg6[%multiple_of3A_1006] : memref<51380224xf32, #tpu.memory_space<hbm>> -> memref<12544xf32, #tpu.memory_space<hbm>>
      tpu.enqueue_dma source(%dma_start3A_1014 : memref<12544xf32, #tpu.memory_space<hbm>>) target(%dma_start3A_1013 : memref<12544xf32, #tpu.memory_space<vmem>>) target_semaphore(%dma_start3A_1011 : memref<!tpu.dma_semaphore, #tpu.memory_space<semaphore_mem>>)
      %add3A_1015 = arith.constant 12544 : i32
      %add3A_1016 = arith.addi %multiple_of3A_1003, %add3A_1015 : i32
      %multiple_of3A_1017 = tpu.assume_multiple %add3A_1016, 8 : i32
      %dma_start3A_1018 = arith.constant 1 : i32
      %dma_start3A_1019 = arith.constant 12544 : i32
      %dma_start3A_1020 = tpu.memref_slice %arg12[%dma_start3A_1019] : memref<50192xf32, #tpu.memory_space<vmem>> -> memref<12544xf32, #tpu.memory_space<vmem>>
      %dma_start3A_1021 = tpu.memref_slice %arg6[%multiple_of3A_1017] : memref<51380224xf32, #tpu.memory_space<hbm>> -> memref<12544xf32, #tpu.memory_space<hbm>>
      %dma_start3A_1022 = tpu.memref_slice %arg19[%dma_start3A_1018] : memref<4x!tpu.dma_semaphore, #tpu.memory_space<semaphore_mem>> -> memref<1x!tpu.dma_semaphore, #tpu.memory_space<semaphore_mem>>
      %dma_start3A_1023 = tpu.memref_squeeze %dma_start3A_1022 : memref<1x!tpu.dma_semaphore, #tpu.memory_space<semaphore_mem>> -> memref<!tpu.dma_semaphore, #tpu.memory_space<semaphore_mem>>
      %dma_start3A_1024 = arith.constant 12544 : i32
      %dma_start3A_1025 = tpu.memref_slice %arg12[%dma_start3A_1024] : memref<50192xf32, #tpu.memory_space<vmem>> -> memref<12544xf32, #tpu.memory_space<vmem>>
      %dma_start3A_1026 = tpu.memref_slice %arg6[%multiple_of3A_1017] : memref<51380224xf32, #tpu.memory_space<hbm>> -> memref<12544xf32, #tpu.memory_space<hbm>>
      tpu.enqueue_dma source(%dma_start3A_1026 : memref<12544xf32, #tpu.memory_space<hbm>>) target(%dma_start3A_1025 : memref<12544xf32, #tpu.memory_space<vmem>>) target_semaphore(%dma_start3A_1023 : memref<!tpu.dma_semaphore, #tpu.memory_space<semaphore_mem>>)
      %add3A_1027 = arith.constant 25088 : i32
      %add3A_1028 = arith.addi %multiple_of3A_1003, %add3A_1027 : i32
      %multiple_of3A_1029 = tpu.assume_multiple %add3A_1028, 8 : i32
      %dma_start3A_1030 = arith.constant 2 : i32
      %dma_start3A_1031 = arith.constant 25088 : i32
      %dma_start3A_1032 = tpu.memref_slice %arg12[%dma_start3A_1031] : memref<50192xf32, #tpu.memory_space<vmem>> -> memref<12544xf32, #tpu.memory_space<vmem>>
      %dma_start3A_1033 = tpu.memref_slice %arg6[%multiple_of3A_1029] : memref<51380224xf32, #tpu.memory_space<hbm>> -> memref<12544xf32, #tpu.memory_space<hbm>>
      %dma_start3A_1034 = tpu.memref_slice %arg19[%dma_start3A_1030] : memref<4x!tpu.dma_semaphore, #tpu.memory_space<semaphore_mem>> -> memref<1x!tpu.dma_semaphore, #tpu.memory_space<semaphore_mem>>
      %dma_start3A_1035 = tpu.memref_squeeze %dma_start3A_1034 : memref<1x!tpu.dma_semaphore, #tpu.memory_space<semaphore_mem>> -> memref<!tpu.dma_semaphore, #tpu.memory_space<semaphore_mem>>
      %dma_start3A_1036 = arith.constant 25088 : i32
      %dma_start3A_1037 = tpu.memref_slice %arg12[%dma_start3A_1036] : memref<50192xf32, #tpu.memory_space<vmem>> -> memref<12544xf32, #tpu.memory_space<vmem>>
      %dma_start3A_1038 = tpu.memref_slice %arg6[%multiple_of3A_1029] : memref<51380224xf32, #tpu.memory_space<hbm>> -> memref<12544xf32, #tpu.memory_space<hbm>>
      tpu.enqueue_dma source(%dma_start3A_1038 : memref<12544xf32, #tpu.memory_space<hbm>>) target(%dma_start3A_1037 : memref<12544xf32, #tpu.memory_space<vmem>>) target_semaphore(%dma_start3A_1035 : memref<!tpu.dma_semaphore, #tpu.memory_space<semaphore_mem>>)
      %add3A_1039 = arith.constant 37632 : i32
      %add3A_1040 = arith.addi %multiple_of3A_1003, %add3A_1039 : i32
      %multiple_of3A_1041 = tpu.assume_multiple %add3A_1040, 8 : i32
      %dma_start3A_1042 = arith.constant 3 : i32
      %dma_start3A_1043 = arith.constant 37632 : i32
      %dma_start3A_1044 = tpu.memref_slice %arg12[%dma_start3A_1043] : memref<50192xf32, #tpu.memory_space<vmem>> -> memref<12544xf32, #tpu.memory_space<vmem>>
      %dma_start3A_1045 = tpu.memref_slice %arg6[%multiple_of3A_1041] : memref<51380224xf32, #tpu.memory_space<hbm>> -> memref<12544xf32, #tpu.memory_space<hbm>>
      %dma_start3A_1046 = tpu.memref_slice %arg19[%dma_start3A_1042] : memref<4x!tpu.dma_semaphore, #tpu.memory_space<semaphore_mem>> -> memref<1x!tpu.dma_semaphore, #tpu.memory_space<semaphore_mem>>
      %dma_start3A_1047 = tpu.memref_squeeze %dma_start3A_1046 : memref<1x!tpu.dma_semaphore, #tpu.memory_space<semaphore_mem>> -> memref<!tpu.dma_semaphore, #tpu.memory_space<semaphore_mem>>
      %dma_start3A_1048 = arith.constant 37632 : i32
      %dma_start3A_1049 = tpu.memref_slice %arg12[%dma_start3A_1048] : memref<50192xf32, #tpu.memory_space<vmem>> -> memref<12544xf32, #tpu.memory_space<vmem>>
      %dma_start3A_1050 = tpu.memref_slice %arg6[%multiple_of3A_1041] : memref<51380224xf32, #tpu.memory_space<hbm>> -> memref<12544xf32, #tpu.memory_space<hbm>>
      tpu.enqueue_dma source(%dma_start3A_1050 : memref<12544xf32, #tpu.memory_space<hbm>>) target(%dma_start3A_1049 : memref<12544xf32, #tpu.memory_space<vmem>>) target_semaphore(%dma_start3A_1047 : memref<!tpu.dma_semaphore, #tpu.memory_space<semaphore_mem>>)
      %multiple_of3A_1051 = tpu.assume_multiple %multiple_of3A_1003, 8 : i32
      %dma_wait3A_1052 = arith.constant 0 : i32
      %dma_wait3A_1053 = arith.constant 0 : i32
      %dma_wait3A_1054 = tpu.memref_slice %arg12[%dma_wait3A_1053] : memref<50192xf32, #tpu.memory_space<vmem>> -> memref<12544xf32, #tpu.memory_space<vmem>>
      %dma_wait3A_1055 = tpu.memref_slice %arg6[%multiple_of3A_1051] : memref<51380224xf32, #tpu.memory_space<hbm>> -> memref<12544xf32, #tpu.memory_space<hbm>>
      %dma_wait3A_1056 = tpu.memref_slice %arg19[%dma_wait3A_1052] : memref<4x!tpu.dma_semaphore, #tpu.memory_space<semaphore_mem>> -> memref<1x!tpu.dma_semaphore, #tpu.memory_space<semaphore_mem>>
      %dma_wait3A_1057 = tpu.memref_squeeze %dma_wait3A_1056 : memref<1x!tpu.dma_semaphore, #tpu.memory_space<semaphore_mem>> -> memref<!tpu.dma_semaphore, #tpu.memory_space<semaphore_mem>>
      %dma_wait3A_1058 = arith.constant 0 : i32
      %dma_wait3A_1059 = tpu.memref_slice %arg12[%dma_wait3A_1058] : memref<50192xf32, #tpu.memory_space<vmem>> -> memref<12544xf32, #tpu.memory_space<vmem>>
      %dma_wait3A_1060 = tpu.memref_slice %arg6[%multiple_of3A_1051] : memref<51380224xf32, #tpu.memory_space<hbm>> -> memref<12544xf32, #tpu.memory_space<hbm>>
      tpu.wait_dma2 semaphore(%dma_wait3A_1057 : memref<!tpu.dma_semaphore, #tpu.memory_space<semaphore_mem>>) src(%dma_wait3A_1060 : memref<12544xf32, #tpu.memory_space<hbm>>) dst(%dma_wait3A_1059 : memref<12544xf32, #tpu.memory_space<vmem>>)
      %multiple_of3A_1061 = tpu.assume_multiple %multiple_of3A_1003, 8 : i32
      %dma_wait3A_1062 = arith.constant 1 : i32
      %dma_wait3A_1063 = arith.constant 0 : i32
      %dma_wait3A_1064 = tpu.memref_slice %arg12[%dma_wait3A_1063] : memref<50192xf32, #tpu.memory_space<vmem>> -> memref<12544xf32, #tpu.memory_space<vmem>>
      %dma_wait3A_1065 = tpu.memref_slice %arg6[%multiple_of3A_1061] : memref<51380224xf32, #tpu.memory_space<hbm>> -> memref<12544xf32, #tpu.memory_space<hbm>>
      %dma_wait3A_1066 = tpu.memref_slice %arg19[%dma_wait3A_1062] : memref<4x!tpu.dma_semaphore, #tpu.memory_space<semaphore_mem>> -> memref<1x!tpu.dma_semaphore, #tpu.memory_space<semaphore_mem>>
      %dma_wait3A_1067 = tpu.memref_squeeze %dma_wait3A_1066 : memref<1x!tpu.dma_semaphore, #tpu.memory_space<semaphore_mem>> -> memref<!tpu.dma_semaphore, #tpu.memory_space<semaphore_mem>>
      %dma_wait3A_1068 = arith.constant 0 : i32
      %dma_wait3A_1069 = tpu.memref_slice %arg12[%dma_wait3A_1068] : memref<50192xf32, #tpu.memory_space<vmem>> -> memref<12544xf32, #tpu.memory_space<vmem>>
      %dma_wait3A_1070 = tpu.memref_slice %arg6[%multiple_of3A_1061] : memref<51380224xf32, #tpu.memory_space<hbm>> -> memref<12544xf32, #tpu.memory_space<hbm>>
      tpu.wait_dma2 semaphore(%dma_wait3A_1067 : memref<!tpu.dma_semaphore, #tpu.memory_space<semaphore_mem>>) src(%dma_wait3A_1070 : memref<12544xf32, #tpu.memory_space<hbm>>) dst(%dma_wait3A_1069 : memref<12544xf32, #tpu.memory_space<vmem>>)
      %multiple_of3A_1071 = tpu.assume_multiple %multiple_of3A_1003, 8 : i32
      %dma_wait3A_1072 = arith.constant 2 : i32
      %dma_wait3A_1073 = arith.constant 0 : i32
      %dma_wait3A_1074 = tpu.memref_slice %arg12[%dma_wait3A_1073] : memref<50192xf32, #tpu.memory_space<vmem>> -> memref<12544xf32, #tpu.memory_space<vmem>>
      %dma_wait3A_1075 = tpu.memref_slice %arg6[%multiple_of3A_1071] : memref<51380224xf32, #tpu.memory_space<hbm>> -> memref<12544xf32, #tpu.memory_space<hbm>>
      %dma_wait3A_1076 = tpu.memref_slice %arg19[%dma_wait3A_1072] : memref<4x!tpu.dma_semaphore, #tpu.memory_space<semaphore_mem>> -> memref<1x!tpu.dma_semaphore, #tpu.memory_space<semaphore_mem>>
      %dma_wait3A_1077 = tpu.memref_squeeze %dma_wait3A_1076 : memref<1x!tpu.dma_semaphore, #tpu.memory_space<semaphore_mem>> -> memref<!tpu.dma_semaphore, #tpu.memory_space<semaphore_mem>>
      %dma_wait3A_1078 = arith.constant 0 : i32
      %dma_wait3A_1079 = tpu.memref_slice %arg12[%dma_wait3A_1078] : memref<50192xf32, #tpu.memory_space<vmem>> -> memref<12544xf32, #tpu.memory_space<vmem>>
      %dma_wait3A_1080 = tpu.memref_slice %arg6[%multiple_of3A_1071] : memref<51380224xf32, #tpu.memory_space<hbm>> -> memref<12544xf32, #tpu.memory_space<hbm>>
      tpu.wait_dma2 semaphore(%dma_wait3A_1077 : memref<!tpu.dma_semaphore, #tpu.memory_space<semaphore_mem>>) src(%dma_wait3A_1080 : memref<12544xf32, #tpu.memory_space<hbm>>) dst(%dma_wait3A_1079 : memref<12544xf32, #tpu.memory_space<vmem>>)
      %multiple_of3A_1081 = tpu.assume_multiple %multiple_of3A_1003, 8 : i32
      %dma_wait3A_1082 = arith.constant 3 : i32
      %dma_wait3A_1083 = arith.constant 0 : i32
      %dma_wait3A_1084 = tpu.memref_slice %arg12[%dma_wait3A_1083] : memref<50192xf32, #tpu.memory_space<vmem>> -> memref<12544xf32, #tpu.memory_space<vmem>>
      %dma_wait3A_1085 = tpu.memref_slice %arg6[%multiple_of3A_1081] : memref<51380224xf32, #tpu.memory_space<hbm>> -> memref<12544xf32, #tpu.memory_space<hbm>>
      %dma_wait3A_1086 = tpu.memref_slice %arg19[%dma_wait3A_1082] : memref<4x!tpu.dma_semaphore, #tpu.memory_space<semaphore_mem>> -> memref<1x!tpu.dma_semaphore, #tpu.memory_space<semaphore_mem>>
      %dma_wait3A_1087 = tpu.memref_squeeze %dma_wait3A_1086 : memref<1x!tpu.dma_semaphore, #tpu.memory_space<semaphore_mem>> -> memref<!tpu.dma_semaphore, #tpu.memory_space<semaphore_mem>>
      %dma_wait3A_1088 = arith.constant 0 : i32
      %dma_wait3A_1089 = tpu.memref_slice %arg12[%dma_wait3A_1088] : memref<50192xf32, #tpu.memory_space<vmem>> -> memref<12544xf32, #tpu.memory_space<vmem>>
      %dma_wait3A_1090 = tpu.memref_slice %arg6[%multiple_of3A_1081] : memref<51380224xf32, #tpu.memory_space<hbm>> -> memref<12544xf32, #tpu.memory_space<hbm>>
      tpu.wait_dma2 semaphore(%dma_wait3A_1087 : memref<!tpu.dma_semaphore, #tpu.memory_space<semaphore_mem>>) src(%dma_wait3A_1090 : memref<12544xf32, #tpu.memory_space<hbm>>) dst(%dma_wait3A_1089 : memref<12544xf32, #tpu.memory_space<vmem>>)
      %gt3A = arith.constant 0 : i32
      %gt3A_1091 = arith.cmpi sgt, %scan3A_994, %gt3A : i32
      %convert_element_type3A_1092 = arith.extui %gt3A_1091 : i1 to i32
      %cond3A_1093 = arith.constant 0 : i32
      %cond3A_1094 = arith.constant 0 : i32
      %cond3A_1095 = arith.cmpi ne, %convert_element_type3A_1092, %cond3A_1094 : i32
      scf.if %cond3A_1095 {
        %multiple_of3A_1273 = tpu.assume_multiple %multiple_of3A_1003, 8 : i32
        %dma_wait3A_1274 = arith.constant 0 : i32
        %dma_wait3A_1275 = tpu.memref_slice %arg11[%dma_wait3A_1274] : memref<25088xf32, #tpu.memory_space<vmem>> -> memref<6272xf32, #tpu.memory_space<vmem>>
        %dma_wait3A_1276 = tpu.memref_slice %arg7[%multiple_of3A_1273] : memref<51380224xf32, #tpu.memory_space<hbm>> -> memref<6272xf32, #tpu.memory_space<hbm>>
        %dma_wait3A_1277 = tpu.memref_slice %arg18[%cond3A_1093] : memref<4x!tpu.dma_semaphore, #tpu.memory_space<semaphore_mem>> -> memref<1x!tpu.dma_semaphore, #tpu.memory_space<semaphore_mem>>
        %dma_wait3A_1278 = tpu.memref_squeeze %dma_wait3A_1277 : memref<1x!tpu.dma_semaphore, #tpu.memory_space<semaphore_mem>> -> memref<!tpu.dma_semaphore, #tpu.memory_space<semaphore_mem>>
        %dma_wait3A_1279 = tpu.memref_slice %arg7[%multiple_of3A_1273] : memref<51380224xf32, #tpu.memory_space<hbm>> -> memref<6272xf32, #tpu.memory_space<hbm>>
        %dma_wait3A_1280 = arith.constant 0 : i32
        %dma_wait3A_1281 = tpu.memref_slice %arg11[%dma_wait3A_1280] : memref<25088xf32, #tpu.memory_space<vmem>> -> memref<6272xf32, #tpu.memory_space<vmem>>
        tpu.wait_dma2 semaphore(%dma_wait3A_1278 : memref<!tpu.dma_semaphore, #tpu.memory_space<semaphore_mem>>) src(%dma_wait3A_1281 : memref<6272xf32, #tpu.memory_space<vmem>>) dst(%dma_wait3A_1279 : memref<6272xf32, #tpu.memory_space<hbm>>)
      } else {
      }
      %parallel_loop3A = arith.constant 0 : i32
      %parallel_loop3A_1096 = arith.constant 392 : i32
      %parallel_loop3A_1097 = arith.constant 1 : i32
      scf.for %parallel_loop3A_1273 = %parallel_loop3A to %parallel_loop3A_1096 step %parallel_loop3A_1097  : i32 {
        %parallel_loop3A_1274 = arith.constant 16 : i32
        %parallel_loop3A_1275 = arith.muli %parallel_loop3A_1273, %parallel_loop3A_1274 : i32
        %parallel_loop3A_1276 = arith.constant 0 : i32
        %parallel_loop3A_1277 = arith.addi %parallel_loop3A_1276, %parallel_loop3A_1275 : i32
        %parallel_loop3A_1278 = arith.index_cast %parallel_loop3A_1277 : i32 to index
        %parallel_loop3A_1279 = tpu.vector_load %arg12[%parallel_loop3A_1278] {strides = array<i32>} : memref<50192xf32, #tpu.memory_space<vmem>>, vector<16xf32>,
        %parallel_loop3A_1280 = arith.constant 16 : i32
        %parallel_loop3A_1281 = arith.muli %parallel_loop3A_1273, %parallel_loop3A_1280 : i32
        %parallel_loop3A_1282 = arith.constant 0 : i32
        %parallel_loop3A_1283 = arith.addi %parallel_loop3A_1282, %parallel_loop3A_1281 : i32
        %parallel_loop3A_1284 = arith.index_cast %parallel_loop3A_1283 : i32 to index
        %parallel_loop3A_1285 = tpu.vector_load %arg11[%parallel_loop3A_1284] {strides = array<i32>} : memref<25088xf32, #tpu.memory_space<vmem>>, vector<16xf32>,
        tpu.vector_store %arg11[%parallel_loop3A_1284], %parallel_loop3A_1279 {strides = array<i32>} : memref<25088xf32, #tpu.memory_space<vmem>>, vector<16xf32>,
      } {sc.loop_unroll_factor = 8 : i64, sc.parallel_access}
      %add3A_1098 = arith.constant 0 : i32
      %add3A_1099 = arith.addi %multiple_of3A_1003, %add3A_1098 : i32
      %multiple_of3A_1100 = tpu.assume_multiple %add3A_1099, 8 : i32
      %dma_start3A_1101 = arith.constant 0 : i32
      %dma_start3A_1102 = arith.constant 0 : i32
      %dma_start3A_1103 = tpu.memref_slice %arg11[%dma_start3A_1102] : memref<25088xf32, #tpu.memory_space<vmem>> -> memref<6272xf32, #tpu.memory_space<vmem>>
      %dma_start3A_1104 = tpu.memref_slice %arg7[%multiple_of3A_1100] : memref<51380224xf32, #tpu.memory_space<hbm>> -> memref<6272xf32, #tpu.memory_space<hbm>>
      %dma_start3A_1105 = tpu.memref_slice %arg18[%dma_start3A_1101] : memref<4x!tpu.dma_semaphore, #tpu.memory_space<semaphore_mem>> -> memref<1x!tpu.dma_semaphore, #tpu.memory_space<semaphore_mem>>
      %dma_start3A_1106 = tpu.memref_squeeze %dma_start3A_1105 : memref<1x!tpu.dma_semaphore, #tpu.memory_space<semaphore_mem>> -> memref<!tpu.dma_semaphore, #tpu.memory_space<semaphore_mem>>
      %dma_start3A_1107 = tpu.memref_slice %arg7[%multiple_of3A_1100] : memref<51380224xf32, #tpu.memory_space<hbm>> -> memref<6272xf32, #tpu.memory_space<hbm>>
      %dma_start3A_1108 = arith.constant 0 : i32
      %dma_start3A_1109 = tpu.memref_slice %arg11[%dma_start3A_1108] : memref<25088xf32, #tpu.memory_space<vmem>> -> memref<6272xf32, #tpu.memory_space<vmem>>
      tpu.enqueue_dma source(%dma_start3A_1109 : memref<6272xf32, #tpu.memory_space<vmem>>) target(%dma_start3A_1107 : memref<6272xf32, #tpu.memory_space<hbm>>) target_semaphore(%dma_start3A_1106 : memref<!tpu.dma_semaphore, #tpu.memory_space<semaphore_mem>>)
      %gt3A_1110 = arith.constant 0 : i32
      %gt3A_1111 = arith.cmpi sgt, %scan3A_994, %gt3A_1110 : i32
      %convert_element_type3A_1112 = arith.extui %gt3A_1111 : i1 to i32
      %cond3A_1113 = arith.constant 1 : i32
      %cond3A_1114 = arith.constant 0 : i32
      %cond3A_1115 = arith.cmpi ne, %convert_element_type3A_1112, %cond3A_1114 : i32
      scf.if %cond3A_1115 {
        %multiple_of3A_1273 = tpu.assume_multiple %multiple_of3A_1003, 8 : i32
        %dma_wait3A_1274 = arith.constant 6272 : i32
        %dma_wait3A_1275 = tpu.memref_slice %arg11[%dma_wait3A_1274] : memref<25088xf32, #tpu.memory_space<vmem>> -> memref<6272xf32, #tpu.memory_space<vmem>>
        %dma_wait3A_1276 = tpu.memref_slice %arg7[%multiple_of3A_1273] : memref<51380224xf32, #tpu.memory_space<hbm>> -> memref<6272xf32, #tpu.memory_space<hbm>>
        %dma_wait3A_1277 = tpu.memref_slice %arg18[%cond3A_1113] : memref<4x!tpu.dma_semaphore, #tpu.memory_space<semaphore_mem>> -> memref<1x!tpu.dma_semaphore, #tpu.memory_space<semaphore_mem>>
        %dma_wait3A_1278 = tpu.memref_squeeze %dma_wait3A_1277 : memref<1x!tpu.dma_semaphore, #tpu.memory_space<semaphore_mem>> -> memref<!tpu.dma_semaphore, #tpu.memory_space<semaphore_mem>>
        %dma_wait3A_1279 = tpu.memref_slice %arg7[%multiple_of3A_1273] : memref<51380224xf32, #tpu.memory_space<hbm>> -> memref<6272xf32, #tpu.memory_space<hbm>>
        %dma_wait3A_1280 = arith.constant 6272 : i32
        %dma_wait3A_1281 = tpu.memref_slice %arg11[%dma_wait3A_1280] : memref<25088xf32, #tpu.memory_space<vmem>> -> memref<6272xf32, #tpu.memory_space<vmem>>
        tpu.wait_dma2 semaphore(%dma_wait3A_1278 : memref<!tpu.dma_semaphore, #tpu.memory_space<semaphore_mem>>) src(%dma_wait3A_1281 : memref<6272xf32, #tpu.memory_space<vmem>>) dst(%dma_wait3A_1279 : memref<6272xf32, #tpu.memory_space<hbm>>)
      } else {
      }
      %parallel_loop3A_1116 = arith.constant 0 : i32
      %parallel_loop3A_1117 = arith.constant 392 : i32
      %parallel_loop3A_1118 = arith.constant 1 : i32
      scf.for %parallel_loop3A_1273 = %parallel_loop3A_1116 to %parallel_loop3A_1117 step %parallel_loop3A_1118  : i32 {
        %parallel_loop3A_1274 = arith.constant 16 : i32
        %parallel_loop3A_1275 = arith.muli %parallel_loop3A_1273, %parallel_loop3A_1274 : i32
        %parallel_loop3A_1276 = arith.constant 6272 : i32
        %parallel_loop3A_1277 = arith.addi %parallel_loop3A_1276, %parallel_loop3A_1275 : i32
        %parallel_loop3A_1278 = arith.index_cast %parallel_loop3A_1277 : i32 to index
        %parallel_loop3A_1279 = tpu.vector_load %arg12[%parallel_loop3A_1278] {strides = array<i32>} : memref<50192xf32, #tpu.memory_space<vmem>>, vector<16xf32>,
        %parallel_loop3A_1280 = arith.constant 16 : i32
        %parallel_loop3A_1281 = arith.muli %parallel_loop3A_1273, %parallel_loop3A_1280 : i32
        %parallel_loop3A_1282 = arith.constant 6272 : i32
        %parallel_loop3A_1283 = arith.addi %parallel_loop3A_1282, %parallel_loop3A_1281 : i32
        %parallel_loop3A_1284 = arith.index_cast %parallel_loop3A_1283 : i32 to index
        %parallel_loop3A_1285 = tpu.vector_load %arg11[%parallel_loop3A_1284] {strides = array<i32>} : memref<25088xf32, #tpu.memory_space<vmem>>, vector<16xf32>,
        tpu.vector_store %arg11[%parallel_loop3A_1284], %parallel_loop3A_1279 {strides = array<i32>} : memref<25088xf32, #tpu.memory_space<vmem>>, vector<16xf32>,
      } {sc.loop_unroll_factor = 8 : i64, sc.parallel_access}
      %add3A_1119 = arith.constant 6272 : i32
      %add3A_1120 = arith.addi %multiple_of3A_1003, %add3A_1119 : i32
      %multiple_of3A_1121 = tpu.assume_multiple %add3A_1120, 8 : i32
      %dma_start3A_1122 = arith.constant 1 : i32
      %dma_start3A_1123 = arith.constant 6272 : i32
      %dma_start3A_1124 = tpu.memref_slice %arg11[%dma_start3A_1123] : memref<25088xf32, #tpu.memory_space<vmem>> -> memref<6272xf32, #tpu.memory_space<vmem>>
      %dma_start3A_1125 = tpu.memref_slice %arg7[%multiple_of3A_1121] : memref<51380224xf32, #tpu.memory_space<hbm>> -> memref<6272xf32, #tpu.memory_space<hbm>>
      %dma_start3A_1126 = tpu.memref_slice %arg18[%dma_start3A_1122] : memref<4x!tpu.dma_semaphore, #tpu.memory_space<semaphore_mem>> -> memref<1x!tpu.dma_semaphore, #tpu.memory_space<semaphore_mem>>
      %dma_start3A_1127 = tpu.memref_squeeze %dma_start3A_1126 : memref<1x!tpu.dma_semaphore, #tpu.memory_space<semaphore_mem>> -> memref<!tpu.dma_semaphore, #tpu.memory_space<semaphore_mem>>
      %dma_start3A_1128 = tpu.memref_slice %arg7[%multiple_of3A_1121] : memref<51380224xf32, #tpu.memory_space<hbm>> -> memref<6272xf32, #tpu.memory_space<hbm>>
      %dma_start3A_1129 = arith.constant 6272 : i32
      %dma_start3A_1130 = tpu.memref_slice %arg11[%dma_start3A_1129] : memref<25088xf32, #tpu.memory_space<vmem>> -> memref<6272xf32, #tpu.memory_space<vmem>>
      tpu.enqueue_dma source(%dma_start3A_1130 : memref<6272xf32, #tpu.memory_space<vmem>>) target(%dma_start3A_1128 : memref<6272xf32, #tpu.memory_space<hbm>>) target_semaphore(%dma_start3A_1127 : memref<!tpu.dma_semaphore, #tpu.memory_space<semaphore_mem>>)
      %gt3A_1131 = arith.constant 0 : i32
      %gt3A_1132 = arith.cmpi sgt, %scan3A_994, %gt3A_1131 : i32
      %convert_element_type3A_1133 = arith.extui %gt3A_1132 : i1 to i32
      %cond3A_1134 = arith.constant 2 : i32
      %cond3A_1135 = arith.constant 0 : i32
      %cond3A_1136 = arith.cmpi ne, %convert_element_type3A_1133, %cond3A_1135 : i32
      scf.if %cond3A_1136 {
        %multiple_of3A_1273 = tpu.assume_multiple %multiple_of3A_1003, 8 : i32
        %dma_wait3A_1274 = arith.constant 12544 : i32
        %dma_wait3A_1275 = tpu.memref_slice %arg11[%dma_wait3A_1274] : memref<25088xf32, #tpu.memory_space<vmem>> -> memref<6272xf32, #tpu.memory_space<vmem>>
        %dma_wait3A_1276 = tpu.memref_slice %arg7[%multiple_of3A_1273] : memref<51380224xf32, #tpu.memory_space<hbm>> -> memref<6272xf32, #tpu.memory_space<hbm>>
        %dma_wait3A_1277 = tpu.memref_slice %arg18[%cond3A_1134] : memref<4x!tpu.dma_semaphore, #tpu.memory_space<semaphore_mem>> -> memref<1x!tpu.dma_semaphore, #tpu.memory_space<semaphore_mem>>
        %dma_wait3A_1278 = tpu.memref_squeeze %dma_wait3A_1277 : memref<1x!tpu.dma_semaphore, #tpu.memory_space<semaphore_mem>> -> memref<!tpu.dma_semaphore, #tpu.memory_space<semaphore_mem>>
        %dma_wait3A_1279 = tpu.memref_slice %arg7[%multiple_of3A_1273] : memref<51380224xf32, #tpu.memory_space<hbm>> -> memref<6272xf32, #tpu.memory_space<hbm>>
        %dma_wait3A_1280 = arith.constant 12544 : i32
        %dma_wait3A_1281 = tpu.memref_slice %arg11[%dma_wait3A_1280] : memref<25088xf32, #tpu.memory_space<vmem>> -> memref<6272xf32, #tpu.memory_space<vmem>>
        tpu.wait_dma2 semaphore(%dma_wait3A_1278 : memref<!tpu.dma_semaphore, #tpu.memory_space<semaphore_mem>>) src(%dma_wait3A_1281 : memref<6272xf32, #tpu.memory_space<vmem>>) dst(%dma_wait3A_1279 : memref<6272xf32, #tpu.memory_space<hbm>>)
      } else {
      }
      %parallel_loop3A_1137 = arith.constant 0 : i32
      %parallel_loop3A_1138 = arith.constant 392 : i32
      %parallel_loop3A_1139 = arith.constant 1 : i32
      scf.for %parallel_loop3A_1273 = %parallel_loop3A_1137 to %parallel_loop3A_1138 step %parallel_loop3A_1139  : i32 {
        %parallel_loop3A_1274 = arith.constant 16 : i32
        %parallel_loop3A_1275 = arith.muli %parallel_loop3A_1273, %parallel_loop3A_1274 : i32
        %parallel_loop3A_1276 = arith.constant 12544 : i32
        %parallel_loop3A_1277 = arith.addi %parallel_loop3A_1276, %parallel_loop3A_1275 : i32
        %parallel_loop3A_1278 = arith.index_cast %parallel_loop3A_1277 : i32 to index
        %parallel_loop3A_1279 = tpu.vector_load %arg12[%parallel_loop3A_1278] {strides = array<i32>} : memref<50192xf32, #tpu.memory_space<vmem>>, vector<16xf32>,
        %parallel_loop3A_1280 = arith.constant 16 : i32
        %parallel_loop3A_1281 = arith.muli %parallel_loop3A_1273, %parallel_loop3A_1280 : i32
        %parallel_loop3A_1282 = arith.constant 12544 : i32
        %parallel_loop3A_1283 = arith.addi %parallel_loop3A_1282, %parallel_loop3A_1281 : i32
        %parallel_loop3A_1284 = arith.index_cast %parallel_loop3A_1283 : i32 to index
        %parallel_loop3A_1285 = tpu.vector_load %arg11[%parallel_loop3A_1284] {strides = array<i32>} : memref<25088xf32, #tpu.memory_space<vmem>>, vector<16xf32>,
        tpu.vector_store %arg11[%parallel_loop3A_1284], %parallel_loop3A_1279 {strides = array<i32>} : memref<25088xf32, #tpu.memory_space<vmem>>, vector<16xf32>,
      } {sc.loop_unroll_factor = 8 : i64, sc.parallel_access}
      %add3A_1140 = arith.constant 12544 : i32
      %add3A_1141 = arith.addi %multiple_of3A_1003, %add3A_1140 : i32
      %multiple_of3A_1142 = tpu.assume_multiple %add3A_1141, 8 : i32
      %dma_start3A_1143 = arith.constant 2 : i32
      %dma_start3A_1144 = arith.constant 12544 : i32
      %dma_start3A_1145 = tpu.memref_slice %arg11[%dma_start3A_1144] : memref<25088xf32, #tpu.memory_space<vmem>> -> memref<6272xf32, #tpu.memory_space<vmem>>
      %dma_start3A_1146 = tpu.memref_slice %arg7[%multiple_of3A_1142] : memref<51380224xf32, #tpu.memory_space<hbm>> -> memref<6272xf32, #tpu.memory_space<hbm>>
      %dma_start3A_1147 = tpu.memref_slice %arg18[%dma_start3A_1143] : memref<4x!tpu.dma_semaphore, #tpu.memory_space<semaphore_mem>> -> memref<1x!tpu.dma_semaphore, #tpu.memory_space<semaphore_mem>>
      %dma_start3A_1148 = tpu.memref_squeeze %dma_start3A_1147 : memref<1x!tpu.dma_semaphore, #tpu.memory_space<semaphore_mem>> -> memref<!tpu.dma_semaphore, #tpu.memory_space<semaphore_mem>>
      %dma_start3A_1149 = tpu.memref_slice %arg7[%multiple_of3A_1142] : memref<51380224xf32, #tpu.memory_space<hbm>> -> memref<6272xf32, #tpu.memory_space<hbm>>
      %dma_start3A_1150 = arith.constant 12544 : i32
      %dma_start3A_1151 = tpu.memref_slice %arg11[%dma_start3A_1150] : memref<25088xf32, #tpu.memory_space<vmem>> -> memref<6272xf32, #tpu.memory_space<vmem>>
      tpu.enqueue_dma source(%dma_start3A_1151 : memref<6272xf32, #tpu.memory_space<vmem>>) target(%dma_start3A_1149 : memref<6272xf32, #tpu.memory_space<hbm>>) target_semaphore(%dma_start3A_1148 : memref<!tpu.dma_semaphore, #tpu.memory_space<semaphore_mem>>)
      %gt3A_1152 = arith.constant 0 : i32
      %gt3A_1153 = arith.cmpi sgt, %scan3A_994, %gt3A_1152 : i32
      %convert_element_type3A_1154 = arith.extui %gt3A_1153 : i1 to i32
      %cond3A_1155 = arith.constant 3 : i32
      %cond3A_1156 = arith.constant 0 : i32
      %cond3A_1157 = arith.cmpi ne, %convert_element_type3A_1154, %cond3A_1156 : i32
      scf.if %cond3A_1157 {
        %multiple_of3A_1273 = tpu.assume_multiple %multiple_of3A_1003, 8 : i32
        %dma_wait3A_1274 = arith.constant 18816 : i32
        %dma_wait3A_1275 = tpu.memref_slice %arg11[%dma_wait3A_1274] : memref<25088xf32, #tpu.memory_space<vmem>> -> memref<6272xf32, #tpu.memory_space<vmem>>
        %dma_wait3A_1276 = tpu.memref_slice %arg7[%multiple_of3A_1273] : memref<51380224xf32, #tpu.memory_space<hbm>> -> memref<6272xf32, #tpu.memory_space<hbm>>
        %dma_wait3A_1277 = tpu.memref_slice %arg18[%cond3A_1155] : memref<4x!tpu.dma_semaphore, #tpu.memory_space<semaphore_mem>> -> memref<1x!tpu.dma_semaphore, #tpu.memory_space<semaphore_mem>>
        %dma_wait3A_1278 = tpu.memref_squeeze %dma_wait3A_1277 : memref<1x!tpu.dma_semaphore, #tpu.memory_space<semaphore_mem>> -> memref<!tpu.dma_semaphore, #tpu.memory_space<semaphore_mem>>
        %dma_wait3A_1279 = tpu.memref_slice %arg7[%multiple_of3A_1273] : memref<51380224xf32, #tpu.memory_space<hbm>> -> memref<6272xf32, #tpu.memory_space<hbm>>
        %dma_wait3A_1280 = arith.constant 18816 : i32
        %dma_wait3A_1281 = tpu.memref_slice %arg11[%dma_wait3A_1280] : memref<25088xf32, #tpu.memory_space<vmem>> -> memref<6272xf32, #tpu.memory_space<vmem>>
        tpu.wait_dma2 semaphore(%dma_wait3A_1278 : memref<!tpu.dma_semaphore, #tpu.memory_space<semaphore_mem>>) src(%dma_wait3A_1281 : memref<6272xf32, #tpu.memory_space<vmem>>) dst(%dma_wait3A_1279 : memref<6272xf32, #tpu.memory_space<hbm>>)
      } else {
      }
      %parallel_loop3A_1158 = arith.constant 0 : i32
      %parallel_loop3A_1159 = arith.constant 392 : i32
      %parallel_loop3A_1160 = arith.constant 1 : i32
      scf.for %parallel_loop3A_1273 = %parallel_loop3A_1158 to %parallel_loop3A_1159 step %parallel_loop3A_1160  : i32 {
        %parallel_loop3A_1274 = arith.constant 16 : i32
        %parallel_loop3A_1275 = arith.muli %parallel_loop3A_1273, %parallel_loop3A_1274 : i32
        %parallel_loop3A_1276 = arith.constant 18816 : i32
        %parallel_loop3A_1277 = arith.addi %parallel_loop3A_1276, %parallel_loop3A_1275 : i32
        %parallel_loop3A_1278 = arith.index_cast %parallel_loop3A_1277 : i32 to index
        %parallel_loop3A_1279 = tpu.vector_load %arg12[%parallel_loop3A_1278] {strides = array<i32>} : memref<50192xf32, #tpu.memory_space<vmem>>, vector<16xf32>,
        %parallel_loop3A_1280 = arith.constant 16 : i32
        %parallel_loop3A_1281 = arith.muli %parallel_loop3A_1273, %parallel_loop3A_1280 : i32
        %parallel_loop3A_1282 = arith.constant 18816 : i32
        %parallel_loop3A_1283 = arith.addi %parallel_loop3A_1282, %parallel_loop3A_1281 : i32
        %parallel_loop3A_1284 = arith.index_cast %parallel_loop3A_1283 : i32 to index
        %parallel_loop3A_1285 = tpu.vector_load %arg11[%parallel_loop3A_1284] {strides = array<i32>} : memref<25088xf32, #tpu.memory_space<vmem>>, vector<16xf32>,
        tpu.vector_store %arg11[%parallel_loop3A_1284], %parallel_loop3A_1279 {strides = array<i32>} : memref<25088xf32, #tpu.memory_space<vmem>>, vector<16xf32>,
      } {sc.loop_unroll_factor = 8 : i64, sc.parallel_access}
      %add3A_1161 = arith.constant 18816 : i32
      %add3A_1162 = arith.addi %multiple_of3A_1003, %add3A_1161 : i32
      %multiple_of3A_1163 = tpu.assume_multiple %add3A_1162, 8 : i32
      %dma_start3A_1164 = arith.constant 3 : i32
      %dma_start3A_1165 = arith.constant 18816 : i32
      %dma_start3A_1166 = tpu.memref_slice %arg11[%dma_start3A_1165] : memref<25088xf32, #tpu.memory_space<vmem>> -> memref<6272xf32, #tpu.memory_space<vmem>>
      %dma_start3A_1167 = tpu.memref_slice %arg7[%multiple_of3A_1163] : memref<51380224xf32, #tpu.memory_space<hbm>> -> memref<6272xf32, #tpu.memory_space<hbm>>
      %dma_start3A_1168 = tpu.memref_slice %arg18[%dma_start3A_1164] : memref<4x!tpu.dma_semaphore, #tpu.memory_space<semaphore_mem>> -> memref<1x!tpu.dma_semaphore, #tpu.memory_space<semaphore_mem>>
      %dma_start3A_1169 = tpu.memref_squeeze %dma_start3A_1168 : memref<1x!tpu.dma_semaphore, #tpu.memory_space<semaphore_mem>> -> memref<!tpu.dma_semaphore, #tpu.memory_space<semaphore_mem>>
      %dma_start3A_1170 = tpu.memref_slice %arg7[%multiple_of3A_1163] : memref<51380224xf32, #tpu.memory_space<hbm>> -> memref<6272xf32, #tpu.memory_space<hbm>>
      %dma_start3A_1171 = arith.constant 18816 : i32
      %dma_start3A_1172 = tpu.memref_slice %arg11[%dma_start3A_1171] : memref<25088xf32, #tpu.memory_space<vmem>> -> memref<6272xf32, #tpu.memory_space<vmem>>
      tpu.enqueue_dma source(%dma_start3A_1172 : memref<6272xf32, #tpu.memory_space<vmem>>) target(%dma_start3A_1170 : memref<6272xf32, #tpu.memory_space<hbm>>) target_semaphore(%dma_start3A_1169 : memref<!tpu.dma_semaphore, #tpu.memory_space<semaphore_mem>>)
      %multiple_of3A_1173 = tpu.assume_multiple %multiple_of3A_1003, 8 : i32
      %dma_wait3A_1174 = arith.constant 0 : i32
      %dma_wait3A_1175 = arith.constant 0 : i32
      %dma_wait3A_1176 = tpu.memref_slice %arg11[%dma_wait3A_1175] : memref<25088xf32, #tpu.memory_space<vmem>> -> memref<6272xf32, #tpu.memory_space<vmem>>
      %dma_wait3A_1177 = tpu.memref_slice %arg7[%multiple_of3A_1173] : memref<51380224xf32, #tpu.memory_space<hbm>> -> memref<6272xf32, #tpu.memory_space<hbm>>
      %dma_wait3A_1178 = tpu.memref_slice %arg18[%dma_wait3A_1174] : memref<4x!tpu.dma_semaphore, #tpu.memory_space<semaphore_mem>> -> memref<1x!tpu.dma_semaphore, #tpu.memory_space<semaphore_mem>>
      %dma_wait3A_1179 = tpu.memref_squeeze %dma_wait3A_1178 : memref<1x!tpu.dma_semaphore, #tpu.memory_space<semaphore_mem>> -> memref<!tpu.dma_semaphore, #tpu.memory_space<semaphore_mem>>
      %dma_wait3A_1180 = tpu.memref_slice %arg7[%multiple_of3A_1173] : memref<51380224xf32, #tpu.memory_space<hbm>> -> memref<6272xf32, #tpu.memory_space<hbm>>
      %dma_wait3A_1181 = arith.constant 0 : i32
      %dma_wait3A_1182 = tpu.memref_slice %arg11[%dma_wait3A_1181] : memref<25088xf32, #tpu.memory_space<vmem>> -> memref<6272xf32, #tpu.memory_space<vmem>>
      tpu.wait_dma2 semaphore(%dma_wait3A_1179 : memref<!tpu.dma_semaphore, #tpu.memory_space<semaphore_mem>>) src(%dma_wait3A_1182 : memref<6272xf32, #tpu.memory_space<vmem>>) dst(%dma_wait3A_1180 : memref<6272xf32, #tpu.memory_space<hbm>>)
      %parallel_loop3A_1183 = arith.constant 0 : i32
      %parallel_loop3A_1184 = arith.constant 392 : i32
      %parallel_loop3A_1185 = arith.constant 1 : i32
      scf.for %parallel_loop3A_1273 = %parallel_loop3A_1183 to %parallel_loop3A_1184 step %parallel_loop3A_1185  : i32 {
        %parallel_loop3A_1274 = arith.constant 16 : i32
        %parallel_loop3A_1275 = arith.muli %parallel_loop3A_1273, %parallel_loop3A_1274 : i32
        %parallel_loop3A_1276 = arith.constant 25088 : i32
        %parallel_loop3A_1277 = arith.addi %parallel_loop3A_1276, %parallel_loop3A_1275 : i32
        %parallel_loop3A_1278 = arith.index_cast %parallel_loop3A_1277 : i32 to index
        %parallel_loop3A_1279 = tpu.vector_load %arg12[%parallel_loop3A_1278] {strides = array<i32>} : memref<50192xf32, #tpu.memory_space<vmem>>, vector<16xf32>,
        %parallel_loop3A_1280 = arith.constant 16 : i32
        %parallel_loop3A_1281 = arith.muli %parallel_loop3A_1273, %parallel_loop3A_1280 : i32
        %parallel_loop3A_1282 = arith.constant 0 : i32
        %parallel_loop3A_1283 = arith.addi %parallel_loop3A_1282, %parallel_loop3A_1281 : i32
        %parallel_loop3A_1284 = arith.index_cast %parallel_loop3A_1283 : i32 to index
        %parallel_loop3A_1285 = tpu.vector_load %arg11[%parallel_loop3A_1284] {strides = array<i32>} : memref<25088xf32, #tpu.memory_space<vmem>>, vector<16xf32>,
        tpu.vector_store %arg11[%parallel_loop3A_1284], %parallel_loop3A_1279 {strides = array<i32>} : memref<25088xf32, #tpu.memory_space<vmem>>, vector<16xf32>,
      } {sc.loop_unroll_factor = 8 : i64, sc.parallel_access}
      %add3A_1186 = arith.constant 25088 : i32
      %add3A_1187 = arith.addi %multiple_of3A_1003, %add3A_1186 : i32
      %multiple_of3A_1188 = tpu.assume_multiple %add3A_1187, 8 : i32
      %dma_start3A_1189 = arith.constant 0 : i32
      %dma_start3A_1190 = arith.constant 0 : i32
      %dma_start3A_1191 = tpu.memref_slice %arg11[%dma_start3A_1190] : memref<25088xf32, #tpu.memory_space<vmem>> -> memref<6272xf32, #tpu.memory_space<vmem>>
      %dma_start3A_1192 = tpu.memref_slice %arg7[%multiple_of3A_1188] : memref<51380224xf32, #tpu.memory_space<hbm>> -> memref<6272xf32, #tpu.memory_space<hbm>>
      %dma_start3A_1193 = tpu.memref_slice %arg18[%dma_start3A_1189] : memref<4x!tpu.dma_semaphore, #tpu.memory_space<semaphore_mem>> -> memref<1x!tpu.dma_semaphore, #tpu.memory_space<semaphore_mem>>
      %dma_start3A_1194 = tpu.memref_squeeze %dma_start3A_1193 : memref<1x!tpu.dma_semaphore, #tpu.memory_space<semaphore_mem>> -> memref<!tpu.dma_semaphore, #tpu.memory_space<semaphore_mem>>
      %dma_start3A_1195 = tpu.memref_slice %arg7[%multiple_of3A_1188] : memref<51380224xf32, #tpu.memory_space<hbm>> -> memref<6272xf32, #tpu.memory_space<hbm>>
      %dma_start3A_1196 = arith.constant 0 : i32
      %dma_start3A_1197 = tpu.memref_slice %arg11[%dma_start3A_1196] : memref<25088xf32, #tpu.memory_space<vmem>> -> memref<6272xf32, #tpu.memory_space<vmem>>
      tpu.enqueue_dma source(%dma_start3A_1197 : memref<6272xf32, #tpu.memory_space<vmem>>) target(%dma_start3A_1195 : memref<6272xf32, #tpu.memory_space<hbm>>) target_semaphore(%dma_start3A_1194 : memref<!tpu.dma_semaphore, #tpu.memory_space<semaphore_mem>>)
      %multiple_of3A_1198 = tpu.assume_multiple %multiple_of3A_1003, 8 : i32
      %dma_wait3A_1199 = arith.constant 1 : i32
      %dma_wait3A_1200 = arith.constant 6272 : i32
      %dma_wait3A_1201 = tpu.memref_slice %arg11[%dma_wait3A_1200] : memref<25088xf32, #tpu.memory_space<vmem>> -> memref<6272xf32, #tpu.memory_space<vmem>>
      %dma_wait3A_1202 = tpu.memref_slice %arg7[%multiple_of3A_1198] : memref<51380224xf32, #tpu.memory_space<hbm>> -> memref<6272xf32, #tpu.memory_space<hbm>>
      %dma_wait3A_1203 = tpu.memref_slice %arg18[%dma_wait3A_1199] : memref<4x!tpu.dma_semaphore, #tpu.memory_space<semaphore_mem>> -> memref<1x!tpu.dma_semaphore, #tpu.memory_space<semaphore_mem>>
      %dma_wait3A_1204 = tpu.memref_squeeze %dma_wait3A_1203 : memref<1x!tpu.dma_semaphore, #tpu.memory_space<semaphore_mem>> -> memref<!tpu.dma_semaphore, #tpu.memory_space<semaphore_mem>>
      %dma_wait3A_1205 = tpu.memref_slice %arg7[%multiple_of3A_1198] : memref<51380224xf32, #tpu.memory_space<hbm>> -> memref<6272xf32, #tpu.memory_space<hbm>>
      %dma_wait3A_1206 = arith.constant 6272 : i32
      %dma_wait3A_1207 = tpu.memref_slice %arg11[%dma_wait3A_1206] : memref<25088xf32, #tpu.memory_space<vmem>> -> memref<6272xf32, #tpu.memory_space<vmem>>
      tpu.wait_dma2 semaphore(%dma_wait3A_1204 : memref<!tpu.dma_semaphore, #tpu.memory_space<semaphore_mem>>) src(%dma_wait3A_1207 : memref<6272xf32, #tpu.memory_space<vmem>>) dst(%dma_wait3A_1205 : memref<6272xf32, #tpu.memory_space<hbm>>)
      %parallel_loop3A_1208 = arith.constant 0 : i32
      %parallel_loop3A_1209 = arith.constant 392 : i32
      %parallel_loop3A_1210 = arith.constant 1 : i32
      scf.for %parallel_loop3A_1273 = %parallel_loop3A_1208 to %parallel_loop3A_1209 step %parallel_loop3A_1210  : i32 {
        %parallel_loop3A_1274 = arith.constant 16 : i32
        %parallel_loop3A_1275 = arith.muli %parallel_loop3A_1273, %parallel_loop3A_1274 : i32
        %parallel_loop3A_1276 = arith.constant 31360 : i32
        %parallel_loop3A_1277 = arith.addi %parallel_loop3A_1276, %parallel_loop3A_1275 : i32
        %parallel_loop3A_1278 = arith.index_cast %parallel_loop3A_1277 : i32 to index
        %parallel_loop3A_1279 = tpu.vector_load %arg12[%parallel_loop3A_1278] {strides = array<i32>} : memref<50192xf32, #tpu.memory_space<vmem>>, vector<16xf32>,
        %parallel_loop3A_1280 = arith.constant 16 : i32
        %parallel_loop3A_1281 = arith.muli %parallel_loop3A_1273, %parallel_loop3A_1280 : i32
        %parallel_loop3A_1282 = arith.constant 6272 : i32
        %parallel_loop3A_1283 = arith.addi %parallel_loop3A_1282, %parallel_loop3A_1281 : i32
        %parallel_loop3A_1284 = arith.index_cast %parallel_loop3A_1283 : i32 to index
        %parallel_loop3A_1285 = tpu.vector_load %arg11[%parallel_loop3A_1284] {strides = array<i32>} : memref<25088xf32, #tpu.memory_space<vmem>>, vector<16xf32>,
        tpu.vector_store %arg11[%parallel_loop3A_1284], %parallel_loop3A_1279 {strides = array<i32>} : memref<25088xf32, #tpu.memory_space<vmem>>, vector<16xf32>,
      } {sc.loop_unroll_factor = 8 : i64, sc.parallel_access}
      %add3A_1211 = arith.constant 31360 : i32
      %add3A_1212 = arith.addi %multiple_of3A_1003, %add3A_1211 : i32
      %multiple_of3A_1213 = tpu.assume_multiple %add3A_1212, 8 : i32
      %dma_start3A_1214 = arith.constant 1 : i32
      %dma_start3A_1215 = arith.constant 6272 : i32
      %dma_start3A_1216 = tpu.memref_slice %arg11[%dma_start3A_1215] : memref<25088xf32, #tpu.memory_space<vmem>> -> memref<6272xf32, #tpu.memory_space<vmem>>
      %dma_start3A_1217 = tpu.memref_slice %arg7[%multiple_of3A_1213] : memref<51380224xf32, #tpu.memory_space<hbm>> -> memref<6272xf32, #tpu.memory_space<hbm>>
      %dma_start3A_1218 = tpu.memref_slice %arg18[%dma_start3A_1214] : memref<4x!tpu.dma_semaphore, #tpu.memory_space<semaphore_mem>> -> memref<1x!tpu.dma_semaphore, #tpu.memory_space<semaphore_mem>>
      %dma_start3A_1219 = tpu.memref_squeeze %dma_start3A_1218 : memref<1x!tpu.dma_semaphore, #tpu.memory_space<semaphore_mem>> -> memref<!tpu.dma_semaphore, #tpu.memory_space<semaphore_mem>>
      %dma_start3A_1220 = tpu.memref_slice %arg7[%multiple_of3A_1213] : memref<51380224xf32, #tpu.memory_space<hbm>> -> memref<6272xf32, #tpu.memory_space<hbm>>
      %dma_start3A_1221 = arith.constant 6272 : i32
      %dma_start3A_1222 = tpu.memref_slice %arg11[%dma_start3A_1221] : memref<25088xf32, #tpu.memory_space<vmem>> -> memref<6272xf32, #tpu.memory_space<vmem>>
      tpu.enqueue_dma source(%dma_start3A_1222 : memref<6272xf32, #tpu.memory_space<vmem>>) target(%dma_start3A_1220 : memref<6272xf32, #tpu.memory_space<hbm>>) target_semaphore(%dma_start3A_1219 : memref<!tpu.dma_semaphore, #tpu.memory_space<semaphore_mem>>)
      %multiple_of3A_1223 = tpu.assume_multiple %multiple_of3A_1003, 8 : i32
      %dma_wait3A_1224 = arith.constant 2 : i32
      %dma_wait3A_1225 = arith.constant 12544 : i32
      %dma_wait3A_1226 = tpu.memref_slice %arg11[%dma_wait3A_1225] : memref<25088xf32, #tpu.memory_space<vmem>> -> memref<6272xf32, #tpu.memory_space<vmem>>
      %dma_wait3A_1227 = tpu.memref_slice %arg7[%multiple_of3A_1223] : memref<51380224xf32, #tpu.memory_space<hbm>> -> memref<6272xf32, #tpu.memory_space<hbm>>
      %dma_wait3A_1228 = tpu.memref_slice %arg18[%dma_wait3A_1224] : memref<4x!tpu.dma_semaphore, #tpu.memory_space<semaphore_mem>> -> memref<1x!tpu.dma_semaphore, #tpu.memory_space<semaphore_mem>>
      %dma_wait3A_1229 = tpu.memref_squeeze %dma_wait3A_1228 : memref<1x!tpu.dma_semaphore, #tpu.memory_space<semaphore_mem>> -> memref<!tpu.dma_semaphore, #tpu.memory_space<semaphore_mem>>
      %dma_wait3A_1230 = tpu.memref_slice %arg7[%multiple_of3A_1223] : memref<51380224xf32, #tpu.memory_space<hbm>> -> memref<6272xf32, #tpu.memory_space<hbm>>
      %dma_wait3A_1231 = arith.constant 12544 : i32
      %dma_wait3A_1232 = tpu.memref_slice %arg11[%dma_wait3A_1231] : memref<25088xf32, #tpu.memory_space<vmem>> -> memref<6272xf32, #tpu.memory_space<vmem>>
      tpu.wait_dma2 semaphore(%dma_wait3A_1229 : memref<!tpu.dma_semaphore, #tpu.memory_space<semaphore_mem>>) src(%dma_wait3A_1232 : memref<6272xf32, #tpu.memory_space<vmem>>) dst(%dma_wait3A_1230 : memref<6272xf32, #tpu.memory_space<hbm>>)
      %parallel_loop3A_1233 = arith.constant 0 : i32
      %parallel_loop3A_1234 = arith.constant 392 : i32
      %parallel_loop3A_1235 = arith.constant 1 : i32
      scf.for %parallel_loop3A_1273 = %parallel_loop3A_1233 to %parallel_loop3A_1234 step %parallel_loop3A_1235  : i32 {
        %parallel_loop3A_1274 = arith.constant 16 : i32
        %parallel_loop3A_1275 = arith.muli %parallel_loop3A_1273, %parallel_loop3A_1274 : i32
        %parallel_loop3A_1276 = arith.constant 37632 : i32
        %parallel_loop3A_1277 = arith.addi %parallel_loop3A_1276, %parallel_loop3A_1275 : i32
        %parallel_loop3A_1278 = arith.index_cast %parallel_loop3A_1277 : i32 to index
        %parallel_loop3A_1279 = tpu.vector_load %arg12[%parallel_loop3A_1278] {strides = array<i32>} : memref<50192xf32, #tpu.memory_space<vmem>>, vector<16xf32>,
        %parallel_loop3A_1280 = arith.constant 16 : i32
        %parallel_loop3A_1281 = arith.muli %parallel_loop3A_1273, %parallel_loop3A_1280 : i32
        %parallel_loop3A_1282 = arith.constant 12544 : i32
        %parallel_loop3A_1283 = arith.addi %parallel_loop3A_1282, %parallel_loop3A_1281 : i32
        %parallel_loop3A_1284 = arith.index_cast %parallel_loop3A_1283 : i32 to index
        %parallel_loop3A_1285 = tpu.vector_load %arg11[%parallel_loop3A_1284] {strides = array<i32>} : memref<25088xf32, #tpu.memory_space<vmem>>, vector<16xf32>,
        tpu.vector_store %arg11[%parallel_loop3A_1284], %parallel_loop3A_1279 {strides = array<i32>} : memref<25088xf32, #tpu.memory_space<vmem>>, vector<16xf32>,
      } {sc.loop_unroll_factor = 8 : i64, sc.parallel_access}
      %add3A_1236 = arith.constant 37632 : i32
      %add3A_1237 = arith.addi %multiple_of3A_1003, %add3A_1236 : i32
      %multiple_of3A_1238 = tpu.assume_multiple %add3A_1237, 8 : i32
      %dma_start3A_1239 = arith.constant 2 : i32
      %dma_start3A_1240 = arith.constant 12544 : i32
      %dma_start3A_1241 = tpu.memref_slice %arg11[%dma_start3A_1240] : memref<25088xf32, #tpu.memory_space<vmem>> -> memref<6272xf32, #tpu.memory_space<vmem>>
      %dma_start3A_1242 = tpu.memref_slice %arg7[%multiple_of3A_1238] : memref<51380224xf32, #tpu.memory_space<hbm>> -> memref<6272xf32, #tpu.memory_space<hbm>>
      %dma_start3A_1243 = tpu.memref_slice %arg18[%dma_start3A_1239] : memref<4x!tpu.dma_semaphore, #tpu.memory_space<semaphore_mem>> -> memref<1x!tpu.dma_semaphore, #tpu.memory_space<semaphore_mem>>
      %dma_start3A_1244 = tpu.memref_squeeze %dma_start3A_1243 : memref<1x!tpu.dma_semaphore, #tpu.memory_space<semaphore_mem>> -> memref<!tpu.dma_semaphore, #tpu.memory_space<semaphore_mem>>
      %dma_start3A_1245 = tpu.memref_slice %arg7[%multiple_of3A_1238] : memref<51380224xf32, #tpu.memory_space<hbm>> -> memref<6272xf32, #tpu.memory_space<hbm>>
      %dma_start3A_1246 = arith.constant 12544 : i32
      %dma_start3A_1247 = tpu.memref_slice %arg11[%dma_start3A_1246] : memref<25088xf32, #tpu.memory_space<vmem>> -> memref<6272xf32, #tpu.memory_space<vmem>>
      tpu.enqueue_dma source(%dma_start3A_1247 : memref<6272xf32, #tpu.memory_space<vmem>>) target(%dma_start3A_1245 : memref<6272xf32, #tpu.memory_space<hbm>>) target_semaphore(%dma_start3A_1244 : memref<!tpu.dma_semaphore, #tpu.memory_space<semaphore_mem>>)
      %multiple_of3A_1248 = tpu.assume_multiple %multiple_of3A_1003, 8 : i32
      %dma_wait3A_1249 = arith.constant 3 : i32
      %dma_wait3A_1250 = arith.constant 18816 : i32
      %dma_wait3A_1251 = tpu.memref_slice %arg11[%dma_wait3A_1250] : memref<25088xf32, #tpu.memory_space<vmem>> -> memref<6272xf32, #tpu.memory_space<vmem>>
      %dma_wait3A_1252 = tpu.memref_slice %arg7[%multiple_of3A_1248] : memref<51380224xf32, #tpu.memory_space<hbm>> -> memref<6272xf32, #tpu.memory_space<hbm>>
      %dma_wait3A_1253 = tpu.memref_slice %arg18[%dma_wait3A_1249] : memref<4x!tpu.dma_semaphore, #tpu.memory_space<semaphore_mem>> -> memref<1x!tpu.dma_semaphore, #tpu.memory_space<semaphore_mem>>
      %dma_wait3A_1254 = tpu.memref_squeeze %dma_wait3A_1253 : memref<1x!tpu.dma_semaphore, #tpu.memory_space<semaphore_mem>> -> memref<!tpu.dma_semaphore, #tpu.memory_space<semaphore_mem>>
      %dma_wait3A_1255 = tpu.memref_slice %arg7[%multiple_of3A_1248] : memref<51380224xf32, #tpu.memory_space<hbm>> -> memref<6272xf32, #tpu.memory_space<hbm>>
      %dma_wait3A_1256 = arith.constant 18816 : i32
      %dma_wait3A_1257 = tpu.memref_slice %arg11[%dma_wait3A_1256] : memref<25088xf32, #tpu.memory_space<vmem>> -> memref<6272xf32, #tpu.memory_space<vmem>>
      tpu.wait_dma2 semaphore(%dma_wait3A_1254 : memref<!tpu.dma_semaphore, #tpu.memory_space<semaphore_mem>>) src(%dma_wait3A_1257 : memref<6272xf32, #tpu.memory_space<vmem>>) dst(%dma_wait3A_1255 : memref<6272xf32, #tpu.memory_space<hbm>>)
      %parallel_loop3A_1258 = arith.constant 0 : i32
      %parallel_loop3A_1259 = arith.constant 392 : i32
      %parallel_loop3A_1260 = arith.constant 1 : i32
      scf.for %parallel_loop3A_1273 = %parallel_loop3A_1258 to %parallel_loop3A_1259 step %parallel_loop3A_1260  : i32 {
        %parallel_loop3A_1274 = arith.constant 16 : i32
        %parallel_loop3A_1275 = arith.muli %parallel_loop3A_1273, %parallel_loop3A_1274 : i32
        %parallel_loop3A_1276 = arith.constant 43904 : i32
        %parallel_loop3A_1277 = arith.addi %parallel_loop3A_1276, %parallel_loop3A_1275 : i32
        %parallel_loop3A_1278 = arith.index_cast %parallel_loop3A_1277 : i32 to index
        %parallel_loop3A_1279 = tpu.vector_load %arg12[%parallel_loop3A_1278] {strides = array<i32>} : memref<50192xf32, #tpu.memory_space<vmem>>, vector<16xf32>,
        %parallel_loop3A_1280 = arith.constant 16 : i32
        %parallel_loop3A_1281 = arith.muli %parallel_loop3A_1273, %parallel_loop3A_1280 : i32
        %parallel_loop3A_1282 = arith.constant 18816 : i32
        %parallel_loop3A_1283 = arith.addi %parallel_loop3A_1282, %parallel_loop3A_1281 : i32
        %parallel_loop3A_1284 = arith.index_cast %parallel_loop3A_1283 : i32 to index
        %parallel_loop3A_1285 = tpu.vector_load %arg11[%parallel_loop3A_1284] {strides = array<i32>} : memref<25088xf32, #tpu.memory_space<vmem>>, vector<16xf32>,
        tpu.vector_store %arg11[%parallel_loop3A_1284], %parallel_loop3A_1279 {strides = array<i32>} : memref<25088xf32, #tpu.memory_space<vmem>>, vector<16xf32>,
      } {sc.loop_unroll_factor = 8 : i64, sc.parallel_access}
      %add3A_1261 = arith.constant 43904 : i32
      %add3A_1262 = arith.addi %multiple_of3A_1003, %add3A_1261 : i32
      %multiple_of3A_1263 = tpu.assume_multiple %add3A_1262, 8 : i32
      %dma_start3A_1264 = arith.constant 3 : i32
      %dma_start3A_1265 = arith.constant 18816 : i32
      %dma_start3A_1266 = tpu.memref_slice %arg11[%dma_start3A_1265] : memref<25088xf32, #tpu.memory_space<vmem>> -> memref<6272xf32, #tpu.memory_space<vmem>>
      %dma_start3A_1267 = tpu.memref_slice %arg7[%multiple_of3A_1263] : memref<51380224xf32, #tpu.memory_space<hbm>> -> memref<6272xf32, #tpu.memory_space<hbm>>
      %dma_start3A_1268 = tpu.memref_slice %arg18[%dma_start3A_1264] : memref<4x!tpu.dma_semaphore, #tpu.memory_space<semaphore_mem>> -> memref<1x!tpu.dma_semaphore, #tpu.memory_space<semaphore_mem>>
      %dma_start3A_1269 = tpu.memref_squeeze %dma_start3A_1268 : memref<1x!tpu.dma_semaphore, #tpu.memory_space<semaphore_mem>> -> memref<!tpu.dma_semaphore, #tpu.memory_space<semaphore_mem>>
      %dma_start3A_1270 = tpu.memref_slice %arg7[%multiple_of3A_1263] : memref<51380224xf32, #tpu.memory_space<hbm>> -> memref<6272xf32, #tpu.memory_space<hbm>>
      %dma_start3A_1271 = arith.constant 18816 : i32
      %dma_start3A_1272 = tpu.memref_slice %arg11[%dma_start3A_1271] : memref<25088xf32, #tpu.memory_space<vmem>> -> memref<6272xf32, #tpu.memory_space<vmem>>
      tpu.enqueue_dma source(%dma_start3A_1272 : memref<6272xf32, #tpu.memory_space<vmem>>) target(%dma_start3A_1270 : memref<6272xf32, #tpu.memory_space<hbm>>) target_semaphore(%dma_start3A_1269 : memref<!tpu.dma_semaphore, #tpu.memory_space<semaphore_mem>>)
    }
    %scan3A_937 = arith.constant 16 : i32
    %mul3A_938 = arith.constant 256 : i32
    %mul3A_939 = arith.muli %add3A_925, %mul3A_938 : i32
    %mul3A_940 = arith.constant 50176 : i32
    %mul3A_941 = arith.muli %mul3A_939, %mul3A_940 : i32
    %multiple_of3A_942 = tpu.assume_multiple %mul3A_941, 8 : i32
    %dma_wait3A_943 = arith.constant 0 : i32
    %dma_wait3A_944 = arith.constant 0 : i32
    %dma_wait3A_945 = tpu.memref_slice %arg11[%dma_wait3A_944] : memref<25088xf32, #tpu.memory_space<vmem>> -> memref<6272xf32, #tpu.memory_space<vmem>>
    %dma_wait3A_946 = tpu.memref_slice %arg7[%multiple_of3A_942] : memref<51380224xf32, #tpu.memory_space<hbm>> -> memref<6272xf32, #tpu.memory_space<hbm>>
    %dma_wait3A_947 = tpu.memref_slice %arg18[%dma_wait3A_943] : memref<4x!tpu.dma_semaphore, #tpu.memory_space<semaphore_mem>> -> memref<1x!tpu.dma_semaphore, #tpu.memory_space<semaphore_mem>>
    %dma_wait3A_948 = tpu.memref_squeeze %dma_wait3A_947 : memref<1x!tpu.dma_semaphore, #tpu.memory_space<semaphore_mem>> -> memref<!tpu.dma_semaphore, #tpu.memory_space<semaphore_mem>>
    %dma_wait3A_949 = tpu.memref_slice %arg7[%multiple_of3A_942] : memref<51380224xf32, #tpu.memory_space<hbm>> -> memref<6272xf32, #tpu.memory_space<hbm>>
    %dma_wait3A_950 = arith.constant 0 : i32
    %dma_wait3A_951 = tpu.memref_slice %arg11[%dma_wait3A_950] : memref<25088xf32, #tpu.memory_space<vmem>> -> memref<6272xf32, #tpu.memory_space<vmem>>
    tpu.wait_dma2 semaphore(%dma_wait3A_948 : memref<!tpu.dma_semaphore, #tpu.memory_space<semaphore_mem>>) src(%dma_wait3A_951 : memref<6272xf32, #tpu.memory_space<vmem>>) dst(%dma_wait3A_949 : memref<6272xf32, #tpu.memory_space<hbm>>)
    %mul3A_952 = arith.constant 256 : i32
    %mul3A_953 = arith.muli %add3A_925, %mul3A_952 : i32
    %mul3A_954 = arith.constant 50176 : i32
    %mul3A_955 = arith.muli %mul3A_953, %mul3A_954 : i32
    %multiple_of3A_956 = tpu.assume_multiple %mul3A_955, 8 : i32
    %dma_wait3A_957 = arith.constant 1 : i32
    %dma_wait3A_958 = arith.constant 6272 : i32
    %dma_wait3A_959 = tpu.memref_slice %arg11[%dma_wait3A_958] : memref<25088xf32, #tpu.memory_space<vmem>> -> memref<6272xf32, #tpu.memory_space<vmem>>
    %dma_wait3A_960 = tpu.memref_slice %arg7[%multiple_of3A_956] : memref<51380224xf32, #tpu.memory_space<hbm>> -> memref<6272xf32, #tpu.memory_space<hbm>>
    %dma_wait3A_961 = tpu.memref_slice %arg18[%dma_wait3A_957] : memref<4x!tpu.dma_semaphore, #tpu.memory_space<semaphore_mem>> -> memref<1x!tpu.dma_semaphore, #tpu.memory_space<semaphore_mem>>
    %dma_wait3A_962 = tpu.memref_squeeze %dma_wait3A_961 : memref<1x!tpu.dma_semaphore, #tpu.memory_space<semaphore_mem>> -> memref<!tpu.dma_semaphore, #tpu.memory_space<semaphore_mem>>
    %dma_wait3A_963 = tpu.memref_slice %arg7[%multiple_of3A_956] : memref<51380224xf32, #tpu.memory_space<hbm>> -> memref<6272xf32, #tpu.memory_space<hbm>>
    %dma_wait3A_964 = arith.constant 6272 : i32
    %dma_wait3A_965 = tpu.memref_slice %arg11[%dma_wait3A_964] : memref<25088xf32, #tpu.memory_space<vmem>> -> memref<6272xf32, #tpu.memory_space<vmem>>
    tpu.wait_dma2 semaphore(%dma_wait3A_962 : memref<!tpu.dma_semaphore, #tpu.memory_space<semaphore_mem>>) src(%dma_wait3A_965 : memref<6272xf32, #tpu.memory_space<vmem>>) dst(%dma_wait3A_963 : memref<6272xf32, #tpu.memory_space<hbm>>)
    %mul3A_966 = arith.constant 256 : i32
    %mul3A_967 = arith.muli %add3A_925, %mul3A_966 : i32
    %mul3A_968 = arith.constant 50176 : i32
    %mul3A_969 = arith.muli %mul3A_967, %mul3A_968 : i32
    %multiple_of3A_970 = tpu.assume_multiple %mul3A_969, 8 : i32
    %dma_wait3A_971 = arith.constant 2 : i32
    %dma_wait3A_972 = arith.constant 12544 : i32
    %dma_wait3A_973 = tpu.memref_slice %arg11[%dma_wait3A_972] : memref<25088xf32, #tpu.memory_space<vmem>> -> memref<6272xf32, #tpu.memory_space<vmem>>
    %dma_wait3A_974 = tpu.memref_slice %arg7[%multiple_of3A_970] : memref<51380224xf32, #tpu.memory_space<hbm>> -> memref<6272xf32, #tpu.memory_space<hbm>>
    %dma_wait3A_975 = tpu.memref_slice %arg18[%dma_wait3A_971] : memref<4x!tpu.dma_semaphore, #tpu.memory_space<semaphore_mem>> -> memref<1x!tpu.dma_semaphore, #tpu.memory_space<semaphore_mem>>
    %dma_wait3A_976 = tpu.memref_squeeze %dma_wait3A_975 : memref<1x!tpu.dma_semaphore, #tpu.memory_space<semaphore_mem>> -> memref<!tpu.dma_semaphore, #tpu.memory_space<semaphore_mem>>
    %dma_wait3A_977 = tpu.memref_slice %arg7[%multiple_of3A_970] : memref<51380224xf32, #tpu.memory_space<hbm>> -> memref<6272xf32, #tpu.memory_space<hbm>>
    %dma_wait3A_978 = arith.constant 12544 : i32
    %dma_wait3A_979 = tpu.memref_slice %arg11[%dma_wait3A_978] : memref<25088xf32, #tpu.memory_space<vmem>> -> memref<6272xf32, #tpu.memory_space<vmem>>
    tpu.wait_dma2 semaphore(%dma_wait3A_976 : memref<!tpu.dma_semaphore, #tpu.memory_space<semaphore_mem>>) src(%dma_wait3A_979 : memref<6272xf32, #tpu.memory_space<vmem>>) dst(%dma_wait3A_977 : memref<6272xf32, #tpu.memory_space<hbm>>)
    %mul3A_980 = arith.constant 256 : i32
    %mul3A_981 = arith.muli %add3A_925, %mul3A_980 : i32
    %mul3A_982 = arith.constant 50176 : i32
    %mul3A_983 = arith.muli %mul3A_981, %mul3A_982 : i32
    %multiple_of3A_984 = tpu.assume_multiple %mul3A_983, 8 : i32
    %dma_wait3A_985 = arith.constant 3 : i32
    %dma_wait3A_986 = arith.constant 18816 : i32
    %dma_wait3A_987 = tpu.memref_slice %arg11[%dma_wait3A_986] : memref<25088xf32, #tpu.memory_space<vmem>> -> memref<6272xf32, #tpu.memory_space<vmem>>
    %dma_wait3A_988 = tpu.memref_slice %arg7[%multiple_of3A_984] : memref<51380224xf32, #tpu.memory_space<hbm>> -> memref<6272xf32, #tpu.memory_space<hbm>>
    %dma_wait3A_989 = tpu.memref_slice %arg18[%dma_wait3A_985] : memref<4x!tpu.dma_semaphore, #tpu.memory_space<semaphore_mem>> -> memref<1x!tpu.dma_semaphore, #tpu.memory_space<semaphore_mem>>
    %dma_wait3A_990 = tpu.memref_squeeze %dma_wait3A_989 : memref<1x!tpu.dma_semaphore, #tpu.memory_space<semaphore_mem>> -> memref<!tpu.dma_semaphore, #tpu.memory_space<semaphore_mem>>
    %dma_wait3A_991 = tpu.memref_slice %arg7[%multiple_of3A_984] : memref<51380224xf32, #tpu.memory_space<hbm>> -> memref<6272xf32, #tpu.memory_space<hbm>>
    %dma_wait3A_992 = arith.constant 18816 : i32
    %dma_wait3A_993 = tpu.memref_slice %arg11[%dma_wait3A_992] : memref<25088xf32, #tpu.memory_space<vmem>> -> memref<6272xf32, #tpu.memory_space<vmem>>
    tpu.wait_dma2 semaphore(%dma_wait3A_990 : memref<!tpu.dma_semaphore, #tpu.memory_space<semaphore_mem>>) src(%dma_wait3A_993 : memref<6272xf32, #tpu.memory_space<vmem>>) dst(%dma_wait3A_991 : memref<6272xf32, #tpu.memory_space<hbm>>)
    return
  }
}

</mosaic_0001>

<sc_bundles>
// kernel: _run.3.cloned.1.call-start
scs
__scs_entry_jumppad:
0x0: {  	(pc) =	sbr.rel $0x88, $3  }
0x1: {  	(tag) =	ssettag $0x0;
	lr =	simm.s32 $0x1  }
0x2: {  	[smem:$0x3F9C] =	sst lr;
	_ =	strace $0xD0000000  }
0x3: {  	_ = 	snop  }
0x4: {  	_ = 	snop  }
0x5: {  	_ = 	snop  }
0x6: {  	_ = 	snop  }
0x7: {  	_ = 	snop  }
__scs_overlays_trampoline_lowered:
0x8: {  	[smem:$0x3FAB] =	sst s0  }
0x9: {  	[smem:$0x3FAC] =	sst s1  }
0xa: {  	[smem:$0x3FAD] =	sst s2  }
0xb: {  	[smem:$0x3FAE] =	sst s3  }
0xc: {  	[smem:$0x3FAF] =	sst s4  }
0xd: {  	[smem:$0x3FB0] =	sst s5  }
0xe: {  	[smem:$0x3FB1] =	sst s6  }
0xf: {  	[smem:$0x3FB2] =	sst s7  }
0x10: {  	[smem:$0x3FB3] =	sst s8  }
0x11: {  	[smem:$0x3FB4] =	sst s9;
	s0 =	simm.s32 @!p0 $0x0  }
0x12: {  	s1 =	sld [smem:$0x3F9A];
	s0 =	simm.s32 @p0 $0x1  }
0x13: {  	[smem:$0x3FB5] =	sst s0;
	s0 =	simm.s32 @!p1 $0x0  }
0x14: {  	s2 =	sld [smem:$0x3F99];
	s0 =	simm.s32 @p1 $0x1  }
0x15: {  	[smem:$0x3FB6] =	sst s0;
	s0 =	simm.s32 @!p2 $0x0  }
0x16: {  	s3 =	sld [smem:$0x3FDB];
	s0 =	simm.s32 @p2 $0x1  }
0x17: {  	s4 =	simm.s32 $0x1BF5;
	[smem:$0x3FB8] =	sst s0  }
0x18: {  	s0 =	sld [smem:$0x3F9B];
	_ =	swait.ge [sflag:s4], $0x0  }
0x19: {  	s7 =	sld [smem:$0x3F9C]  }
0x1a: {  	s8 =	sadd.s32 $0xFFFFE003, lr  }
0x1b: {  	s9 =	sadd.s32 $0xFFFFFEF7, lr;
	s5 =	simm.s32 $0xFFFFFFFF;
	p2 =	slt.u32 s8, $0xFFFFF086  }
0x1c: {  	p1 =	slt.u32 s9, $0xF7A;
	s5 =	simm.s32 @!p2 $0x0  }
0x1d: {  	s5 =	simm.s32 @p1 $0x1;
	p0 =	seq.s32 s7, s2  }
0x1e: {  	s7 =	smul.u32 @!p0 $0xF7A, s2;
	p2 =	seq.s32 @!p0 s5, $0x0  }
0x1f: {  	s9 =	smul.u32 $0xF7A, s1;
	s8 =	simm.s32 @!p0 $0x1BF5;
	p2 =	por !p2, p0  }
0x20: {  	[sflag:s8] =	ssyncset.s32 @!p0 $0xFFFFF086;
	s6 =	sadd.s32 @!p0 s3, s7;
	s7 =	simm.s32 @!p0 $0x108  }
0x21: {  	s3 =	sadd.s32 s3, s9;
	s6 =	sadd.s32 @!p0 $0x88, s6;
	s7 =	simm.s32 @p2 $0x1082  }
0x22: {  	[simem:s7], [sflag:s8] =	dma.local @!p0 [hbm:s6], $0xF7A  }
0x23: {  	s9 =	sor.u32 $0xD0000000, s2;
	s6 =	simm.s32 $0x108;
	_ =	swait.ge @!p0 [sflag:s8], $0x0  }
0x24: {  	s3 =	sadd.s32 $0x88, s3;
	s6 =	simm.s32 @!p1 $0x1082;
	[sflag:s4] =	ssyncset.s32 $0xFFFFF086  }
0x25: {  	[simem:s6], [sflag:s4] =	dma.local [hbm:s3], $0xF7A  }
0x26: {  	[smem:$0x3F9C] =	sst s1;
	(tag) =	ssettag s2;
	_ =	strace s9  }
0x27: {  	s1 =	sld [smem:$0x3FAC]  }
0x28: {  	s2 =	sld [smem:$0x3FAD]  }
0x29: {  	s4 =	sld [smem:$0x3FAF]  }
0x2a: {  	p0 =	seq.s32 s5, $0x0;
	s5 =	sld [smem:$0x3FB0]  }
0x2b: {  	s6 =	sld [smem:$0x3FB1]  }
0x2c: {  	s7 =	sld [smem:$0x3FB2]  }
0x2d: {  	s3 =	simm.s32 $0x108;
	s8 =	sld [smem:$0x3FB3]  }
0x2e: {  	s3 =	simm.s32 @!p0 $0x1082;
	s9 =	sld [smem:$0x3FB4]  }
0x2f: {  	lr =	sadd.s32 s0, s3;
	s0 =	sld [smem:$0x3FAB]  }
0x30: {  	s3 =	sld [smem:$0x3FAE]  }
0x31: {  	[smem:$0x3FB7] =	sst s10  }
0x32: {  	s10 =	sld [smem:$0x3FB5];
	_ =	sdelay $0x3  }
0x33: {  	p0 =	seq.s32 s10, $0x1;
	s10 =	sld [smem:$0x3FB7];
	_ =	sdelay $0x3  }
0x34: {  	[smem:$0x3FB7] =	sst s10  }
0x35: {  	s10 =	sld [smem:$0x3FB6];
	_ =	sdelay $0x3  }
0x36: {  	p1 =	seq.s32 s10, $0x1;
	s10 =	sld [smem:$0x3FB7];
	_ =	sdelay $0x3  }
0x37: {  	[smem:$0x3FB7] =	sst s10  }
0x38: {  	s10 =	sld [smem:$0x3FB8]  }
0x39: {  	_ = 	snop;
	(pc) =	sbr.ind lr, $3  }
0x3a: {  	_ = 	snop  }
0x3b: {  	_ = 	snop  }
0x3c: {  	p2 =	seq.s32 s10, $0x1;
	s10 =	sld [smem:$0x3FB7]  }
0x3d: {  	_ =	shalt  }
0x3e: {  	_ =	shalt  }
0x3f: {  	_ =	shalt  }
0x40: {  	_ =	shalt  }
0x41: {  	_ =	shalt  }
0x42: {  	_ =	shalt  }
0x43: {  	_ =	shalt  }
0x44: {  	_ =	shalt  }
0x45: {  	_ =	shalt  }
0x46: {  	_ =	shalt  }
0x47: {  	_ =	shalt  }
0x48: {  	_ =	shalt  }
0x49: {  	_ =	shalt  }
0x4a: {  	_ =	shalt  }
0x4b: {  	_ =	shalt  }
0x4c: {  	_ =	shalt  }
0x4d: {  	_ =	shalt  }
0x4e: {  	_ =	shalt  }
0x4f: {  	_ =	shalt  }
0x50: {  	_ =	shalt  }
0x51: {  	_ =	shalt  }
0x52: {  	_ =	shalt  }
0x53: {  	_ =	shalt  }
0x54: {  	_ =	shalt  }
0x55: {  	_ =	shalt  }
0x56: {  	_ =	shalt  }
0x57: {  	_ =	shalt  }
0x58: {  	_ =	shalt  }
0x59: {  	_ =	shalt  }
0x5a: {  	_ =	shalt  }
0x5b: {  	_ =	shalt  }
0x5c: {  	_ =	shalt  }
0x5d: {  	_ =	shalt  }
0x5e: {  	_ =	shalt  }
0x5f: {  	_ =	shalt  }
0x60: {  	_ =	shalt  }
0x61: {  	_ =	shalt  }
0x62: {  	_ =	shalt  }
0x63: {  	_ =	shalt  }
0x64: {  	_ =	shalt  }
0x65: {  	_ =	shalt  }
0x66: {  	_ =	shalt  }
0x67: {  	_ =	shalt  }
0x68: {  	_ =	shalt  }
0x69: {  	_ =	shalt  }
0x6a: {  	_ =	shalt  }
0x6b: {  	_ =	shalt  }
0x6c: {  	_ =	shalt  }
0x6d: {  	_ =	shalt  }
0x6e: {  	_ =	shalt  }
0x6f: {  	_ =	shalt  }
0x70: {  	_ =	shalt  }
0x71: {  	_ =	shalt  }
0x72: {  	_ =	shalt  }
0x73: {  	_ =	shalt  }
0x74: {  	_ =	shalt  }
0x75: {  	_ =	shalt  }
0x76: {  	_ =	shalt  }
0x77: {  	_ =	shalt  }
0x78: {  	_ =	shalt  }
0x79: {  	_ =	shalt  }
0x7a: {  	_ =	shalt  }
0x7b: {  	_ =	shalt  }
0x7c: {  	_ =	shalt  }
0x7d: {  	_ =	shalt  }
0x7e: {  	_ =	shalt  }
0x7f: {  	_ =	shalt  }
0x80: {  	_ =	shalt  }
0x81: {  	_ =	shalt  }
0x82: {  	_ =	shalt  }
0x83: {  	_ =	shalt  }
0x84: {  	_ =	shalt  }
0x85: {  	_ =	shalt  }
0x86: {  	_ =	shalt  }
0x87: {  	_ =	shalt  }
.Lfunc_end0:
.L_simem_size_0:
called_computation_lowered:
.L_overlay_start_0:
0x88: {  	s2 =	sld [smem:$0x3FD9]  }
0x89: {  	s3 =	sld [smem:$0x3FFE];
	_ =	sdelay $0x1  }
0x8a: {  	s1 =	srdreg.scid  }
0x8b: {  	s0 =	sand.u32 $0x1, s1  }
0x8c: {  	s16 =	sshll.u32 s0, $0xA;
	s2 =	sadd.s32 s3, s2  }
0x8d: {  	s3 =	sadd.s32 s2, s16  }
0x8e: {  	[smem:$0x3FC3] =	sst s3  }
0x8f: {  	_ = 	snop  }
0x90: {  	s3 =	sld [smem:$0x3FC9]  }
0x91: {  	s4 =	sld [smem:$0x3FC8]  }
0x92: {  	s5 =	sld [smem:$0x3FC7]  }
0x93: {  	s6 =	sld [smem:$0x3FC6]  }
0x94: {  	s7 =	sld [smem:$0x3FC5]  }
0x95: {  	s8 =	sld [smem:$0x3FD0];
	(tm) =	ssettm $0x1  }
0x96: {  	s9 =	sld [smem:$0x3FFB];
	_ =	sdelay $0x3  }
0x97: {  	_ =	strace s9  }
0x98: {  	s9 =	sld [smem:$0x3FFC];
	_ =	sdelay $0x3  }
0x99: {  	_ =	strace s9  }
0x9a: {  	s9 =	sld [smem:$0x3FFD];
	_ =	sdelay $0x3  }
0x9b: {  	_ =	strace s9  }
0x9c: {  	_ =	strace $0x8FFFFFFF  }
0x9d: {  	s17 =	sld [smem:$0x3FDB];
	_ =	sdelay $0x1  }
0x9e: {  	s10 =	simm.s32 $_scs_section_size  }
0x9f: {  	s11 =	simm.s32 $_size__tile_overlayer_lowered;
	s12 =	simm.s32 $_tile_overlayer_lowered  }
0xa0: {  	s20 =	simm.s32 $0x1BFF;
	s19 =	sshll.u32 s12, $0x1;
	s9 =	sadd.s32 s10, s17  }
0xa1: {  	s13 =	simm.s32 $0x0;
	s18 =	sshll.u32 s11, $0x1;
	s11 =	sadd.s32 s19, s9  }
0xa2: {  	[timem:s13], [sflag:s20] =	dma.local [hbm:s11], s18  }
0xa3: {  	_ =	swait.ge [sflag:s20], s18  }
0xa4: {  	s10 =	ssub.s32 $0x0, s18;
	[sflag:s20] =	ssyncset.done $0x0  }
0xa5: {  	[sflag:s20] =	ssyncadd.s32 s10;
	_ =	sdelay $0x1  }
0xa6: {  	s21 =	simm.s32 $0x1B8B  }
0xa7: {  	_ =	swait.ge [sflag:s21], $0x1  }
0xa8: {  	[sflag:s21] =	ssyncset.done $0x0  }
0xa9: {  	s22 =	simm.s32 $0x1B8E;
	[sflag:s21] =	ssyncadd.s32 $0xFFFFFFFF  }
0xaa: {  	s23 =	simm.s32 $execute0_lowered;
	[smem:$0x3FD2] =	sst s22  }
0xab: {  	s10 =	sshll.u32 s23, $0x1;
	_ =	strace $0x80000046;
	[dreg:$0x1] =	wrdreg $0xFFFFFFFF  }
0xac: {  	s24 =	simm.s32 $_size_execute0_lowered;
	s9 =	sadd.s32 s9, s10;
	[dreg:$0x0] =	wrdreg $0x0  }
0xad: {  	s10 =	sshll.u32 s24, $0x1;
	[dreg:$0x2] =	wrdreg s9  }
0xae: {  	[dreg:$0x3] =	wrdreg s10  }
0xaf: {  	[dreg:$0x4] =	wrdreg $0xC0  }
0xb0: {  	_ =	task [dreg:s13], $0x5FFFF  }
0xb1: {  	[dreg:$0x1] =	wrdreg $0xFFFFFFFF  }
0xb2: {  	[dreg:$0x0] =	wrdreg $0x60  }
0xb3: {  	[dreg:$0x2] =	wrdreg s3  }
0xb4: {  	[dreg:$0x3] =	wrdreg s4  }
0xb5: {  	[dreg:$0x4] =	wrdreg s5  }
0xb6: {  	[dreg:$0x5] =	wrdreg s6  }
0xb7: {  	[dreg:$0x6] =	wrdreg s7  }
0xb8: {  	s25 =	sadd.s32 $0x800, s2;
	[dreg:$0x7] =	wrdreg s8  }
0xb9: {  	s26 =	sadd.s32 $0xCC00, s2;
	[dreg:$0x8] =	wrdreg s25  }
0xba: {  	s28 =	sadd.s32 $0x6A00, s2;
	[dreg:$0x9] =	wrdreg s26  }
0xbb: {  	s2 =	sadd.s32 $0x12E00, s2;
	[dreg:$0xa] =	wrdreg s28  }
0xbc: {  	[dreg:$0xb] =	wrdreg s2  }
0xbd: {  	[dreg:$0xc] =	wrdreg $0x9  }
0xbe: {  	_ =	task.clear_ibuf [dreg:s13], $0xDFFFF;
	_ =	strace $0x90000046  }
0xbf: {  	s29 =	simm.s32 $0x9;
	_ =	strace $0x80000048  }
0xc0: {  	_ =	swait.ge [sflag:s29], $0x1  }
0xc1: {  	[sflag:s29] =	ssyncadd.s32 $0xFFFFFFFF  }
0xc2: {  	_ =	strace $0x90000048  }
0xc3: {  	_ =	sfence  }
0xc4: {  	s30 =	sld [smem:$0x0];
	_ =	sdelay $0x2  }
0xc5: {  	s31 =	sshll.u32 s1, $0xD;
	s1 =	sshrl.u32 s1, $0x2  }
0xc6: {  	s3 =	sand.u32 $0x4000, s31;
	s1 =	sadd.s32 s1, s30  }
0xc7: {  	s0 =	sor.u32 s3, s0;
	s1 =	sshll.u32 s1, $0x11  }
0xc8: {  	s0 =	sor.u32 s1, s0  }
0xc9: {  	s0 =	sadd.s32 $0x8F2B, s0  }
0xca: {  	[sflag:s0] =	ssyncadd.remote.s32 $0x1  }
0xcb: {  	_ =	sfence.sel $0xFFFF  }
0xcc: {  	[dreg:$0x0] =	wrdreg $0xFFFFFFFF;
	(pc) =	sbr.abs _section_cstart, $3  }
0xcd: {  	[dreg:$0x1] =	wrdreg $0xFFFFFFFF  }
0xce: {  	_ =	task.clear_ibuf [dreg:s13], $0x2FFFF;
	_ =	strace $0x9FFFFFFF  }
0xcf: {  	(tm) =	ssettm $0x7FFFFFFF  }
tec
execute0_lowered:
.L_overlay_start_1:
0x0: {  	(tag) =	ssettag $0x1  }
0x1: {  	s0 =	rddreg [dreg:$0x0]  }
0x2: {  	s2 =	rddreg [dreg:$0x1]  }
0x3: {  	s4 =	rddreg [dreg:$0x2]  }
0x4: {  	s5 =	rddreg [dreg:$0x3]  }
0x5: {  	s1 =	rddreg [dreg:$0x4]  }
0x6: {  	s3 =	rddreg [dreg:$0x5]  }
0x7: {  	s16 =	rddreg [dreg:$0x6]  }
0x8: {  	s17 =	rddreg [dreg:$0x9]  }
0x9: {  	s6 =	srdreg.scid;
	s18 =	stileid.u32  }
0xa: {  	s9 =	simm.s32 $0x0;
	s6 =	sand.u32 $0x1, s6;
	s10 =	smul.u32 $0xC40, s18  }
0xb: {  	s31 =	simm.s32 $0x9;
	s30 =	simm.s32 $0x6D80;
	s7 =	smul.u32 $0x30, s6  }
0xc: {  	[smem:$0x7FF] =	sst s9;
	p0 =	sgt.u32 s18, $0x1;
	s12 =	smul.u32 $0x49800, s6  }
0xd: {  	s8 =	ssub.s32 $0x2, s6;
	s13 =	smul.u32 $0x18800, s6;
	s15 =	sshllo.u32 s6, $0x1  }
0xe: {  	_ =	strace $0x80000047;
	s14 =	sshll.u32 s6, $0x1;
	s22 =	smul.u32 $0x18, s15  }
0xf: {  	s11 =	sshrl.u32 s8, $0x1;
	s14 =	sor.u32 s18, s14;
	s24 =	smul.u32 $0x24C00, s15  }
0x10: {  	s28 =	smul.u32 $0xC400, s15;
	s15 =	sshll.u32 s15, $0x8;
	s19 =	sadd.s32 s2, s7  }
0x11: {  	s8 =	ssub.s32 s8, s11;
	s7 =	sadd.s32 s4, s7;
	[dreg:$0xb] =	wrdreg s19  }
0x12: {  	s14 =	smul.u32 $0xC400, s14;
	s23 =	sadd.s32 s10, s13;
	[dreg:$0xc] =	wrdreg s7  }
0x13: {  	s19 =	sadd.s32 s10, s12;
	s2 =	sadd.s32 s2, s22;
	s25 =	sadd.s32 s4, s22  }
0x14: {  	v0 =	vimm.f32 $7.033257120e-41;
	vm0 =	vcmask $0x300;
	s11 =	sadd.s32 s10, s24;
	s12 =	sshll.u32 s18, $0x4;
	s10 =	sadd.s32 s10, s28  }
0x15: {  	vm14 =	vcmask $0x704;
	v0 =	vsel vm0, $0xC400, v0;
	s21 =	sshrl.u32 s23, $0x3;
	s23 =	sshrl.u32 s13, $0x3;
	s4 =	sshrl.u32 s28, $0x3  }
0x16: {  	vm15 =	vcmask $0xB08;
	v0 =	vsel vm14, $0xC401, v0;
	s24 =	smax.u32 s8, $0x1;
	s7 =	simm.s32 $0x8;
	[dreg:$0xe] =	wrdreg s2  }
0x17: {  	vm4 =	vcmask $0xF0C;
	v0 =	vsel vm15, $0xC402, v0;
	s13 =	simm.s32 $0x4;
	s8 =	simm.s32 $0x0;
	[dreg:$0xf] =	wrdreg s25  }
0x18: {  	v1 =	vimm.f32 $1.120000000e+02;
	vm5 =	vcmask $0x1310;
	v0 =	vsel vm4, $0xC403, v0;
	[dreg:$0xd] =	wrdreg s14;
	s26 =	sshrl.u32 s14, $0x3;
	s14 =	sshll.u32 s6, $0x9  }
0x19: {  	vm6 =	vcmask $0x1714;
	vm7 =	vcmask $0x1B18;
	v0 =	vsel vm5, $0xC404, v0;
	s20 =	sadd.s32 $0xC400, s19;
	[dreg:$0x14] =	wrdreg s21;
	s22 =	sshrl.u32 s10, $0x3  }
0x1a: {  	(erf) = vrcp.f32 v1;
	v1 =	vimm.f32 $1.370000000e+02;
	[dreg:$0x16] =	wrdreg s24;
	v0 =	vsel vm6, $0xC405, v0;
	s4 =	sadd.s32 s4, s17;
	s25 =	sadd.s32 $0x18800, s19  }
0x1b: {  	vm8 =	vcmask $0x1F1C;
	(erf) = vrcp.f32 v1;
	s24 =	smov.u32 s11;
	s28 =	sadd.s32 $0x18800, s11;
	[dreg:$0x13] =	wrdreg s20;
	v0 =	vsel vm7, $0xC406, v0  }
0x1c: {  	vm9 =	vcmask $0x2320;
	s10 =	simm.s32 $0xB80;
	s21 =	simm.s32 $0x6;
	[dreg:$0x15] =	wrdreg s22;
	v0 =	vsel vm8, $0xC407, v0  }
0x1d: {  	vm10 =	vcmask $0x2724;
	s6 =	simm.s32 $0x1;
	s2 =	sadd.s32 s5, s26;
	[dreg:$0x18] =	wrdreg s4;
	v0 =	vsel vm9, $0xC408, v0  }
0x1e: {  	vm11 =	vcmask $0x2B28;
	s29 =	sor.u32 s14, s12;
	[dreg:$0x19] =	wrdreg s25;
	s26 =	sadd.s32 $0xC400, s11;
	v0 =	vsel vm10, $0xC409, v0  }
0x1f: {  	vm12 =	vcmask $0x2F2C;
	[dreg:$0x1b] =	wrdreg s28;
	s14 =	simm.s32 $0x2400;
	s25 =	simm.s32 $0x5;
	v0 =	vsel vm11, $0xC40A, v0  }
0x20: {  	vm13 =	vcmask $0x3330;
	s22 =	simm.s32 $0x7;
	s4 =	simm.s32 $0x3C80;
	[dreg:$0x10] =	wrdreg s2;
	v0 =	vsel vm12, $0xC40B, v0  }
0x21: {  	s5 =	simm.s32 $0x5500;
	s11 =	simm.s32 $0x2;
	[dreg:$0x1a] =	wrdreg s26;
	v1 =	vsel vm13, $0xC40C, v0  }
0x22: {  	vm14 =	vcmask $0x3734;
	s2 =	sor.u32 s12, s15;
	s15 =	simm.s32 $0x13200;
	[dreg:$0x11] =	wrdreg s29  }
0x23: {  	vm15 =	vcmask $0x3B38;
	s12 =	simm.s32 $0x3;
	[dreg:$0x12] =	wrdreg s2;
	s2 =	sadd.s32 s23, s17;
	v3 =	vsel vm14, $0xC40D, v1;
	v0 =	vpop (erf)  }
0x24: {  	v2 =	vimm.f32 $0.0e+00;
	s23 =	smov.u32 s19;
	[dreg:$0x17] =	wrdreg s2;
	s2 =	smov.u32 s16;
	v3 =	vsel vm15, $0xC40E, v3;
	v1 =	vpop (erf)  }
.LBB2_1:
0x25: {  	[dreg:$0x1c] =	wrdreg s8  }
0x26: {  	s20 =	rddreg [dreg:$0xb];
	s16 =	simm.s32 $0x980  }
0x27: {  	[tilespmem:s16], [sflag:$0x9] =	stream.linear.gather [hbm4b:s20+s9], $0xC0, $0x38;
	[tilespmem:$0x1F600] =	vst v63  }
0x28: {  	_ =	swait.ge [sflag:s31], $0xC0  }
0x29: {  	[sflag:s31] =	ssyncset.done $0x0  }
0x2a: {  	s28 =	simm.s32 $0xA80;
	s26 =	rddreg [dreg:$0xc];
	[sflag:s31] =	ssyncadd.s32 $0xFFFFFF40  }
0x2b: {  	[tilespmem:s28], [sflag:$0x9] =	stream.linear.gather [hbm4b:s26+s9], $0xC0, $0x38;
	[tilespmem:$0x1F600] =	vst v63  }
0x2c: {  	_ =	swait.ge [sflag:s31], $0xC0  }
0x2d: {  	[sflag:s31] =	ssyncset.done $0x0  }
0x2e: {  	[sflag:s31] =	ssyncadd.s32 $0xFFFFFF40  }
0x2f: {  	v4 =	vld [tilespmem:$0x980]  }
0x30: {  	v5 =	vld [tilespmem:$0x990]  }
0x31: {  	v21 =	vld [tilespmem:$0xAB0]  }
0x32: {  	v22 =	vld [tilespmem:$0xAC0]  }
0x33: {  	v6 =	vld [tilespmem:$0x9A0]  }
0x34: {  	v23 =	vld [tilespmem:$0xAD0];
	_ =	sdelay $0x1  }
0x35: {  	v10 =	vld [tilespmem:$0x9C0];
	v7 =	vshrl.u32 v4, $0x10;
	v9 =	vshrl.u32 v5, $0x10;
	v24 =	vshrl.u32 v21, $0x10  }
0x36: {  	v26 =	vshrl.u32 v22, $0x10;
	v7 =	vand.u32 $0x1, v7;
	v24 =	vand.u32 $0x1, v24  }
0x37: {  	v8 =	vld [tilespmem:$0x9B0];
	v4 =	vadd.s32 v7, v4;
	v7 =	vand.u32 $0x1, v9;
	v9 =	vshrl.u32 v6, $0x10  }
0x38: {  	v21 =	vadd.s32 v24, v21;
	v24 =	vand.u32 $0x1, v26;
	v26 =	vshrl.u32 v23, $0x10  }
0x39: {  	v4 =	vadd.s32 $0x7FFF, v4;
	v5 =	vadd.s32 v7, v5;
	v7 =	vand.u32 $0x1, v9  }
0x3a: {  	v11 =	vld [tilespmem:$0x9D0];
	v9 =	vshrl.u32 v10, $0x10;
	v22 =	vadd.s32 v24, v22;
	v24 =	vand.u32 $0x1, v26  }
0x3b: {  	v12 =	vld [tilespmem:$0x9E0];
	v21 =	vadd.s32 $0x7FFF, v21;
	v4 =	vand.u32 $0xFFFF0000, v4;
	v5 =	vadd.s32 $0x7FFF, v5  }
0x3c: {  	v6 =	vadd.s32 v7, v6;
	v7 =	vshrl.u32 v8, $0x10;
	v23 =	vadd.s32 v24, v23  }
0x3d: {  	v13 =	vld [tilespmem:$0x9F0];
	v5 =	vand.u32 $0xFFFF0000, v5;
	v6 =	vadd.s32 $0x7FFF, v6;
	v7 =	vand.u32 $0x1, v7  }
0x3e: {  	v14 =	vld [tilespmem:$0xA00];
	v6 =	vand.u32 $0xFFFF0000, v6;
	v7 =	vadd.s32 v7, v8;
	v8 =	vand.u32 $0x1, v9  }
0x3f: {  	v9 =	vshrl.u32 v11, $0x10;
	v7 =	vadd.s32 $0x7FFF, v7;
	v8 =	vadd.s32 v8, v10  }
0x40: {  	v15 =	vld [tilespmem:$0xA10];
	v9 =	vand.u32 $0x1, v9;
	v10 =	vshrl.u32 v12, $0x10;
	v7 =	vand.u32 $0xFFFF0000, v7  }
0x41: {  	v16 =	vld [tilespmem:$0xA20];
	v8 =	vadd.s32 $0x7FFF, v8;
	v9 =	vadd.s32 v9, v11;
	v10 =	vand.u32 $0x1, v10  }
0x42: {  	v17 =	vld [tilespmem:$0xA30];
	v11 =	vshrl.u32 v13, $0x10;
	v8 =	vand.u32 $0xFFFF0000, v8;
	v9 =	vadd.s32 $0x7FFF, v9  }
0x43: {  	v18 =	vld [tilespmem:$0xA80];
	v10 =	vadd.s32 v10, v12;
	v11 =	vand.u32 $0x1, v11;
	v12 =	vshrl.u32 v14, $0x10  }
0x44: {  	v19 =	vld [tilespmem:$0xA90];
	v9 =	vand.u32 $0xFFFF0000, v9;
	v10 =	vadd.s32 $0x7FFF, v10;
	v11 =	vadd.s32 v11, v13  }
0x45: {  	v20 =	vld [tilespmem:$0xAA0];
	v12 =	vand.u32 $0x1, v12;
	v13 =	vshrl.u32 v15, $0x10;
	v10 =	vand.u32 $0xFFFF0000, v10  }
0x46: {  	v12 =	vadd.s32 v12, v14;
	v13 =	vand.u32 $0x1, v13;
	v14 =	vshrl.u32 v16, $0x10  }
0x47: {  	v13 =	vadd.s32 v13, v15;
	v14 =	vand.u32 $0x1, v14;
	v15 =	vshrl.u32 v17, $0x10  }
0x48: {  	v14 =	vadd.s32 v14, v16;
	v15 =	vand.u32 $0x1, v15;
	v16 =	vshrl.u32 v18, $0x10  }
0x49: {  	v15 =	vadd.s32 v15, v17;
	v16 =	vand.u32 $0x1, v16;
	v17 =	vshrl.u32 v19, $0x10  }
0x4a: {  	v16 =	vadd.s32 v16, v18;
	v17 =	vand.u32 $0x1, v17;
	v18 =	vshrl.u32 v20, $0x10  }
0x4b: {  	v11 =	vadd.s32 $0x7FFF, v11;
	v17 =	vadd.s32 v17, v19;
	v18 =	vand.u32 $0x1, v18;
	v19 =	vld [tilespmem:$0xAE0]  }
0x4c: {  	v11 =	vand.u32 $0xFFFF0000, v11;
	v12 =	vadd.s32 $0x7FFF, v12;
	v18 =	vadd.s32 v18, v20;
	v20 =	vld [tilespmem:$0xAF0]  }
0x4d: {  	v25 =	vld [tilespmem:$0xB00];
	v12 =	vand.u32 $0xFFFF0000, v12;
	v13 =	vadd.s32 $0x7FFF, v13;
	v14 =	vadd.s32 $0x7FFF, v14  }
0x4e: {  	v13 =	vand.u32 $0xFFFF0000, v13;
	v14 =	vand.u32 $0xFFFF0000, v14;
	v15 =	vadd.s32 $0x7FFF, v15  }
0x4f: {  	v27 =	vld [tilespmem:$0xB10];
	v15 =	vand.u32 $0xFFFF0000, v15;
	v16 =	vadd.s32 $0x7FFF, v16;
	v17 =	vadd.s32 $0x7FFF, v17  }
0x50: {  	v16 =	vand.u32 $0xFFFF0000, v16;
	v17 =	vand.u32 $0xFFFF0000, v17;
	v26 =	vshrl.u32 v19, $0x10  }
0x51: {  	v28 =	vld [tilespmem:$0xB20];
	v18 =	vadd.s32 $0x7FFF, v18;
	v24 =	vand.u32 $0x1, v26;
	v26 =	vshrl.u32 v20, $0x10  }
0x52: {  	v24 =	vadd.s32 v24, v19;
	v19 =	vand.u32 $0x1, v26;
	v26 =	vshrl.u32 v25, $0x10  }
0x53: {  	v18 =	vand.u32 $0xFFFF0000, v18;
	v29 =	vadd.s32 v19, v20;
	v19 =	vand.u32 $0x1, v26;
	v26 =	vld [tilespmem:$0xB30]  }
0x54: {  	v20 =	vadd.s32 $0x7FFF, v22;
	v22 =	vshrl.u32 v27, $0x10;
	v25 =	vadd.s32 v19, v25  }
0x55: {  	v19 =	vand.u32 $0xFFFF0000, v21;
	v20 =	vand.u32 $0xFFFF0000, v20;
	v21 =	vand.u32 $0x1, v22  }
0x56: {  	v22 =	vadd.s32 $0x7FFF, v23;
	v23 =	vshrl.u32 v28, $0x10;
	v27 =	vadd.s32 v21, v27  }
0x57: {  	v21 =	vand.u32 $0xFFFF0000, v22;
	v22 =	vadd.s32 $0x7FFF, v24;
	v23 =	vand.u32 $0x1, v23  }
0x58: {  	v24 =	vadd.s32 $0x7FFF, v29;
	v28 =	vadd.s32 v23, v28;
	v23 =	vshrl.u32 v26, $0x10  }
0x59: {  	v25 =	vadd.s32 $0x7FFF, v25;
	v22 =	vand.u32 $0xFFFF0000, v22;
	v29 =	vand.u32 $0x1, v23  }
0x5a: {  	v23 =	vand.u32 $0xFFFF0000, v24;
	v24 =	vand.u32 $0xFFFF0000, v25;
	v25 =	vadd.s32 v29, v26  }
0x5b: {  	v26 =	vadd.s32 $0x7FFF, v27;
	v27 =	vadd.s32 $0x7FFF, v28;
	v28 =	vadd.s32 $0x7FFF, v25  }
0x5c: {  	s29 =	simm.s32 $0x17F0;
	s8 =	simm.s32 $0x0;
	s19 =	simm.s32 $0x0;
	v25 =	vand.u32 $0xFFFF0000, v26;
	v26 =	vand.u32 $0xFFFF0000, v27;
	v27 =	vand.u32 $0xFFFF0000, v28  }
.LBB2_2:
0x5d: {  	s20 =	smul.u32 $0x310, s19;
	_ =	sdelay $0x1  }
0x5e: {  	s16 =	sadd.s32 s20, s23  }
0x5f: {  	s16 =	sshrl.u32 s16, $0x3  }
0x60: {  	s16 =	sadd.s32 s0, s16  }
0x61: {  	[tilespmem:s9], [sflag:$0x9] =	stream.linear.gather [hbm4b:s16+s9], $0x310, $0x38;
	[tilespmem:$0x1F600] =	vst v63  }
0x62: {  	_ =	swait.ge [sflag:s31], $0x310  }
0x63: {  	s17 =	rddreg [dreg:$0x13]  }
0x64: {  	s16 =	sadd.s32 s20, s17  }
0x65: {  	[sflag:s31] =	ssyncset.done $0x0;
	s16 =	sshrl.u32 s16, $0x3  }
0x66: {  	[sflag:s31] =	ssyncadd.s32 $0xFFFFFCF0;
	s17 =	simm.s32 $0x310;
	s16 =	sadd.s32 s0, s16  }
0x67: {  	[tilespmem:s17], [sflag:$0x9] =	stream.linear.gather [hbm4b:s16+s9], $0x310, $0x38;
	[tilespmem:$0x1F600] =	vst v63  }
0x68: {  	_ =	swait.ge [sflag:s31], $0x310  }
0x69: {  	s18 =	rddreg [dreg:$0x19]  }
0x6a: {  	s16 =	sadd.s32 s20, s18  }
0x6b: {  	[sflag:s31] =	ssyncset.done $0x0;
	s16 =	sshrl.u32 s16, $0x3  }
0x6c: {  	s26 =	simm.s32 $0x620;
	[sflag:s31] =	ssyncadd.s32 $0xFFFFFCF0;
	s16 =	sadd.s32 s0, s16  }
0x6d: {  	[tilespmem:s26], [sflag:$0x9] =	stream.linear.gather [hbm4b:s16+s9], $0x310, $0x38;
	[tilespmem:$0x1F600] =	vst v63  }
0x6e: {  	_ =	swait.ge [sflag:s31], $0x310  }
0x6f: {  	s28 =	simm.s32 $0x330;
	s18 =	smov.u32 s8;
	[sflag:s31] =	ssyncset.done $0x0  }
0x70: {  	s26 =	simm.s32 $0xFFFFFFFC;
	s16 =	smov.u32 s29;
	[sflag:s31] =	ssyncadd.s32 $0xFFFFFCF0  }
.LBB2_3:
0x71: {  	v28 =	vld [tilespmem:s28+$0xFFFFFCD0]  }
0x72: {  	v29 =	vld [tilespmem:s28+$0xFFFFFFE0];
	_ =	sdelay $0x1  }
0x73: {  	v30 =	vld [tilespmem:s28+$0x2F0];
	_ =	sdelay $0x1  }
0x74: {  	v31 =	vshrl.u32 v28, $0x10  }
0x75: {  	v32 =	vshrl.u32 v29, $0x10;
	v31 =	vand.u32 $0x1, v31  }
0x76: {  	v32 =	vand.u32 $0x1, v32;
	v28 =	vadd.s32 v31, v28  }
0x77: {  	v43 =	vld [tilespmem:s28+$0xFFFFFCE0];
	v54 =	vshrl.u32 v30, $0x10;
	v29 =	vadd.s32 v32, v29;
	v28 =	vadd.s32 $0x7FFF, v28  }
0x78: {  	v31 =	vand.u32 $0x1, v54;
	v29 =	vadd.s32 $0x7FFF, v29;
	v28 =	vand.u32 $0xFFFF0000, v28  }
0x79: {  	v44 =	vld [tilespmem:s28+$0xFFFFFFF0];
	v30 =	vadd.s32 v31, v30;
	v29 =	vand.u32 $0xFFFF0000, v29;
	v55 =	vmul.f32 v28, v16  }
0x7a: {  	v30 =	vadd.s32 $0x7FFF, v30;
	v56 =	vmul.f32 v29, v17;
	v33 =	vmul.f32 v28, v20  }
0x7b: {  	v46 =	vld [tilespmem:s28+$0x300];
	v30 =	vand.u32 $0xFFFF0000, v30;
	v34 =	vmul.f32 v29, v21;
	v28 =	vmul.f32 v28, v24  }
0x7c: {  	v48 =	vshrl.u32 v43, $0x10;
	v29 =	vmul.f32 v29, v25;
	v57 =	vmul.f32 v30, v18  }
0x7d: {  	v35 =	vmul.f32 v30, v22;
	v31 =	vadd.f32 v56, v55;
	v33 =	vadd.f32 v34, v33  }
0x7e: {  	v49 =	vshrl.u32 v44, $0x10;
	v28 =	vadd.f32 v29, v28;
	v29 =	vmul.f32 v30, v26  }
0x7f: {  	v34 =	vand.u32 $0x1, v48;
	v31 =	vadd.f32 v57, v31;
	v58 =	vadd.f32 v35, v33  }
0x80: {  	v50 =	vshrl.u32 v46, $0x10;
	v28 =	vadd.f32 v29, v28;
	v33 =	vadd.s32 v34, v43  }
0x81: {  	v33 =	vadd.s32 $0x7FFF, v33;
	v59 =	vadd.f32 v19, v31;
	v60 =	vadd.f32 v23, v58  }
0x82: {  	v35 =	vand.u32 $0x1, v49;
	v28 =	vadd.f32 v27, v28;
	v33 =	vand.u32 $0xFFFF0000, v33  }
0x83: {  	v51 =	vmul.f32 v33, v16;
	v29 =	vshrl.u32 v59, $0x10;
	v32 =	vshrl.u32 v60, $0x10  }
0x84: {  	v62 =	vshrl.u32 v28, $0x10;
	v29 =	vand.u32 $0x1, v29;
	v32 =	vand.u32 $0x1, v32  }
0x85: {  	v31 =	vand.u32 $0x1, v62;
	v29 =	vadd.s32 v29, v59;
	v61 =	vadd.s32 v32, v60  }
0x86: {  	v28 =	vadd.s32 v31, v28;
	v29 =	vadd.s32 $0x7FFF, v29;
	v30 =	vadd.s32 $0x7FFF, v61  }
0x87: {  	v28 =	vadd.s32 $0x7FFF, v28;
	v29 =	vand.u32 $0xFFFF0000, v29;
	v30 =	vand.u32 $0xFFFF0000, v30  }
0x88: {  	v37 =	vand.u32 $0xFFFF0000, v28;
	v63 =	vmul.f32 v29, v12;
	v36 =	vmul.f32 v30, v13  }
0x89: {  	v32 =	vadd.s32 v35, v44;
	v38 =	vmul.f32 v37, v14;
	v39 =	vmul.f32 v29, v4  }
0x8a: {  	v32 =	vadd.s32 $0x7FFF, v32;
	v40 =	vmul.f32 v30, v5;
	v29 =	vmul.f32 v29, v8  }
0x8b: {  	v32 =	vand.u32 $0xFFFF0000, v32;
	v30 =	vmul.f32 v30, v9;
	v41 =	vmul.f32 v37, v6  }
0x8c: {  	v42 =	vmul.f32 v37, v10;
	v28 =	vadd.f32 v36, v63;
	v31 =	vadd.f32 v40, v39  }
0x8d: {  	v34 =	vand.u32 $0x1, v50;
	v52 =	vmul.f32 v32, v17;
	v37 =	vmul.f32 v32, v21  }
0x8e: {  	v32 =	vmul.f32 v32, v25;
	v28 =	vadd.f32 v28, v38;
	v31 =	vadd.f32 v31, v41  }
0x8f: {  	v29 =	vadd.f32 v30, v29;
	v36 =	vmul.f32 v33, v20;
	v33 =	vmul.f32 v33, v24  }
0x90: {  	v28 =	vadd.f32 v15, v28;
	v45 =	vadd.f32 v7, v31;
	v31 =	vadd.s32 v34, v46  }
0x91: {  	v29 =	vadd.f32 v29, v42;
	v36 =	vadd.f32 v37, v36;
	v31 =	vadd.s32 $0x7FFF, v31  }
0x92: {  	v48 =	vld [tilespmem:s28+$0x310];
	v32 =	vadd.f32 v32, v33;
	v28 =	vmul.f32 v28, v0;
	v31 =	vand.u32 $0xFFFF0000, v31  }
0x93: {  	v40 =	vld [tilespmem:s28+$0xFFFFFCF0];
	v34 =	vadd.f32 v52, v51;
	v53 =	vmul.f32 v31, v18;
	v38 =	vmul.f32 v31, v22  }
0x94: {  	v31 =	vmul.f32 v31, v26;
	(erf) = vrcp.f32 v28;
	v28 =	vadd.f32 v28, v28  }
0x95: {  	v34 =	vadd.f32 v53, v34;
	v54 =	vadd.f32 v38, v36  }
0x96: {  	v29 =	vadd.f32 v11, v29;
	v32 =	vadd.f32 v31, v32  }
0x97: {  	v28 =	vmul.f32 $1.120000000e+02, v28;
	v55 =	vadd.f32 v19, v34;
	v56 =	vadd.f32 v23, v54  }
0x98: {  	v51 =	vshrl.u32 v48, $0x10;
	v49 =	vshrl.u32 v40, $0x10;
	v32 =	vadd.f32 v27, v32  }
0x99: {  	v28 =	vmul.f32 v28, v1;
	v58 =	vshrl.u32 v55, $0x10;
	v59 =	vshrl.u32 v56, $0x10  }
0x9a: {  	v60 =	vshrl.u32 v32, $0x10;
	v35 =	vand.u32 $0x1, v58;
	v36 =	vand.u32 $0x1, v59  }
0x9b: {  	v33 =	vadd.s32 v35, v55;
	v34 =	vadd.s32 v36, v56;
	v35 =	vand.u32 $0x1, v60  }
0x9c: {  	v36 =	vand.u32 $0x1, v51;
	v33 =	vadd.s32 $0x7FFF, v33;
	v34 =	vadd.s32 $0x7FFF, v34  }
0x9d: {  	v32 =	vadd.s32 v35, v32;
	v36 =	vadd.s32 v36, v48;
	v47 =	vpop (erf);
	v33 =	vand.u32 $0xFFFF0000, v33  }
0x9e: {  	v34 =	vand.u32 $0xFFFF0000, v34;
	v30 =	vmul.f32 v47, v45;
	v29 =	vmul.f32 v47, v29  }
0x9f: {  	v32 =	vadd.s32 $0x7FFF, v32;
	v61 =	vmul.f32 v33, v12;
	v62 =	vmul.f32 v34, v13  }
0xa0: {  	v36 =	vadd.s32 $0x7FFF, v36;
	v63 =	vmul.f32 v33, v4;
	v44 =	vmul.f32 v34, v5  }
0xa1: {  	v32 =	vand.u32 $0xFFFF0000, v32;
	v33 =	vmul.f32 v33, v8;
	v34 =	vmul.f32 v34, v9  }
0xa2: {  	v36 =	vand.u32 $0xFFFF0000, v36;
	v45 =	vmul.f32 v32, v14;
	v46 =	vmul.f32 v32, v6  }
0xa3: {  	v48 =	vld [tilespmem:s28+$0xFFFFFD00];
	v54 =	vmul.f32 v36, v18;
	v55 =	vmul.f32 v36, v22;
	v30 =	vadd.f32 $8.388608000e+06, v30  }
0xa4: {  	v47 =	vld [tilespmem:s28+$0x0];
	v32 =	vmul.f32 v32, v10;
	v29 =	vadd.f32 $8.388608000e+06, v29;
	v35 =	vadd.f32 v62, v61  }
0xa5: {  	v56 =	vmul.f32 v36, v26;
	v37 =	vadd.f32 v44, v63;
	v33 =	vadd.f32 v34, v33  }
0xa6: {  	v34 =	vand.u32 $0x1, v49;
	v29 =	vadd.f32 $-8.388608000e+06, v29;
	v31 =	vadd.f32 $-8.388608000e+06, v30  }
0xa7: {  	v34 =	vadd.s32 v34, v40;
	v35 =	vadd.f32 v35, v45;
	v37 =	vadd.f32 v37, v46  }
0xa8: {  	v34 =	vadd.s32 $0x7FFF, v34;
	v32 =	vadd.f32 v33, v32;
	v45 =	vshrl.u32 v48, $0x10  }
0xa9: {  	v50 =	vshrl.u32 v47, $0x10;
	v34 =	vand.u32 $0xFFFF0000, v34;
	v45 =	vand.u32 $0x1, v45  }
0xaa: {  	v57 =	vtrunc.f32 v29;
	v39 =	vtrunc.f32 v31;
	v35 =	vadd.f32 v15, v35  }
0xab: {  	v41 =	vsub.f32 $2.240000000e+02, v29;
	v37 =	vadd.f32 v7, v37;
	v52 =	vmul.f32 v34, v16  }
0xac: {  	v42 =	vmul.f32 v34, v20;
	v34 =	vmul.f32 v34, v24;
	v32 =	vadd.f32 v11, v32  }
0xad: {  	v40 =	vadd.s32 v45, v48;
	v31 =	vmax.f32 v31, $0.0e+00;
	v30 =	vcvt.f32.s32 v57  }
0xae: {  	v39 =	vcvt.f32.s32 v39;
	v40 =	vadd.s32 $0x7FFF, v40;
	v31 =	vmin.f32 v31, $2.230000000e+02  }
0xaf: {  	v29 =	vmul.f32 v35, v0;
	v35 =	vand.u32 $0x1, v50;
	v40 =	vand.u32 $0xFFFF0000, v40  }
0xb0: {  	v41 =	vmax.f32 v41, $0.0e+00;
	v30 =	vsub.s32 $0xE0, v30;
	vm9 =	vgt.s32 v39, $0x0  }
0xb1: {  	v50 =	vld [tilespmem:s28+$0x10];
	v35 =	vadd.s32 v35, v47;
	v41 =	vmin.f32 v41, $2.230000000e+02;
	vm0 =	vgt.s32 v30, $0x0  }
0xb2: {  	(erf) = vrcp.f32 v29;
	v35 =	vadd.s32 $0x7FFF, v35;
	v57 =	vnsel vm9, $0x0, v39  }
0xb3: {  	v41 =	vmul.f32 $2.240000000e+02, v41;
	v29 =	vadd.f32 v29, v29;
	v35 =	vand.u32 $0xFFFF0000, v35  }
0xb4: {  	v30 =	vnsel vm0, $0x0, v30;
	v60 =	vmin.u32 v57, $0xDF;
	v53 =	vmul.f32 v35, v17  }
0xb5: {  	v30 =	vmin.u32 v30, $0xDF;
	v43 =	vmul.f32 v35, v21;
	v35 =	vmul.f32 v35, v25  }
0xb6: {  	v31 =	vadd.f32 v41, v31;
	v29 =	vmul.f32 $1.120000000e+02, v29;
	v46 =	vshrl.u32 v50, $0x10  }
0xb7: {  	v30 =	vmul.u32 $0xE0, v30;
	v38 =	vadd.f32 v53, v52;
	v46 =	vand.u32 $0x1, v46  }
0xb8: {  	v42 =	vadd.f32 v43, v42;
	v34 =	vadd.f32 v35, v34;
	v43 =	vadd.s32 v46, v50  }
0xb9: {  	v52 =	vld [tilespmem:s28+$0x320];
	v30 =	vadd.s32 v60, v30;
	v38 =	vadd.f32 v54, v38;
	v43 =	vadd.s32 $0x7FFF, v43  }
0xba: {  	v58 =	vadd.f32 v55, v42;
	v59 =	vadd.f32 v56, v34;
	v43 =	vand.u32 $0xFFFF0000, v43  }
0xbb: {  	v56 =	vmul.f32 v40, v16;
	v61 =	vadd.f32 v19, v38;
	v57 =	vmul.f32 v43, v17  }
0xbc: {  	v62 =	vadd.f32 v23, v58;
	v58 =	vmul.f32 v40, v20;
	v48 =	vmul.f32 v43, v21  }
0xbd: {  	v33 =	vadd.f32 v27, v59;
	v40 =	vmul.f32 v40, v24;
	v43 =	vmul.f32 v43, v25  }
0xbe: {  	v63 =	vpop (erf);
	v55 =	vshrl.u32 v52, $0x10;
	v38 =	vshrl.u32 v61, $0x10;
	v39 =	vshrl.u32 v62, $0x10  }
0xbf: {  	v37 =	vmul.f32 v63, v37;
	v38 =	vand.u32 $0x1, v38;
	v39 =	vand.u32 $0x1, v39  }
0xc0: {  	v49 =	vshrl.u32 v33, $0x10;
	v35 =	vadd.s32 v38, v61;
	v36 =	vadd.s32 v39, v62  }
0xc1: {  	v46 =	vadd.f32 v48, v58;
	v35 =	vadd.s32 $0x7FFF, v35;
	v36 =	vadd.s32 $0x7FFF, v36  }
0xc2: {  	v32 =	vmul.f32 v63, v32;
	v35 =	vand.u32 $0xFFFF0000, v35;
	v36 =	vand.u32 $0xFFFF0000, v36  }
0xc3: {  	v51 =	vand.u32 $0x1, v49;
	v54 =	vmul.f32 v35, v12;
	v44 =	vmul.f32 v36, v13  }
0xc4: {  	v33 =	vadd.s32 v51, v33;
	v37 =	vadd.f32 $8.388608000e+06, v37;
	v32 =	vadd.f32 $8.388608000e+06, v32  }
0xc5: {  	v33 =	vadd.s32 $0x7FFF, v33;
	v42 =	vadd.f32 v44, v54;
	v44 =	vand.u32 $0x1, v55  }
0xc6: {  	v40 =	vadd.f32 v43, v40;
	v33 =	vand.u32 $0xFFFF0000, v33;
	v38 =	vadd.s32 v44, v52  }
0xc7: {  	v37 =	vadd.f32 $-8.388608000e+06, v37;
	v32 =	vadd.f32 $-8.388608000e+06, v32;
	v38 =	vadd.s32 $0x7FFF, v38  }
0xc8: {  	v53 =	vmul.f32 v35, v4;
	v47 =	vmul.f32 v36, v5;
	v38 =	vand.u32 $0xFFFF0000, v38  }
0xc9: {  	v44 =	vadd.f32 v57, v56;
	v59 =	vmul.f32 v38, v18;
	v60 =	vmul.f32 v38, v22  }
0xca: {  	v49 =	vmul.f32 v33, v14;
	v61 =	vadd.f32 v47, v53;
	v38 =	vmul.f32 v38, v26  }
0xcb: {  	v35 =	vmul.f32 v35, v8;
	v63 =	vadd.f32 v59, v44;
	v48 =	vadd.f32 v60, v46  }
0xcc: {  	v36 =	vmul.f32 v36, v9;
	v62 =	vadd.f32 v42, v49;
	v38 =	vadd.f32 v38, v40  }
0xcd: {  	v31 =	vtrunc.f32 v31;
	v42 =	vadd.f32 v19, v63;
	v44 =	vadd.f32 v23, v48  }
0xce: {  	v29 =	vmul.f32 v29, v1;
	v35 =	vadd.f32 v36, v35;
	v39 =	vadd.f32 v15, v62  }
0xcf: {  	v38 =	vadd.f32 v27, v38;
	v50 =	vshrl.u32 v42, $0x10;
	v51 =	vshrl.u32 v44, $0x10  }
0xd0: {  	v36 =	vmul.f32 v39, v0;
	v39 =	vand.u32 $0x1, v50;
	v40 =	vand.u32 $0x1, v51  }
0xd1: {  	v52 =	vshrl.u32 v38, $0x10;
	v39 =	vadd.s32 v39, v42;
	v40 =	vadd.s32 v40, v44  }
0xd2: {  	v42 =	vand.u32 $0x1, v52;
	v39 =	vadd.s32 $0x7FFF, v39;
	v40 =	vadd.s32 $0x7FFF, v40  }
0xd3: {  	v38 =	vadd.s32 v42, v38;
	v39 =	vand.u32 $0xFFFF0000, v39;
	v40 =	vand.u32 $0xFFFF0000, v40  }
0xd4: {  	v38 =	vadd.s32 $0x7FFF, v38;
	v53 =	vmul.f32 v39, v12;
	v54 =	vmul.f32 v40, v13  }
0xd5: {  	v49 =	vmul.f32 v33, v6;
	(erf) = vrcp.f32 v36;
	v38 =	vand.u32 $0xFFFF0000, v38  }
0xd6: {  	v33 =	vmul.f32 v33, v10;
	v57 =	vmul.f32 v38, v14;
	v56 =	vadd.f32 v54, v53  }
0xd7: {  	v31 =	vcvt.f32.s32 v31;
	v55 =	vtrunc.f32 v32;
	v32 =	vsub.f32 $2.240000000e+02, v32  }
0xd8: {  	v58 =	vtrunc.f32 v37;
	v33 =	vadd.f32 v35, v33;
	v35 =	vadd.f32 v56, v57  }
0xd9: {  	v37 =	vmax.f32 v37, $0.0e+00;
	v32 =	vmax.f32 v32, $0.0e+00;
	v34 =	vadd.f32 v61, v49  }
0xda: {  	v43 =	vcvt.f32.s32 v55;
	v32 =	vmin.f32 v32, $2.230000000e+02;
	v35 =	vadd.f32 v15, v35  }
0xdb: {  	v37 =	vmin.f32 v37, $2.230000000e+02;
	v32 =	vmul.f32 $2.240000000e+02, v32;
	v34 =	vadd.f32 v7, v34  }
0xdc: {  	v33 =	vadd.f32 v11, v33;
	v59 =	vsub.s32 $0xE0, v43;
	v35 =	vmul.f32 v35, v0  }
0xdd: {  	v60 =	vcvt.f32.s32 v58;
	v32 =	vadd.f32 v32, v37;
	v62 =	vmul.f32 v39, v4  }
0xde: {  	[tilespmem:s16+$0xFFFFF390] =	vst v30;
	vm10 =	vgt.s32 v59, $0x0;
	v63 =	vmul.f32 v40, v5;
	v61 =	vpop (erf);
	(erf) = vrcp.f32 v35  }
0xdf: {  	s17 =	sand.u32 $0x1FF0, s18;
	[tilespmem:s16+$0xFFFFFFD0] =	vst v31;
	v41 =	vnsel vm10, $0x0, v59;
	v39 =	vmul.f32 v39, v8;
	v40 =	vmul.f32 v40, v9  }
0xe0: {  	[tilespmem:s17+$0x2400] =	vst v28;
	vm11 =	vgt.s32 v60, $0x0;
	v28 =	vadd.f32 v36, v36;
	v33 =	vmul.f32 v61, v33  }
0xe1: {  	v41 =	vmin.u32 v41, $0xDF;
	v45 =	vmul.f32 v38, v10;
	v39 =	vadd.f32 v40, v39  }
0xe2: {  	v41 =	vmul.u32 $0xE0, v41;
	v34 =	vmul.f32 v61, v34;
	v33 =	vadd.f32 $8.388608000e+06, v33  }
0xe3: {  	v28 =	vmul.f32 $1.120000000e+02, v28;
	v42 =	vnsel vm11, $0x0, v60;
	v39 =	vadd.f32 v39, v45  }
0xe4: {  	v42 =	vmin.u32 v42, $0xDF;
	v34 =	vadd.f32 $8.388608000e+06, v34;
	v33 =	vadd.f32 $-8.388608000e+06, v33  }
0xe5: {  	v38 =	vmul.f32 v38, v6;
	v43 =	vadd.f32 v63, v62;
	v54 =	vtrunc.f32 v32  }
0xe6: {  	v39 =	vadd.f32 v11, v39;
	v34 =	vadd.f32 $-8.388608000e+06, v34;
	v46 =	vtrunc.f32 v33  }
0xe7: {  	v41 =	vadd.s32 v42, v41;
	v30 =	vcvt.f32.s32 v54;
	v40 =	vcvt.f32.s32 v46;
	v49 =	vpop (erf)  }
0xe8: {  	v38 =	vadd.f32 v43, v38;
	v47 =	vtrunc.f32 v34;
	v39 =	vmul.f32 v49, v39  }
0xe9: {  	v33 =	vsub.f32 $2.240000000e+02, v33;
	v42 =	vcvt.f32.s32 v47;
	v40 =	vsub.s32 $0xE0, v40  }
0xea: {  	v48 =	vadd.f32 v7, v38;
	vm12 =	vgt.s32 v40, $0x0;
	v39 =	vadd.f32 $8.388608000e+06, v39  }
0xeb: {  	v33 =	vmax.f32 v33, $0.0e+00;
	vm13 =	vgt.s32 v42, $0x0;
	v40 =	vnsel vm12, $0x0, v40  }
0xec: {  	v40 =	vmin.u32 v40, $0xDF;
	v37 =	vmul.f32 v49, v48;
	v39 =	vadd.f32 $-8.388608000e+06, v39  }
0xed: {  	v33 =	vmin.f32 v33, $2.230000000e+02;
	v50 =	vnsel vm13, $0x0, v42;
	v40 =	vmul.u32 $0xE0, v40  }
0xee: {  	v38 =	vmin.u32 v50, $0xDF;
	v37 =	vadd.f32 $8.388608000e+06, v37;
	v51 =	vsub.f32 $2.240000000e+02, v39  }
0xef: {  	v34 =	vmax.f32 v34, $0.0e+00;
	v33 =	vmul.f32 $2.240000000e+02, v33;
	v38 =	vadd.s32 v38, v40  }
0xf0: {  	v37 =	vadd.f32 $-8.388608000e+06, v37;
	v39 =	vtrunc.f32 v39;
	v40 =	vmax.f32 v51, $0.0e+00  }
0xf1: {  	v34 =	vmin.f32 v34, $2.230000000e+02;
	v55 =	vcvt.f32.s32 v39;
	v52 =	vmin.f32 v40, $2.230000000e+02  }
0xf2: {  	v33 =	vadd.f32 v33, v34;
	v53 =	vmax.f32 v37, $0.0e+00;
	v34 =	vmul.f32 $2.240000000e+02, v52  }
0xf3: {  	v58 =	vtrunc.f32 v37;
	v56 =	vmin.f32 v53, $2.230000000e+02;
	v32 =	vsub.s32 $0xE0, v55  }
0xf4: {  	s17 =	sadd.s32 $0x10, s18;
	[tilespmem:s16+$0xFFFFF3A0] =	vst v41;
	vm14 =	vgt.s32 v32, $0x0;
	v57 =	vadd.f32 v34, v56;
	v34 =	vcvt.f32.s32 v58  }
0xf5: {  	s17 =	sand.u32 $0x1FF0, s17;
	[tilespmem:s16+$0xFFFFFFE0] =	vst v30;
	v61 =	vadd.f32 v35, v35;
	v33 =	vtrunc.f32 v33;
	v59 =	vnsel vm14, $0x0, v32  }
0xf6: {  	s26 =	sadd.s32 $0x4, s26;
	[tilespmem:s17+$0x2400] =	vst v29;
	v60 =	vcvt.f32.s32 v33;
	v29 =	vmin.u32 v59, $0xDF;
	vm15 =	vgt.s32 v34, $0x0  }
0xf7: {  	p1 =	slt.u32 s26, $0x2C;
	v28 =	vmul.f32 v28, v1;
	s17 =	sadd.s32 $0x20, s18;
	[tilespmem:s16+$0xFFFFF3B0] =	vst v38;
	v29 =	vmul.u32 $0xE0, v29;
	v62 =	vnsel vm15, $0x0, v34  }
.Ltmp0:
0xf8: {  	s17 =	sand.u32 $0x1FF0, s17;
	v30 =	vmul.f32 $1.120000000e+02, v61;
	[tilespmem:s16+$0xFFFFFFF0] =	vst v60;
	v31 =	vtrunc.f32 v57;
	v63 =	vmin.u32 v62, $0xDF;
	(pc) =	sbr.rel @p1 .LBB2_3-.Ltmp0, $4  }
0xf9: {  	[tilespmem:s17+$0x2400] =	vst v28;
	v28 =	vadd.s32 v63, v29;
	v29 =	vcvt.f32.s32 v31  }
0xfa: {  	v30 =	vmul.f32 v30, v1;
	s17 =	sadd.s32 $0x30, s18;
	[tilespmem:s16+$0xFFFFF3C0] =	vst v28  }
0xfb: {  	s17 =	sand.u32 $0x1FF0, s17;
	[tilespmem:s16+$0x0] =	vst v29  }
0xfc: {  	s28 =	sadd.s32 $0x40, s28;
	s18 =	sadd.s32 $0x40, s18;
	s16 =	sadd.s32 $0x40, s16;
	[tilespmem:s17+$0x2400] =	vst v30  }
0xfd: {  	v28 =	vld [tilespmem:$0x300]  }
0xfe: {  	v29 =	vld [tilespmem:$0x610];
	_ =	sdelay $0x1  }
0xff: {  	v30 =	vld [tilespmem:$0x920];
	_ =	sdelay $0x1  }
0x100: {  	v31 =	vshrl.u32 v28, $0x10  }
0x101: {  	v32 =	vshrl.u32 v29, $0x10;
	v31 =	vand.u32 $0x1, v31  }
0x102: {  	v32 =	vand.u32 $0x1, v32;
	v28 =	vadd.s32 v31, v28  }
0x103: {  	v45 =	vshrl.u32 v30, $0x10;
	v29 =	vadd.s32 v32, v29;
	v28 =	vadd.s32 $0x7FFF, v28  }
0x104: {  	v31 =	vand.u32 $0x1, v45;
	v29 =	vadd.s32 $0x7FFF, v29;
	v28 =	vand.u32 $0xFFFF0000, v28  }
0x105: {  	v30 =	vadd.s32 v31, v30;
	v29 =	vand.u32 $0xFFFF0000, v29;
	v46 =	vmul.f32 v28, v16  }
0x106: {  	v30 =	vadd.s32 $0x7FFF, v30;
	v47 =	vmul.f32 v29, v17;
	v33 =	vmul.f32 v28, v20  }
0x107: {  	v30 =	vand.u32 $0xFFFF0000, v30;
	v34 =	vmul.f32 v29, v21;
	v28 =	vmul.f32 v28, v24  }
0x108: {  	v29 =	vmul.f32 v29, v25;
	v48 =	vmul.f32 v30, v18  }
0x109: {  	v35 =	vmul.f32 v30, v22;
	v31 =	vadd.f32 v47, v46;
	v33 =	vadd.f32 v34, v33  }
0x10a: {  	v28 =	vadd.f32 v29, v28;
	v29 =	vmul.f32 v30, v26  }
0x10b: {  	v31 =	vadd.f32 v48, v31;
	v49 =	vadd.f32 v35, v33  }
0x10c: {  	v28 =	vadd.f32 v29, v28  }
0x10d: {  	v50 =	vadd.f32 v19, v31;
	v51 =	vadd.f32 v23, v49;
	_ =	sdelay $0x1  }
0x10e: {  	v28 =	vadd.f32 v27, v28;
	v29 =	vshrl.u32 v50, $0x10;
	v32 =	vshrl.u32 v51, $0x10  }
0x10f: {  	v29 =	vand.u32 $0x1, v29;
	v32 =	vand.u32 $0x1, v32  }
0x110: {  	v53 =	vshrl.u32 v28, $0x10;
	v29 =	vadd.s32 v29, v50;
	v52 =	vadd.s32 v32, v51  }
0x111: {  	v31 =	vand.u32 $0x1, v53;
	v29 =	vadd.s32 $0x7FFF, v29;
	v30 =	vadd.s32 $0x7FFF, v52  }
0x112: {  	v28 =	vadd.s32 v31, v28;
	v29 =	vand.u32 $0xFFFF0000, v29;
	v30 =	vand.u32 $0xFFFF0000, v30  }
0x113: {  	v28 =	vadd.s32 $0x7FFF, v28;
	v54 =	vmul.f32 v29, v12;
	v55 =	vmul.f32 v30, v13  }
0x114: {  	v28 =	vand.u32 $0xFFFF0000, v28  }
0x115: {  	v56 =	vmul.f32 v28, v14;
	v31 =	vadd.f32 v55, v54;
	_ =	sdelay $0x1  }
0x116: {  	v31 =	vadd.f32 v31, v56;
	_ =	sdelay $0x1  }
0x117: {  	v31 =	vadd.f32 v15, v31;
	_ =	sdelay $0x1  }
0x118: {  	v31 =	vmul.f32 v31, v0;
	_ =	sdelay $0x1  }
0x119: {  	(erf) = vrcp.f32 v31;
	_ =	sdelay $0x1  }
0x11a: {  	v57 =	vmul.f32 v29, v8;
	v58 =	vmul.f32 v30, v9  }
0x11b: {  	v59 =	vmul.f32 v28, v10  }
0x11c: {  	v29 =	vmul.f32 v29, v4;
	v30 =	vmul.f32 v30, v5;
	v32 =	vadd.f32 v58, v57;
	_ =	sdelay $0x1  }
0x11d: {  	v28 =	vmul.f32 v28, v6;
	v29 =	vadd.f32 v30, v29;
	v32 =	vadd.f32 v32, v59;
	_ =	sdelay $0x1  }
0x11e: {  	v28 =	vadd.f32 v29, v28;
	v32 =	vadd.f32 v11, v32  }
0x11f: {  	v60 =	vpop (erf)  }
0x120: {  	v28 =	vadd.f32 v7, v28;
	v32 =	vmul.f32 v60, v32;
	_ =	sdelay $0x1  }
0x121: {  	v28 =	vmul.f32 v60, v28;
	v29 =	vadd.f32 $8.388608000e+06, v32;
	_ =	sdelay $0x1  }
0x122: {  	v28 =	vadd.f32 $8.388608000e+06, v28;
	v29 =	vadd.f32 $-8.388608000e+06, v29;
	_ =	sdelay $0x1  }
0x123: {  	v28 =	vadd.f32 $-8.388608000e+06, v28;
	v61 =	vtrunc.f32 v29;
	v29 =	vsub.f32 $2.240000000e+02, v29  }
0x124: {  	v30 =	vcvt.f32.s32 v61  }
0x125: {  	v62 =	vtrunc.f32 v28;
	v29 =	vmax.f32 v29, $0.0e+00  }
0x126: {  	v32 =	vcvt.f32.s32 v62;
	v30 =	vsub.s32 $0xE0, v30;
	v29 =	vmin.f32 v29, $2.230000000e+02  }
0x127: {  	v28 =	vmax.f32 v28, $0.0e+00;
	vm0 =	vgt.s32 v30, $0x0;
	v29 =	vmul.f32 $2.240000000e+02, v29  }
0x128: {  	v28 =	vmin.f32 v28, $2.230000000e+02;
	vm15 =	vgt.s32 v32, $0x0;
	v30 =	vnsel vm0, $0x0, v30  }
0x129: {  	s19 =	sadd.s32 $0x1, s19;
	v30 =	vmin.u32 v30, $0xDF;
	v28 =	vadd.f32 v29, v28;
	v29 =	vadd.f32 v31, v31  }
0x12a: {  	p1 =	sne.s32 s19, $0x4;
	v63 =	vnsel vm15, $0x0, v32;
	v30 =	vmul.u32 $0xE0, v30  }
.Ltmp1:
0x12b: {  	v31 =	vmin.u32 v63, $0xDF;
	v28 =	vtrunc.f32 v28;
	v29 =	vmul.f32 $1.120000000e+02, v29;
	(pc) =	sbr.rel @p1 .LBB2_2-.Ltmp1, $4  }
0x12c: {  	s16 =	sand.u32 $0xFF0, s20;
	v30 =	vadd.s32 v31, v30;
	v28 =	vcvt.f32.s32 v28  }
0x12d: {  	v29 =	vmul.f32 v29, v1;
	[tilespmem:s16+$0xE80] =	vst v30  }
0x12e: {  	[tilespmem:s20+$0x1AC0] =	vst v28  }
0x12f: {  	s8 =	sadd.s32 $0x310, s8;
	s29 =	sadd.s32 $0x310, s29;
	[tilespmem:s16+$0x2700] =	vst v29  }
0x130: {  	s17 =	rddreg [dreg:$0x14]  }
0x131: {  	s16 =	simm.s32 $0x0;
	s8 =	sadd.s32 s17, s2  }
0x132: {  	[hbm4b:s8+s16] =	stream.linear.scatter [tilespmem:s10], [sflag:$0x9], $0xC40, $0x38;
	[tilespmem:$0x1F600] =	vst v63  }
0x133: {  	_ =	swait.ge [sflag:s31], $0xC40  }
0x134: {  	[sflag:s31] =	ssyncset.done $0x0  }
0x135: {  	[sflag:s31] =	ssyncadd.s32 $0xFFFFF3C0  }
0x136: {  	s18 =	rddreg [dreg:$0x7]  }
0x137: {  	s8 =	sadd.s32 s17, s18;
	s18 =	simm.s32 $0x17C0  }
0x138: {  	[hbm4b:s8+s16] =	stream.linear.scatter [tilespmem:s18], [sflag:$0x9], $0xC40, $0x38;
	[tilespmem:$0x1F600] =	vst v63  }
0x139: {  	_ =	swait.ge [sflag:s31], $0xC40  }
0x13a: {  	[sflag:s31] =	ssyncset.done $0x0  }
0x13b: {  	[sflag:s31] =	ssyncadd.s32 $0xFFFFF3C0  }
0x13c: {  	s19 =	rddreg [dreg:$0x8]  }
0x13d: {  	s8 =	sadd.s32 s17, s19  }
0x13e: {  	[hbm4b:s8+s16] =	stream.linear.scatter [tilespmem:s14], [sflag:$0x9], $0xC40, $0x38;
	[tilespmem:$0x1F600] =	vst v63  }
0x13f: {  	_ =	swait.ge [sflag:s31], $0xC40  }
0x140: {  	[sflag:s31] =	ssyncset.done $0x0  }
0x141: {  	s26 =	simm.s32 $0x980;
	s20 =	rddreg [dreg:$0xe];
	[sflag:s31] =	ssyncadd.s32 $0xFFFFF3C0  }
0x142: {  	[tilespmem:s26], [sflag:$0x9] =	stream.linear.gather [hbm4b:s20+s16], $0xC0, $0x38;
	[tilespmem:$0x1F600] =	vst v63  }
0x143: {  	_ =	swait.ge [sflag:s31], $0xC0  }
0x144: {  	[sflag:s31] =	ssyncset.done $0x0  }
0x145: {  	s29 =	simm.s32 $0xA80;
	s28 =	rddreg [dreg:$0xf];
	[sflag:s31] =	ssyncadd.s32 $0xFFFFFF40  }
0x146: {  	[tilespmem:s29], [sflag:$0x9] =	stream.linear.gather [hbm4b:s28+s16], $0xC0, $0x38;
	[tilespmem:$0x1F600] =	vst v63  }
0x147: {  	_ =	swait.ge [sflag:s31], $0xC0  }
0x148: {  	[sflag:s31] =	ssyncset.done $0x0  }
0x149: {  	[sflag:s31] =	ssyncadd.s32 $0xFFFFFF40  }
0x14a: {  	v4 =	vld [tilespmem:$0x980]  }
0x14b: {  	v5 =	vld [tilespmem:$0x990]  }
0x14c: {  	v21 =	vld [tilespmem:$0xAB0]  }
0x14d: {  	v22 =	vld [tilespmem:$0xAC0]  }
0x14e: {  	v6 =	vld [tilespmem:$0x9A0]  }
0x14f: {  	v23 =	vld [tilespmem:$0xAD0];
	_ =	sdelay $0x1  }
0x150: {  	v10 =	vld [tilespmem:$0x9C0];
	v7 =	vshrl.u32 v4, $0x10;
	v9 =	vshrl.u32 v5, $0x10;
	v24 =	vshrl.u32 v21, $0x10  }
0x151: {  	v26 =	vshrl.u32 v22, $0x10;
	v7 =	vand.u32 $0x1, v7;
	v24 =	vand.u32 $0x1, v24  }
0x152: {  	v8 =	vld [tilespmem:$0x9B0];
	v4 =	vadd.s32 v7, v4;
	v7 =	vand.u32 $0x1, v9;
	v9 =	vshrl.u32 v6, $0x10  }
0x153: {  	v21 =	vadd.s32 v24, v21;
	v24 =	vand.u32 $0x1, v26;
	v26 =	vshrl.u32 v23, $0x10  }
0x154: {  	v4 =	vadd.s32 $0x7FFF, v4;
	v5 =	vadd.s32 v7, v5;
	v7 =	vand.u32 $0x1, v9  }
0x155: {  	v11 =	vld [tilespmem:$0x9D0];
	v9 =	vshrl.u32 v10, $0x10;
	v22 =	vadd.s32 v24, v22;
	v24 =	vand.u32 $0x1, v26  }
0x156: {  	v12 =	vld [tilespmem:$0x9E0];
	v21 =	vadd.s32 $0x7FFF, v21;
	v4 =	vand.u32 $0xFFFF0000, v4;
	v5 =	vadd.s32 $0x7FFF, v5  }
0x157: {  	v6 =	vadd.s32 v7, v6;
	v7 =	vshrl.u32 v8, $0x10;
	v23 =	vadd.s32 v24, v23  }
0x158: {  	v13 =	vld [tilespmem:$0x9F0];
	v5 =	vand.u32 $0xFFFF0000, v5;
	v6 =	vadd.s32 $0x7FFF, v6;
	v7 =	vand.u32 $0x1, v7  }
0x159: {  	v14 =	vld [tilespmem:$0xA00];
	v6 =	vand.u32 $0xFFFF0000, v6;
	v7 =	vadd.s32 v7, v8;
	v8 =	vand.u32 $0x1, v9  }
0x15a: {  	v9 =	vshrl.u32 v11, $0x10;
	v7 =	vadd.s32 $0x7FFF, v7;
	v8 =	vadd.s32 v8, v10  }
0x15b: {  	v15 =	vld [tilespmem:$0xA10];
	v9 =	vand.u32 $0x1, v9;
	v10 =	vshrl.u32 v12, $0x10;
	v7 =	vand.u32 $0xFFFF0000, v7  }
0x15c: {  	v16 =	vld [tilespmem:$0xA20];
	v8 =	vadd.s32 $0x7FFF, v8;
	v9 =	vadd.s32 v9, v11;
	v10 =	vand.u32 $0x1, v10  }
0x15d: {  	v17 =	vld [tilespmem:$0xA30];
	v11 =	vshrl.u32 v13, $0x10;
	v8 =	vand.u32 $0xFFFF0000, v8;
	v9 =	vadd.s32 $0x7FFF, v9  }
0x15e: {  	v18 =	vld [tilespmem:$0xA80];
	v10 =	vadd.s32 v10, v12;
	v11 =	vand.u32 $0x1, v11;
	v12 =	vshrl.u32 v14, $0x10  }
0x15f: {  	v19 =	vld [tilespmem:$0xA90];
	v9 =	vand.u32 $0xFFFF0000, v9;
	v10 =	vadd.s32 $0x7FFF, v10;
	v11 =	vadd.s32 v11, v13  }
0x160: {  	v20 =	vld [tilespmem:$0xAA0];
	v12 =	vand.u32 $0x1, v12;
	v13 =	vshrl.u32 v15, $0x10;
	v10 =	vand.u32 $0xFFFF0000, v10  }
0x161: {  	v12 =	vadd.s32 v12, v14;
	v13 =	vand.u32 $0x1, v13;
	v14 =	vshrl.u32 v16, $0x10  }
0x162: {  	v13 =	vadd.s32 v13, v15;
	v14 =	vand.u32 $0x1, v14;
	v15 =	vshrl.u32 v17, $0x10  }
0x163: {  	v14 =	vadd.s32 v14, v16;
	v15 =	vand.u32 $0x1, v15;
	v16 =	vshrl.u32 v18, $0x10  }
0x164: {  	v15 =	vadd.s32 v15, v17;
	v16 =	vand.u32 $0x1, v16;
	v17 =	vshrl.u32 v19, $0x10  }
0x165: {  	v16 =	vadd.s32 v16, v18;
	v17 =	vand.u32 $0x1, v17;
	v18 =	vshrl.u32 v20, $0x10  }
0x166: {  	v11 =	vadd.s32 $0x7FFF, v11;
	v17 =	vadd.s32 v17, v19;
	v18 =	vand.u32 $0x1, v18;
	v19 =	vld [tilespmem:$0xAE0]  }
0x167: {  	v11 =	vand.u32 $0xFFFF0000, v11;
	v12 =	vadd.s32 $0x7FFF, v12;
	v18 =	vadd.s32 v18, v20;
	v20 =	vld [tilespmem:$0xAF0]  }
0x168: {  	v25 =	vld [tilespmem:$0xB00];
	v12 =	vand.u32 $0xFFFF0000, v12;
	v13 =	vadd.s32 $0x7FFF, v13;
	v14 =	vadd.s32 $0x7FFF, v14  }
0x169: {  	v13 =	vand.u32 $0xFFFF0000, v13;
	v14 =	vand.u32 $0xFFFF0000, v14;
	v15 =	vadd.s32 $0x7FFF, v15  }
0x16a: {  	v27 =	vld [tilespmem:$0xB10];
	v15 =	vand.u32 $0xFFFF0000, v15;
	v16 =	vadd.s32 $0x7FFF, v16;
	v17 =	vadd.s32 $0x7FFF, v17  }
0x16b: {  	v16 =	vand.u32 $0xFFFF0000, v16;
	v17 =	vand.u32 $0xFFFF0000, v17;
	v26 =	vshrl.u32 v19, $0x10  }
0x16c: {  	v28 =	vld [tilespmem:$0xB20];
	v18 =	vadd.s32 $0x7FFF, v18;
	v24 =	vand.u32 $0x1, v26;
	v26 =	vshrl.u32 v20, $0x10  }
0x16d: {  	v24 =	vadd.s32 v24, v19;
	v19 =	vand.u32 $0x1, v26;
	v26 =	vshrl.u32 v25, $0x10  }
0x16e: {  	v18 =	vand.u32 $0xFFFF0000, v18;
	v29 =	vadd.s32 v19, v20;
	v19 =	vand.u32 $0x1, v26;
	v26 =	vld [tilespmem:$0xB30]  }
0x16f: {  	v20 =	vadd.s32 $0x7FFF, v22;
	v22 =	vshrl.u32 v27, $0x10;
	v25 =	vadd.s32 v19, v25  }
0x170: {  	v19 =	vand.u32 $0xFFFF0000, v21;
	v20 =	vand.u32 $0xFFFF0000, v20;
	v21 =	vand.u32 $0x1, v22  }
0x171: {  	v22 =	vadd.s32 $0x7FFF, v23;
	v23 =	vshrl.u32 v28, $0x10;
	v27 =	vadd.s32 v21, v27  }
0x172: {  	v21 =	vand.u32 $0xFFFF0000, v22;
	v22 =	vadd.s32 $0x7FFF, v24;
	v23 =	vand.u32 $0x1, v23  }
0x173: {  	v24 =	vadd.s32 $0x7FFF, v29;
	v28 =	vadd.s32 v23, v28;
	v23 =	vshrl.u32 v26, $0x10  }
0x174: {  	v25 =	vadd.s32 $0x7FFF, v25;
	v22 =	vand.u32 $0xFFFF0000, v22;
	v29 =	vand.u32 $0x1, v23  }
0x175: {  	v23 =	vand.u32 $0xFFFF0000, v24;
	v24 =	vand.u32 $0xFFFF0000, v25;
	v25 =	vadd.s32 v29, v26  }
0x176: {  	v26 =	vadd.s32 $0x7FFF, v27;
	v27 =	vadd.s32 $0x7FFF, v28;
	v28 =	vadd.s32 $0x7FFF, v25  }
0x177: {  	s18 =	simm.s32 $0x17F0;
	s19 =	simm.s32 $0x0;
	v25 =	vand.u32 $0xFFFF0000, v26;
	v26 =	vand.u32 $0xFFFF0000, v27;
	v27 =	vand.u32 $0xFFFF0000, v28  }
.LBB2_6:
0x178: {  	s20 =	smul.u32 $0x310, s19;
	_ =	sdelay $0x1  }
0x179: {  	s8 =	sadd.s32 s20, s24  }
0x17a: {  	s8 =	sshrl.u32 s8, $0x3  }
0x17b: {  	s8 =	sadd.s32 s0, s8  }
0x17c: {  	[tilespmem:s9], [sflag:$0x9] =	stream.linear.gather [hbm4b:s8+s9], $0x310, $0x38;
	[tilespmem:$0x1F600] =	vst v63  }
0x17d: {  	_ =	swait.ge [sflag:s31], $0x310  }
0x17e: {  	s26 =	rddreg [dreg:$0x1a]  }
0x17f: {  	s8 =	sadd.s32 s20, s26  }
0x180: {  	[sflag:s31] =	ssyncset.done $0x0;
	s8 =	sshrl.u32 s8, $0x3  }
0x181: {  	s17 =	simm.s32 $0x310;
	[sflag:s31] =	ssyncadd.s32 $0xFFFFFCF0;
	s8 =	sadd.s32 s0, s8  }
0x182: {  	[tilespmem:s17], [sflag:$0x9] =	stream.linear.gather [hbm4b:s8+s9], $0x310, $0x38;
	[tilespmem:$0x1F600] =	vst v63  }
0x183: {  	_ =	swait.ge [sflag:s31], $0x310  }
0x184: {  	s17 =	rddreg [dreg:$0x1b]  }
0x185: {  	s8 =	sadd.s32 s20, s17  }
0x186: {  	[sflag:s31] =	ssyncset.done $0x0;
	s8 =	sshrl.u32 s8, $0x3  }
0x187: {  	s26 =	simm.s32 $0x620;
	[sflag:s31] =	ssyncadd.s32 $0xFFFFFCF0;
	s8 =	sadd.s32 s0, s8  }
0x188: {  	[tilespmem:s26], [sflag:$0x9] =	stream.linear.gather [hbm4b:s8+s9], $0x310, $0x38;
	[tilespmem:$0x1F600] =	vst v63  }
0x189: {  	_ =	swait.ge [sflag:s31], $0x310  }
0x18a: {  	s28 =	simm.s32 $0x330;
	s29 =	smov.u32 s18;
	[sflag:s31] =	ssyncset.done $0x0  }
0x18b: {  	s26 =	simm.s32 $0xFFFFFFFC;
	s8 =	smov.u32 s16;
	[sflag:s31] =	ssyncadd.s32 $0xFFFFFCF0  }
.LBB2_7:
0x18c: {  	v28 =	vld [tilespmem:s28+$0xFFFFFCD0]  }
0x18d: {  	v29 =	vld [tilespmem:s28+$0xFFFFFFE0];
	_ =	sdelay $0x1  }
0x18e: {  	v30 =	vld [tilespmem:s28+$0x2F0];
	_ =	sdelay $0x1  }
0x18f: {  	v31 =	vshrl.u32 v28, $0x10  }
0x190: {  	v32 =	vshrl.u32 v29, $0x10;
	v31 =	vand.u32 $0x1, v31  }
0x191: {  	v32 =	vand.u32 $0x1, v32;
	v28 =	vadd.s32 v31, v28  }
0x192: {  	v43 =	vld [tilespmem:s28+$0xFFFFFCE0];
	v54 =	vshrl.u32 v30, $0x10;
	v29 =	vadd.s32 v32, v29;
	v28 =	vadd.s32 $0x7FFF, v28  }
0x193: {  	v31 =	vand.u32 $0x1, v54;
	v29 =	vadd.s32 $0x7FFF, v29;
	v28 =	vand.u32 $0xFFFF0000, v28  }
0x194: {  	v44 =	vld [tilespmem:s28+$0xFFFFFFF0];
	v30 =	vadd.s32 v31, v30;
	v29 =	vand.u32 $0xFFFF0000, v29;
	v55 =	vmul.f32 v28, v16  }
0x195: {  	v30 =	vadd.s32 $0x7FFF, v30;
	v56 =	vmul.f32 v29, v17;
	v33 =	vmul.f32 v28, v20  }
0x196: {  	v46 =	vld [tilespmem:s28+$0x300];
	v30 =	vand.u32 $0xFFFF0000, v30;
	v34 =	vmul.f32 v29, v21;
	v28 =	vmul.f32 v28, v24  }
0x197: {  	v48 =	vshrl.u32 v43, $0x10;
	v29 =	vmul.f32 v29, v25;
	v57 =	vmul.f32 v30, v18  }
0x198: {  	v35 =	vmul.f32 v30, v22;
	v31 =	vadd.f32 v56, v55;
	v33 =	vadd.f32 v34, v33  }
0x199: {  	v49 =	vshrl.u32 v44, $0x10;
	v28 =	vadd.f32 v29, v28;
	v29 =	vmul.f32 v30, v26  }
0x19a: {  	v34 =	vand.u32 $0x1, v48;
	v31 =	vadd.f32 v57, v31;
	v58 =	vadd.f32 v35, v33  }
0x19b: {  	v50 =	vshrl.u32 v46, $0x10;
	v28 =	vadd.f32 v29, v28;
	v33 =	vadd.s32 v34, v43  }
0x19c: {  	v33 =	vadd.s32 $0x7FFF, v33;
	v59 =	vadd.f32 v19, v31;
	v60 =	vadd.f32 v23, v58  }
0x19d: {  	v35 =	vand.u32 $0x1, v49;
	v28 =	vadd.f32 v27, v28;
	v33 =	vand.u32 $0xFFFF0000, v33  }
0x19e: {  	v51 =	vmul.f32 v33, v16;
	v29 =	vshrl.u32 v59, $0x10;
	v32 =	vshrl.u32 v60, $0x10  }
0x19f: {  	v62 =	vshrl.u32 v28, $0x10;
	v29 =	vand.u32 $0x1, v29;
	v32 =	vand.u32 $0x1, v32  }
0x1a0: {  	v31 =	vand.u32 $0x1, v62;
	v29 =	vadd.s32 v29, v59;
	v61 =	vadd.s32 v32, v60  }
0x1a1: {  	v28 =	vadd.s32 v31, v28;
	v29 =	vadd.s32 $0x7FFF, v29;
	v30 =	vadd.s32 $0x7FFF, v61  }
0x1a2: {  	v28 =	vadd.s32 $0x7FFF, v28;
	v29 =	vand.u32 $0xFFFF0000, v29;
	v30 =	vand.u32 $0xFFFF0000, v30  }
0x1a3: {  	v37 =	vand.u32 $0xFFFF0000, v28;
	v63 =	vmul.f32 v29, v12;
	v36 =	vmul.f32 v30, v13  }
0x1a4: {  	v32 =	vadd.s32 v35, v44;
	v38 =	vmul.f32 v37, v14;
	v39 =	vmul.f32 v29, v4  }
0x1a5: {  	v32 =	vadd.s32 $0x7FFF, v32;
	v40 =	vmul.f32 v30, v5;
	v29 =	vmul.f32 v29, v8  }
0x1a6: {  	v32 =	vand.u32 $0xFFFF0000, v32;
	v30 =	vmul.f32 v30, v9;
	v41 =	vmul.f32 v37, v6  }
0x1a7: {  	v42 =	vmul.f32 v37, v10;
	v28 =	vadd.f32 v36, v63;
	v31 =	vadd.f32 v40, v39  }
0x1a8: {  	v34 =	vand.u32 $0x1, v50;
	v52 =	vmul.f32 v32, v17;
	v37 =	vmul.f32 v32, v21  }
0x1a9: {  	v32 =	vmul.f32 v32, v25;
	v28 =	vadd.f32 v28, v38;
	v31 =	vadd.f32 v31, v41  }
0x1aa: {  	v29 =	vadd.f32 v30, v29;
	v36 =	vmul.f32 v33, v20;
	v33 =	vmul.f32 v33, v24  }
0x1ab: {  	v28 =	vadd.f32 v15, v28;
	v45 =	vadd.f32 v7, v31;
	v31 =	vadd.s32 v34, v46  }
0x1ac: {  	v29 =	vadd.f32 v29, v42;
	v36 =	vadd.f32 v37, v36;
	v31 =	vadd.s32 $0x7FFF, v31  }
0x1ad: {  	v48 =	vld [tilespmem:s28+$0x310];
	v32 =	vadd.f32 v32, v33;
	v28 =	vmul.f32 v28, v0;
	v31 =	vand.u32 $0xFFFF0000, v31  }
0x1ae: {  	v40 =	vld [tilespmem:s28+$0xFFFFFCF0];
	v34 =	vadd.f32 v52, v51;
	v53 =	vmul.f32 v31, v18;
	v38 =	vmul.f32 v31, v22  }
0x1af: {  	v31 =	vmul.f32 v31, v26;
	(erf) = vrcp.f32 v28;
	v28 =	vadd.f32 v28, v28  }
0x1b0: {  	v34 =	vadd.f32 v53, v34;
	v54 =	vadd.f32 v38, v36  }
0x1b1: {  	v29 =	vadd.f32 v11, v29;
	v32 =	vadd.f32 v31, v32  }
0x1b2: {  	v28 =	vmul.f32 $1.120000000e+02, v28;
	v55 =	vadd.f32 v19, v34;
	v56 =	vadd.f32 v23, v54  }
0x1b3: {  	v51 =	vshrl.u32 v48, $0x10;
	v49 =	vshrl.u32 v40, $0x10;
	v32 =	vadd.f32 v27, v32  }
0x1b4: {  	v28 =	vmul.f32 v28, v1;
	v58 =	vshrl.u32 v55, $0x10;
	v59 =	vshrl.u32 v56, $0x10  }
0x1b5: {  	v60 =	vshrl.u32 v32, $0x10;
	v35 =	vand.u32 $0x1, v58;
	v36 =	vand.u32 $0x1, v59  }
0x1b6: {  	v33 =	vadd.s32 v35, v55;
	v34 =	vadd.s32 v36, v56;
	v35 =	vand.u32 $0x1, v60  }
0x1b7: {  	v36 =	vand.u32 $0x1, v51;
	v33 =	vadd.s32 $0x7FFF, v33;
	v34 =	vadd.s32 $0x7FFF, v34  }
0x1b8: {  	v32 =	vadd.s32 v35, v32;
	v36 =	vadd.s32 v36, v48;
	v47 =	vpop (erf);
	v33 =	vand.u32 $0xFFFF0000, v33  }
0x1b9: {  	v34 =	vand.u32 $0xFFFF0000, v34;
	v30 =	vmul.f32 v47, v45;
	v29 =	vmul.f32 v47, v29  }
0x1ba: {  	v32 =	vadd.s32 $0x7FFF, v32;
	v61 =	vmul.f32 v33, v12;
	v62 =	vmul.f32 v34, v13  }
0x1bb: {  	v36 =	vadd.s32 $0x7FFF, v36;
	v63 =	vmul.f32 v33, v4;
	v44 =	vmul.f32 v34, v5  }
0x1bc: {  	v32 =	vand.u32 $0xFFFF0000, v32;
	v33 =	vmul.f32 v33, v8;
	v34 =	vmul.f32 v34, v9  }
0x1bd: {  	v36 =	vand.u32 $0xFFFF0000, v36;
	v45 =	vmul.f32 v32, v14;
	v46 =	vmul.f32 v32, v6  }
0x1be: {  	v48 =	vld [tilespmem:s28+$0xFFFFFD00];
	v54 =	vmul.f32 v36, v18;
	v55 =	vmul.f32 v36, v22;
	v30 =	vadd.f32 $8.388608000e+06, v30  }
0x1bf: {  	v47 =	vld [tilespmem:s28+$0x0];
	v32 =	vmul.f32 v32, v10;
	v29 =	vadd.f32 $8.388608000e+06, v29;
	v35 =	vadd.f32 v62, v61  }
0x1c0: {  	v56 =	vmul.f32 v36, v26;
	v37 =	vadd.f32 v44, v63;
	v33 =	vadd.f32 v34, v33  }
0x1c1: {  	v34 =	vand.u32 $0x1, v49;
	v29 =	vadd.f32 $-8.388608000e+06, v29;
	v31 =	vadd.f32 $-8.388608000e+06, v30  }
0x1c2: {  	v34 =	vadd.s32 v34, v40;
	v35 =	vadd.f32 v35, v45;
	v37 =	vadd.f32 v37, v46  }
0x1c3: {  	v34 =	vadd.s32 $0x7FFF, v34;
	v32 =	vadd.f32 v33, v32;
	v45 =	vshrl.u32 v48, $0x10  }
0x1c4: {  	v50 =	vshrl.u32 v47, $0x10;
	v34 =	vand.u32 $0xFFFF0000, v34;
	v45 =	vand.u32 $0x1, v45  }
0x1c5: {  	v57 =	vtrunc.f32 v29;
	v39 =	vtrunc.f32 v31;
	v35 =	vadd.f32 v15, v35  }
0x1c6: {  	v41 =	vsub.f32 $2.240000000e+02, v29;
	v37 =	vadd.f32 v7, v37;
	v52 =	vmul.f32 v34, v16  }
0x1c7: {  	v42 =	vmul.f32 v34, v20;
	v34 =	vmul.f32 v34, v24;
	v32 =	vadd.f32 v11, v32  }
0x1c8: {  	v40 =	vadd.s32 v45, v48;
	v31 =	vmax.f32 v31, $0.0e+00;
	v30 =	vcvt.f32.s32 v57  }
0x1c9: {  	v39 =	vcvt.f32.s32 v39;
	v40 =	vadd.s32 $0x7FFF, v40;
	v31 =	vmin.f32 v31, $2.230000000e+02  }
0x1ca: {  	v29 =	vmul.f32 v35, v0;
	v35 =	vand.u32 $0x1, v50;
	v40 =	vand.u32 $0xFFFF0000, v40  }
0x1cb: {  	v41 =	vmax.f32 v41, $0.0e+00;
	v30 =	vsub.s32 $0xE0, v30;
	vm9 =	vgt.s32 v39, $0x0  }
0x1cc: {  	v50 =	vld [tilespmem:s28+$0x10];
	v35 =	vadd.s32 v35, v47;
	v41 =	vmin.f32 v41, $2.230000000e+02;
	vm0 =	vgt.s32 v30, $0x0  }
0x1cd: {  	(erf) = vrcp.f32 v29;
	v35 =	vadd.s32 $0x7FFF, v35;
	v57 =	vnsel vm9, $0x0, v39  }
0x1ce: {  	v41 =	vmul.f32 $2.240000000e+02, v41;
	v29 =	vadd.f32 v29, v29;
	v35 =	vand.u32 $0xFFFF0000, v35  }
0x1cf: {  	v30 =	vnsel vm0, $0x0, v30;
	v60 =	vmin.u32 v57, $0xDF;
	v53 =	vmul.f32 v35, v17  }
0x1d0: {  	v30 =	vmin.u32 v30, $0xDF;
	v43 =	vmul.f32 v35, v21;
	v35 =	vmul.f32 v35, v25  }
0x1d1: {  	v31 =	vadd.f32 v41, v31;
	v29 =	vmul.f32 $1.120000000e+02, v29;
	v46 =	vshrl.u32 v50, $0x10  }
0x1d2: {  	v30 =	vmul.u32 $0xE0, v30;
	v38 =	vadd.f32 v53, v52;
	v46 =	vand.u32 $0x1, v46  }
0x1d3: {  	v42 =	vadd.f32 v43, v42;
	v34 =	vadd.f32 v35, v34;
	v43 =	vadd.s32 v46, v50  }
0x1d4: {  	v52 =	vld [tilespmem:s28+$0x320];
	v30 =	vadd.s32 v60, v30;
	v38 =	vadd.f32 v54, v38;
	v43 =	vadd.s32 $0x7FFF, v43  }
0x1d5: {  	v58 =	vadd.f32 v55, v42;
	v59 =	vadd.f32 v56, v34;
	v43 =	vand.u32 $0xFFFF0000, v43  }
0x1d6: {  	v56 =	vmul.f32 v40, v16;
	v61 =	vadd.f32 v19, v38;
	v57 =	vmul.f32 v43, v17  }
0x1d7: {  	v62 =	vadd.f32 v23, v58;
	v58 =	vmul.f32 v40, v20;
	v48 =	vmul.f32 v43, v21  }
0x1d8: {  	v33 =	vadd.f32 v27, v59;
	v40 =	vmul.f32 v40, v24;
	v43 =	vmul.f32 v43, v25  }
0x1d9: {  	v63 =	vpop (erf);
	v55 =	vshrl.u32 v52, $0x10;
	v38 =	vshrl.u32 v61, $0x10;
	v39 =	vshrl.u32 v62, $0x10  }
0x1da: {  	v37 =	vmul.f32 v63, v37;
	v38 =	vand.u32 $0x1, v38;
	v39 =	vand.u32 $0x1, v39  }
0x1db: {  	v49 =	vshrl.u32 v33, $0x10;
	v35 =	vadd.s32 v38, v61;
	v36 =	vadd.s32 v39, v62  }
0x1dc: {  	v46 =	vadd.f32 v48, v58;
	v35 =	vadd.s32 $0x7FFF, v35;
	v36 =	vadd.s32 $0x7FFF, v36  }
0x1dd: {  	v32 =	vmul.f32 v63, v32;
	v35 =	vand.u32 $0xFFFF0000, v35;
	v36 =	vand.u32 $0xFFFF0000, v36  }
0x1de: {  	v51 =	vand.u32 $0x1, v49;
	v54 =	vmul.f32 v35, v12;
	v44 =	vmul.f32 v36, v13  }
0x1df: {  	v33 =	vadd.s32 v51, v33;
	v37 =	vadd.f32 $8.388608000e+06, v37;
	v32 =	vadd.f32 $8.388608000e+06, v32  }
0x1e0: {  	v33 =	vadd.s32 $0x7FFF, v33;
	v42 =	vadd.f32 v44, v54;
	v44 =	vand.u32 $0x1, v55  }
0x1e1: {  	v40 =	vadd.f32 v43, v40;
	v33 =	vand.u32 $0xFFFF0000, v33;
	v38 =	vadd.s32 v44, v52  }
0x1e2: {  	v37 =	vadd.f32 $-8.388608000e+06, v37;
	v32 =	vadd.f32 $-8.388608000e+06, v32;
	v38 =	vadd.s32 $0x7FFF, v38  }
0x1e3: {  	v53 =	vmul.f32 v35, v4;
	v47 =	vmul.f32 v36, v5;
	v38 =	vand.u32 $0xFFFF0000, v38  }
0x1e4: {  	v44 =	vadd.f32 v57, v56;
	v59 =	vmul.f32 v38, v18;
	v60 =	vmul.f32 v38, v22  }
0x1e5: {  	v49 =	vmul.f32 v33, v14;
	v61 =	vadd.f32 v47, v53;
	v38 =	vmul.f32 v38, v26  }
0x1e6: {  	v35 =	vmul.f32 v35, v8;
	v63 =	vadd.f32 v59, v44;
	v48 =	vadd.f32 v60, v46  }
0x1e7: {  	v36 =	vmul.f32 v36, v9;
	v62 =	vadd.f32 v42, v49;
	v38 =	vadd.f32 v38, v40  }
0x1e8: {  	v31 =	vtrunc.f32 v31;
	v42 =	vadd.f32 v19, v63;
	v44 =	vadd.f32 v23, v48  }
0x1e9: {  	v29 =	vmul.f32 v29, v1;
	v35 =	vadd.f32 v36, v35;
	v39 =	vadd.f32 v15, v62  }
0x1ea: {  	v38 =	vadd.f32 v27, v38;
	v50 =	vshrl.u32 v42, $0x10;
	v51 =	vshrl.u32 v44, $0x10  }
0x1eb: {  	v36 =	vmul.f32 v39, v0;
	v39 =	vand.u32 $0x1, v50;
	v40 =	vand.u32 $0x1, v51  }
0x1ec: {  	v52 =	vshrl.u32 v38, $0x10;
	v39 =	vadd.s32 v39, v42;
	v40 =	vadd.s32 v40, v44  }
0x1ed: {  	v42 =	vand.u32 $0x1, v52;
	v39 =	vadd.s32 $0x7FFF, v39;
	v40 =	vadd.s32 $0x7FFF, v40  }
0x1ee: {  	v38 =	vadd.s32 v42, v38;
	v39 =	vand.u32 $0xFFFF0000, v39;
	v40 =	vand.u32 $0xFFFF0000, v40  }
0x1ef: {  	v38 =	vadd.s32 $0x7FFF, v38;
	v53 =	vmul.f32 v39, v12;
	v54 =	vmul.f32 v40, v13  }
0x1f0: {  	v49 =	vmul.f32 v33, v6;
	(erf) = vrcp.f32 v36;
	v38 =	vand.u32 $0xFFFF0000, v38  }
0x1f1: {  	v33 =	vmul.f32 v33, v10;
	v57 =	vmul.f32 v38, v14;
	v56 =	vadd.f32 v54, v53  }
0x1f2: {  	v31 =	vcvt.f32.s32 v31;
	v55 =	vtrunc.f32 v32;
	v32 =	vsub.f32 $2.240000000e+02, v32  }
0x1f3: {  	v58 =	vtrunc.f32 v37;
	v33 =	vadd.f32 v35, v33;
	v35 =	vadd.f32 v56, v57  }
0x1f4: {  	v37 =	vmax.f32 v37, $0.0e+00;
	v32 =	vmax.f32 v32, $0.0e+00;
	v34 =	vadd.f32 v61, v49  }
0x1f5: {  	v43 =	vcvt.f32.s32 v55;
	v32 =	vmin.f32 v32, $2.230000000e+02;
	v35 =	vadd.f32 v15, v35  }
0x1f6: {  	v37 =	vmin.f32 v37, $2.230000000e+02;
	v32 =	vmul.f32 $2.240000000e+02, v32;
	v34 =	vadd.f32 v7, v34  }
0x1f7: {  	v33 =	vadd.f32 v11, v33;
	v59 =	vsub.s32 $0xE0, v43;
	v35 =	vmul.f32 v35, v0  }
0x1f8: {  	v60 =	vcvt.f32.s32 v58;
	v32 =	vadd.f32 v32, v37;
	v62 =	vmul.f32 v39, v4  }
0x1f9: {  	[tilespmem:s29+$0xFFFFF390] =	vst v30;
	vm10 =	vgt.s32 v59, $0x0;
	v63 =	vmul.f32 v40, v5;
	v61 =	vpop (erf);
	(erf) = vrcp.f32 v35  }
0x1fa: {  	s17 =	sand.u32 $0x1FF0, s8;
	[tilespmem:s29+$0xFFFFFFD0] =	vst v31;
	v41 =	vnsel vm10, $0x0, v59;
	v39 =	vmul.f32 v39, v8;
	v40 =	vmul.f32 v40, v9  }
0x1fb: {  	[tilespmem:s17+$0x2400] =	vst v28;
	vm11 =	vgt.s32 v60, $0x0;
	v28 =	vadd.f32 v36, v36;
	v33 =	vmul.f32 v61, v33  }
0x1fc: {  	v41 =	vmin.u32 v41, $0xDF;
	v45 =	vmul.f32 v38, v10;
	v39 =	vadd.f32 v40, v39  }
0x1fd: {  	v41 =	vmul.u32 $0xE0, v41;
	v34 =	vmul.f32 v61, v34;
	v33 =	vadd.f32 $8.388608000e+06, v33  }
0x1fe: {  	v28 =	vmul.f32 $1.120000000e+02, v28;
	v42 =	vnsel vm11, $0x0, v60;
	v39 =	vadd.f32 v39, v45  }
0x1ff: {  	v42 =	vmin.u32 v42, $0xDF;
	v34 =	vadd.f32 $8.388608000e+06, v34;
	v33 =	vadd.f32 $-8.388608000e+06, v33  }
0x200: {  	v38 =	vmul.f32 v38, v6;
	v43 =	vadd.f32 v63, v62;
	v54 =	vtrunc.f32 v32  }
0x201: {  	v39 =	vadd.f32 v11, v39;
	v34 =	vadd.f32 $-8.388608000e+06, v34;
	v46 =	vtrunc.f32 v33  }
0x202: {  	v41 =	vadd.s32 v42, v41;
	v30 =	vcvt.f32.s32 v54;
	v40 =	vcvt.f32.s32 v46;
	v49 =	vpop (erf)  }
0x203: {  	v38 =	vadd.f32 v43, v38;
	v47 =	vtrunc.f32 v34;
	v39 =	vmul.f32 v49, v39  }
0x204: {  	v33 =	vsub.f32 $2.240000000e+02, v33;
	v42 =	vcvt.f32.s32 v47;
	v40 =	vsub.s32 $0xE0, v40  }
0x205: {  	v48 =	vadd.f32 v7, v38;
	vm12 =	vgt.s32 v40, $0x0;
	v39 =	vadd.f32 $8.388608000e+06, v39  }
0x206: {  	v33 =	vmax.f32 v33, $0.0e+00;
	vm13 =	vgt.s32 v42, $0x0;
	v40 =	vnsel vm12, $0x0, v40  }
0x207: {  	v40 =	vmin.u32 v40, $0xDF;
	v37 =	vmul.f32 v49, v48;
	v39 =	vadd.f32 $-8.388608000e+06, v39  }
0x208: {  	v33 =	vmin.f32 v33, $2.230000000e+02;
	v50 =	vnsel vm13, $0x0, v42;
	v40 =	vmul.u32 $0xE0, v40  }
0x209: {  	v38 =	vmin.u32 v50, $0xDF;
	v37 =	vadd.f32 $8.388608000e+06, v37;
	v51 =	vsub.f32 $2.240000000e+02, v39  }
0x20a: {  	v34 =	vmax.f32 v34, $0.0e+00;
	v33 =	vmul.f32 $2.240000000e+02, v33;
	v38 =	vadd.s32 v38, v40  }
0x20b: {  	v37 =	vadd.f32 $-8.388608000e+06, v37;
	v39 =	vtrunc.f32 v39;
	v40 =	vmax.f32 v51, $0.0e+00  }
0x20c: {  	v34 =	vmin.f32 v34, $2.230000000e+02;
	v55 =	vcvt.f32.s32 v39;
	v52 =	vmin.f32 v40, $2.230000000e+02  }
0x20d: {  	v33 =	vadd.f32 v33, v34;
	v53 =	vmax.f32 v37, $0.0e+00;
	v34 =	vmul.f32 $2.240000000e+02, v52  }
0x20e: {  	v58 =	vtrunc.f32 v37;
	v56 =	vmin.f32 v53, $2.230000000e+02;
	v32 =	vsub.s32 $0xE0, v55  }
0x20f: {  	s17 =	sadd.s32 $0x10, s8;
	[tilespmem:s29+$0xFFFFF3A0] =	vst v41;
	vm14 =	vgt.s32 v32, $0x0;
	v57 =	vadd.f32 v34, v56;
	v34 =	vcvt.f32.s32 v58  }
0x210: {  	s17 =	sand.u32 $0x1FF0, s17;
	[tilespmem:s29+$0xFFFFFFE0] =	vst v30;
	v61 =	vadd.f32 v35, v35;
	v33 =	vtrunc.f32 v33;
	v59 =	vnsel vm14, $0x0, v32  }
0x211: {  	s26 =	sadd.s32 $0x4, s26;
	[tilespmem:s17+$0x2400] =	vst v29;
	v60 =	vcvt.f32.s32 v33;
	v29 =	vmin.u32 v59, $0xDF;
	vm15 =	vgt.s32 v34, $0x0  }
0x212: {  	p1 =	slt.u32 s26, $0x2C;
	v28 =	vmul.f32 v28, v1;
	s17 =	sadd.s32 $0x20, s8;
	[tilespmem:s29+$0xFFFFF3B0] =	vst v38;
	v29 =	vmul.u32 $0xE0, v29;
	v62 =	vnsel vm15, $0x0, v34  }
.Ltmp2:
0x213: {  	s17 =	sand.u32 $0x1FF0, s17;
	v30 =	vmul.f32 $1.120000000e+02, v61;
	[tilespmem:s29+$0xFFFFFFF0] =	vst v60;
	v31 =	vtrunc.f32 v57;
	v63 =	vmin.u32 v62, $0xDF;
	(pc) =	sbr.rel @p1 .LBB2_7-.Ltmp2, $4  }
0x214: {  	[tilespmem:s17+$0x2400] =	vst v28;
	v28 =	vadd.s32 v63, v29;
	v29 =	vcvt.f32.s32 v31  }
0x215: {  	v30 =	vmul.f32 v30, v1;
	s17 =	sadd.s32 $0x30, s8;
	[tilespmem:s29+$0xFFFFF3C0] =	vst v28  }
0x216: {  	s17 =	sand.u32 $0x1FF0, s17;
	[tilespmem:s29+$0x0] =	vst v29  }
0x217: {  	s28 =	sadd.s32 $0x40, s28;
	s8 =	sadd.s32 $0x40, s8;
	s29 =	sadd.s32 $0x40, s29;
	[tilespmem:s17+$0x2400] =	vst v30  }
0x218: {  	v28 =	vld [tilespmem:$0x300]  }
0x219: {  	v29 =	vld [tilespmem:$0x610];
	_ =	sdelay $0x1  }
0x21a: {  	v30 =	vld [tilespmem:$0x920];
	_ =	sdelay $0x1  }
0x21b: {  	v31 =	vshrl.u32 v28, $0x10  }
0x21c: {  	v32 =	vshrl.u32 v29, $0x10;
	v31 =	vand.u32 $0x1, v31  }
0x21d: {  	v32 =	vand.u32 $0x1, v32;
	v28 =	vadd.s32 v31, v28  }
0x21e: {  	v45 =	vshrl.u32 v30, $0x10;
	v29 =	vadd.s32 v32, v29;
	v28 =	vadd.s32 $0x7FFF, v28  }
0x21f: {  	v31 =	vand.u32 $0x1, v45;
	v29 =	vadd.s32 $0x7FFF, v29;
	v28 =	vand.u32 $0xFFFF0000, v28  }
0x220: {  	v30 =	vadd.s32 v31, v30;
	v29 =	vand.u32 $0xFFFF0000, v29;
	v46 =	vmul.f32 v28, v16  }
0x221: {  	v30 =	vadd.s32 $0x7FFF, v30;
	v47 =	vmul.f32 v29, v17;
	v33 =	vmul.f32 v28, v20  }
0x222: {  	v30 =	vand.u32 $0xFFFF0000, v30;
	v34 =	vmul.f32 v29, v21;
	v28 =	vmul.f32 v28, v24  }
0x223: {  	v29 =	vmul.f32 v29, v25;
	v48 =	vmul.f32 v30, v18  }
0x224: {  	v35 =	vmul.f32 v30, v22;
	v31 =	vadd.f32 v47, v46;
	v33 =	vadd.f32 v34, v33  }
0x225: {  	v28 =	vadd.f32 v29, v28;
	v29 =	vmul.f32 v30, v26  }
0x226: {  	v31 =	vadd.f32 v48, v31;
	v49 =	vadd.f32 v35, v33  }
0x227: {  	v28 =	vadd.f32 v29, v28  }
0x228: {  	v50 =	vadd.f32 v19, v31;
	v51 =	vadd.f32 v23, v49;
	_ =	sdelay $0x1  }
0x229: {  	v28 =	vadd.f32 v27, v28;
	v29 =	vshrl.u32 v50, $0x10;
	v32 =	vshrl.u32 v51, $0x10  }
0x22a: {  	v29 =	vand.u32 $0x1, v29;
	v32 =	vand.u32 $0x1, v32  }
0x22b: {  	v53 =	vshrl.u32 v28, $0x10;
	v29 =	vadd.s32 v29, v50;
	v52 =	vadd.s32 v32, v51  }
0x22c: {  	v31 =	vand.u32 $0x1, v53;
	v29 =	vadd.s32 $0x7FFF, v29;
	v30 =	vadd.s32 $0x7FFF, v52  }
0x22d: {  	v28 =	vadd.s32 v31, v28;
	v29 =	vand.u32 $0xFFFF0000, v29;
	v30 =	vand.u32 $0xFFFF0000, v30  }
0x22e: {  	v28 =	vadd.s32 $0x7FFF, v28;
	v54 =	vmul.f32 v29, v12;
	v55 =	vmul.f32 v30, v13  }
0x22f: {  	v28 =	vand.u32 $0xFFFF0000, v28  }
0x230: {  	v56 =	vmul.f32 v28, v14;
	v31 =	vadd.f32 v55, v54;
	_ =	sdelay $0x1  }
0x231: {  	v31 =	vadd.f32 v31, v56;
	_ =	sdelay $0x1  }
0x232: {  	v31 =	vadd.f32 v15, v31;
	_ =	sdelay $0x1  }
0x233: {  	v31 =	vmul.f32 v31, v0;
	_ =	sdelay $0x1  }
0x234: {  	(erf) = vrcp.f32 v31;
	_ =	sdelay $0x1  }
0x235: {  	v57 =	vmul.f32 v29, v8;
	v58 =	vmul.f32 v30, v9  }
0x236: {  	v59 =	vmul.f32 v28, v10  }
0x237: {  	v29 =	vmul.f32 v29, v4;
	v30 =	vmul.f32 v30, v5;
	v32 =	vadd.f32 v58, v57;
	_ =	sdelay $0x1  }
0x238: {  	v28 =	vmul.f32 v28, v6;
	v29 =	vadd.f32 v30, v29;
	v32 =	vadd.f32 v32, v59;
	_ =	sdelay $0x1  }
0x239: {  	v28 =	vadd.f32 v29, v28;
	v32 =	vadd.f32 v11, v32  }
0x23a: {  	v60 =	vpop (erf)  }
0x23b: {  	v28 =	vadd.f32 v7, v28;
	v32 =	vmul.f32 v60, v32;
	_ =	sdelay $0x1  }
0x23c: {  	v28 =	vmul.f32 v60, v28;
	v29 =	vadd.f32 $8.388608000e+06, v32;
	_ =	sdelay $0x1  }
0x23d: {  	v28 =	vadd.f32 $8.388608000e+06, v28;
	v29 =	vadd.f32 $-8.388608000e+06, v29;
	_ =	sdelay $0x1  }
0x23e: {  	v28 =	vadd.f32 $-8.388608000e+06, v28;
	v61 =	vtrunc.f32 v29;
	v29 =	vsub.f32 $2.240000000e+02, v29  }
0x23f: {  	v30 =	vcvt.f32.s32 v61  }
0x240: {  	v62 =	vtrunc.f32 v28;
	v29 =	vmax.f32 v29, $0.0e+00  }
0x241: {  	v32 =	vcvt.f32.s32 v62;
	v30 =	vsub.s32 $0xE0, v30;
	v29 =	vmin.f32 v29, $2.230000000e+02  }
0x242: {  	v28 =	vmax.f32 v28, $0.0e+00;
	vm0 =	vgt.s32 v30, $0x0;
	v29 =	vmul.f32 $2.240000000e+02, v29  }
0x243: {  	v28 =	vmin.f32 v28, $2.230000000e+02;
	vm15 =	vgt.s32 v32, $0x0;
	v30 =	vnsel vm0, $0x0, v30  }
0x244: {  	s19 =	sadd.s32 $0x1, s19;
	v30 =	vmin.u32 v30, $0xDF;
	v28 =	vadd.f32 v29, v28;
	v29 =	vadd.f32 v31, v31  }
0x245: {  	p1 =	sne.s32 s19, $0x4;
	v63 =	vnsel vm15, $0x0, v32;
	v30 =	vmul.u32 $0xE0, v30  }
.Ltmp3:
0x246: {  	v31 =	vmin.u32 v63, $0xDF;
	v28 =	vtrunc.f32 v28;
	v29 =	vmul.f32 $1.120000000e+02, v29;
	(pc) =	sbr.rel @p1 .LBB2_6-.Ltmp3, $4  }
0x247: {  	s8 =	sand.u32 $0xFF0, s20;
	v30 =	vadd.s32 v31, v30;
	v28 =	vcvt.f32.s32 v28  }
0x248: {  	v29 =	vmul.f32 v29, v1;
	[tilespmem:s8+$0xE80] =	vst v30  }
0x249: {  	[tilespmem:s20+$0x1AC0] =	vst v28  }
0x24a: {  	s16 =	sadd.s32 $0x310, s16;
	s18 =	sadd.s32 $0x310, s18;
	[tilespmem:s8+$0x2700] =	vst v29  }
0x24b: {  	s17 =	rddreg [dreg:$0x15]  }
0x24c: {  	s8 =	simm.s32 $0x0;
	s16 =	sadd.s32 s17, s2  }
0x24d: {  	[hbm4b:s16+s8] =	stream.linear.scatter [tilespmem:s10], [sflag:$0x9], $0xC40, $0x38;
	[tilespmem:$0x1F600] =	vst v63  }
0x24e: {  	_ =	swait.ge [sflag:s31], $0xC40  }
0x24f: {  	[sflag:s31] =	ssyncset.done $0x0  }
0x250: {  	[sflag:s31] =	ssyncadd.s32 $0xFFFFF3C0  }
0x251: {  	s19 =	rddreg [dreg:$0x7]  }
0x252: {  	s26 =	simm.s32 $0x17C0;
	s20 =	sadd.s32 s17, s19  }
0x253: {  	[hbm4b:s20+s8] =	stream.linear.scatter [tilespmem:s26], [sflag:$0x9], $0xC40, $0x38;
	[tilespmem:$0x1F600] =	vst v63  }
0x254: {  	_ =	swait.ge [sflag:s31], $0xC40  }
0x255: {  	[sflag:s31] =	ssyncset.done $0x0  }
0x256: {  	[sflag:s31] =	ssyncadd.s32 $0xFFFFF3C0  }
0x257: {  	s28 =	rddreg [dreg:$0x8]  }
0x258: {  	s29 =	sadd.s32 s17, s28  }
0x259: {  	[hbm4b:s29+s8] =	stream.linear.scatter [tilespmem:s14], [sflag:$0x9], $0xC40, $0x38;
	[tilespmem:$0x1F600] =	vst v63  }
.Ltmp4:
0x25a: {  	_ =	swait.ge [sflag:s31], $0xC40;
	(pc) =	sbr.rel @p0 .LBB2_20-.Ltmp4, $3  }
0x25b: {  	[sflag:s31] =	ssyncset.done $0x0  }
0x25c: {  	[sflag:s31] =	ssyncadd.s32 $0xFFFFF3C0  }
0x25d: {  	[bflag:$0x0] =	sbarrier.arrive $0xFFFF;
	_ =	sdelay $0x1  }
0x25e: {  	s16 =	simm.s32 $0x40;
	s17 =	simm.s32 $0x0  }
.LBB2_11:
0x25f: {  	p1 =	sne.s32 s16, $0x30FC0;
	[tilespmem:s17+$0x6D80] =	vst v2;
	s17 =	smov.u32 s16;
	s16 =	sadd.s32 $0x40, s16  }
.Ltmp5:
0x260: {  	(pc) =	sbr.rel @p1 .LBB2_11-.Ltmp5, $2  }
0x261: {  	_ =	sdelay $0x2  }
0x262: {  	s17 =	sshra.s32 s17, $0x2  }
0x263: {  	s2 =	rddreg [dreg:$0x6]  }
0x264: {  	[tilespmem:s17+$0x6D80] =	vst v2;
	s20 =	rddreg [dreg:$0x8]  }
.LBB2_13:
0x265: {  	s16 =	smul.u32 $0xC40, s8  }
0x266: {  	s17 =	rddreg [dreg:$0xd]  }
0x267: {  	s16 =	sadd.s32 s17, s16  }
0x268: {  	s18 =	sshrl.u32 s16, $0x3  }
0x269: {  	s17 =	simm.s32 $0xB80;
	s16 =	simm.s32 $0x0;
	s19 =	sadd.s32 s2, s18  }
0x26a: {  	[tilespmem:s17], [sflag:$0x9] =	stream.linear.gather [hbm4b:s19+s16], $0xC40, $0x38;
	[tilespmem:$0x1F600] =	vst v63  }
0x26b: {  	_ =	swait.ge [sflag:s31], $0xC40  }
0x26c: {  	[sflag:s31] =	ssyncset.done $0x0  }
0x26d: {  	s18 =	sadd.s32 s20, s18;
	[sflag:s31] =	ssyncadd.s32 $0xFFFFF3C0  }
0x26e: {  	[tilespmem:s14], [sflag:$0x9] =	stream.linear.gather [hbm4b:s18+s16], $0xC40, $0x38;
	[tilespmem:$0x1F600] =	vst v63  }
0x26f: {  	_ =	swait.ge [sflag:s31], $0xC40  }
0x270: {  	[sflag:s31] =	ssyncset.done $0x0  }
0x271: {  	[sflag:s31] =	ssyncadd.s32 $0xFFFFF3C0  }
0x272: {  	s18 =	simm.s32 $0x10;
	v4 =	vld [tilespmem:s17+$0x0]  }
.LBB2_14:
0x273: {  	p1 =	sne.s32 s18, $0xC30;
	_ =	sdelay $0x3  }
0x274: {  	(xrf1) =	vunique.msk.u32 $0xffff, v4;
	_ =	sdelay $0xd  }
0x275: {  	s19 =	sand.u32 $0xFF0, s16;
	s16 =	smov.u32 s18;
	_, v5, vm0 =	vpop (xrf1)  }
0x276: {  	v5 =	vld [tilespmem:s19+$0x2400];
	_ =	sdelay $0x1  }
.Ltmp6:
0x277: {  	(pc) =	sbr.rel @p1 .LBB2_14-.Ltmp6, $3  }
0x278: {  	_ =	sdelay $0x1  }
0x279: {  	s17 =	sadd.s32 $0x10, s17;
	[tilespmem:v4+s30+$0x0] =	vst.idx.msk vm0, v5  }
0x27a: {  	s18 =	sadd.s32 $0x10, s18;
	v4 =	vld [tilespmem:s17+$0x0]  }
0x27b: {  	_ =	sdelay $0x3  }
0x27c: {  	(xrf1) =	vunique.msk.u32 $0xffff, v4;
	_ =	sdelay $0xd  }
0x27d: {  	s16 =	sand.u32 $0xFF0, s16;
	s8 =	sadd.s32 $0x1, s8;
	_, v5, vm0 =	vpop (xrf1)  }
0x27e: {  	p1 =	sne.s32 s8, $0x10;
	v5 =	vld [tilespmem:s16+$0x2400]  }
.Ltmp7:
0x27f: {  	_ = 	snop;
	(pc) =	sbr.rel @p1 .LBB2_13-.Ltmp7, $2  }
0x280: {  	_ =	sdelay $0x2  }
0x281: {  	[tilespmem:v4+s30+$0x0] =	vst.idx.msk vm0, v5  }
0x282: {  	s8 =	simm.s32 $0x0;
	s2 =	rddreg [dreg:$0x10]  }
0x283: {  	[tilespmem:s15], [sflag:$0x9] =	stream.linear.gather [hbm4b:s2+s8], $0xC400, $0x38;
	[tilespmem:$0x1F600] =	vst v63  }
0x284: {  	_ =	swait.ge [sflag:s31], $0xC400  }
0x285: {  	[sflag:s31] =	ssyncset.done $0x0  }
0x286: {  	s16 =	simm.s32 $0x0;
	[sflag:s31] =	ssyncadd.s32 $0xFFFF3C00  }
.LBB2_17:
0x287: {  	s17 =	smul.u32 $0xC40, s16  }
0x288: {  	s2 =	rddreg [dreg:$0xd]  }
0x289: {  	s17 =	sadd.s32 s2, s17  }
0x28a: {  	s20 =	rddreg [dreg:$0x7];
	s18 =	sshrl.u32 s17, $0x3  }
0x28b: {  	s26 =	simm.s32 $0x17C0;
	s17 =	sadd.s32 s20, s18  }
0x28c: {  	[tilespmem:s26], [sflag:$0x9] =	stream.linear.gather [hbm4b:s17+s8], $0xC40, $0x38;
	[tilespmem:$0x1F600] =	vst v63  }
0x28d: {  	_ =	swait.ge [sflag:s31], $0xC40  }
0x28e: {  	[sflag:s31] =	ssyncset.done $0x0  }
0x28f: {  	s20 =	simm.s32 $0x17E0;
	[sflag:s31] =	ssyncadd.s32 $0xFFFFF3C0  }
0x290: {  	v6 =	vld [tilespmem:s20+$0x10];
	_ =	sdelay $0x1  }
0x291: {  	v11 =	vld [tilespmem:s20+$0xFFFFFFF0]  }
0x292: {  	v13 =	vld [tilespmem:s20+$0xFFFFFFE0]  }
0x293: {  	s19 =	simm.s32 $0x1820;
	v17 =	vld [tilespmem:s20+$0x0]  }
0x294: {  	v16 =	vld [tilespmem:s19+$0x10]  }
0x295: {  	v4 =	vld [tilespmem:s19+$0xFFFFFFF0]  }
0x296: {  	v8 =	vld [tilespmem:s19+$0xFFFFFFE0]  }
0x297: {  	v7 =	vld.idx.msk [tilespmem:v6+s30+$0x0], $0xffff  }
0x298: {  	v9 =	vld.idx.msk [tilespmem:v6+s15+$0x0], $0xffff  }
0x299: {  	v10 =	vld.idx.msk [tilespmem:v11+s30+$0x0], $0xffff  }
0x29a: {  	v12 =	vld.idx.msk [tilespmem:v13+s30+$0x0], $0xffff  }
0x29b: {  	v14 =	vld.idx.msk [tilespmem:v13+s15+$0x0], $0xffff  }
0x29c: {  	v15 =	vld.idx.msk [tilespmem:v11+s15+$0x0], $0xffff  }
0x29d: {  	v20 =	vld.idx.msk [tilespmem:v16+s30+$0x0], $0xffff  }
0x29e: {  	v22 =	vld.idx.msk [tilespmem:v4+s30+$0x0], $0xffff  }
0x29f: {  	v18 =	vld.idx.msk [tilespmem:v17+s30+$0x0], $0xffff  }
0x2a0: {  	v19 =	vld.idx.msk [tilespmem:v17+s15+$0x0], $0xffff  }
0x2a1: {  	v21 =	vld.idx.msk [tilespmem:v16+s15+$0x0], $0xffff;
	v9 =	vsub.f32 v7, v9;
	vm0 =	vlt.f32 v10, $0.0e+00;
	vm1 =	vgt.f32 v10, $0.0e+00  }
0x2a2: {  	v5 =	vld [tilespmem:s19+$0x0];
	vm2 =	vlt.f32 v7, $0.0e+00;
	vm3 =	vgt.f32 v7, $0.0e+00;
	vm4 =	vlt.f32 v12, $0.0e+00  }
0x2a3: {  	v23 =	vld.idx.msk [tilespmem:v8+s30+$0x0], $0xffff;
	vm5 =	vgt.f32 v12, $0.0e+00;
	vm12 =	vgt.f32 v20, $0.0e+00;
	vm14 =	vlt.f32 v22, $0.0e+00  }
0x2a4: {  	s26 =	simm.s32 $0x1860;
	vm2 =	vmor vm3, vm2;
	vm0 =	vmor vm1, vm0;
	v7 =	vand.u32 $0x7FFFFFFF, v9  }
0x2a5: {  	v9 =	vsub.f32 v10, v15;
	v10 =	vld [tilespmem:s26+$0x10];
	vm3 =	vlt.f32 v7, $1.999999960e-02;
	v7 =	vsub.f32 v12, v14  }
0x2a6: {  	v15 =	vsub.f32 v20, v21;
	v14 =	vsub.f32 v18, v19;
	v19 =	vld.idx.msk [tilespmem:v4+s15+$0x0], $0xffff;
	vm1 =	vmand vm2, vm3  }
0x2a7: {  	v9 =	vand.u32 $0x7FFFFFFF, v9;
	v12 =	vsel vm1, v6, v3;
	v6 =	vand.u32 $0x7FFFFFFF, v7;
	v7 =	vld [tilespmem:s26+$0xFFFFFFF0]  }
0x2a8: {  	vm6 =	vgt.f32 v22, $0.0e+00;
	vm7 =	vlt.f32 v23, $0.0e+00;
	vm11 =	vlt.f32 v9, $1.999999960e-02;
	v9 =	vld [tilespmem:s26+$0xFFFFFFE0]  }
0x2a9: {  	vm3 =	vgt.f32 v18, $0.0e+00;
	v15 =	vand.u32 $0x7FFFFFFF, v15;
	vm1 =	vlt.f32 v18, $0.0e+00;
	v18 =	vld.idx.msk [tilespmem:v8+s15+$0x0], $0xffff  }
0x2aa: {  	vm8 =	vgt.f32 v23, $0.0e+00;
	vm13 =	vlt.f32 v15, $1.999999960e-02;
	v15 =	vld.idx.msk [tilespmem:v5+s15+$0x0], $0xffff;
	vm10 =	vlt.f32 v6, $1.999999960e-02  }
0x2ab: {  	v6 =	vld [tilespmem:s26+$0x0];
	vm1 =	vmor vm3, vm1;
	vm3 =	vmand vm0, vm11;
	vm0 =	vlt.f32 v20, $0.0e+00  }
0x2ac: {  	vm2 =	vmor vm5, vm4;
	v20 =	vand.u32 $0x7FFFFFFF, v14;
	v14 =	vld.idx.msk [tilespmem:v5+s30+$0x0], $0xffff;
	vm0 =	vmor vm12, vm0  }
0x2ad: {  	[tilespmem:s20+$0xC50] =	vst v12;
	vm2 =	vmand vm2, vm10;
	v24 =	vsel vm3, v11, v3;
	vm0 =	vmand vm0, vm13;
	v12 =	vld.idx.msk [tilespmem:v10+s30+$0x0], $0xffff  }
0x2ae: {  	vm15 =	vlt.f32 v20, $1.999999960e-02;
	v21 =	vsel vm2, v13, v3;
	[tilespmem:s20+$0xC30] =	vst v24;
	v20 =	vsel vm0, v16, v3;
	v16 =	vld.idx.msk [tilespmem:v10+s15+$0x0], $0xffff  }
0x2af: {  	s2 =	sand.u32 $0xFC0, s8;
	vm2 =	vmand vm1, vm15;
	v19 =	vsub.f32 v22, v19;
	[tilespmem:s19+$0xC50] =	vst v20;
	v20 =	vsub.f32 v23, v18;
	v13 =	vld.idx.msk [tilespmem:v7+s30+$0x0], $0xffff  }
0x2b0: {  	s29 =	simm.s32 $0x8;
	s28 =	simm.s32 $0x0;
	s17 =	simm.s32 $0x18A0;
	vm1 =	vmor vm8, vm7;
	vm0 =	vmor vm6, vm14;
	[tilespmem:s2+$0x2400] =	vst v21;
	v18 =	vsel vm2, v17, v3;
	v17 =	vmovc v9;
	v11 =	vld.idx.msk [tilespmem:v9+s30+$0x0], $0xffff  }
.LBB2_18:
0x2b1: {  	v21 =	vld [tilespmem:s17+$0x10];
	v20 =	vand.u32 $0x7FFFFFFF, v20;
	vm3 =	vlt.f32 v14, $0.0e+00;
	vm4 =	vgt.f32 v14, $0.0e+00;
	[tilespmem:s20+$0xC40] =	vst v18;
	v22 =	vmovc v9;
	s20 =	smov.u32 s19;
	s19 =	smov.u32 s26;
	s26 =	smov.u32 s17  }
0x2b2: {  	s29 =	sadd.s32 $0x4, s29;
	v14 =	vsub.f32 v14, v15;
	v23 =	vld [tilespmem:s17+$0xFFFFFFF0];
	vm2 =	vlt.f32 v20, $1.999999960e-02;
	v9 =	vand.u32 $0x7FFFFFFF, v19  }
0x2b3: {  	p1 =	slt.u32 s29, $0xC0;
	vm4 =	vmor vm4, vm3;
	v24 =	vld [tilespmem:s17+$0x0];
	vm2 =	vmand vm1, vm2;
	vm1 =	vlt.f32 v9, $1.999999960e-02  }
0x2b4: {  	v15 =	vsub.f32 v12, v16;
	v14 =	vand.u32 $0x7FFFFFFF, v14;
	v9 =	vld [tilespmem:s17+$0xFFFFFFE0];
	vm3 =	vmand vm0, vm1  }
0x2b5: {  	vm0 =	vlt.f32 v13, $0.0e+00;
	vm1 =	vgt.f32 v13, $0.0e+00;
	vm5 =	vlt.f32 v14, $1.999999960e-02;
	v19 =	vmovc v13;
	v18 =	vld.idx.msk [tilespmem:v17+s15+$0x0], $0xffff  }
0x2b6: {  	vm6 =	vlt.f32 v12, $0.0e+00;
	vm7 =	vgt.f32 v12, $0.0e+00;
	v12 =	vand.u32 $0x7FFFFFFF, v15;
	v25 =	vld.idx.msk [tilespmem:v7+s15+$0x0], $0xffff  }
0x2b7: {  	vm6 =	vmor vm7, vm6;
	vm8 =	vlt.f32 v11, $0.0e+00;
	vm7 =	vlt.f32 v12, $1.999999960e-02;
	v14 =	vld.idx.msk [tilespmem:v6+s30+$0x0], $0xffff  }
.Ltmp8:
0x2b8: {  	vm9 =	vgt.f32 v11, $0.0e+00;
	vm0 =	vmor vm1, vm0;
	vm6 =	vmand vm6, vm7;
	v15 =	vld.idx.msk [tilespmem:v6+s15+$0x0], $0xffff;
	(pc) =	sbr.rel @p1 .LBB2_18-.Ltmp8, $4  }
0x2b9: {  	s28 =	sadd.s32 $0x40, s28;
	vm4 =	vmand vm4, vm5;
	vm1 =	vmor vm9, vm8;
	v13 =	vsel vm6, v10, v3;
	v10 =	vmovc v21;
	v12 =	vld.idx.msk [tilespmem:v21+s30+$0x0], $0xffff;
	v17 =	vmovc v9  }
0x2ba: {  	s2 =	sand.u32 $0xFC0, s28;
	v26 =	vsel vm2, v8, v3;
	v16 =	vld.idx.msk [tilespmem:v21+s15+$0x0], $0xffff;
	[tilespmem:s19+$0xC50] =	vst v13;
	v21 =	vsel vm3, v4, v3;
	v4 =	vmov v7  }
0x2bb: {  	v20 =	vsub.f32 v11, v18;
	v18 =	vsel vm4, v5, v3;
	v7 =	vmov v23;
	v13 =	vld.idx.msk [tilespmem:v23+s30+$0x0], $0xffff;
	[tilespmem:s2+$0x2400] =	vst v26  }
0x2bc: {  	s17 =	sadd.s32 $0x40, s17;
	v8 =	vmovc v22;
	v5 =	vmov v6;
	v6 =	vmov v24;
	v19 =	vsub.f32 v19, v25;
	v11 =	vld.idx.msk [tilespmem:v9+s30+$0x0], $0xffff;
	[tilespmem:s20+$0xC30] =	vst v21  }
0x2bd: {  	_ =	sdelay $0x1  }
0x2be: {  	v20 =	vand.u32 $0x7FFFFFFF, v20;
	vm2 =	vlt.f32 v14, $0.0e+00;
	vm3 =	vgt.f32 v14, $0.0e+00  }
0x2bf: {  	v53 =	vsub.f32 v14, v15;
	vm4 =	vlt.f32 v20, $1.999999960e-02;
	v19 =	vand.u32 $0x7FFFFFFF, v19  }
0x2c0: {  	v55 =	vld.idx.msk [tilespmem:v17+s15+$0x0], $0xffff;
	vm2 =	vmor vm3, vm2;
	vm6 =	vlt.f32 v12, $0.0e+00;
	vm7 =	vgt.f32 v12, $0.0e+00  }
0x2c1: {  	v56 =	vld.idx.msk [tilespmem:v7+s15+$0x0], $0xffff;
	vm1 =	vmand vm1, vm4;
	vm11 =	vlt.f32 v19, $1.999999960e-02;
	v54 =	vsub.f32 v12, v16  }
0x2c2: {  	v58 =	vld.idx.msk [tilespmem:v6+s30+$0x0], $0xffff;
	v14 =	vand.u32 $0x7FFFFFFF, v53;
	vm6 =	vmor vm7, vm6;
	vm0 =	vmand vm0, vm11  }
0x2c3: {  	v59 =	vld.idx.msk [tilespmem:v6+s15+$0x0], $0xffff;
	vm12 =	vlt.f32 v13, $0.0e+00;
	vm13 =	vgt.f32 v13, $0.0e+00;
	vm5 =	vlt.f32 v14, $1.999999960e-02  }
0x2c4: {  	v8 =	vsel vm1, v8, v3;
	v57 =	vand.u32 $0x7FFFFFFF, v54;
	vm3 =	vmor vm13, vm12  }
0x2c5: {  	vm15 =	vlt.f32 v11, $0.0e+00;
	vm9 =	vgt.f32 v11, $0.0e+00;
	vm2 =	vmand vm2, vm5  }
0x2c6: {  	v4 =	vsel vm0, v4, v3;
	vm14 =	vlt.f32 v57, $1.999999960e-02;
	vm4 =	vmor vm9, vm15  }
0x2c7: {  	s2 =	sadd.s32 $0x40, s28;
	v60 =	vsub.f32 v11, v55;
	v5 =	vsel vm2, v5, v3;
	v61 =	vsub.f32 v13, v56  }
0x2c8: {  	[tilespmem:s20+$0xC40] =	vst v18;
	s17 =	sand.u32 $0xFC0, s2;
	vm10 =	vlt.f32 v58, $0.0e+00;
	v62 =	vsub.f32 v58, v59;
	vm12 =	vgt.f32 v58, $0.0e+00  }
0x2c9: {  	[tilespmem:s17+$0x2400] =	vst v8;
	vm6 =	vmand vm6, vm14;
	vm0 =	vmor vm12, vm10;
	v11 =	vand.u32 $0x7FFFFFFF, v60  }
0x2ca: {  	[tilespmem:s19+$0xC30] =	vst v4;
	v10 =	vsel vm6, v10, v3;
	v63 =	vand.u32 $0x7FFFFFFF, v61;
	vm11 =	vlt.f32 v11, $1.999999960e-02  }
0x2cb: {  	s2 =	sadd.s32 $0x40, s2;
	[tilespmem:s19+$0xC40] =	vst v5;
	v4 =	vand.u32 $0x7FFFFFFF, v62;
	vm13 =	vlt.f32 v63, $1.999999960e-02;
	vm1 =	vmand vm4, vm11  }
0x2cc: {  	s2 =	sand.u32 $0xFC0, s2;
	[tilespmem:s26+$0xC50] =	vst v10;
	vm15 =	vlt.f32 v4, $1.999999960e-02;
	vm14 =	vmand vm3, vm13;
	v4 =	vsel vm1, v9, v3  }
0x2cd: {  	s16 =	sadd.s32 $0x1, s16;
	vm0 =	vmand vm0, vm15;
	v5 =	vsel vm14, v7, v3;
	[tilespmem:s2+$0x2400] =	vst v4  }
0x2ce: {  	s29 =	rddreg [dreg:$0x9];
	p1 =	sne.s32 s16, $0x10;
	v4 =	vsel vm0, v6, v3;
	[tilespmem:s26+$0xC30] =	vst v5  }
.Ltmp9:
0x2cf: {  	s2 =	sadd.s32 s18, s29;
	[tilespmem:s26+$0xC40] =	vst v4;
	(pc) =	sbr.rel @p1 .LBB2_17-.Ltmp9, $4  }
0x2d0: {  	[hbm4b:s2+s9] =	stream.linear.scatter [tilespmem:s14], [sflag:$0x9], $0xC40, $0x38;
	[tilespmem:$0x1F600] =	vst v63  }
0x2d1: {  	_ =	swait.ge [sflag:s31], $0xC40  }
0x2d2: {  	[sflag:s31] =	ssyncset.done $0x0  }
0x2d3: {  	[sflag:s31] =	ssyncadd.s32 $0xFFFFF3C0  }
.LBB2_20:
0x2d4: {  	[bflag:$0x0] =	sbarrier.arrive $0xFFFF  }
0x2d5: {  	s16 =	simm.s32 $0x0;
	s2 =	rddreg [dreg:$0x17]  }
0x2d6: {  	[tilespmem:s15], [sflag:$0x9] =	stream.linear.gather [hbm4b:s2+s16], $0xC400, $0x38;
	[tilespmem:$0x1F600] =	vst v63  }
0x2d7: {  	_ =	swait.ge [sflag:s31], $0xC400  }
0x2d8: {  	[sflag:s31] =	ssyncset.done $0x0  }
0x2d9: {  	[sflag:s31] =	ssyncadd.s32 $0xFFFF3C00  }
0x2da: {  	s29 =	rddreg [dreg:$0x11];
	[tilespmem:$0x13180] =	vst v2  }
.LBB2_21:
0x2db: {  	s2 =	sadd.s32 s29, s16  }
0x2dc: {  	s2 =	smul.u32 $0xC400, s2;
	_ =	sdelay $0x1  }
0x2dd: {  	s17 =	sshrl.u32 s2, $0x3  }
0x2de: {  	s2 =	sadd.s32 s1, s17;
	s20 =	sadd.s32 $0x620, s17  }
0x2df: {  	[tilespmem:s30], [sflag:$0x5] =	stream.linear.gather [hbm4b:s2+s9], $0x3100, $0x38;
	[tilespmem:$0x1F600] =	vst v63  }
0x2e0: {  	s8 =	simm.s32 $0x9E80;
	s19 =	sadd.s32 $0xC40, s17;
	s26 =	sadd.s32 s1, s20  }
0x2e1: {  	[tilespmem:s8], [sflag:$0x6] =	stream.linear.gather [hbm4b:s26+s9], $0x3100, $0x38;
	[tilespmem:$0x1F600] =	vst v63  }
0x2e2: {  	s18 =	simm.s32 $0xCF80;
	s8 =	sadd.s32 s1, s19  }
0x2e3: {  	[tilespmem:s18], [sflag:$0x7] =	stream.linear.gather [hbm4b:s8+s9], $0x3100, $0x38;
	[tilespmem:$0x1F600] =	vst v63  }
0x2e4: {  	s8 =	sadd.s32 $0x1260, s17  }
0x2e5: {  	s18 =	simm.s32 $0x10080;
	s26 =	sadd.s32 s1, s8  }
0x2e6: {  	[tilespmem:s18], [sflag:$0x8] =	stream.linear.gather [hbm4b:s26+s9], $0x3100, $0x38;
	[tilespmem:$0x1F600] =	vst v63  }
0x2e7: {  	_ =	swait.ge [sflag:s25], $0x3100  }
0x2e8: {  	[sflag:s25] =	ssyncset.done $0x0  }
0x2e9: {  	[sflag:s25] =	ssyncadd.s32 $0xFFFFCF00  }
0x2ea: {  	_ =	swait.ge [sflag:s21], $0x3100  }
0x2eb: {  	[sflag:s21] =	ssyncset.done $0x0  }
0x2ec: {  	[sflag:s21] =	ssyncadd.s32 $0xFFFFCF00  }
0x2ed: {  	_ =	swait.ge [sflag:s22], $0x3100  }
0x2ee: {  	[sflag:s22] =	ssyncset.done $0x0  }
0x2ef: {  	[sflag:s22] =	ssyncadd.s32 $0xFFFFCF00  }
0x2f0: {  	_ =	swait.ge [sflag:s7], $0x3100  }
0x2f1: {  	p1 =	seq.s32 s16, $0x0;
	[sflag:s7] =	ssyncset.done $0x0  }
0x2f2: {  	s2 =	simm.s32 @!p1 $0x1;
	[sflag:s7] =	ssyncadd.s32 $0xFFFFCF00  }
0x2f3: {  	_ =	swait.ge @!p1 [sflag:s2], $0x1880  }
0x2f4: {  	[sflag:s2] =	ssyncset.done @!p1 $0x0  }
0x2f5: {  	[sflag:s2] =	ssyncadd.s32 @!p1 $0xFFFFE780;
	s2 =	simm.s32 $0x6DC0  }
0x2f6: {  	v7 =	vld [tilespmem:s2+$0x30]  }
0x2f7: {  	v8 =	vld [tilespmem:s2+$0xFFFFFFD0]  }
0x2f8: {  	v9 =	vld [tilespmem:s2+$0xFFFFFFE0]  }
0x2f9: {  	v4 =	vld [tilespmem:s2+$0xFFFFFFF0]  }
0x2fa: {  	s18 =	simm.s32 $0xBC0;
	v5 =	vld [tilespmem:s2+$0x0]  }
0x2fb: {  	v6 =	vld [tilespmem:s2+$0x10];
	[tilespmem:s18+$0x30] =	vst v7  }
0x2fc: {  	[tilespmem:s18+$0xFFFFFFD0] =	vst v8;
	v7 =	vld [tilespmem:s2+$0x20]  }
0x2fd: {  	s28 =	simm.s32 $0x6E40;
	s26 =	simm.s32 $0x0;
	v8 =	vld [tilespmem:s2+$0xFFFFFFC0];
	[tilespmem:s18+$0xFFFFFFE0] =	vst v9  }
.LBB2_22:
0x2fe: {  	v9 =	vld [tilespmem:s28+$0x30];
	s26 =	sadd.s32 $0x8, s26;
	[tilespmem:s18+$0xFFFFFFF0] =	vst v4  }
0x2ff: {  	v10 =	vld [tilespmem:s28+$0xFFFFFFD0];
	p2 =	slt.u32 s26, $0x180;
	[tilespmem:s18+$0x0] =	vst v5  }
0x300: {  	v11 =	vld [tilespmem:s28+$0xFFFFFFE0];
	[tilespmem:s18+$0x10] =	vst v6  }
.Ltmp10:
0x301: {  	v4 =	vld [tilespmem:s28+$0xFFFFFFF0];
	[tilespmem:s18+$0x20] =	vst v7;
	(pc) =	sbr.rel @p2 .LBB2_22-.Ltmp10, $4  }
0x302: {  	v5 =	vld [tilespmem:s28+$0x0];
	[tilespmem:s18+$0xFFFFFFC0] =	vst v8;
	s18 =	sadd.s32 $0x80, s18  }
0x303: {  	v6 =	vld [tilespmem:s28+$0x10];
	[tilespmem:s18+$0x30] =	vst v9  }
0x304: {  	[tilespmem:s18+$0xFFFFFFD0] =	vst v10;
	v7 =	vld [tilespmem:s28+$0x20]  }
0x305: {  	v8 =	vld [tilespmem:s28+$0xFFFFFFC0];
	[tilespmem:s18+$0xFFFFFFE0] =	vst v11;
	s28 =	sadd.s32 $0x80, s28  }
0x306: {  	[tilespmem:s18+$0xFFFFFFF0] =	vst v4  }
0x307: {  	[tilespmem:s18+$0x0] =	vst v5  }
0x308: {  	[tilespmem:s18+$0x10] =	vst v6  }
0x309: {  	[tilespmem:s18+$0x20] =	vst v7  }
0x30a: {  	s2 =	simm.s32 @!p1 $0x2;
	[tilespmem:s18+$0xFFFFFFC0] =	vst v8;
	s18 =	sadd.s32 s3, s17  }
0x30b: {  	[hbm4b:s18+s9] =	stream.linear.scatter [tilespmem:s10], [sflag:$0x1], $0x1880, $0x38;
	[tilespmem:$0x1F600] =	vst v63  }
0x30c: {  	_ =	swait.ge @!p1 [sflag:s2], $0x1880  }
0x30d: {  	[sflag:s2] =	ssyncset.done @!p1 $0x0  }
0x30e: {  	[sflag:s2] =	ssyncadd.s32 @!p1 $0xFFFFE780;
	s2 =	simm.s32 $0x8670  }
0x30f: {  	v7 =	vld [tilespmem:s2+$0x0]  }
0x310: {  	v8 =	vld [tilespmem:s2+$0xFFFFFFA0]  }
0x311: {  	v9 =	vld [tilespmem:s2+$0xFFFFFFB0]  }
0x312: {  	v4 =	vld [tilespmem:s2+$0xFFFFFFC0]  }
0x313: {  	s17 =	simm.s32 $0x2470;
	v5 =	vld [tilespmem:s2+$0xFFFFFFD0]  }
0x314: {  	v6 =	vld [tilespmem:s2+$0xFFFFFFE0];
	[tilespmem:s17+$0x0] =	vst v7  }
0x315: {  	[tilespmem:s17+$0xFFFFFFA0] =	vst v8;
	v7 =	vld [tilespmem:s2+$0xFFFFFFF0]  }
0x316: {  	s26 =	simm.s32 $0x0;
	s28 =	simm.s32 $0x86F0;
	v8 =	vld [tilespmem:s2+$0xFFFFFF90];
	[tilespmem:s17+$0xFFFFFFB0] =	vst v9  }
.LBB2_24:
0x317: {  	v9 =	vld [tilespmem:s28+$0x0];
	s26 =	sadd.s32 $0x8, s26;
	[tilespmem:s17+$0xFFFFFFC0] =	vst v4  }
0x318: {  	v10 =	vld [tilespmem:s28+$0xFFFFFFA0];
	p2 =	slt.u32 s26, $0x180;
	[tilespmem:s17+$0xFFFFFFD0] =	vst v5  }
0x319: {  	v11 =	vld [tilespmem:s28+$0xFFFFFFB0];
	[tilespmem:s17+$0xFFFFFFE0] =	vst v6  }
.Ltmp11:
0x31a: {  	v4 =	vld [tilespmem:s28+$0xFFFFFFC0];
	[tilespmem:s17+$0xFFFFFFF0] =	vst v7;
	(pc) =	sbr.rel @p2 .LBB2_24-.Ltmp11, $4  }
0x31b: {  	v5 =	vld [tilespmem:s28+$0xFFFFFFD0];
	[tilespmem:s17+$0xFFFFFF90] =	vst v8;
	s17 =	sadd.s32 $0x80, s17  }
0x31c: {  	v6 =	vld [tilespmem:s28+$0xFFFFFFE0];
	[tilespmem:s17+$0x0] =	vst v9  }
0x31d: {  	[tilespmem:s17+$0xFFFFFFA0] =	vst v10;
	v7 =	vld [tilespmem:s28+$0xFFFFFFF0]  }
0x31e: {  	v8 =	vld [tilespmem:s28+$0xFFFFFF90];
	[tilespmem:s17+$0xFFFFFFB0] =	vst v11;
	s28 =	sadd.s32 $0x80, s28  }
0x31f: {  	[tilespmem:s17+$0xFFFFFFC0] =	vst v4  }
0x320: {  	[tilespmem:s17+$0xFFFFFFD0] =	vst v5  }
0x321: {  	[tilespmem:s17+$0xFFFFFFE0] =	vst v6  }
0x322: {  	[tilespmem:s17+$0xFFFFFFF0] =	vst v7  }
0x323: {  	s2 =	sadd.s32 $0x310, s18;
	[tilespmem:s17+$0xFFFFFF90] =	vst v8  }
0x324: {  	[hbm4b:s2+s9] =	stream.linear.scatter [tilespmem:s14], [sflag:$0x2], $0x1880, $0x38;
	[tilespmem:$0x1F600] =	vst v63  }
0x325: {  	s2 =	simm.s32 @!p1 $0x3  }
0x326: {  	_ =	swait.ge @!p1 [sflag:s2], $0x1880  }
0x327: {  	[sflag:s2] =	ssyncset.done @!p1 $0x0  }
0x328: {  	[sflag:s2] =	ssyncadd.s32 @!p1 $0xFFFFE780;
	s2 =	simm.s32 $0x9EF0  }
0x329: {  	v7 =	vld [tilespmem:s2+$0x0]  }
0x32a: {  	v8 =	vld [tilespmem:s2+$0xFFFFFFA0]  }
0x32b: {  	v9 =	vld [tilespmem:s2+$0xFFFFFFB0]  }
0x32c: {  	v4 =	vld [tilespmem:s2+$0xFFFFFFC0]  }
0x32d: {  	s17 =	simm.s32 $0x3CF0;
	v5 =	vld [tilespmem:s2+$0xFFFFFFD0]  }
0x32e: {  	v6 =	vld [tilespmem:s2+$0xFFFFFFE0];
	[tilespmem:s17+$0x0] =	vst v7  }
0x32f: {  	[tilespmem:s17+$0xFFFFFFA0] =	vst v8;
	v7 =	vld [tilespmem:s2+$0xFFFFFFF0]  }
0x330: {  	s26 =	simm.s32 $0x0;
	s28 =	simm.s32 $0x9F70;
	v8 =	vld [tilespmem:s2+$0xFFFFFF90];
	[tilespmem:s17+$0xFFFFFFB0] =	vst v9  }
.LBB2_26:
0x331: {  	v9 =	vld [tilespmem:s28+$0x0];
	s26 =	sadd.s32 $0x8, s26;
	[tilespmem:s17+$0xFFFFFFC0] =	vst v4  }
0x332: {  	v10 =	vld [tilespmem:s28+$0xFFFFFFA0];
	p2 =	slt.u32 s26, $0x180;
	[tilespmem:s17+$0xFFFFFFD0] =	vst v5  }
0x333: {  	v11 =	vld [tilespmem:s28+$0xFFFFFFB0];
	[tilespmem:s17+$0xFFFFFFE0] =	vst v6  }
.Ltmp12:
0x334: {  	v4 =	vld [tilespmem:s28+$0xFFFFFFC0];
	[tilespmem:s17+$0xFFFFFFF0] =	vst v7;
	(pc) =	sbr.rel @p2 .LBB2_26-.Ltmp12, $4  }
0x335: {  	v5 =	vld [tilespmem:s28+$0xFFFFFFD0];
	[tilespmem:s17+$0xFFFFFF90] =	vst v8;
	s17 =	sadd.s32 $0x80, s17  }
0x336: {  	v6 =	vld [tilespmem:s28+$0xFFFFFFE0];
	[tilespmem:s17+$0x0] =	vst v9  }
0x337: {  	[tilespmem:s17+$0xFFFFFFA0] =	vst v10;
	v7 =	vld [tilespmem:s28+$0xFFFFFFF0]  }
0x338: {  	v8 =	vld [tilespmem:s28+$0xFFFFFF90];
	[tilespmem:s17+$0xFFFFFFB0] =	vst v11;
	s28 =	sadd.s32 $0x80, s28  }
0x339: {  	[tilespmem:s17+$0xFFFFFFC0] =	vst v4  }
0x33a: {  	[tilespmem:s17+$0xFFFFFFD0] =	vst v5  }
0x33b: {  	[tilespmem:s17+$0xFFFFFFE0] =	vst v6  }
0x33c: {  	[tilespmem:s17+$0xFFFFFFF0] =	vst v7  }
0x33d: {  	s2 =	sadd.s32 s3, s20;
	[tilespmem:s17+$0xFFFFFF90] =	vst v8  }
0x33e: {  	[hbm4b:s2+s9] =	stream.linear.scatter [tilespmem:s4], [sflag:$0x3], $0x1880, $0x38;
	[tilespmem:$0x1F600] =	vst v63  }
0x33f: {  	s2 =	simm.s32 @!p1 $0x4  }
0x340: {  	_ =	swait.ge @!p1 [sflag:s2], $0x1880  }
0x341: {  	[sflag:s2] =	ssyncset.done @!p1 $0x0  }
0x342: {  	s17 =	simm.s32 $0x0;
	[sflag:s2] =	ssyncadd.s32 @!p1 $0xFFFFE780  }
0x343: {  	v8 =	vld [tilespmem:s17+$0xB770]  }
0x344: {  	v9 =	vld [tilespmem:s17+$0xB700]  }
0x345: {  	v7 =	vld [tilespmem:s17+$0xB710]  }
0x346: {  	v4 =	vld [tilespmem:s17+$0xB720]  }
0x347: {  	v5 =	vld [tilespmem:s17+$0xB730]  }
0x348: {  	v6 =	vld [tilespmem:s17+$0xB740];
	[tilespmem:s17+$0x5570] =	vst v8  }
0x349: {  	s20 =	simm.s32 $0x0;
	s26 =	simm.s32 $0x200;
	[tilespmem:s17+$0x5500] =	vst v9;
	v8 =	vld [tilespmem:s17+$0xB750]  }
.LBB2_28:
0x34a: {  	s2 =	sshra.s32 s26, $0x2;
	s20 =	sadd.s32 $0x8, s20;
	[tilespmem:s17+$0x5510] =	vst v7;
	v9 =	vld [tilespmem:s17+$0xB760]  }
0x34b: {  	v10 =	vld [tilespmem:s2+$0xB770];
	p1 =	slt.u32 s20, $0x180;
	[tilespmem:s17+$0x5520] =	vst v4  }
0x34c: {  	v11 =	vld [tilespmem:s2+$0xB700];
	[tilespmem:s17+$0x5530] =	vst v5  }
.Ltmp13:
0x34d: {  	v7 =	vld [tilespmem:s2+$0xB710];
	[tilespmem:s17+$0x5540] =	vst v6;
	(pc) =	sbr.rel @p1 .LBB2_28-.Ltmp13, $4  }
0x34e: {  	v4 =	vld [tilespmem:s2+$0xB720];
	[tilespmem:s17+$0x5550] =	vst v8  }
0x34f: {  	v5 =	vld [tilespmem:s2+$0xB730];
	[tilespmem:s17+$0x5560] =	vst v9;
	s17 =	smov.u32 s2  }
0x350: {  	v6 =	vld [tilespmem:s17+$0xB740];
	[tilespmem:s17+$0x5570] =	vst v10  }
0x351: {  	s26 =	sadd.s32 $0x200, s26;
	[tilespmem:s17+$0x5500] =	vst v11;
	v8 =	vld [tilespmem:s17+$0xB750]  }
0x352: {  	[tilespmem:s17+$0x5510] =	vst v7;
	v7 =	vld [tilespmem:s17+$0xB760]  }
0x353: {  	[tilespmem:s17+$0x5520] =	vst v4  }
0x354: {  	[tilespmem:s17+$0x5530] =	vst v5  }
0x355: {  	[tilespmem:s17+$0x5540] =	vst v6  }
0x356: {  	[tilespmem:s17+$0x5550] =	vst v8  }
0x357: {  	s2 =	sadd.s32 $0x930, s18;
	s28 =	simm.s32 $0x0;
	[tilespmem:s17+$0x5560] =	vst v7  }
0x358: {  	[hbm4b:s2+s28] =	stream.linear.scatter [tilespmem:s5], [sflag:$0x4], $0x1880, $0x38;
	[tilespmem:$0x1F600] =	vst v63  }
0x359: {  	_ =	swait.ge [sflag:s6], $0x1880  }
0x35a: {  	[sflag:s6] =	ssyncset.done $0x0  }
0x35b: {  	s17 =	simm.s32 $0x0;
	[sflag:s6] =	ssyncadd.s32 $0xFFFFE780  }
0x35c: {  	v8 =	vld [tilespmem:s17+$0xCFF0]  }
0x35d: {  	v9 =	vld [tilespmem:s17+$0xCF80]  }
0x35e: {  	v7 =	vld [tilespmem:s17+$0xCF90]  }
0x35f: {  	v4 =	vld [tilespmem:s17+$0xCFA0]  }
0x360: {  	v5 =	vld [tilespmem:s17+$0xCFB0]  }
0x361: {  	v6 =	vld [tilespmem:s17+$0xCFC0];
	[tilespmem:s17+$0xBF0] =	vst v8  }
0x362: {  	s20 =	simm.s32 $0x0;
	s26 =	simm.s32 $0x200;
	[tilespmem:s17+$0xB80] =	vst v9;
	v8 =	vld [tilespmem:s17+$0xCFD0]  }
.LBB2_30:
0x363: {  	s2 =	sshra.s32 s26, $0x2;
	s20 =	sadd.s32 $0x8, s20;
	[tilespmem:s17+$0xB90] =	vst v7;
	v9 =	vld [tilespmem:s17+$0xCFE0]  }
0x364: {  	v10 =	vld [tilespmem:s2+$0xCFF0];
	p1 =	slt.u32 s20, $0x180;
	[tilespmem:s17+$0xBA0] =	vst v4  }
0x365: {  	v11 =	vld [tilespmem:s2+$0xCF80];
	[tilespmem:s17+$0xBB0] =	vst v5  }
.Ltmp14:
0x366: {  	v7 =	vld [tilespmem:s2+$0xCF90];
	[tilespmem:s17+$0xBC0] =	vst v6;
	(pc) =	sbr.rel @p1 .LBB2_30-.Ltmp14, $4  }
0x367: {  	v4 =	vld [tilespmem:s2+$0xCFA0];
	[tilespmem:s17+$0xBD0] =	vst v8  }
0x368: {  	v5 =	vld [tilespmem:s2+$0xCFB0];
	[tilespmem:s17+$0xBE0] =	vst v9;
	s17 =	smov.u32 s2  }
0x369: {  	v6 =	vld [tilespmem:s17+$0xCFC0];
	[tilespmem:s17+$0xBF0] =	vst v10  }
0x36a: {  	s26 =	sadd.s32 $0x200, s26;
	[tilespmem:s17+$0xB80] =	vst v11;
	v8 =	vld [tilespmem:s17+$0xCFD0]  }
0x36b: {  	[tilespmem:s17+$0xB90] =	vst v7;
	v7 =	vld [tilespmem:s17+$0xCFE0]  }
0x36c: {  	[tilespmem:s17+$0xBA0] =	vst v4  }
0x36d: {  	[tilespmem:s17+$0xBB0] =	vst v5  }
0x36e: {  	[tilespmem:s17+$0xBC0] =	vst v6  }
0x36f: {  	[tilespmem:s17+$0xBD0] =	vst v8  }
0x370: {  	s2 =	sadd.s32 s3, s19;
	s28 =	simm.s32 $0x0;
	[tilespmem:s17+$0xBE0] =	vst v7  }
0x371: {  	[hbm4b:s2+s28] =	stream.linear.scatter [tilespmem:s10], [sflag:$0x1], $0x1880, $0x38;
	[tilespmem:$0x1F600] =	vst v63  }
0x372: {  	_ =	swait.ge [sflag:s11], $0x1880  }
0x373: {  	[sflag:s11] =	ssyncset.done $0x0  }
0x374: {  	s17 =	simm.s32 $0x0;
	[sflag:s11] =	ssyncadd.s32 $0xFFFFE780  }
0x375: {  	v8 =	vld [tilespmem:s17+$0xE870]  }
0x376: {  	v9 =	vld [tilespmem:s17+$0xE800]  }
0x377: {  	v7 =	vld [tilespmem:s17+$0xE810]  }
0x378: {  	v4 =	vld [tilespmem:s17+$0xE820]  }
0x379: {  	v5 =	vld [tilespmem:s17+$0xE830]  }
0x37a: {  	v6 =	vld [tilespmem:s17+$0xE840];
	[tilespmem:s17+$0x2470] =	vst v8  }
0x37b: {  	s19 =	simm.s32 $0x0;
	s20 =	simm.s32 $0x200;
	[tilespmem:s17+$0x2400] =	vst v9;
	v8 =	vld [tilespmem:s17+$0xE850]  }
.LBB2_32:
0x37c: {  	s2 =	sshra.s32 s20, $0x2;
	s19 =	sadd.s32 $0x8, s19;
	[tilespmem:s17+$0x2410] =	vst v7;
	v9 =	vld [tilespmem:s17+$0xE860]  }
0x37d: {  	v10 =	vld [tilespmem:s2+$0xE870];
	p1 =	slt.u32 s19, $0x180;
	[tilespmem:s17+$0x2420] =	vst v4  }
0x37e: {  	v11 =	vld [tilespmem:s2+$0xE800];
	[tilespmem:s17+$0x2430] =	vst v5  }
.Ltmp15:
0x37f: {  	v7 =	vld [tilespmem:s2+$0xE810];
	[tilespmem:s17+$0x2440] =	vst v6;
	(pc) =	sbr.rel @p1 .LBB2_32-.Ltmp15, $4  }
0x380: {  	v4 =	vld [tilespmem:s2+$0xE820];
	[tilespmem:s17+$0x2450] =	vst v8  }
0x381: {  	v5 =	vld [tilespmem:s2+$0xE830];
	[tilespmem:s17+$0x2460] =	vst v9;
	s17 =	smov.u32 s2  }
0x382: {  	v6 =	vld [tilespmem:s17+$0xE840];
	[tilespmem:s17+$0x2470] =	vst v10  }
0x383: {  	s20 =	sadd.s32 $0x200, s20;
	[tilespmem:s17+$0x2400] =	vst v11;
	v8 =	vld [tilespmem:s17+$0xE850]  }
0x384: {  	[tilespmem:s17+$0x2410] =	vst v7;
	v7 =	vld [tilespmem:s17+$0xE860]  }
0x385: {  	[tilespmem:s17+$0x2420] =	vst v4  }
0x386: {  	[tilespmem:s17+$0x2430] =	vst v5  }
0x387: {  	[tilespmem:s17+$0x2440] =	vst v6  }
0x388: {  	[tilespmem:s17+$0x2450] =	vst v8  }
0x389: {  	s2 =	sadd.s32 $0xF50, s18;
	s28 =	simm.s32 $0x0;
	[tilespmem:s17+$0x2460] =	vst v7  }
0x38a: {  	[hbm4b:s2+s28] =	stream.linear.scatter [tilespmem:s14], [sflag:$0x2], $0x1880, $0x38;
	[tilespmem:$0x1F600] =	vst v63  }
0x38b: {  	_ =	swait.ge [sflag:s12], $0x1880  }
0x38c: {  	[sflag:s12] =	ssyncset.done $0x0  }
0x38d: {  	s17 =	simm.s32 $0x0;
	[sflag:s12] =	ssyncadd.s32 $0xFFFFE780  }
0x38e: {  	v8 =	vld [tilespmem:s17+$0x100F0]  }
0x38f: {  	v9 =	vld [tilespmem:s17+$0x10080]  }
0x390: {  	v7 =	vld [tilespmem:s17+$0x10090]  }
0x391: {  	v4 =	vld [tilespmem:s17+$0x100A0]  }
0x392: {  	v5 =	vld [tilespmem:s17+$0x100B0]  }
0x393: {  	v6 =	vld [tilespmem:s17+$0x100C0];
	[tilespmem:s17+$0x3CF0] =	vst v8  }
0x394: {  	s19 =	simm.s32 $0x0;
	s20 =	simm.s32 $0x200;
	[tilespmem:s17+$0x3C80] =	vst v9;
	v8 =	vld [tilespmem:s17+$0x100D0]  }
.LBB2_34:
0x395: {  	s2 =	sshra.s32 s20, $0x2;
	s19 =	sadd.s32 $0x8, s19;
	[tilespmem:s17+$0x3C90] =	vst v7;
	v9 =	vld [tilespmem:s17+$0x100E0]  }
0x396: {  	v10 =	vld [tilespmem:s2+$0x100F0];
	p1 =	slt.u32 s19, $0x180;
	[tilespmem:s17+$0x3CA0] =	vst v4  }
0x397: {  	v11 =	vld [tilespmem:s2+$0x10080];
	[tilespmem:s17+$0x3CB0] =	vst v5  }
.Ltmp16:
0x398: {  	v7 =	vld [tilespmem:s2+$0x10090];
	[tilespmem:s17+$0x3CC0] =	vst v6;
	(pc) =	sbr.rel @p1 .LBB2_34-.Ltmp16, $4  }
0x399: {  	v4 =	vld [tilespmem:s2+$0x100A0];
	[tilespmem:s17+$0x3CD0] =	vst v8  }
0x39a: {  	v5 =	vld [tilespmem:s2+$0x100B0];
	[tilespmem:s17+$0x3CE0] =	vst v9;
	s17 =	smov.u32 s2  }
0x39b: {  	v6 =	vld [tilespmem:s17+$0x100C0];
	[tilespmem:s17+$0x3CF0] =	vst v10  }
0x39c: {  	s20 =	sadd.s32 $0x200, s20;
	[tilespmem:s17+$0x3C80] =	vst v11;
	v8 =	vld [tilespmem:s17+$0x100D0]  }
0x39d: {  	[tilespmem:s17+$0x3C90] =	vst v7;
	v7 =	vld [tilespmem:s17+$0x100E0]  }
0x39e: {  	[tilespmem:s17+$0x3CA0] =	vst v4  }
0x39f: {  	[tilespmem:s17+$0x3CB0] =	vst v5  }
0x3a0: {  	[tilespmem:s17+$0x3CC0] =	vst v6  }
0x3a1: {  	[tilespmem:s17+$0x3CD0] =	vst v8  }
0x3a2: {  	s2 =	sadd.s32 s3, s8;
	s28 =	simm.s32 $0x0;
	[tilespmem:s17+$0x3CE0] =	vst v7  }
0x3a3: {  	[hbm4b:s2+s28] =	stream.linear.scatter [tilespmem:s4], [sflag:$0x3], $0x1880, $0x38;
	[tilespmem:$0x1F600] =	vst v63  }
0x3a4: {  	_ =	swait.ge [sflag:s13], $0x1880  }
0x3a5: {  	[sflag:s13] =	ssyncset.done $0x0  }
0x3a6: {  	s8 =	simm.s32 $0x0;
	[sflag:s13] =	ssyncadd.s32 $0xFFFFE780  }
0x3a7: {  	v8 =	vld [tilespmem:s8+$0x11970]  }
0x3a8: {  	v9 =	vld [tilespmem:s8+$0x11900]  }
0x3a9: {  	v7 =	vld [tilespmem:s8+$0x11910]  }
0x3aa: {  	v4 =	vld [tilespmem:s8+$0x11920]  }
0x3ab: {  	v5 =	vld [tilespmem:s8+$0x11930]  }
0x3ac: {  	v6 =	vld [tilespmem:s8+$0x11940];
	[tilespmem:s8+$0x5570] =	vst v8  }
0x3ad: {  	s19 =	simm.s32 $0x200;
	s17 =	simm.s32 $0x0;
	[tilespmem:s8+$0x5500] =	vst v9;
	v8 =	vld [tilespmem:s8+$0x11950]  }
.LBB2_36:
0x3ae: {  	s2 =	sshra.s32 s19, $0x2;
	s17 =	sadd.s32 $0x8, s17;
	[tilespmem:s8+$0x5510] =	vst v7;
	v9 =	vld [tilespmem:s8+$0x11960]  }
0x3af: {  	v10 =	vld [tilespmem:s2+$0x11970];
	p1 =	slt.u32 s17, $0x180;
	[tilespmem:s8+$0x5520] =	vst v4  }
0x3b0: {  	v11 =	vld [tilespmem:s2+$0x11900];
	[tilespmem:s8+$0x5530] =	vst v5  }
.Ltmp17:
0x3b1: {  	v7 =	vld [tilespmem:s2+$0x11910];
	[tilespmem:s8+$0x5540] =	vst v6;
	(pc) =	sbr.rel @p1 .LBB2_36-.Ltmp17, $4  }
0x3b2: {  	v4 =	vld [tilespmem:s2+$0x11920];
	[tilespmem:s8+$0x5550] =	vst v8  }
0x3b3: {  	v5 =	vld [tilespmem:s2+$0x11930];
	[tilespmem:s8+$0x5560] =	vst v9;
	s8 =	smov.u32 s2  }
0x3b4: {  	v6 =	vld [tilespmem:s8+$0x11940];
	[tilespmem:s8+$0x5570] =	vst v10  }
0x3b5: {  	s19 =	sadd.s32 $0x200, s19;
	[tilespmem:s8+$0x5500] =	vst v11;
	v8 =	vld [tilespmem:s8+$0x11950]  }
0x3b6: {  	[tilespmem:s8+$0x5510] =	vst v7;
	v63 =	vld [tilespmem:s8+$0x11960];
	s16 =	sadd.s32 $0x1, s16  }
0x3b7: {  	[tilespmem:s8+$0x5520] =	vst v4;
	p1 =	sne.s32 s16, $0x10  }
.Ltmp18:
0x3b8: {  	[tilespmem:s8+$0x5530] =	vst v5;
	(pc) =	sbr.rel @p1 .LBB2_21-.Ltmp18, $4  }
0x3b9: {  	[tilespmem:s8+$0x5540] =	vst v6  }
0x3ba: {  	[tilespmem:s8+$0x5550] =	vst v8  }
0x3bb: {  	s2 =	sadd.s32 $0x1570, s18;
	[tilespmem:s8+$0x5560] =	vst v63  }
0x3bc: {  	[hbm4b:s2+s9] =	stream.linear.scatter [tilespmem:s5], [sflag:$0x4], $0x1880, $0x38;
	[tilespmem:$0x1F600] =	vst v63  }
0x3bd: {  	_ =	swait.ge [sflag:s6], $0x1880  }
0x3be: {  	[sflag:s6] =	ssyncset.done $0x0  }
0x3bf: {  	[sflag:s6] =	ssyncadd.s32 $0xFFFFE780  }
0x3c0: {  	_ =	swait.ge [sflag:s11], $0x1880  }
0x3c1: {  	[sflag:s11] =	ssyncset.done $0x0  }
0x3c2: {  	[sflag:s11] =	ssyncadd.s32 $0xFFFFE780  }
0x3c3: {  	_ =	swait.ge [sflag:s12], $0x1880  }
0x3c4: {  	[sflag:s12] =	ssyncset.done $0x0  }
0x3c5: {  	[sflag:s12] =	ssyncadd.s32 $0xFFFFE780  }
0x3c6: {  	_ =	swait.ge [sflag:s13], $0x1880  }
0x3c7: {  	[sflag:s13] =	ssyncset.done $0x0  }
0x3c8: {  	s16 =	simm.s32 $0x0;
	s2 =	rddreg [dreg:$0x18];
	[sflag:s13] =	ssyncadd.s32 $0xFFFFE780  }
0x3c9: {  	[tilespmem:s15], [sflag:$0x9] =	stream.linear.gather [hbm4b:s2+s16], $0xC400, $0x38;
	[tilespmem:$0x1F600] =	vst v63  }
0x3ca: {  	_ =	swait.ge [sflag:s31], $0xC400  }
0x3cb: {  	[sflag:s31] =	ssyncset.done $0x0  }
0x3cc: {  	[sflag:s31] =	ssyncadd.s32 $0xFFFF3C00  }
0x3cd: {  	[tilespmem:$0x13180] =	vst v2  }
.LBB2_39:
0x3ce: {  	s2 =	rddreg [dreg:$0x12]  }
0x3cf: {  	s2 =	sadd.s32 s2, s16  }
0x3d0: {  	s2 =	smul.u32 $0xC400, s2;
	_ =	sdelay $0x1  }
0x3d1: {  	s17 =	sshrl.u32 s2, $0x3  }
0x3d2: {  	s2 =	sadd.s32 s1, s17;
	s20 =	sadd.s32 $0x620, s17  }
0x3d3: {  	[tilespmem:s30], [sflag:$0x5] =	stream.linear.gather [hbm4b:s2+s9], $0x3100, $0x38;
	[tilespmem:$0x1F600] =	vst v63  }
0x3d4: {  	s8 =	simm.s32 $0x9E80;
	s19 =	sadd.s32 $0xC40, s17;
	s29 =	sadd.s32 s1, s20  }
0x3d5: {  	[tilespmem:s8], [sflag:$0x6] =	stream.linear.gather [hbm4b:s29+s9], $0x3100, $0x38;
	[tilespmem:$0x1F600] =	vst v63  }
0x3d6: {  	s18 =	simm.s32 $0xCF80;
	s8 =	sadd.s32 s1, s19  }
0x3d7: {  	[tilespmem:s18], [sflag:$0x7] =	stream.linear.gather [hbm4b:s8+s9], $0x3100, $0x38;
	[tilespmem:$0x1F600] =	vst v63  }
0x3d8: {  	s8 =	sadd.s32 $0x1260, s17  }
0x3d9: {  	s18 =	simm.s32 $0x10080;
	s26 =	sadd.s32 s1, s8  }
0x3da: {  	[tilespmem:s18], [sflag:$0x8] =	stream.linear.gather [hbm4b:s26+s9], $0x3100, $0x38;
	[tilespmem:$0x1F600] =	vst v63  }
0x3db: {  	_ =	swait.ge [sflag:s25], $0x3100  }
0x3dc: {  	[sflag:s25] =	ssyncset.done $0x0  }
0x3dd: {  	[sflag:s25] =	ssyncadd.s32 $0xFFFFCF00  }
0x3de: {  	_ =	swait.ge [sflag:s21], $0x3100  }
0x3df: {  	[sflag:s21] =	ssyncset.done $0x0  }
0x3e0: {  	[sflag:s21] =	ssyncadd.s32 $0xFFFFCF00  }
0x3e1: {  	_ =	swait.ge [sflag:s22], $0x3100  }
0x3e2: {  	[sflag:s22] =	ssyncset.done $0x0  }
0x3e3: {  	[sflag:s22] =	ssyncadd.s32 $0xFFFFCF00  }
0x3e4: {  	_ =	swait.ge [sflag:s7], $0x3100  }
0x3e5: {  	p1 =	seq.s32 s16, $0x0;
	[sflag:s7] =	ssyncset.done $0x0  }
0x3e6: {  	s2 =	simm.s32 @!p1 $0x1;
	[sflag:s7] =	ssyncadd.s32 $0xFFFFCF00  }
0x3e7: {  	_ =	swait.ge @!p1 [sflag:s2], $0x1880  }
0x3e8: {  	[sflag:s2] =	ssyncset.done @!p1 $0x0  }
0x3e9: {  	s29 =	simm.s32 $0x6DC0;
	[sflag:s2] =	ssyncadd.s32 @!p1 $0xFFFFE780  }
0x3ea: {  	v7 =	vld [tilespmem:s29+$0x30]  }
0x3eb: {  	v8 =	vld [tilespmem:s29+$0xFFFFFFD0]  }
0x3ec: {  	v9 =	vld [tilespmem:s29+$0xFFFFFFE0]  }
0x3ed: {  	v4 =	vld [tilespmem:s29+$0xFFFFFFF0]  }
0x3ee: {  	s18 =	simm.s32 $0xBC0;
	v5 =	vld [tilespmem:s29+$0x0]  }
0x3ef: {  	v6 =	vld [tilespmem:s29+$0x10];
	[tilespmem:s18+$0x30] =	vst v7  }
0x3f0: {  	[tilespmem:s18+$0xFFFFFFD0] =	vst v8;
	v7 =	vld [tilespmem:s29+$0x20]  }
0x3f1: {  	s28 =	simm.s32 $0x6E40;
	s26 =	simm.s32 $0x0;
	v8 =	vld [tilespmem:s29+$0xFFFFFFC0];
	[tilespmem:s18+$0xFFFFFFE0] =	vst v9  }
.LBB2_40:
0x3f2: {  	v9 =	vld [tilespmem:s28+$0x30];
	s26 =	sadd.s32 $0x8, s26;
	[tilespmem:s18+$0xFFFFFFF0] =	vst v4  }
0x3f3: {  	v10 =	vld [tilespmem:s28+$0xFFFFFFD0];
	p2 =	slt.u32 s26, $0x180;
	[tilespmem:s18+$0x0] =	vst v5  }
0x3f4: {  	v11 =	vld [tilespmem:s28+$0xFFFFFFE0];
	[tilespmem:s18+$0x10] =	vst v6  }
.Ltmp19:
0x3f5: {  	v4 =	vld [tilespmem:s28+$0xFFFFFFF0];
	[tilespmem:s18+$0x20] =	vst v7;
	(pc) =	sbr.rel @p2 .LBB2_40-.Ltmp19, $4  }
0x3f6: {  	v5 =	vld [tilespmem:s28+$0x0];
	[tilespmem:s18+$0xFFFFFFC0] =	vst v8;
	s18 =	sadd.s32 $0x80, s18  }
0x3f7: {  	v6 =	vld [tilespmem:s28+$0x10];
	[tilespmem:s18+$0x30] =	vst v9  }
0x3f8: {  	[tilespmem:s18+$0xFFFFFFD0] =	vst v10;
	v7 =	vld [tilespmem:s28+$0x20]  }
0x3f9: {  	v8 =	vld [tilespmem:s28+$0xFFFFFFC0];
	[tilespmem:s18+$0xFFFFFFE0] =	vst v11;
	s28 =	sadd.s32 $0x80, s28  }
0x3fa: {  	[tilespmem:s18+$0xFFFFFFF0] =	vst v4  }
0x3fb: {  	[tilespmem:s18+$0x0] =	vst v5  }
0x3fc: {  	[tilespmem:s18+$0x10] =	vst v6  }
0x3fd: {  	[tilespmem:s18+$0x20] =	vst v7  }
0x3fe: {  	s2 =	simm.s32 @!p1 $0x2;
	[tilespmem:s18+$0xFFFFFFC0] =	vst v8;
	s18 =	sadd.s32 s3, s17  }
0x3ff: {  	[hbm4b:s18+s9] =	stream.linear.scatter [tilespmem:s10], [sflag:$0x1], $0x1880, $0x38;
	[tilespmem:$0x1F600] =	vst v63  }
0x400: {  	_ =	swait.ge @!p1 [sflag:s2], $0x1880  }
0x401: {  	[sflag:s2] =	ssyncset.done @!p1 $0x0  }
0x402: {  	s29 =	simm.s32 $0x8670;
	[sflag:s2] =	ssyncadd.s32 @!p1 $0xFFFFE780  }
0x403: {  	v7 =	vld [tilespmem:s29+$0x0]  }
0x404: {  	v8 =	vld [tilespmem:s29+$0xFFFFFFA0]  }
0x405: {  	v9 =	vld [tilespmem:s29+$0xFFFFFFB0]  }
0x406: {  	v4 =	vld [tilespmem:s29+$0xFFFFFFC0]  }
0x407: {  	s17 =	simm.s32 $0x2470;
	v5 =	vld [tilespmem:s29+$0xFFFFFFD0]  }
0x408: {  	v6 =	vld [tilespmem:s29+$0xFFFFFFE0];
	[tilespmem:s17+$0x0] =	vst v7  }
0x409: {  	[tilespmem:s17+$0xFFFFFFA0] =	vst v8;
	v7 =	vld [tilespmem:s29+$0xFFFFFFF0]  }
0x40a: {  	s26 =	simm.s32 $0x0;
	s28 =	simm.s32 $0x86F0;
	v8 =	vld [tilespmem:s29+$0xFFFFFF90];
	[tilespmem:s17+$0xFFFFFFB0] =	vst v9  }
.LBB2_42:
0x40b: {  	v9 =	vld [tilespmem:s28+$0x0];
	s26 =	sadd.s32 $0x8, s26;
	[tilespmem:s17+$0xFFFFFFC0] =	vst v4  }
0x40c: {  	v10 =	vld [tilespmem:s28+$0xFFFFFFA0];
	p2 =	slt.u32 s26, $0x180;
	[tilespmem:s17+$0xFFFFFFD0] =	vst v5  }
0x40d: {  	v11 =	vld [tilespmem:s28+$0xFFFFFFB0];
	[tilespmem:s17+$0xFFFFFFE0] =	vst v6  }
.Ltmp20:
0x40e: {  	v4 =	vld [tilespmem:s28+$0xFFFFFFC0];
	[tilespmem:s17+$0xFFFFFFF0] =	vst v7;
	(pc) =	sbr.rel @p2 .LBB2_42-.Ltmp20, $4  }
0x40f: {  	v5 =	vld [tilespmem:s28+$0xFFFFFFD0];
	[tilespmem:s17+$0xFFFFFF90] =	vst v8;
	s17 =	sadd.s32 $0x80, s17  }
0x410: {  	v6 =	vld [tilespmem:s28+$0xFFFFFFE0];
	[tilespmem:s17+$0x0] =	vst v9  }
0x411: {  	[tilespmem:s17+$0xFFFFFFA0] =	vst v10;
	v7 =	vld [tilespmem:s28+$0xFFFFFFF0]  }
0x412: {  	v8 =	vld [tilespmem:s28+$0xFFFFFF90];
	[tilespmem:s17+$0xFFFFFFB0] =	vst v11;
	s28 =	sadd.s32 $0x80, s28  }
0x413: {  	[tilespmem:s17+$0xFFFFFFC0] =	vst v4  }
0x414: {  	[tilespmem:s17+$0xFFFFFFD0] =	vst v5  }
0x415: {  	[tilespmem:s17+$0xFFFFFFE0] =	vst v6  }
0x416: {  	[tilespmem:s17+$0xFFFFFFF0] =	vst v7  }
0x417: {  	s2 =	sadd.s32 $0x310, s18;
	[tilespmem:s17+$0xFFFFFF90] =	vst v8  }
0x418: {  	[hbm4b:s2+s9] =	stream.linear.scatter [tilespmem:s14], [sflag:$0x2], $0x1880, $0x38;
	[tilespmem:$0x1F600] =	vst v63  }
0x419: {  	s2 =	simm.s32 @!p1 $0x3  }
0x41a: {  	_ =	swait.ge @!p1 [sflag:s2], $0x1880  }
0x41b: {  	[sflag:s2] =	ssyncset.done @!p1 $0x0  }
0x41c: {  	s29 =	simm.s32 $0x9EF0;
	[sflag:s2] =	ssyncadd.s32 @!p1 $0xFFFFE780  }
0x41d: {  	v7 =	vld [tilespmem:s29+$0x0]  }
0x41e: {  	v8 =	vld [tilespmem:s29+$0xFFFFFFA0]  }
0x41f: {  	v9 =	vld [tilespmem:s29+$0xFFFFFFB0]  }
0x420: {  	v4 =	vld [tilespmem:s29+$0xFFFFFFC0]  }
0x421: {  	s17 =	simm.s32 $0x3CF0;
	v5 =	vld [tilespmem:s29+$0xFFFFFFD0]  }
0x422: {  	v6 =	vld [tilespmem:s29+$0xFFFFFFE0];
	[tilespmem:s17+$0x0] =	vst v7  }
0x423: {  	[tilespmem:s17+$0xFFFFFFA0] =	vst v8;
	v7 =	vld [tilespmem:s29+$0xFFFFFFF0]  }
0x424: {  	s26 =	simm.s32 $0x0;
	s28 =	simm.s32 $0x9F70;
	v8 =	vld [tilespmem:s29+$0xFFFFFF90];
	[tilespmem:s17+$0xFFFFFFB0] =	vst v9  }
.LBB2_44:
0x425: {  	v9 =	vld [tilespmem:s28+$0x0];
	s26 =	sadd.s32 $0x8, s26;
	[tilespmem:s17+$0xFFFFFFC0] =	vst v4  }
0x426: {  	v10 =	vld [tilespmem:s28+$0xFFFFFFA0];
	p2 =	slt.u32 s26, $0x180;
	[tilespmem:s17+$0xFFFFFFD0] =	vst v5  }
0x427: {  	v11 =	vld [tilespmem:s28+$0xFFFFFFB0];
	[tilespmem:s17+$0xFFFFFFE0] =	vst v6  }
.Ltmp21:
0x428: {  	v4 =	vld [tilespmem:s28+$0xFFFFFFC0];
	[tilespmem:s17+$0xFFFFFFF0] =	vst v7;
	(pc) =	sbr.rel @p2 .LBB2_44-.Ltmp21, $4  }
0x429: {  	v5 =	vld [tilespmem:s28+$0xFFFFFFD0];
	[tilespmem:s17+$0xFFFFFF90] =	vst v8;
	s17 =	sadd.s32 $0x80, s17  }
0x42a: {  	v6 =	vld [tilespmem:s28+$0xFFFFFFE0];
	[tilespmem:s17+$0x0] =	vst v9  }
0x42b: {  	[tilespmem:s17+$0xFFFFFFA0] =	vst v10;
	v7 =	vld [tilespmem:s28+$0xFFFFFFF0]  }
0x42c: {  	v8 =	vld [tilespmem:s28+$0xFFFFFF90];
	[tilespmem:s17+$0xFFFFFFB0] =	vst v11;
	s28 =	sadd.s32 $0x80, s28  }
0x42d: {  	[tilespmem:s17+$0xFFFFFFC0] =	vst v4  }
0x42e: {  	[tilespmem:s17+$0xFFFFFFD0] =	vst v5  }
0x42f: {  	[tilespmem:s17+$0xFFFFFFE0] =	vst v6  }
0x430: {  	[tilespmem:s17+$0xFFFFFFF0] =	vst v7  }
0x431: {  	s2 =	sadd.s32 s3, s20;
	[tilespmem:s17+$0xFFFFFF90] =	vst v8  }
0x432: {  	[hbm4b:s2+s9] =	stream.linear.scatter [tilespmem:s4], [sflag:$0x3], $0x1880, $0x38;
	[tilespmem:$0x1F600] =	vst v63  }
0x433: {  	s2 =	simm.s32 @!p1 $0x4  }
0x434: {  	_ =	swait.ge @!p1 [sflag:s2], $0x1880  }
0x435: {  	[sflag:s2] =	ssyncset.done @!p1 $0x0  }
0x436: {  	s17 =	simm.s32 $0x0;
	[sflag:s2] =	ssyncadd.s32 @!p1 $0xFFFFE780  }
0x437: {  	v8 =	vld [tilespmem:s17+$0xB770]  }
0x438: {  	v9 =	vld [tilespmem:s17+$0xB700]  }
0x439: {  	v7 =	vld [tilespmem:s17+$0xB710]  }
0x43a: {  	v4 =	vld [tilespmem:s17+$0xB720]  }
0x43b: {  	v5 =	vld [tilespmem:s17+$0xB730]  }
0x43c: {  	v6 =	vld [tilespmem:s17+$0xB740];
	[tilespmem:s17+$0x5570] =	vst v8  }
0x43d: {  	s20 =	simm.s32 $0x0;
	s26 =	simm.s32 $0x200;
	[tilespmem:s17+$0x5500] =	vst v9;
	v8 =	vld [tilespmem:s17+$0xB750]  }
.LBB2_46:
0x43e: {  	s2 =	sshra.s32 s26, $0x2;
	s20 =	sadd.s32 $0x8, s20;
	[tilespmem:s17+$0x5510] =	vst v7;
	v9 =	vld [tilespmem:s17+$0xB760]  }
0x43f: {  	v10 =	vld [tilespmem:s2+$0xB770];
	p1 =	slt.u32 s20, $0x180;
	[tilespmem:s17+$0x5520] =	vst v4  }
0x440: {  	v11 =	vld [tilespmem:s2+$0xB700];
	[tilespmem:s17+$0x5530] =	vst v5  }
.Ltmp22:
0x441: {  	v7 =	vld [tilespmem:s2+$0xB710];
	[tilespmem:s17+$0x5540] =	vst v6;
	(pc) =	sbr.rel @p1 .LBB2_46-.Ltmp22, $4  }
0x442: {  	v4 =	vld [tilespmem:s2+$0xB720];
	[tilespmem:s17+$0x5550] =	vst v8  }
0x443: {  	v5 =	vld [tilespmem:s2+$0xB730];
	[tilespmem:s17+$0x5560] =	vst v9;
	s17 =	smov.u32 s2  }
0x444: {  	v6 =	vld [tilespmem:s17+$0xB740];
	[tilespmem:s17+$0x5570] =	vst v10  }
0x445: {  	s26 =	sadd.s32 $0x200, s26;
	[tilespmem:s17+$0x5500] =	vst v11;
	v8 =	vld [tilespmem:s17+$0xB750]  }
0x446: {  	[tilespmem:s17+$0x5510] =	vst v7;
	v7 =	vld [tilespmem:s17+$0xB760]  }
0x447: {  	[tilespmem:s17+$0x5520] =	vst v4  }
0x448: {  	[tilespmem:s17+$0x5530] =	vst v5  }
0x449: {  	[tilespmem:s17+$0x5540] =	vst v6  }
0x44a: {  	[tilespmem:s17+$0x5550] =	vst v8  }
0x44b: {  	s2 =	sadd.s32 $0x930, s18;
	s29 =	simm.s32 $0x0;
	[tilespmem:s17+$0x5560] =	vst v7  }
0x44c: {  	[hbm4b:s2+s29] =	stream.linear.scatter [tilespmem:s5], [sflag:$0x4], $0x1880, $0x38;
	[tilespmem:$0x1F600] =	vst v63  }
0x44d: {  	_ =	swait.ge [sflag:s6], $0x1880  }
0x44e: {  	[sflag:s6] =	ssyncset.done $0x0  }
0x44f: {  	s17 =	simm.s32 $0x0;
	[sflag:s6] =	ssyncadd.s32 $0xFFFFE780  }
0x450: {  	v8 =	vld [tilespmem:s17+$0xCFF0]  }
0x451: {  	v9 =	vld [tilespmem:s17+$0xCF80]  }
0x452: {  	v7 =	vld [tilespmem:s17+$0xCF90]  }
0x453: {  	v4 =	vld [tilespmem:s17+$0xCFA0]  }
0x454: {  	v5 =	vld [tilespmem:s17+$0xCFB0]  }
0x455: {  	v6 =	vld [tilespmem:s17+$0xCFC0];
	[tilespmem:s17+$0xBF0] =	vst v8  }
0x456: {  	s20 =	simm.s32 $0x0;
	s26 =	simm.s32 $0x200;
	[tilespmem:s17+$0xB80] =	vst v9;
	v8 =	vld [tilespmem:s17+$0xCFD0]  }
.LBB2_48:
0x457: {  	s2 =	sshra.s32 s26, $0x2;
	s20 =	sadd.s32 $0x8, s20;
	[tilespmem:s17+$0xB90] =	vst v7;
	v9 =	vld [tilespmem:s17+$0xCFE0]  }
0x458: {  	v10 =	vld [tilespmem:s2+$0xCFF0];
	p1 =	slt.u32 s20, $0x180;
	[tilespmem:s17+$0xBA0] =	vst v4  }
0x459: {  	v11 =	vld [tilespmem:s2+$0xCF80];
	[tilespmem:s17+$0xBB0] =	vst v5  }
.Ltmp23:
0x45a: {  	v7 =	vld [tilespmem:s2+$0xCF90];
	[tilespmem:s17+$0xBC0] =	vst v6;
	(pc) =	sbr.rel @p1 .LBB2_48-.Ltmp23, $4  }
0x45b: {  	v4 =	vld [tilespmem:s2+$0xCFA0];
	[tilespmem:s17+$0xBD0] =	vst v8  }
0x45c: {  	v5 =	vld [tilespmem:s2+$0xCFB0];
	[tilespmem:s17+$0xBE0] =	vst v9;
	s17 =	smov.u32 s2  }
0x45d: {  	v6 =	vld [tilespmem:s17+$0xCFC0];
	[tilespmem:s17+$0xBF0] =	vst v10  }
0x45e: {  	s26 =	sadd.s32 $0x200, s26;
	[tilespmem:s17+$0xB80] =	vst v11;
	v8 =	vld [tilespmem:s17+$0xCFD0]  }
0x45f: {  	[tilespmem:s17+$0xB90] =	vst v7;
	v7 =	vld [tilespmem:s17+$0xCFE0]  }
0x460: {  	[tilespmem:s17+$0xBA0] =	vst v4  }
0x461: {  	[tilespmem:s17+$0xBB0] =	vst v5  }
0x462: {  	[tilespmem:s17+$0xBC0] =	vst v6  }
0x463: {  	[tilespmem:s17+$0xBD0] =	vst v8  }
0x464: {  	s2 =	sadd.s32 s3, s19;
	s29 =	simm.s32 $0x0;
	[tilespmem:s17+$0xBE0] =	vst v7  }
0x465: {  	[hbm4b:s2+s29] =	stream.linear.scatter [tilespmem:s10], [sflag:$0x1], $0x1880, $0x38;
	[tilespmem:$0x1F600] =	vst v63  }
0x466: {  	_ =	swait.ge [sflag:s11], $0x1880  }
0x467: {  	[sflag:s11] =	ssyncset.done $0x0  }
0x468: {  	s17 =	simm.s32 $0x0;
	[sflag:s11] =	ssyncadd.s32 $0xFFFFE780  }
0x469: {  	v8 =	vld [tilespmem:s17+$0xE870]  }
0x46a: {  	v9 =	vld [tilespmem:s17+$0xE800]  }
0x46b: {  	v7 =	vld [tilespmem:s17+$0xE810]  }
0x46c: {  	v4 =	vld [tilespmem:s17+$0xE820]  }
0x46d: {  	v5 =	vld [tilespmem:s17+$0xE830]  }
0x46e: {  	v6 =	vld [tilespmem:s17+$0xE840];
	[tilespmem:s17+$0x2470] =	vst v8  }
0x46f: {  	s19 =	simm.s32 $0x0;
	s20 =	simm.s32 $0x200;
	[tilespmem:s17+$0x2400] =	vst v9;
	v8 =	vld [tilespmem:s17+$0xE850]  }
.LBB2_50:
0x470: {  	s2 =	sshra.s32 s20, $0x2;
	s19 =	sadd.s32 $0x8, s19;
	[tilespmem:s17+$0x2410] =	vst v7;
	v9 =	vld [tilespmem:s17+$0xE860]  }
0x471: {  	v10 =	vld [tilespmem:s2+$0xE870];
	p1 =	slt.u32 s19, $0x180;
	[tilespmem:s17+$0x2420] =	vst v4  }
0x472: {  	v11 =	vld [tilespmem:s2+$0xE800];
	[tilespmem:s17+$0x2430] =	vst v5  }
.Ltmp24:
0x473: {  	v7 =	vld [tilespmem:s2+$0xE810];
	[tilespmem:s17+$0x2440] =	vst v6;
	(pc) =	sbr.rel @p1 .LBB2_50-.Ltmp24, $4  }
0x474: {  	v4 =	vld [tilespmem:s2+$0xE820];
	[tilespmem:s17+$0x2450] =	vst v8  }
0x475: {  	v5 =	vld [tilespmem:s2+$0xE830];
	[tilespmem:s17+$0x2460] =	vst v9;
	s17 =	smov.u32 s2  }
0x476: {  	v6 =	vld [tilespmem:s17+$0xE840];
	[tilespmem:s17+$0x2470] =	vst v10  }
0x477: {  	s20 =	sadd.s32 $0x200, s20;
	[tilespmem:s17+$0x2400] =	vst v11;
	v8 =	vld [tilespmem:s17+$0xE850]  }
0x478: {  	[tilespmem:s17+$0x2410] =	vst v7;
	v7 =	vld [tilespmem:s17+$0xE860]  }
0x479: {  	[tilespmem:s17+$0x2420] =	vst v4  }
0x47a: {  	[tilespmem:s17+$0x2430] =	vst v5  }
0x47b: {  	[tilespmem:s17+$0x2440] =	vst v6  }
0x47c: {  	[tilespmem:s17+$0x2450] =	vst v8  }
0x47d: {  	s2 =	sadd.s32 $0xF50, s18;
	s29 =	simm.s32 $0x0;
	[tilespmem:s17+$0x2460] =	vst v7  }
0x47e: {  	[hbm4b:s2+s29] =	stream.linear.scatter [tilespmem:s14], [sflag:$0x2], $0x1880, $0x38;
	[tilespmem:$0x1F600] =	vst v63  }
0x47f: {  	_ =	swait.ge [sflag:s12], $0x1880  }
0x480: {  	[sflag:s12] =	ssyncset.done $0x0  }
0x481: {  	s17 =	simm.s32 $0x0;
	[sflag:s12] =	ssyncadd.s32 $0xFFFFE780  }
0x482: {  	v8 =	vld [tilespmem:s17+$0x100F0]  }
0x483: {  	v9 =	vld [tilespmem:s17+$0x10080]  }
0x484: {  	v7 =	vld [tilespmem:s17+$0x10090]  }
0x485: {  	v4 =	vld [tilespmem:s17+$0x100A0]  }
0x486: {  	v5 =	vld [tilespmem:s17+$0x100B0]  }
0x487: {  	v6 =	vld [tilespmem:s17+$0x100C0];
	[tilespmem:s17+$0x3CF0] =	vst v8  }
0x488: {  	s19 =	simm.s32 $0x0;
	s20 =	simm.s32 $0x200;
	[tilespmem:s17+$0x3C80] =	vst v9;
	v8 =	vld [tilespmem:s17+$0x100D0]  }
.LBB2_52:
0x489: {  	s2 =	sshra.s32 s20, $0x2;
	s19 =	sadd.s32 $0x8, s19;
	[tilespmem:s17+$0x3C90] =	vst v7;
	v9 =	vld [tilespmem:s17+$0x100E0]  }
0x48a: {  	v10 =	vld [tilespmem:s2+$0x100F0];
	p1 =	slt.u32 s19, $0x180;
	[tilespmem:s17+$0x3CA0] =	vst v4  }
0x48b: {  	v11 =	vld [tilespmem:s2+$0x10080];
	[tilespmem:s17+$0x3CB0] =	vst v5  }
.Ltmp25:
0x48c: {  	v7 =	vld [tilespmem:s2+$0x10090];
	[tilespmem:s17+$0x3CC0] =	vst v6;
	(pc) =	sbr.rel @p1 .LBB2_52-.Ltmp25, $4  }
0x48d: {  	v4 =	vld [tilespmem:s2+$0x100A0];
	[tilespmem:s17+$0x3CD0] =	vst v8  }
0x48e: {  	v5 =	vld [tilespmem:s2+$0x100B0];
	[tilespmem:s17+$0x3CE0] =	vst v9;
	s17 =	smov.u32 s2  }
0x48f: {  	v6 =	vld [tilespmem:s17+$0x100C0];
	[tilespmem:s17+$0x3CF0] =	vst v10  }
0x490: {  	s20 =	sadd.s32 $0x200, s20;
	[tilespmem:s17+$0x3C80] =	vst v11;
	v8 =	vld [tilespmem:s17+$0x100D0]  }
0x491: {  	[tilespmem:s17+$0x3C90] =	vst v7;
	v7 =	vld [tilespmem:s17+$0x100E0]  }
0x492: {  	[tilespmem:s17+$0x3CA0] =	vst v4  }
0x493: {  	[tilespmem:s17+$0x3CB0] =	vst v5  }
0x494: {  	[tilespmem:s17+$0x3CC0] =	vst v6  }
0x495: {  	[tilespmem:s17+$0x3CD0] =	vst v8  }
0x496: {  	s2 =	sadd.s32 s3, s8;
	s29 =	simm.s32 $0x0;
	[tilespmem:s17+$0x3CE0] =	vst v7  }
0x497: {  	[hbm4b:s2+s29] =	stream.linear.scatter [tilespmem:s4], [sflag:$0x3], $0x1880, $0x38;
	[tilespmem:$0x1F600] =	vst v63  }
0x498: {  	_ =	swait.ge [sflag:s13], $0x1880  }
0x499: {  	[sflag:s13] =	ssyncset.done $0x0  }
0x49a: {  	s8 =	simm.s32 $0x0;
	[sflag:s13] =	ssyncadd.s32 $0xFFFFE780  }
0x49b: {  	v8 =	vld [tilespmem:s8+$0x11970]  }
0x49c: {  	v9 =	vld [tilespmem:s8+$0x11900]  }
0x49d: {  	v7 =	vld [tilespmem:s8+$0x11910]  }
0x49e: {  	v4 =	vld [tilespmem:s8+$0x11920]  }
0x49f: {  	v5 =	vld [tilespmem:s8+$0x11930]  }
0x4a0: {  	v6 =	vld [tilespmem:s8+$0x11940];
	[tilespmem:s8+$0x5570] =	vst v8  }
0x4a1: {  	s19 =	simm.s32 $0x200;
	s17 =	simm.s32 $0x0;
	[tilespmem:s8+$0x5500] =	vst v9;
	v8 =	vld [tilespmem:s8+$0x11950]  }
.LBB2_54:
0x4a2: {  	s2 =	sshra.s32 s19, $0x2;
	s17 =	sadd.s32 $0x8, s17;
	[tilespmem:s8+$0x5510] =	vst v7;
	v9 =	vld [tilespmem:s8+$0x11960]  }
0x4a3: {  	v10 =	vld [tilespmem:s2+$0x11970];
	p1 =	slt.u32 s17, $0x180;
	[tilespmem:s8+$0x5520] =	vst v4  }
0x4a4: {  	v11 =	vld [tilespmem:s2+$0x11900];
	[tilespmem:s8+$0x5530] =	vst v5  }
.Ltmp26:
0x4a5: {  	v7 =	vld [tilespmem:s2+$0x11910];
	[tilespmem:s8+$0x5540] =	vst v6;
	(pc) =	sbr.rel @p1 .LBB2_54-.Ltmp26, $4  }
0x4a6: {  	v4 =	vld [tilespmem:s2+$0x11920];
	[tilespmem:s8+$0x5550] =	vst v8  }
0x4a7: {  	v5 =	vld [tilespmem:s2+$0x11930];
	[tilespmem:s8+$0x5560] =	vst v9;
	s8 =	smov.u32 s2  }
0x4a8: {  	v6 =	vld [tilespmem:s8+$0x11940];
	[tilespmem:s8+$0x5570] =	vst v10  }
0x4a9: {  	s19 =	sadd.s32 $0x200, s19;
	[tilespmem:s8+$0x5500] =	vst v11;
	v8 =	vld [tilespmem:s8+$0x11950]  }
0x4aa: {  	[tilespmem:s8+$0x5510] =	vst v7;
	v63 =	vld [tilespmem:s8+$0x11960];
	s16 =	sadd.s32 $0x1, s16  }
0x4ab: {  	[tilespmem:s8+$0x5520] =	vst v4;
	p1 =	sne.s32 s16, $0x10  }
.Ltmp27:
0x4ac: {  	[tilespmem:s8+$0x5530] =	vst v5;
	(pc) =	sbr.rel @p1 .LBB2_39-.Ltmp27, $4  }
0x4ad: {  	[tilespmem:s8+$0x5540] =	vst v6  }
0x4ae: {  	[tilespmem:s8+$0x5550] =	vst v8  }
0x4af: {  	s2 =	sadd.s32 $0x1570, s18;
	[tilespmem:s8+$0x5560] =	vst v63  }
0x4b0: {  	[hbm4b:s2+s9] =	stream.linear.scatter [tilespmem:s5], [sflag:$0x4], $0x1880, $0x38;
	[tilespmem:$0x1F600] =	vst v63  }
0x4b1: {  	_ =	swait.ge [sflag:s6], $0x1880  }
0x4b2: {  	[sflag:s6] =	ssyncset.done $0x0  }
0x4b3: {  	[sflag:s6] =	ssyncadd.s32 $0xFFFFE780  }
0x4b4: {  	_ =	swait.ge [sflag:s11], $0x1880  }
0x4b5: {  	[sflag:s11] =	ssyncset.done $0x0  }
0x4b6: {  	[sflag:s11] =	ssyncadd.s32 $0xFFFFE780  }
0x4b7: {  	_ =	swait.ge [sflag:s12], $0x1880  }
0x4b8: {  	[sflag:s12] =	ssyncset.done $0x0  }
0x4b9: {  	[sflag:s12] =	ssyncadd.s32 $0xFFFFE780  }
0x4ba: {  	_ =	swait.ge [sflag:s13], $0x1880  }
0x4bb: {  	s8 =	rddreg [dreg:$0x1c]  }
0x4bc: {  	s2 =	rddreg [dreg:$0x16];
	s8 =	sadd.s32 $0x1, s8  }
0x4bd: {  	p1 =	sne.s32 s8, s2  }
.Ltmp28:
0x4be: {  	_ = 	snop;
	(pc) =	sbr.rel @p1 .LBB2_1-.Ltmp28, $4  }
0x4bf: {  	_ = 	snop  }
0x4c0: {  	[sflag:s13] =	ssyncset.done $0x0  }
0x4c1: {  	[sflag:s13] =	ssyncadd.s32 $0xFFFFE780  }
0x4c2: {  	s2 =	rddreg [dreg:$0x6]  }
0x4c3: {  	_ =	sfence.sel $0x180000  }
0x4c4: {  	[bflag:$0x0] =	sbarrier.arrive $0xFFFF  }
0x4c5: {  	_ =	strace $0x90000047  }
0x4c6: {  	s0 =	stileid.u32;
	[bflag:$0x2] =	sbarrier.arrive $0xFFFF  }
0x4c7: {  	p0 =	sne.s32 s0, $0x0;
	s0 =	rddreg [dreg:$0xa]  }
0x4c8: {  	s0 =	sadd.s32 @!p0 $0x100000, s0  }
0x4c9: {  	[sflag:s0] =	ssyncadd.tile.s32 @!p0 $0x1;
	_ =	shalt  }
.Lfunc_end2:
_tile_overlayer_lowered:
.L_overlay_start_2:
0x4ca: {  	(tag) =	ssettag $0x2  }
0x4cb: {  	s0 =	rddreg [dreg:$0x0];
	s2 =	stileid.u32  }
0x4cc: {  	s1 =	rddreg [dreg:$0x1];
	p0 =	sne.s32 s2, $0x0  }
0x4cd: {  	s3 =	rddreg [dreg:$0x2];
	[bflag:$0x3] =	sbarrier.arrive $0xFFFF;
	s2 =	simm.s32 @!p0 $0x1C09  }
0x4ce: {  	[timem:s3], [sflag:s2] =	dma.local @!p0 [hbm:s0], s1  }
0x4cf: {  	s0 =	simm.s32 @!p0 $0x9  }
0x4d0: {  	_ =	swait.ge @!p0 [sflag:s0], s1  }
0x4d1: {  	s1 =	ssub.s32 @!p0 $0x0, s1;
	[sflag:s0] =	ssyncset.done @!p0 $0x0  }
0x4d2: {  	[sflag:s0] =	ssyncadd.s32 @!p0 s1  }
0x4d3: {  	[bflag:$0x3] =	sbarrier.arrive $0xFFFF  }
0x4d4: {  	_ =	shalt  }

</sc_bundles>
